<compile_context>
chip_gen: v7x
topology: tpu7x:2x2x1
jax: 0.10.2.dev20260603
libtpu: 0.0.44.dev20260713+nightly
codegen_flags: <defaults>
</compile_context>

<pallas_src>
import jax
import jax.numpy as jnp
from jax import lax
from jax.experimental import pallas as pl
from jax.experimental.pallas import tpu as pltpu
from jax.experimental.pallas import tpu_sc as plsc

N_RAYS = 16384
N_SAMPLES = 64
GRID = 64
S = GRID + 1
SH_DIM = 9
DATA_DIM = 28
DPAD = 32
NEAR = 0.0
FAR = 2.0
BG = 1.0
STEP = (FAR - NEAR) / N_SAMPLES

NC = 2
NS = 16
LANES = 16
NW = NC * NS
RAYS_PER_TILE = N_RAYS // NW
GROUPS = RAYS_PER_TILE // LANES
NBUF = 4
ROWS = 8 * LANES
NDIAG = DPAD

_OFF = [0, 1, S, S + 1, S * S, S * S + 1, S * S + S, S * S + S + 1]

_C0 = 0.28209479177387814
_C1 = 0.4886025119029199
_C20 = 1.0925484305920792
_C21 = -1.0925484305920792
_C22 = 0.31539156525252005
_C23 = -1.0925484305920792
_C24 = 0.5462742152960396


def _body(table_ref, rays_ref, out_ref,
          rayv, idxv, wbuf, rows_bufs, outv,
          cvecs, basisb, maskb, coefb, sems):
  cid = lax.axis_index("c")
  sid = lax.axis_index("s")
  wid = sid * NC + cid

  pltpu.sync_copy(rays_ref.at[wid], rayv)

  lane = lax.iota(jnp.int32, LANES)
  rvecs = [cc * LANES + lane for cc in range(8)]

  def mk_tables(u, carry):
    blk = u // LANES
    i = u % LANES
    fvec = blk * LANES + ((i + lane) & (LANES - 1))
    cvecs[u, pl.ds(0, LANES)] = fvec
    kk = fvec // SH_DIM
    for k in range(3):
      maskb[3 * u + k, pl.ds(0, LANES)] = jnp.where(
          kk == k, 1.0, 0.0).astype(jnp.float32)
    coefb[4 * u + 3, pl.ds(0, LANES)] = jnp.where(
        fvec == 3 * SH_DIM, 1.0, 0.0).astype(jnp.float32)
    return carry

  lax.fori_loop(0, NDIAG, mk_tables, 0)

  def start(pg, t, rb, sb):
    pltpu.make_async_copy(table_ref.at[idxv.at[pg, t]], rb, sb).start()

  def wait(pg, t, rb, sb):
    pltpu.make_async_copy(table_ref.at[idxv.at[pg, t]], rb, sb).wait()

  def p1_for(gsl, pn):
    ox = rayv[0, gsl]
    oy = rayv[1, gsl]
    oz = rayv[2, gsl]
    dx = rayv[3, gsl]
    dy = rayv[4, gsl]
    dz = rayv[5, gsl]

    def p1(t, carry):
      tt = (t.astype(jnp.float32) + 0.5) * STEP + NEAR
      px = ox + tt * dx
      py = oy + tt * dy
      pz = oz + tt * dz
      posx = jnp.clip(0.5 + 0.5 * px, 0.0, 1.0 - 1e-6) * GRID
      posy = jnp.clip(0.5 + 0.5 * py, 0.0, 1.0 - 1e-6) * GRID
      posz = jnp.clip(0.5 + 0.5 * pz, 0.0, 1.0 - 1e-6) * GRID
      ix = posx.astype(jnp.int32)
      iy = posy.astype(jnp.int32)
      iz = posz.astype(jnp.int32)
      fx = posx - ix.astype(jnp.float32)
      fy = posy - iy.astype(jnp.float32)
      fz = posz - iz.astype(jnp.float32)
      idx000 = (ix * S + iy) * S + iz
      for cc in range(8):
        idxv[pn, t, pl.ds(cc * LANES, LANES)] = idx000 + _OFF[cc]
      wbuf[pn, t, pl.ds(0, LANES)] = fx
      wbuf[pn, t, pl.ds(LANES, LANES)] = fy
      wbuf[pn, t, pl.ds(2 * LANES, LANES)] = fz
      return carry

    lax.fori_loop(0, N_SAMPLES, p1, 0)

  p1_for(pl.ds(0, LANES), 0)
  for b in range(NBUF):
    start(0, b, rows_bufs[b], sems[b])

  def group_body(g, carry0):
    pg = g & 1
    png = 1 - pg
    sl = pl.ds(g * LANES, LANES)
    dx = rayv[3, sl]
    dy = rayv[4, sl]
    dz = rayv[5, sl]
    delta = rayv[6, sl]

    basisb[0, pl.ds(0, LANES)] = jnp.full((LANES,), _C0, jnp.float32)
    basisb[1, pl.ds(0, LANES)] = -_C1 * dy
    basisb[2, pl.ds(0, LANES)] = _C1 * dz
    basisb[3, pl.ds(0, LANES)] = -_C1 * dx
    basisb[4, pl.ds(0, LANES)] = _C20 * dx * dy
    basisb[5, pl.ds(0, LANES)] = _C21 * dy * dz
    basisb[6, pl.ds(0, LANES)] = _C22 * (2.0 * dz * dz - dx * dx - dy * dy)
    basisb[7, pl.ds(0, LANES)] = _C23 * dx * dz
    basisb[8, pl.ds(0, LANES)] = _C24 * (dx * dx - dy * dy)

    def mk_coef(u, carry):
      fvec = cvecs[u, pl.ds(0, LANES)]
      bperm = plsc.load_gather(basisb, [fvec % SH_DIM, lane])
      for k in range(3):
        coefb[4 * u + k, pl.ds(0, LANES)] = (
            bperm * maskb[3 * u + k, pl.ds(0, LANES)])
      return carry

    lax.fori_loop(0, NDIAG, mk_coef, 0)

    gn = jnp.minimum(g + 1, GROUPS - 1)
    p1_for(pl.ds(gn * LANES, LANES), png)

    def p2(tq, carry):
      tr, aw, rr, rg, rb_ = carry
      for b in range(NBUF):
        rbuf = rows_bufs[b]
        sbuf = sems[b]
        t = NBUF * tq + b
        wait(pg, t, rbuf, sbuf)
        fx = wbuf[pg, t, pl.ds(0, LANES)]
        fy = wbuf[pg, t, pl.ds(LANES, LANES)]
        fz = wbuf[pg, t, pl.ds(2 * LANES, LANES)]
        wx0 = 1.0 - fx
        wy0 = 1.0 - fy
        wz0 = 1.0 - fz
        wxy = [wx0 * wy0, wx0 * fy, fx * wy0, fx * fy]
        w = []
        for cc in range(8):
          wz = wz0 if (cc & 1) == 0 else fz
          w.append(wxy[cc >> 1] * wz)

        def diag(un, carry2):
          l0, l1, l2, l3 = carry2
          for uu in range(4):
            u = 4 * un + uu
            cvec = cvecs[u, pl.ds(0, LANES)]
            v01 = (w[0] * plsc.load_gather(rbuf, [rvecs[0], cvec])
                   + w[1] * plsc.load_gather(rbuf, [rvecs[1], cvec]))
            v23 = (w[2] * plsc.load_gather(rbuf, [rvecs[2], cvec])
                   + w[3] * plsc.load_gather(rbuf, [rvecs[3], cvec]))
            v45 = (w[4] * plsc.load_gather(rbuf, [rvecs[4], cvec])
                   + w[5] * plsc.load_gather(rbuf, [rvecs[5], cvec]))
            v67 = (w[6] * plsc.load_gather(rbuf, [rvecs[6], cvec])
                   + w[7] * plsc.load_gather(rbuf, [rvecs[7], cvec]))
            v = (v01 + v23) + (v45 + v67)
            l0 = l0 + v * coefb[4 * u, pl.ds(0, LANES)]
            l1 = l1 + v * coefb[4 * u + 1, pl.ds(0, LANES)]
            l2 = l2 + v * coefb[4 * u + 2, pl.ds(0, LANES)]
            l3 = l3 + v * coefb[4 * u + 3, pl.ds(0, LANES)]
          return (l0, l1, l2, l3)

        z16 = jnp.zeros((LANES,), jnp.float32)
        l0, l1, l2, l3 = lax.fori_loop(
            0, NDIAG // 4, diag, (z16, z16, z16, z16))

        sig = jnp.maximum(l3, 0.0)
        c0 = 1.0 / (1.0 + jnp.exp(-l0))
        c1 = 1.0 / (1.0 + jnp.exp(-l1))
        c2 = 1.0 / (1.0 + jnp.exp(-l2))
        alpha = 1.0 - jnp.exp(-sig * delta)
        wgt = alpha * tr
        rr = rr + wgt * c0
        rg = rg + wgt * c1
        rb_ = rb_ + wgt * c2
        aw = aw + wgt
        tr = tr * (1.0 - alpha + 1e-10)

        t2 = t + NBUF

        @pl.when(t2 < N_SAMPLES)
        def _():
          start(pg, t2, rbuf, sbuf)

        @pl.when(t2 >= N_SAMPLES)
        def _():
          start(png, t2 - N_SAMPLES, rbuf, sbuf)

      return (tr, aw, rr, rg, rb_)

    ones = jnp.ones((LANES,), jnp.float32)
    zeros = jnp.zeros((LANES,), jnp.float32)
    tr, aw, rr, rg, rb_ = lax.fori_loop(
        0, N_SAMPLES // NBUF, p2, (ones, zeros, zeros, zeros, zeros))
    outv[0, sl] = rr + BG * (1.0 - aw)
    outv[1, sl] = rg + BG * (1.0 - aw)
    outv[2, sl] = rb_ + BG * (1.0 - aw)
    outv[3, sl] = aw
    return carry0

  lax.fori_loop(0, GROUPS, group_body, 0)
  for b in range(NBUF):
    wait(1 - ((GROUPS - 1) & 1), b, rows_bufs[b], sems[b])
  pltpu.sync_copy(outv, out_ref.at[wid])


def _entry(table_ref, rays_ref, out_ref,
           rayv, idxv, wbuf, r0, r1, r2, r3, outv,
           cvecs, basisb, maskb, coefb, s0, s1, s2, s3):
  _body(table_ref, rays_ref, out_ref, rayv, idxv, wbuf,
        (r0, r1, r2, r3), outv, cvecs, basisb, maskb, coefb,
        (s0, s1, s2, s3))


@jax.jit
def kernel(rays_o, rays_d, data):
  norm = jnp.linalg.norm(rays_d, axis=-1, keepdims=True)
  dn = rays_d / (norm + 1e-9)
  delta = STEP * norm
  pad = jnp.zeros((N_RAYS, 1), jnp.float32)
  rd = jnp.concatenate([rays_o, dn, delta, pad], axis=1)
  rays_packed = rd.T.reshape(8, NW, RAYS_PER_TILE).transpose(1, 0, 2)
  table = jnp.pad(data, ((0, 0), (0, DPAD - DATA_DIM)))

  mesh = plsc.VectorSubcoreMesh(
      core_axis_name="c", subcore_axis_name="s",
      num_cores=NC, num_subcores=NS)
  run = pl.kernel(
      _entry,
      out_type=jax.ShapeDtypeStruct((NW, 4, RAYS_PER_TILE), jnp.float32),
      mesh=mesh,
      scratch_types=[
          pltpu.VMEM((8, RAYS_PER_TILE), jnp.float32),
          pltpu.VMEM((2, N_SAMPLES, ROWS), jnp.int32),
          pltpu.VMEM((2, N_SAMPLES, 3 * LANES), jnp.float32),
          pltpu.VMEM((ROWS, DPAD), jnp.float32),
          pltpu.VMEM((ROWS, DPAD), jnp.float32),
          pltpu.VMEM((ROWS, DPAD), jnp.float32),
          pltpu.VMEM((ROWS, DPAD), jnp.float32),
          pltpu.VMEM((4, RAYS_PER_TILE), jnp.float32),
          pltpu.VMEM((NDIAG, LANES), jnp.int32),
          pltpu.VMEM((SH_DIM, LANES), jnp.float32),
          pltpu.VMEM((3 * NDIAG, LANES), jnp.float32),
          pltpu.VMEM((4 * NDIAG, LANES), jnp.float32),
          pltpu.SemaphoreType.DMA,
          pltpu.SemaphoreType.DMA,
          pltpu.SemaphoreType.DMA,
          pltpu.SemaphoreType.DMA,
      ],
      compiler_params=pltpu.CompilerParams(
          needs_layout_passes=False, use_tc_tiling_on_sc=False),
  )
  out = run(table, rays_packed)
  return out.transpose(0, 2, 1).reshape(N_RAYS, 4)[:, :3]

# --- scband reference (transcript-rebuilt; emitter-appended) ---
"""Pipeline reference for scband-corner-tree-10170482556963 (READ-ONLY COPY).

The authoritative reference and input builder live on the scoring server;
editing this copy changes nothing except your own understanding.
"""

import jax, jax.numpy as jnp
import numpy as np

N_RAYS = 16384
N_SAMPLES = 64
GRID = 64
SH_DIM = 9
DATA_DIM = 28
NEAR = 0.0
FAR = 2.0
AABB_MIN = -1.0
AABB_MAX = 1.0
BG = 1.0


def sh_basis(d):
    x = d[..., 0]; y = d[..., 1]; z = d[..., 2]
    c0 = 0.28209479177387814
    c1 = 0.4886025119029199
    c20 = 1.0925484305920792
    c21 = -1.0925484305920792
    c22 = 0.31539156525252005
    c23 = -1.0925484305920792
    c24 = 0.5462742152960396
    return jnp.stack([
        jnp.full_like(x, c0),
        -c1 * y, c1 * z, -c1 * x,
        c20 * x * y, c21 * y * z, c22 * (2.0 * z * z - x * x - y * y),
        c23 * x * z, c24 * (x * x - y * y)
    ], axis=-1)


def setup_inputs(seed: int = 0):
    key = jax.random.key(seed)
    k1, k2, k3 = jax.random.split(key, 3)
    rays_o = jax.random.uniform(k1, (N_RAYS, 3), minval=-0.5, maxval=0.5, dtype=jnp.float32)
    rays_d = jax.random.normal(k2, (N_RAYS, 3), dtype=jnp.float32)
    n_corners = (GRID + 1) ** 3
    data = jax.random.normal(k3, (n_corners, DATA_DIM), dtype=jnp.float32) * 0.1
    return {"rays_o": rays_o, "rays_d": rays_d, "data": data}


def reference(rays_o, rays_d, data):
    # Corner-tree volume render (dense-grid equivalent of the octree kernel):
    # trilinear interpolation of per-corner SH coefficients + density, then
    # standard emission-absorption compositing along each ray.
    scaling = 1.0 / (AABB_MAX - AABB_MIN)
    offset = 0.5 - 0.5 * (AABB_MIN + AABB_MAX) * scaling
    norm = jnp.linalg.norm(rays_d, axis=-1, keepdims=True)
    dn = rays_d / (norm + 1e-9)
    t = NEAR + (FAR - NEAR) * (jnp.arange(N_SAMPLES, dtype=jnp.float32) + 0.5) / N_SAMPLES
    pts = rays_o[:, None, :] + t[None, :, None] * dn[:, None, :]
    tc = jnp.clip(offset + pts * scaling, 0.0, 1.0 - 1e-6)
    pos = tc * GRID
    i0f = jnp.floor(pos)
    f = pos - i0f
    i0 = i0f.astype(jnp.int32)
    S = GRID + 1
    vals = jnp.zeros(pts.shape[:-1] + (DATA_DIM,), dtype=jnp.float32)
    for dx in (0, 1):
        for dy in (0, 1):
            for dz in (0, 1):
                wx = f[..., 0] if dx else 1.0 - f[..., 0]
                wy = f[..., 1] if dy else 1.0 - f[..., 1]
                wz = f[..., 2] if dz else 1.0 - f[..., 2]
                w = wx * wy * wz
                idx = ((i0[..., 0] + dx) * S + (i0[..., 1] + dy)) * S + (i0[..., 2] + dz)
                vals = vals + w[..., None] * jnp.take(data, idx, axis=0)
    sigma = jax.nn.relu(vals[..., -1])
    coeffs = vals[..., : 3 * SH_DIM].reshape(pts.shape[:-1] + (3, SH_DIM))
    basis = sh_basis(dn)
    rgb = jax.nn.sigmoid(jnp.sum(coeffs * basis[:, None, None, :], axis=-1))
    delta = (FAR - NEAR) / N_SAMPLES * norm
    alpha = 1.0 - jnp.exp(-sigma * delta)
    trans = jnp.cumprod(jnp.concatenate([jnp.ones((alpha.shape[0], 1), dtype=jnp.float32), 1.0 - alpha + 1e-10], axis=1), axis=1)[:, :-1]
    wgt = alpha * trans
    acc = jnp.sum(wgt, axis=1, keepdims=True)
    rgb_out = jnp.sum(wgt[..., None] * rgb, axis=1) + BG * (1.0 - acc)
    return rgb_out

if __name__ == "__main__":
    import jax
    _d = setup_inputs()
    print(jax.jit(kernel)(*tuple(_d.values())))

</pallas_src>

<mosaic_0001>
#map = affine_map<(d0, d1) -> (0, 0)>
#map1 = affine_map<(d0, d1) -> (0, 0, 0)>
module attributes {stable_mosaic.version = 14 : i64} {
  func.func @_entry(%arg0: i32, %arg1: i32, %arg2: memref<274625x32xf32, #tpu.memory_space<hbm>>, %arg3: memref<32x8x512xf32, #tpu.memory_space<hbm>>, %arg4: memref<32x4x512xf32, #tpu.memory_space<hbm>>, %arg5: memref<8x512xf32, #tpu.memory_space<vmem>>, %arg6: memref<2x64x128xi32, #tpu.memory_space<vmem>>, %arg7: memref<2x64x48xf32, #tpu.memory_space<vmem>>, %arg8: memref<128x32xf32, #tpu.memory_space<vmem>>, %arg9: memref<128x32xf32, #tpu.memory_space<vmem>>, %arg10: memref<128x32xf32, #tpu.memory_space<vmem>>, %arg11: memref<128x32xf32, #tpu.memory_space<vmem>>, %arg12: memref<4x512xf32, #tpu.memory_space<vmem>>, %arg13: memref<32x16xi32, #tpu.memory_space<vmem>>, %arg14: memref<9x16xf32, #tpu.memory_space<vmem>>, %arg15: memref<96x16xf32, #tpu.memory_space<vmem>>, %arg16: memref<128x16xf32, #tpu.memory_space<vmem>>, %arg17: memref<!tpu.dma_semaphore, #tpu.memory_space<semaphore_mem>>, %arg18: memref<!tpu.dma_semaphore, #tpu.memory_space<semaphore_mem>>, %arg19: memref<!tpu.dma_semaphore, #tpu.memory_space<semaphore_mem>>, %arg20: memref<!tpu.dma_semaphore, #tpu.memory_space<semaphore_mem>>) attributes {dimension_semantics = [#tpu.dimension_semantics<core_parallel>, #tpu.dimension_semantics<subcore_parallel>], iteration_bounds = array<i64: 2, 16>, scalar_prefetch = 0 : i64, scratch_operands = 16 : i64, tpu.core_type = #tpu.core_type<sc_vector_subcore>, window_params = [{transform_indices = #map}, {transform_indices = #map1}, {transform_indices = #map1}]} {
    %mul3A = arith.constant 2 : i32
    %mul3A_0 = arith.muli %arg1, %mul3A : i32
    %add3A = arith.addi %mul3A_0, %arg0 : i32
    "tpu.region"() ({
      %run_scoped3A = tpu.sem_alloc : memref<!tpu.dma_semaphore, #tpu.memory_space<semaphore_mem>>
      %dma_start3A_127 = arith.constant 0 : i32
      %dma_start3A_128 = arith.constant 0 : i32
      %dma_start3A_129 = tpu.memref_slice %arg3[%add3A, %dma_start3A_127, %dma_start3A_128] : memref<32x8x512xf32, #tpu.memory_space<hbm>> -> memref<1x8x512xf32, #tpu.memory_space<hbm>>
      %dma_start3A_130 = tpu.memref_squeeze %dma_start3A_129 : memref<1x8x512xf32, #tpu.memory_space<hbm>> -> memref<8x512xf32, #tpu.memory_space<hbm>>
      %dma_start3A_131 = arith.constant 0 : i32
      %dma_start3A_132 = arith.constant 0 : i32
      %dma_start3A_133 = tpu.memref_slice %arg3[%add3A, %dma_start3A_131, %dma_start3A_132] : memref<32x8x512xf32, #tpu.memory_space<hbm>> -> memref<1x8x512xf32, #tpu.memory_space<hbm>>
      %dma_start3A_134 = tpu.memref_squeeze %dma_start3A_133 : memref<1x8x512xf32, #tpu.memory_space<hbm>> -> memref<8x512xf32, #tpu.memory_space<hbm>>
      tpu.enqueue_dma source(%dma_start3A_134 : memref<8x512xf32, #tpu.memory_space<hbm>>) target(%arg5 : memref<8x512xf32, #tpu.memory_space<vmem>>) target_semaphore(%run_scoped3A : memref<!tpu.dma_semaphore, #tpu.memory_space<semaphore_mem>>)
      %dma_wait3A_135 = arith.constant 0 : i32
      %dma_wait3A_136 = arith.constant 0 : i32
      %dma_wait3A_137 = tpu.memref_slice %arg3[%add3A, %dma_wait3A_135, %dma_wait3A_136] : memref<32x8x512xf32, #tpu.memory_space<hbm>> -> memref<1x8x512xf32, #tpu.memory_space<hbm>>
      %dma_wait3A_138 = tpu.memref_squeeze %dma_wait3A_137 : memref<1x8x512xf32, #tpu.memory_space<hbm>> -> memref<8x512xf32, #tpu.memory_space<hbm>>
      %dma_wait3A_139 = arith.constant 0 : i32
      %dma_wait3A_140 = arith.constant 0 : i32
      %dma_wait3A_141 = tpu.memref_slice %arg3[%add3A, %dma_wait3A_139, %dma_wait3A_140] : memref<32x8x512xf32, #tpu.memory_space<hbm>> -> memref<1x8x512xf32, #tpu.memory_space<hbm>>
      %dma_wait3A_142 = tpu.memref_squeeze %dma_wait3A_141 : memref<1x8x512xf32, #tpu.memory_space<hbm>> -> memref<8x512xf32, #tpu.memory_space<hbm>>
      tpu.wait_dma2 semaphore(%run_scoped3A : memref<!tpu.dma_semaphore, #tpu.memory_space<semaphore_mem>>) src(%dma_wait3A_142 : memref<8x512xf32, #tpu.memory_space<hbm>>) dst(%arg5 : memref<8x512xf32, #tpu.memory_space<vmem>>)
      tpu.yield
    }) : () -> ()
    %iota3A = tpu.iota {dimensions = array<i32: 0>} : vector<16xi32>
    %add3A_1 = arith.constant 0 : i32
    %add3A_2 = vector.broadcast %add3A_1 : i32 to vector<16xi32>
    %add3A_3 = arith.addi %add3A_2, %iota3A : vector<16xi32>
    %add3A_4 = arith.constant 16 : i32
    %add3A_5 = vector.broadcast %add3A_4 : i32 to vector<16xi32>
    %add3A_6 = arith.addi %add3A_5, %iota3A : vector<16xi32>
    %add3A_7 = arith.constant 32 : i32
    %add3A_8 = vector.broadcast %add3A_7 : i32 to vector<16xi32>
    %add3A_9 = arith.addi %add3A_8, %iota3A : vector<16xi32>
    %add3A_10 = arith.constant 48 : i32
    %add3A_11 = vector.broadcast %add3A_10 : i32 to vector<16xi32>
    %add3A_12 = arith.addi %add3A_11, %iota3A : vector<16xi32>
    %add3A_13 = arith.constant 64 : i32
    %add3A_14 = vector.broadcast %add3A_13 : i32 to vector<16xi32>
    %add3A_15 = arith.addi %add3A_14, %iota3A : vector<16xi32>
    %add3A_16 = arith.constant 80 : i32
    %add3A_17 = vector.broadcast %add3A_16 : i32 to vector<16xi32>
    %add3A_18 = arith.addi %add3A_17, %iota3A : vector<16xi32>
    %add3A_19 = arith.constant 96 : i32
    %add3A_20 = vector.broadcast %add3A_19 : i32 to vector<16xi32>
    %add3A_21 = arith.addi %add3A_20, %iota3A : vector<16xi32>
    %add3A_22 = arith.constant 112 : i32
    %add3A_23 = vector.broadcast %add3A_22 : i32 to vector<16xi32>
    %add3A_24 = arith.addi %add3A_23, %iota3A : vector<16xi32>
    %scan3A = arith.constant 0 : i32
    %scan3A_25 = arith.constant 0 : i32
    %scan3A_26 = arith.constant 32 : i32
    %scan3A_27 = arith.addi %scan3A_25, %scan3A_26 : i32
    %scan3A_28 = arith.constant 1 : i32
    scf.for %scan3A_127 = %scan3A_25 to %scan3A_27 step %scan3A_28  : i32 {
      %jit3A = arith.constant 16 : i32
      %div3A = arith.divsi %scan3A_127, %jit3A : i32
      %sign3A = arith.constant 0 : i32
      %sign3A_128 = arith.cmpi sgt, %scan3A_127, %sign3A : i32
      %sign3A_129 = arith.extui %sign3A_128 : i1 to i32
      %sign3A_130 = arith.constant 0 : i32
      %sign3A_131 = arith.cmpi slt, %scan3A_127, %sign3A_130 : i32
      %sign3A_132 = arith.extui %sign3A_131 : i1 to i32
      %sign3A_133 = arith.subi %sign3A_129, %sign3A_132 : i32
      %sign3A_134 = arith.constant 0 : i32
      %sign3A_135 = arith.cmpi sgt, %jit3A, %sign3A_134 : i32
      %sign3A_136 = arith.extui %sign3A_135 : i1 to i32
      %sign3A_137 = arith.constant 0 : i32
      %sign3A_138 = arith.cmpi slt, %jit3A, %sign3A_137 : i32
      %sign3A_139 = arith.extui %sign3A_138 : i1 to i32
      %sign3A_140 = arith.subi %sign3A_136, %sign3A_139 : i32
      %ne3A = arith.cmpi ne, %sign3A_133, %sign3A_140 : i32
      %rem3A = arith.remsi %scan3A_127, %jit3A : i32
      %ne3A_141 = arith.constant 0 : i32
      %ne3A_142 = arith.cmpi ne, %rem3A, %ne3A_141 : i32
      %and3A = arith.andi %ne3A, %ne3A_142 : i1
      %sub3A = arith.constant 1 : i32
      %sub3A_143 = arith.subi %div3A, %sub3A : i32
      %select_n3A = arith.select %and3A, %sub3A_143, %div3A : i32
      %jit3A_144 = arith.constant 16 : i32
      %eq3A = arith.constant 0 : i32
      %eq3A_145 = arith.cmpi eq, %jit3A_144, %eq3A : i32
      %jit3A_146 = arith.constant 1 : i32
      %select_n3A_147 = arith.select %eq3A_145, %jit3A_146, %jit3A_144 : i32
      %rem3A_148 = arith.remsi %scan3A_127, %select_n3A_147 : i32
      %ne3A_149 = arith.constant 0 : i32
      %ne3A_150 = arith.cmpi ne, %rem3A_148, %ne3A_149 : i32
      %lt3A = arith.constant 0 : i32
      %lt3A_151 = arith.cmpi slt, %rem3A_148, %lt3A : i32
      %lt3A_152 = arith.constant 0 : i32
      %lt3A_153 = arith.cmpi slt, %select_n3A_147, %lt3A_152 : i32
      %ne3A_154 = arith.xori %lt3A_151, %lt3A_153 : i1
      %and3A_155 = arith.andi %ne3A_154, %ne3A_150 : i1
      %add3A_156 = arith.addi %rem3A_148, %select_n3A_147 : i32
      %select_n3A_157 = arith.select %and3A_155, %add3A_156, %rem3A_148 : i32
      %mul3A_158 = arith.constant 16 : i32
      %mul3A_159 = arith.muli %select_n3A, %mul3A_158 : i32
      %add3A_160 = vector.broadcast %select_n3A_157 : i32 to vector<16xi32>
      %add3A_161 = arith.addi %add3A_160, %iota3A : vector<16xi32>
      %and3A_162 = arith.constant 15 : i32
      %and3A_163 = vector.broadcast %and3A_162 : i32 to vector<16xi32>
      %and3A_164 = arith.andi %add3A_161, %and3A_163 : vector<16xi32>
      %add3A_165 = vector.broadcast %mul3A_159 : i32 to vector<16xi32>
      %add3A_166 = arith.addi %add3A_165, %and3A_164 : vector<16xi32>
      %swap3A = arith.index_cast %scan3A_127 : i32 to index
      %swap3A_167 = arith.constant 0 : index
      %swap3A_168 = tpu.vector_load %arg13[%swap3A, %swap3A_167] {strides = array<i32>} : memref<32x16xi32, #tpu.memory_space<vmem>>, vector<16xi32>,
      tpu.vector_store %arg13[%swap3A, %swap3A_167], %add3A_166 {strides = array<i32>} : memref<32x16xi32, #tpu.memory_space<vmem>>, vector<16xi32>,
      %jit3A_169 = arith.constant 9 : i32
      %div3A_170 = vector.broadcast %jit3A_169 : i32 to vector<16xi32>
      %div3A_171 = arith.divsi %add3A_166, %div3A_170 : vector<16xi32>
      %sign3A_172 = arith.constant 0 : i32
      %sign3A_173 = vector.broadcast %sign3A_172 : i32 to vector<16xi32>
      %sign3A_174 = arith.cmpi sgt, %add3A_166, %sign3A_173 : vector<16xi32>
      %sign3A_175 = arith.extui %sign3A_174 : vector<16xi1> to vector<16xi32>
      %sign3A_176 = arith.constant 0 : i32
      %sign3A_177 = vector.broadcast %sign3A_176 : i32 to vector<16xi32>
      %sign3A_178 = arith.cmpi slt, %add3A_166, %sign3A_177 : vector<16xi32>
      %sign3A_179 = arith.extui %sign3A_178 : vector<16xi1> to vector<16xi32>
      %sign3A_180 = arith.subi %sign3A_175, %sign3A_179 : vector<16xi32>
      %sign3A_181 = arith.constant 0 : i32
      %sign3A_182 = arith.cmpi sgt, %jit3A_169, %sign3A_181 : i32
      %sign3A_183 = arith.extui %sign3A_182 : i1 to i32
      %sign3A_184 = arith.constant 0 : i32
      %sign3A_185 = arith.cmpi slt, %jit3A_169, %sign3A_184 : i32
      %sign3A_186 = arith.extui %sign3A_185 : i1 to i32
      %sign3A_187 = arith.subi %sign3A_183, %sign3A_186 : i32
      %ne3A_188 = vector.broadcast %sign3A_187 : i32 to vector<16xi32>
      %ne3A_189 = arith.cmpi ne, %sign3A_180, %ne3A_188 : vector<16xi32>
      %rem3A_190 = vector.broadcast %jit3A_169 : i32 to vector<16xi32>
      %rem3A_191 = arith.remsi %add3A_166, %rem3A_190 : vector<16xi32>
      %ne3A_192 = arith.constant 0 : i32
      %ne3A_193 = vector.broadcast %ne3A_192 : i32 to vector<16xi32>
      %ne3A_194 = arith.cmpi ne, %rem3A_191, %ne3A_193 : vector<16xi32>
      %and3A_195 = arith.andi %ne3A_189, %ne3A_194 : vector<16xi1>
      %sub3A_196 = arith.constant 1 : i32
      %sub3A_197 = vector.broadcast %sub3A_196 : i32 to vector<16xi32>
      %sub3A_198 = arith.subi %div3A_171, %sub3A_197 : vector<16xi32>
      %select_n3A_199 = arith.select %and3A_195, %sub3A_198, %div3A_171 : vector<16xi1>, vector<16xi32>
      %eq3A_200 = arith.constant 0 : i32
      %eq3A_201 = vector.broadcast %eq3A_200 : i32 to vector<16xi32>
      %eq3A_202 = arith.cmpi eq, %select_n3A_199, %eq3A_201 : vector<16xi32>
      %jit3A_203 = arith.constant 1.000000e+00 : f32
      %jit3A_204 = arith.constant 0.000000e+00 : f32
      %broadcast_in_dim3A = vector.broadcast %jit3A_203 : f32 to vector<16xf32>
      %broadcast_in_dim3A_205 = vector.broadcast %jit3A_204 : f32 to vector<16xf32>
      %select_n3A_206 = arith.select %eq3A_202, %broadcast_in_dim3A, %broadcast_in_dim3A_205 : vector<16xi1>, vector<16xf32>
      %mul3A_207 = arith.constant 3 : i32
      %mul3A_208 = arith.muli %mul3A_207, %scan3A_127 : i32
      %add3A_209 = arith.constant 0 : i32
      %add3A_210 = arith.addi %mul3A_208, %add3A_209 : i32
      %swap3A_211 = arith.index_cast %add3A_210 : i32 to index
      %swap3A_212 = arith.constant 0 : index
      %swap3A_213 = tpu.vector_load %arg15[%swap3A_211, %swap3A_212] {strides = array<i32>} : memref<96x16xf32, #tpu.memory_space<vmem>>, vector<16xf32>,
      tpu.vector_store %arg15[%swap3A_211, %swap3A_212], %select_n3A_206 {strides = array<i32>} : memref<96x16xf32, #tpu.memory_space<vmem>>, vector<16xf32>,
      %eq3A_214 = arith.constant 1 : i32
      %eq3A_215 = vector.broadcast %eq3A_214 : i32 to vector<16xi32>
      %eq3A_216 = arith.cmpi eq, %select_n3A_199, %eq3A_215 : vector<16xi32>
      %jit3A_217 = arith.constant 1.000000e+00 : f32
      %jit3A_218 = arith.constant 0.000000e+00 : f32
      %broadcast_in_dim3A_219 = vector.broadcast %jit3A_217 : f32 to vector<16xf32>
      %broadcast_in_dim3A_220 = vector.broadcast %jit3A_218 : f32 to vector<16xf32>
      %select_n3A_221 = arith.select %eq3A_216, %broadcast_in_dim3A_219, %broadcast_in_dim3A_220 : vector<16xi1>, vector<16xf32>
      %mul3A_222 = arith.constant 3 : i32
      %mul3A_223 = arith.muli %mul3A_222, %scan3A_127 : i32
      %add3A_224 = arith.constant 1 : i32
      %add3A_225 = arith.addi %mul3A_223, %add3A_224 : i32
      %swap3A_226 = arith.index_cast %add3A_225 : i32 to index
      %swap3A_227 = arith.constant 0 : index
      %swap3A_228 = tpu.vector_load %arg15[%swap3A_226, %swap3A_227] {strides = array<i32>} : memref<96x16xf32, #tpu.memory_space<vmem>>, vector<16xf32>,
      tpu.vector_store %arg15[%swap3A_226, %swap3A_227], %select_n3A_221 {strides = array<i32>} : memref<96x16xf32, #tpu.memory_space<vmem>>, vector<16xf32>,
      %eq3A_229 = arith.constant 2 : i32
      %eq3A_230 = vector.broadcast %eq3A_229 : i32 to vector<16xi32>
      %eq3A_231 = arith.cmpi eq, %select_n3A_199, %eq3A_230 : vector<16xi32>
      %jit3A_232 = arith.constant 1.000000e+00 : f32
      %jit3A_233 = arith.constant 0.000000e+00 : f32
      %broadcast_in_dim3A_234 = vector.broadcast %jit3A_232 : f32 to vector<16xf32>
      %broadcast_in_dim3A_235 = vector.broadcast %jit3A_233 : f32 to vector<16xf32>
      %select_n3A_236 = arith.select %eq3A_231, %broadcast_in_dim3A_234, %broadcast_in_dim3A_235 : vector<16xi1>, vector<16xf32>
      %mul3A_237 = arith.constant 3 : i32
      %mul3A_238 = arith.muli %mul3A_237, %scan3A_127 : i32
      %add3A_239 = arith.constant 2 : i32
      %add3A_240 = arith.addi %mul3A_238, %add3A_239 : i32
      %swap3A_241 = arith.index_cast %add3A_240 : i32 to index
      %swap3A_242 = arith.constant 0 : index
      %swap3A_243 = tpu.vector_load %arg15[%swap3A_241, %swap3A_242] {strides = array<i32>} : memref<96x16xf32, #tpu.memory_space<vmem>>, vector<16xf32>,
      tpu.vector_store %arg15[%swap3A_241, %swap3A_242], %select_n3A_236 {strides = array<i32>} : memref<96x16xf32, #tpu.memory_space<vmem>>, vector<16xf32>,
      %eq3A_244 = arith.constant 27 : i32
      %eq3A_245 = vector.broadcast %eq3A_244 : i32 to vector<16xi32>
      %eq3A_246 = arith.cmpi eq, %add3A_166, %eq3A_245 : vector<16xi32>
      %jit3A_247 = arith.constant 1.000000e+00 : f32
      %jit3A_248 = arith.constant 0.000000e+00 : f32
      %broadcast_in_dim3A_249 = vector.broadcast %jit3A_247 : f32 to vector<16xf32>
      %broadcast_in_dim3A_250 = vector.broadcast %jit3A_248 : f32 to vector<16xf32>
      %select_n3A_251 = arith.select %eq3A_246, %broadcast_in_dim3A_249, %broadcast_in_dim3A_250 : vector<16xi1>, vector<16xf32>
      %mul3A_252 = arith.constant 4 : i32
      %mul3A_253 = arith.muli %mul3A_252, %scan3A_127 : i32
      %add3A_254 = arith.constant 3 : i32
      %add3A_255 = arith.addi %mul3A_253, %add3A_254 : i32
      %swap3A_256 = arith.index_cast %add3A_255 : i32 to index
      %swap3A_257 = arith.constant 0 : index
      %swap3A_258 = tpu.vector_load %arg16[%swap3A_256, %swap3A_257] {strides = array<i32>} : memref<128x16xf32, #tpu.memory_space<vmem>>, vector<16xf32>,
      tpu.vector_store %arg16[%swap3A_256, %swap3A_257], %select_n3A_251 {strides = array<i32>} : memref<128x16xf32, #tpu.memory_space<vmem>>, vector<16xf32>,
    }
    %scan3A_29 = arith.constant 32 : i32
    %get3A = arith.constant 0 : i32
    %get3A_30 = arith.index_cast %get3A : i32 to index
    %get3A_31 = arith.constant 0 : index
    %get3A_32 = tpu.vector_load %arg5[%get3A_30, %get3A_31] {strides = array<i32>} : memref<8x512xf32, #tpu.memory_space<vmem>>, vector<16xf32>,
    %get3A_33 = arith.constant 1 : i32
    %get3A_34 = arith.index_cast %get3A_33 : i32 to index
    %get3A_35 = arith.constant 0 : index
    %get3A_36 = tpu.vector_load %arg5[%get3A_34, %get3A_35] {strides = array<i32>} : memref<8x512xf32, #tpu.memory_space<vmem>>, vector<16xf32>,
    %get3A_37 = arith.constant 2 : i32
    %get3A_38 = arith.index_cast %get3A_37 : i32 to index
    %get3A_39 = arith.constant 0 : index
    %get3A_40 = tpu.vector_load %arg5[%get3A_38, %get3A_39] {strides = array<i32>} : memref<8x512xf32, #tpu.memory_space<vmem>>, vector<16xf32>,
    %get3A_41 = arith.constant 3 : i32
    %get3A_42 = arith.index_cast %get3A_41 : i32 to index
    %get3A_43 = arith.constant 0 : index
    %get3A_44 = tpu.vector_load %arg5[%get3A_42, %get3A_43] {strides = array<i32>} : memref<8x512xf32, #tpu.memory_space<vmem>>, vector<16xf32>,
    %get3A_45 = arith.constant 4 : i32
    %get3A_46 = arith.index_cast %get3A_45 : i32 to index
    %get3A_47 = arith.constant 0 : index
    %get3A_48 = tpu.vector_load %arg5[%get3A_46, %get3A_47] {strides = array<i32>} : memref<8x512xf32, #tpu.memory_space<vmem>>, vector<16xf32>,
    %get3A_49 = arith.constant 5 : i32
    %get3A_50 = arith.index_cast %get3A_49 : i32 to index
    %get3A_51 = arith.constant 0 : index
    %get3A_52 = tpu.vector_load %arg5[%get3A_50, %get3A_51] {strides = array<i32>} : memref<8x512xf32, #tpu.memory_space<vmem>>, vector<16xf32>,
    %scan3A_53 = arith.constant 0 : i32
    %scan3A_54 = arith.constant 0 : i32
    %scan3A_55 = arith.constant 64 : i32
    %scan3A_56 = arith.addi %scan3A_54, %scan3A_55 : i32
    %scan3A_57 = arith.constant 1 : i32
    scf.for %scan3A_127 = %scan3A_54 to %scan3A_56 step %scan3A_57  : i32 {
      %convert_element_type3A = arith.sitofp %scan3A_127 : i32 to f32
      %add3A_128 = arith.constant 5.000000e-01 : f32
      %add3A_129 = arith.addf %convert_element_type3A, %add3A_128 : f32
      %mul3A_130 = arith.constant 3.125000e-02 : f32
      %mul3A_131 = arith.mulf %add3A_129, %mul3A_130 : f32
      %add3A_132 = arith.constant 0.000000e+00 : f32
      %add3A_133 = arith.addf %mul3A_131, %add3A_132 : f32
      %mul3A_134 = vector.broadcast %add3A_133 : f32 to vector<16xf32>
      %mul3A_135 = arith.mulf %mul3A_134, %get3A_44 : vector<16xf32>
      %add3A_136 = arith.addf %get3A_32, %mul3A_135 : vector<16xf32>
      %mul3A_137 = vector.broadcast %add3A_133 : f32 to vector<16xf32>
      %mul3A_138 = arith.mulf %mul3A_137, %get3A_48 : vector<16xf32>
      %add3A_139 = arith.addf %get3A_36, %mul3A_138 : vector<16xf32>
      %mul3A_140 = vector.broadcast %add3A_133 : f32 to vector<16xf32>
      %mul3A_141 = arith.mulf %mul3A_140, %get3A_52 : vector<16xf32>
      %add3A_142 = arith.addf %get3A_40, %mul3A_141 : vector<16xf32>
      %mul3A_143 = arith.constant 5.000000e-01 : f32
      %mul3A_144 = vector.broadcast %mul3A_143 : f32 to vector<16xf32>
      %mul3A_145 = arith.mulf %mul3A_144, %add3A_136 : vector<16xf32>
      %add3A_146 = arith.constant 5.000000e-01 : f32
      %add3A_147 = vector.broadcast %add3A_146 : f32 to vector<16xf32>
      %add3A_148 = arith.addf %add3A_147, %mul3A_145 : vector<16xf32>
      %jit3A = arith.constant 0.000000e+00 : f32
      %jit3A_149 = arith.constant 0.999998986 : f32
      %max3A = vector.broadcast %jit3A : f32 to vector<16xf32>
      %max3A_150 = arith.maximumf %max3A, %add3A_148 : vector<16xf32>
      %min3A = vector.broadcast %jit3A_149 : f32 to vector<16xf32>
      %min3A_151 = arith.minimumf %min3A, %max3A_150 : vector<16xf32>
      %mul3A_152 = arith.constant 6.400000e+01 : f32
      %mul3A_153 = vector.broadcast %mul3A_152 : f32 to vector<16xf32>
      %mul3A_154 = arith.mulf %min3A_151, %mul3A_153 : vector<16xf32>
      %mul3A_155 = arith.constant 5.000000e-01 : f32
      %mul3A_156 = vector.broadcast %mul3A_155 : f32 to vector<16xf32>
      %mul3A_157 = arith.mulf %mul3A_156, %add3A_139 : vector<16xf32>
      %add3A_158 = arith.constant 5.000000e-01 : f32
      %add3A_159 = vector.broadcast %add3A_158 : f32 to vector<16xf32>
      %add3A_160 = arith.addf %add3A_159, %mul3A_157 : vector<16xf32>
      %jit3A_161 = arith.constant 0.000000e+00 : f32
      %jit3A_162 = arith.constant 0.999998986 : f32
      %max3A_163 = vector.broadcast %jit3A_161 : f32 to vector<16xf32>
      %max3A_164 = arith.maximumf %max3A_163, %add3A_160 : vector<16xf32>
      %min3A_165 = vector.broadcast %jit3A_162 : f32 to vector<16xf32>
      %min3A_166 = arith.minimumf %min3A_165, %max3A_164 : vector<16xf32>
      %mul3A_167 = arith.constant 6.400000e+01 : f32
      %mul3A_168 = vector.broadcast %mul3A_167 : f32 to vector<16xf32>
      %mul3A_169 = arith.mulf %min3A_166, %mul3A_168 : vector<16xf32>
      %mul3A_170 = arith.constant 5.000000e-01 : f32
      %mul3A_171 = vector.broadcast %mul3A_170 : f32 to vector<16xf32>
      %mul3A_172 = arith.mulf %mul3A_171, %add3A_142 : vector<16xf32>
      %add3A_173 = arith.constant 5.000000e-01 : f32
      %add3A_174 = vector.broadcast %add3A_173 : f32 to vector<16xf32>
      %add3A_175 = arith.addf %add3A_174, %mul3A_172 : vector<16xf32>
      %jit3A_176 = arith.constant 0.000000e+00 : f32
      %jit3A_177 = arith.constant 0.999998986 : f32
      %max3A_178 = vector.broadcast %jit3A_176 : f32 to vector<16xf32>
      %max3A_179 = arith.maximumf %max3A_178, %add3A_175 : vector<16xf32>
      %min3A_180 = vector.broadcast %jit3A_177 : f32 to vector<16xf32>
      %min3A_181 = arith.minimumf %min3A_180, %max3A_179 : vector<16xf32>
      %mul3A_182 = arith.constant 6.400000e+01 : f32
      %mul3A_183 = vector.broadcast %mul3A_182 : f32 to vector<16xf32>
      %mul3A_184 = arith.mulf %min3A_181, %mul3A_183 : vector<16xf32>
      %convert_element_type3A_185 = arith.fptosi %mul3A_154 : vector<16xf32> to vector<16xi32>
      %convert_element_type3A_186 = arith.fptosi %mul3A_169 : vector<16xf32> to vector<16xi32>
      %convert_element_type3A_187 = arith.fptosi %mul3A_184 : vector<16xf32> to vector<16xi32>
      %convert_element_type3A_188 = arith.sitofp %convert_element_type3A_185 : vector<16xi32> to vector<16xf32>
      %sub3A = arith.subf %mul3A_154, %convert_element_type3A_188 : vector<16xf32>
      %convert_element_type3A_189 = arith.sitofp %convert_element_type3A_186 : vector<16xi32> to vector<16xf32>
      %sub3A_190 = arith.subf %mul3A_169, %convert_element_type3A_189 : vector<16xf32>
      %convert_element_type3A_191 = arith.sitofp %convert_element_type3A_187 : vector<16xi32> to vector<16xf32>
      %sub3A_192 = arith.subf %mul3A_184, %convert_element_type3A_191 : vector<16xf32>
      %mul3A_193 = arith.constant 65 : i32
      %mul3A_194 = vector.broadcast %mul3A_193 : i32 to vector<16xi32>
      %mul3A_195 = arith.muli %convert_element_type3A_185, %mul3A_194 : vector<16xi32>
      %add3A_196 = arith.addi %mul3A_195, %convert_element_type3A_186 : vector<16xi32>
      %mul3A_197 = arith.constant 65 : i32
      %mul3A_198 = vector.broadcast %mul3A_197 : i32 to vector<16xi32>
      %mul3A_199 = arith.muli %add3A_196, %mul3A_198 : vector<16xi32>
      %add3A_200 = arith.addi %mul3A_199, %convert_element_type3A_187 : vector<16xi32>
      %add3A_201 = arith.constant 0 : i32
      %add3A_202 = vector.broadcast %add3A_201 : i32 to vector<16xi32>
      %add3A_203 = arith.addi %add3A_200, %add3A_202 : vector<16xi32>
      %swap3A = arith.constant 0 : i32
      %swap3A_204 = arith.index_cast %swap3A : i32 to index
      %swap3A_205 = arith.index_cast %scan3A_127 : i32 to index
      %swap3A_206 = arith.constant 0 : index
      %swap3A_207 = tpu.vector_load %arg6[%swap3A_204, %swap3A_205, %swap3A_206] {strides = array<i32>} : memref<2x64x128xi32, #tpu.memory_space<vmem>>, vector<16xi32>,
      tpu.vector_store %arg6[%swap3A_204, %swap3A_205, %swap3A_206], %add3A_203 {strides = array<i32>} : memref<2x64x128xi32, #tpu.memory_space<vmem>>, vector<16xi32>,
      %add3A_208 = arith.constant 1 : i32
      %add3A_209 = vector.broadcast %add3A_208 : i32 to vector<16xi32>
      %add3A_210 = arith.addi %add3A_200, %add3A_209 : vector<16xi32>
      %swap3A_211 = arith.constant 0 : i32
      %swap3A_212 = arith.index_cast %swap3A_211 : i32 to index
      %swap3A_213 = arith.index_cast %scan3A_127 : i32 to index
      %swap3A_214 = arith.constant 16 : index
      %swap3A_215 = tpu.vector_load %arg6[%swap3A_212, %swap3A_213, %swap3A_214] {strides = array<i32>} : memref<2x64x128xi32, #tpu.memory_space<vmem>>, vector<16xi32>,
      tpu.vector_store %arg6[%swap3A_212, %swap3A_213, %swap3A_214], %add3A_210 {strides = array<i32>} : memref<2x64x128xi32, #tpu.memory_space<vmem>>, vector<16xi32>,
      %add3A_216 = arith.constant 65 : i32
      %add3A_217 = vector.broadcast %add3A_216 : i32 to vector<16xi32>
      %add3A_218 = arith.addi %add3A_200, %add3A_217 : vector<16xi32>
      %swap3A_219 = arith.constant 0 : i32
      %swap3A_220 = arith.index_cast %swap3A_219 : i32 to index
      %swap3A_221 = arith.index_cast %scan3A_127 : i32 to index
      %swap3A_222 = arith.constant 32 : index
      %swap3A_223 = tpu.vector_load %arg6[%swap3A_220, %swap3A_221, %swap3A_222] {strides = array<i32>} : memref<2x64x128xi32, #tpu.memory_space<vmem>>, vector<16xi32>,
      tpu.vector_store %arg6[%swap3A_220, %swap3A_221, %swap3A_222], %add3A_218 {strides = array<i32>} : memref<2x64x128xi32, #tpu.memory_space<vmem>>, vector<16xi32>,
      %add3A_224 = arith.constant 66 : i32
      %add3A_225 = vector.broadcast %add3A_224 : i32 to vector<16xi32>
      %add3A_226 = arith.addi %add3A_200, %add3A_225 : vector<16xi32>
      %swap3A_227 = arith.constant 0 : i32
      %swap3A_228 = arith.index_cast %swap3A_227 : i32 to index
      %swap3A_229 = arith.index_cast %scan3A_127 : i32 to index
      %swap3A_230 = arith.constant 48 : index
      %swap3A_231 = tpu.vector_load %arg6[%swap3A_228, %swap3A_229, %swap3A_230] {strides = array<i32>} : memref<2x64x128xi32, #tpu.memory_space<vmem>>, vector<16xi32>,
      tpu.vector_store %arg6[%swap3A_228, %swap3A_229, %swap3A_230], %add3A_226 {strides = array<i32>} : memref<2x64x128xi32, #tpu.memory_space<vmem>>, vector<16xi32>,
      %add3A_232 = arith.constant 4225 : i32
      %add3A_233 = vector.broadcast %add3A_232 : i32 to vector<16xi32>
      %add3A_234 = arith.addi %add3A_200, %add3A_233 : vector<16xi32>
      %swap3A_235 = arith.constant 0 : i32
      %swap3A_236 = arith.index_cast %swap3A_235 : i32 to index
      %swap3A_237 = arith.index_cast %scan3A_127 : i32 to index
      %swap3A_238 = arith.constant 64 : index
      %swap3A_239 = tpu.vector_load %arg6[%swap3A_236, %swap3A_237, %swap3A_238] {strides = array<i32>} : memref<2x64x128xi32, #tpu.memory_space<vmem>>, vector<16xi32>,
      tpu.vector_store %arg6[%swap3A_236, %swap3A_237, %swap3A_238], %add3A_234 {strides = array<i32>} : memref<2x64x128xi32, #tpu.memory_space<vmem>>, vector<16xi32>,
      %add3A_240 = arith.constant 4226 : i32
      %add3A_241 = vector.broadcast %add3A_240 : i32 to vector<16xi32>
      %add3A_242 = arith.addi %add3A_200, %add3A_241 : vector<16xi32>
      %swap3A_243 = arith.constant 0 : i32
      %swap3A_244 = arith.index_cast %swap3A_243 : i32 to index
      %swap3A_245 = arith.index_cast %scan3A_127 : i32 to index
      %swap3A_246 = arith.constant 80 : index
      %swap3A_247 = tpu.vector_load %arg6[%swap3A_244, %swap3A_245, %swap3A_246] {strides = array<i32>} : memref<2x64x128xi32, #tpu.memory_space<vmem>>, vector<16xi32>,
      tpu.vector_store %arg6[%swap3A_244, %swap3A_245, %swap3A_246], %add3A_242 {strides = array<i32>} : memref<2x64x128xi32, #tpu.memory_space<vmem>>, vector<16xi32>,
      %add3A_248 = arith.constant 4290 : i32
      %add3A_249 = vector.broadcast %add3A_248 : i32 to vector<16xi32>
      %add3A_250 = arith.addi %add3A_200, %add3A_249 : vector<16xi32>
      %swap3A_251 = arith.constant 0 : i32
      %swap3A_252 = arith.index_cast %swap3A_251 : i32 to index
      %swap3A_253 = arith.index_cast %scan3A_127 : i32 to index
      %swap3A_254 = arith.constant 96 : index
      %swap3A_255 = tpu.vector_load %arg6[%swap3A_252, %swap3A_253, %swap3A_254] {strides = array<i32>} : memref<2x64x128xi32, #tpu.memory_space<vmem>>, vector<16xi32>,
      tpu.vector_store %arg6[%swap3A_252, %swap3A_253, %swap3A_254], %add3A_250 {strides = array<i32>} : memref<2x64x128xi32, #tpu.memory_space<vmem>>, vector<16xi32>,
      %add3A_256 = arith.constant 4291 : i32
      %add3A_257 = vector.broadcast %add3A_256 : i32 to vector<16xi32>
      %add3A_258 = arith.addi %add3A_200, %add3A_257 : vector<16xi32>
      %swap3A_259 = arith.constant 0 : i32
      %swap3A_260 = arith.index_cast %swap3A_259 : i32 to index
      %swap3A_261 = arith.index_cast %scan3A_127 : i32 to index
      %swap3A_262 = arith.constant 112 : index
      %swap3A_263 = tpu.vector_load %arg6[%swap3A_260, %swap3A_261, %swap3A_262] {strides = array<i32>} : memref<2x64x128xi32, #tpu.memory_space<vmem>>, vector<16xi32>,
      tpu.vector_store %arg6[%swap3A_260, %swap3A_261, %swap3A_262], %add3A_258 {strides = array<i32>} : memref<2x64x128xi32, #tpu.memory_space<vmem>>, vector<16xi32>,
      %swap3A_264 = arith.constant 0 : i32
      %swap3A_265 = arith.index_cast %swap3A_264 : i32 to index
      %swap3A_266 = arith.index_cast %scan3A_127 : i32 to index
      %swap3A_267 = arith.constant 0 : index
      %swap3A_268 = tpu.vector_load %arg7[%swap3A_265, %swap3A_266, %swap3A_267] {strides = array<i32>} : memref<2x64x48xf32, #tpu.memory_space<vmem>>, vector<16xf32>,
      tpu.vector_store %arg7[%swap3A_265, %swap3A_266, %swap3A_267], %sub3A {strides = array<i32>} : memref<2x64x48xf32, #tpu.memory_space<vmem>>, vector<16xf32>,
      %swap3A_269 = arith.constant 0 : i32
      %swap3A_270 = arith.index_cast %swap3A_269 : i32 to index
      %swap3A_271 = arith.index_cast %scan3A_127 : i32 to index
      %swap3A_272 = arith.constant 16 : index
      %swap3A_273 = tpu.vector_load %arg7[%swap3A_270, %swap3A_271, %swap3A_272] {strides = array<i32>} : memref<2x64x48xf32, #tpu.memory_space<vmem>>, vector<16xf32>,
      tpu.vector_store %arg7[%swap3A_270, %swap3A_271, %swap3A_272], %sub3A_190 {strides = array<i32>} : memref<2x64x48xf32, #tpu.memory_space<vmem>>, vector<16xf32>,
      %swap3A_274 = arith.constant 0 : i32
      %swap3A_275 = arith.index_cast %swap3A_274 : i32 to index
      %swap3A_276 = arith.index_cast %scan3A_127 : i32 to index
      %swap3A_277 = arith.constant 32 : index
      %swap3A_278 = tpu.vector_load %arg7[%swap3A_275, %swap3A_276, %swap3A_277] {strides = array<i32>} : memref<2x64x48xf32, #tpu.memory_space<vmem>>, vector<16xf32>,
      tpu.vector_store %arg7[%swap3A_275, %swap3A_276, %swap3A_277], %sub3A_192 {strides = array<i32>} : memref<2x64x48xf32, #tpu.memory_space<vmem>>, vector<16xf32>,
    }
    %scan3A_58 = arith.constant 64 : i32
    %dma_start3A = arith.constant 0 : i32
    %dma_start3A_59 = arith.constant 0 : i32
    %dma_start3A_60 = arith.constant 0 : i32
    %dma_start3A_61 = tpu.memref_slice %arg6[%dma_start3A, %dma_start3A_59, %dma_start3A_60] : memref<2x64x128xi32, #tpu.memory_space<vmem>> -> memref<1x1x128xi32, #tpu.memory_space<vmem>>
    %dma_start3A_62 = tpu.memref_squeeze %dma_start3A_61 : memref<1x1x128xi32, #tpu.memory_space<vmem>> -> memref<128xi32, #tpu.memory_space<vmem>>
    %dma_start3A_63 = arith.constant 0 : i32
    %dma_start3A_64 = arith.constant 0 : i32
    %dma_start3A_65 = tpu.memref_slice %arg2[%dma_start3A_63, %dma_start3A_64] : memref<274625x32xf32, #tpu.memory_space<hbm>> -> memref<274625x32xf32, #tpu.memory_space<hbm>>
    tpu.enqueue_indirect_dma source(%dma_start3A_65 : memref<274625x32xf32, #tpu.memory_space<hbm>>) target(%arg8 : memref<128x32xf32, #tpu.memory_space<vmem>>) offsets(%dma_start3A_62 : memref<128xi32, #tpu.memory_space<vmem>>) semaphore(%arg17 : memref<!tpu.dma_semaphore, #tpu.memory_space<semaphore_mem>>)
    %dma_start3A_66 = arith.constant 0 : i32
    %dma_start3A_67 = arith.constant 1 : i32
    %dma_start3A_68 = arith.constant 0 : i32
    %dma_start3A_69 = tpu.memref_slice %arg6[%dma_start3A_66, %dma_start3A_67, %dma_start3A_68] : memref<2x64x128xi32, #tpu.memory_space<vmem>> -> memref<1x1x128xi32, #tpu.memory_space<vmem>>
    %dma_start3A_70 = tpu.memref_squeeze %dma_start3A_69 : memref<1x1x128xi32, #tpu.memory_space<vmem>> -> memref<128xi32, #tpu.memory_space<vmem>>
    %dma_start3A_71 = arith.constant 0 : i32
    %dma_start3A_72 = arith.constant 0 : i32
    %dma_start3A_73 = tpu.memref_slice %arg2[%dma_start3A_71, %dma_start3A_72] : memref<274625x32xf32, #tpu.memory_space<hbm>> -> memref<274625x32xf32, #tpu.memory_space<hbm>>
    tpu.enqueue_indirect_dma source(%dma_start3A_73 : memref<274625x32xf32, #tpu.memory_space<hbm>>) target(%arg9 : memref<128x32xf32, #tpu.memory_space<vmem>>) offsets(%dma_start3A_70 : memref<128xi32, #tpu.memory_space<vmem>>) semaphore(%arg18 : memref<!tpu.dma_semaphore, #tpu.memory_space<semaphore_mem>>)
    %dma_start3A_74 = arith.constant 0 : i32
    %dma_start3A_75 = arith.constant 2 : i32
    %dma_start3A_76 = arith.constant 0 : i32
    %dma_start3A_77 = tpu.memref_slice %arg6[%dma_start3A_74, %dma_start3A_75, %dma_start3A_76] : memref<2x64x128xi32, #tpu.memory_space<vmem>> -> memref<1x1x128xi32, #tpu.memory_space<vmem>>
    %dma_start3A_78 = tpu.memref_squeeze %dma_start3A_77 : memref<1x1x128xi32, #tpu.memory_space<vmem>> -> memref<128xi32, #tpu.memory_space<vmem>>
    %dma_start3A_79 = arith.constant 0 : i32
    %dma_start3A_80 = arith.constant 0 : i32
    %dma_start3A_81 = tpu.memref_slice %arg2[%dma_start3A_79, %dma_start3A_80] : memref<274625x32xf32, #tpu.memory_space<hbm>> -> memref<274625x32xf32, #tpu.memory_space<hbm>>
    tpu.enqueue_indirect_dma source(%dma_start3A_81 : memref<274625x32xf32, #tpu.memory_space<hbm>>) target(%arg10 : memref<128x32xf32, #tpu.memory_space<vmem>>) offsets(%dma_start3A_78 : memref<128xi32, #tpu.memory_space<vmem>>) semaphore(%arg19 : memref<!tpu.dma_semaphore, #tpu.memory_space<semaphore_mem>>)
    %dma_start3A_82 = arith.constant 0 : i32
    %dma_start3A_83 = arith.constant 3 : i32
    %dma_start3A_84 = arith.constant 0 : i32
    %dma_start3A_85 = tpu.memref_slice %arg6[%dma_start3A_82, %dma_start3A_83, %dma_start3A_84] : memref<2x64x128xi32, #tpu.memory_space<vmem>> -> memref<1x1x128xi32, #tpu.memory_space<vmem>>
    %dma_start3A_86 = tpu.memref_squeeze %dma_start3A_85 : memref<1x1x128xi32, #tpu.memory_space<vmem>> -> memref<128xi32, #tpu.memory_space<vmem>>
    %dma_start3A_87 = arith.constant 0 : i32
    %dma_start3A_88 = arith.constant 0 : i32
    %dma_start3A_89 = tpu.memref_slice %arg2[%dma_start3A_87, %dma_start3A_88] : memref<274625x32xf32, #tpu.memory_space<hbm>> -> memref<274625x32xf32, #tpu.memory_space<hbm>>
    tpu.enqueue_indirect_dma source(%dma_start3A_89 : memref<274625x32xf32, #tpu.memory_space<hbm>>) target(%arg11 : memref<128x32xf32, #tpu.memory_space<vmem>>) offsets(%dma_start3A_86 : memref<128xi32, #tpu.memory_space<vmem>>) semaphore(%arg20 : memref<!tpu.dma_semaphore, #tpu.memory_space<semaphore_mem>>)
    %scan3A_90 = arith.constant 0 : i32
    %scan3A_91 = arith.constant 0 : i32
    %scan3A_92 = arith.constant 32 : i32
    %scan3A_93 = arith.addi %scan3A_91, %scan3A_92 : i32
    %scan3A_94 = arith.constant 1 : i32
    scf.for %scan3A_127 = %scan3A_91 to %scan3A_93 step %scan3A_94  : i32 {
      %and3A = arith.constant 1 : i32
      %and3A_128 = arith.andi %scan3A_127, %and3A : i32
      %sub3A = arith.constant 1 : i32
      %sub3A_129 = arith.subi %sub3A, %and3A_128 : i32
      %mul3A_130 = arith.constant 16 : i32
      %mul3A_131 = arith.muli %scan3A_127, %mul3A_130 : i32
      %get3A_132 = arith.constant 3 : i32
      %get3A_133 = arith.index_cast %get3A_132 : i32 to index
      %get3A_134 = arith.index_cast %mul3A_131 : i32 to index
      %get3A_135 = tpu.vector_load %arg5[%get3A_133, %get3A_134] {strides = array<i32>} : memref<8x512xf32, #tpu.memory_space<vmem>>, vector<16xf32>,
      %get3A_136 = arith.constant 4 : i32
      %get3A_137 = arith.index_cast %get3A_136 : i32 to index
      %get3A_138 = arith.index_cast %mul3A_131 : i32 to index
      %get3A_139 = tpu.vector_load %arg5[%get3A_137, %get3A_138] {strides = array<i32>} : memref<8x512xf32, #tpu.memory_space<vmem>>, vector<16xf32>,
      %get3A_140 = arith.constant 5 : i32
      %get3A_141 = arith.index_cast %get3A_140 : i32 to index
      %get3A_142 = arith.index_cast %mul3A_131 : i32 to index
      %get3A_143 = tpu.vector_load %arg5[%get3A_141, %get3A_142] {strides = array<i32>} : memref<8x512xf32, #tpu.memory_space<vmem>>, vector<16xf32>,
      %get3A_144 = arith.constant 6 : i32
      %get3A_145 = arith.index_cast %get3A_144 : i32 to index
      %get3A_146 = arith.index_cast %mul3A_131 : i32 to index
      %get3A_147 = tpu.vector_load %arg5[%get3A_145, %get3A_146] {strides = array<i32>} : memref<8x512xf32, #tpu.memory_space<vmem>>, vector<16xf32>,
      %broadcast_in_dim3A = arith.constant 0.282094806 : f32
      %broadcast_in_dim3A_148 = vector.broadcast %broadcast_in_dim3A : f32 to vector<16xf32>
      %swap3A = arith.constant 0 : i32
      %swap3A_149 = arith.index_cast %swap3A : i32 to index
      %swap3A_150 = arith.constant 0 : index
      %swap3A_151 = tpu.vector_load %arg14[%swap3A_149, %swap3A_150] {strides = array<i32>} : memref<9x16xf32, #tpu.memory_space<vmem>>, vector<16xf32>,
      tpu.vector_store %arg14[%swap3A_149, %swap3A_150], %broadcast_in_dim3A_148 {strides = array<i32>} : memref<9x16xf32, #tpu.memory_space<vmem>>, vector<16xf32>,
      %mul3A_152 = arith.constant -0.488602519 : f32
      %mul3A_153 = vector.broadcast %mul3A_152 : f32 to vector<16xf32>
      %mul3A_154 = arith.mulf %mul3A_153, %get3A_139 : vector<16xf32>
      %swap3A_155 = arith.constant 1 : i32
      %swap3A_156 = arith.index_cast %swap3A_155 : i32 to index
      %swap3A_157 = arith.constant 0 : index
      %swap3A_158 = tpu.vector_load %arg14[%swap3A_156, %swap3A_157] {strides = array<i32>} : memref<9x16xf32, #tpu.memory_space<vmem>>, vector<16xf32>,
      tpu.vector_store %arg14[%swap3A_156, %swap3A_157], %mul3A_154 {strides = array<i32>} : memref<9x16xf32, #tpu.memory_space<vmem>>, vector<16xf32>,
      %mul3A_159 = arith.constant 0.488602519 : f32
      %mul3A_160 = vector.broadcast %mul3A_159 : f32 to vector<16xf32>
      %mul3A_161 = arith.mulf %mul3A_160, %get3A_143 : vector<16xf32>
      %swap3A_162 = arith.constant 2 : i32
      %swap3A_163 = arith.index_cast %swap3A_162 : i32 to index
      %swap3A_164 = arith.constant 0 : index
      %swap3A_165 = tpu.vector_load %arg14[%swap3A_163, %swap3A_164] {strides = array<i32>} : memref<9x16xf32, #tpu.memory_space<vmem>>, vector<16xf32>,
      tpu.vector_store %arg14[%swap3A_163, %swap3A_164], %mul3A_161 {strides = array<i32>} : memref<9x16xf32, #tpu.memory_space<vmem>>, vector<16xf32>,
      %mul3A_166 = arith.constant -0.488602519 : f32
      %mul3A_167 = vector.broadcast %mul3A_166 : f32 to vector<16xf32>
      %mul3A_168 = arith.mulf %mul3A_167, %get3A_135 : vector<16xf32>
      %swap3A_169 = arith.constant 3 : i32
      %swap3A_170 = arith.index_cast %swap3A_169 : i32 to index
      %swap3A_171 = arith.constant 0 : index
      %swap3A_172 = tpu.vector_load %arg14[%swap3A_170, %swap3A_171] {strides = array<i32>} : memref<9x16xf32, #tpu.memory_space<vmem>>, vector<16xf32>,
      tpu.vector_store %arg14[%swap3A_170, %swap3A_171], %mul3A_168 {strides = array<i32>} : memref<9x16xf32, #tpu.memory_space<vmem>>, vector<16xf32>,
      %mul3A_173 = arith.constant 1.09254849 : f32
      %mul3A_174 = vector.broadcast %mul3A_173 : f32 to vector<16xf32>
      %mul3A_175 = arith.mulf %mul3A_174, %get3A_135 : vector<16xf32>
      %mul3A_176 = arith.mulf %mul3A_175, %get3A_139 : vector<16xf32>
      %swap3A_177 = arith.constant 4 : i32
      %swap3A_178 = arith.index_cast %swap3A_177 : i32 to index
      %swap3A_179 = arith.constant 0 : index
      %swap3A_180 = tpu.vector_load %arg14[%swap3A_178, %swap3A_179] {strides = array<i32>} : memref<9x16xf32, #tpu.memory_space<vmem>>, vector<16xf32>,
      tpu.vector_store %arg14[%swap3A_178, %swap3A_179], %mul3A_176 {strides = array<i32>} : memref<9x16xf32, #tpu.memory_space<vmem>>, vector<16xf32>,
      %mul3A_181 = arith.constant -1.09254849 : f32
      %mul3A_182 = vector.broadcast %mul3A_181 : f32 to vector<16xf32>
      %mul3A_183 = arith.mulf %mul3A_182, %get3A_139 : vector<16xf32>
      %mul3A_184 = arith.mulf %mul3A_183, %get3A_143 : vector<16xf32>
      %swap3A_185 = arith.constant 5 : i32
      %swap3A_186 = arith.index_cast %swap3A_185 : i32 to index
      %swap3A_187 = arith.constant 0 : index
      %swap3A_188 = tpu.vector_load %arg14[%swap3A_186, %swap3A_187] {strides = array<i32>} : memref<9x16xf32, #tpu.memory_space<vmem>>, vector<16xf32>,
      tpu.vector_store %arg14[%swap3A_186, %swap3A_187], %mul3A_184 {strides = array<i32>} : memref<9x16xf32, #tpu.memory_space<vmem>>, vector<16xf32>,
      %mul3A_189 = arith.constant 2.000000e+00 : f32
      %mul3A_190 = vector.broadcast %mul3A_189 : f32 to vector<16xf32>
      %mul3A_191 = arith.mulf %mul3A_190, %get3A_143 : vector<16xf32>
      %mul3A_192 = arith.mulf %mul3A_191, %get3A_143 : vector<16xf32>
      %mul3A_193 = arith.mulf %get3A_135, %get3A_135 : vector<16xf32>
      %sub3A_194 = arith.subf %mul3A_192, %mul3A_193 : vector<16xf32>
      %mul3A_195 = arith.mulf %get3A_139, %get3A_139 : vector<16xf32>
      %sub3A_196 = arith.subf %sub3A_194, %mul3A_195 : vector<16xf32>
      %mul3A_197 = arith.constant 0.31539157 : f32
      %mul3A_198 = vector.broadcast %mul3A_197 : f32 to vector<16xf32>
      %mul3A_199 = arith.mulf %mul3A_198, %sub3A_196 : vector<16xf32>
      %swap3A_200 = arith.constant 6 : i32
      %swap3A_201 = arith.index_cast %swap3A_200 : i32 to index
      %swap3A_202 = arith.constant 0 : index
      %swap3A_203 = tpu.vector_load %arg14[%swap3A_201, %swap3A_202] {strides = array<i32>} : memref<9x16xf32, #tpu.memory_space<vmem>>, vector<16xf32>,
      tpu.vector_store %arg14[%swap3A_201, %swap3A_202], %mul3A_199 {strides = array<i32>} : memref<9x16xf32, #tpu.memory_space<vmem>>, vector<16xf32>,
      %mul3A_204 = arith.constant -1.09254849 : f32
      %mul3A_205 = vector.broadcast %mul3A_204 : f32 to vector<16xf32>
      %mul3A_206 = arith.mulf %mul3A_205, %get3A_135 : vector<16xf32>
      %mul3A_207 = arith.mulf %mul3A_206, %get3A_143 : vector<16xf32>
      %swap3A_208 = arith.constant 7 : i32
      %swap3A_209 = arith.index_cast %swap3A_208 : i32 to index
      %swap3A_210 = arith.constant 0 : index
      %swap3A_211 = tpu.vector_load %arg14[%swap3A_209, %swap3A_210] {strides = array<i32>} : memref<9x16xf32, #tpu.memory_space<vmem>>, vector<16xf32>,
      tpu.vector_store %arg14[%swap3A_209, %swap3A_210], %mul3A_207 {strides = array<i32>} : memref<9x16xf32, #tpu.memory_space<vmem>>, vector<16xf32>,
      %mul3A_212 = arith.mulf %get3A_135, %get3A_135 : vector<16xf32>
      %mul3A_213 = arith.mulf %get3A_139, %get3A_139 : vector<16xf32>
      %sub3A_214 = arith.subf %mul3A_212, %mul3A_213 : vector<16xf32>
      %mul3A_215 = arith.constant 0.546274245 : f32
      %mul3A_216 = vector.broadcast %mul3A_215 : f32 to vector<16xf32>
      %mul3A_217 = arith.mulf %mul3A_216, %sub3A_214 : vector<16xf32>
      %swap3A_218 = arith.constant 8 : i32
      %swap3A_219 = arith.index_cast %swap3A_218 : i32 to index
      %swap3A_220 = arith.constant 0 : index
      %swap3A_221 = tpu.vector_load %arg14[%swap3A_219, %swap3A_220] {strides = array<i32>} : memref<9x16xf32, #tpu.memory_space<vmem>>, vector<16xf32>,
      tpu.vector_store %arg14[%swap3A_219, %swap3A_220], %mul3A_217 {strides = array<i32>} : memref<9x16xf32, #tpu.memory_space<vmem>>, vector<16xf32>,
      %scan3A_222 = arith.constant 0 : i32
      %scan3A_223 = arith.constant 0 : i32
      %scan3A_224 = arith.constant 32 : i32
      %scan3A_225 = arith.addi %scan3A_223, %scan3A_224 : i32
      %scan3A_226 = arith.constant 1 : i32
      scf.for %scan3A_310 = %scan3A_223 to %scan3A_225 step %scan3A_226  : i32 {
        %get3A_311 = arith.index_cast %scan3A_310 : i32 to index
        %get3A_312 = arith.constant 0 : index
        %get3A_313 = tpu.vector_load %arg13[%get3A_311, %get3A_312] {strides = array<i32>} : memref<32x16xi32, #tpu.memory_space<vmem>>, vector<16xi32>,
        %jit3A = arith.constant 9 : i32
        %eq3A = arith.constant 0 : i32
        %eq3A_314 = arith.cmpi eq, %jit3A, %eq3A : i32
        %jit3A_315 = arith.constant 1 : i32
        %select_n3A = arith.select %eq3A_314, %jit3A_315, %jit3A : i32
        %rem3A = vector.broadcast %select_n3A : i32 to vector<16xi32>
        %rem3A_316 = arith.remsi %get3A_313, %rem3A : vector<16xi32>
        %ne3A = arith.constant 0 : i32
        %ne3A_317 = vector.broadcast %ne3A : i32 to vector<16xi32>
        %ne3A_318 = arith.cmpi ne, %rem3A_316, %ne3A_317 : vector<16xi32>
        %lt3A = arith.constant 0 : i32
        %lt3A_319 = vector.broadcast %lt3A : i32 to vector<16xi32>
        %lt3A_320 = arith.cmpi slt, %rem3A_316, %lt3A_319 : vector<16xi32>
        %lt3A_321 = arith.constant 0 : i32
        %lt3A_322 = arith.cmpi slt, %select_n3A, %lt3A_321 : i32
        %ne3A_323 = vector.broadcast %lt3A_322 : i1 to vector<16xi1>
        %ne3A_324 = vector.broadcast %ne3A_323 : vector<16xi1> to vector<16xi1>
        %ne3A_325 = arith.xori %lt3A_320, %ne3A_324 : vector<16xi1>
        %and3A_326 = arith.andi %ne3A_325, %ne3A_318 : vector<16xi1>
        %add3A_327 = vector.broadcast %select_n3A : i32 to vector<16xi32>
        %add3A_328 = arith.addi %rem3A_316, %add3A_327 : vector<16xi32>
        %select_n3A_329 = arith.select %and3A_326, %add3A_328, %rem3A_316 : vector<16xi1>, vector<16xi32>
        %gather3A = tpu.vector_load_idx %arg14[%select_n3A_329, %iota3A] : memref<9x16xf32, #tpu.memory_space<vmem>>[vector<16xi32>, vector<16xi32>], vector<16xf32>,
        %mul3A_330 = arith.constant 3 : i32
        %mul3A_331 = arith.muli %mul3A_330, %scan3A_310 : i32
        %add3A_332 = arith.constant 0 : i32
        %add3A_333 = arith.addi %mul3A_331, %add3A_332 : i32
        %get3A_334 = arith.index_cast %add3A_333 : i32 to index
        %get3A_335 = arith.constant 0 : index
        %get3A_336 = tpu.vector_load %arg15[%get3A_334, %get3A_335] {strides = array<i32>} : memref<96x16xf32, #tpu.memory_space<vmem>>, vector<16xf32>,
        %mul3A_337 = arith.mulf %gather3A, %get3A_336 : vector<16xf32>
        %mul3A_338 = arith.constant 4 : i32
        %mul3A_339 = arith.muli %mul3A_338, %scan3A_310 : i32
        %add3A_340 = arith.constant 0 : i32
        %add3A_341 = arith.addi %mul3A_339, %add3A_340 : i32
        %swap3A_342 = arith.index_cast %add3A_341 : i32 to index
        %swap3A_343 = arith.constant 0 : index
        %swap3A_344 = tpu.vector_load %arg16[%swap3A_342, %swap3A_343] {strides = array<i32>} : memref<128x16xf32, #tpu.memory_space<vmem>>, vector<16xf32>,
        tpu.vector_store %arg16[%swap3A_342, %swap3A_343], %mul3A_337 {strides = array<i32>} : memref<128x16xf32, #tpu.memory_space<vmem>>, vector<16xf32>,
        %mul3A_345 = arith.constant 3 : i32
        %mul3A_346 = arith.muli %mul3A_345, %scan3A_310 : i32
        %add3A_347 = arith.constant 1 : i32
        %add3A_348 = arith.addi %mul3A_346, %add3A_347 : i32
        %get3A_349 = arith.index_cast %add3A_348 : i32 to index
        %get3A_350 = arith.constant 0 : index
        %get3A_351 = tpu.vector_load %arg15[%get3A_349, %get3A_350] {strides = array<i32>} : memref<96x16xf32, #tpu.memory_space<vmem>>, vector<16xf32>,
        %mul3A_352 = arith.mulf %gather3A, %get3A_351 : vector<16xf32>
        %mul3A_353 = arith.constant 4 : i32
        %mul3A_354 = arith.muli %mul3A_353, %scan3A_310 : i32
        %add3A_355 = arith.constant 1 : i32
        %add3A_356 = arith.addi %mul3A_354, %add3A_355 : i32
        %swap3A_357 = arith.index_cast %add3A_356 : i32 to index
        %swap3A_358 = arith.constant 0 : index
        %swap3A_359 = tpu.vector_load %arg16[%swap3A_357, %swap3A_358] {strides = array<i32>} : memref<128x16xf32, #tpu.memory_space<vmem>>, vector<16xf32>,
        tpu.vector_store %arg16[%swap3A_357, %swap3A_358], %mul3A_352 {strides = array<i32>} : memref<128x16xf32, #tpu.memory_space<vmem>>, vector<16xf32>,
        %mul3A_360 = arith.constant 3 : i32
        %mul3A_361 = arith.muli %mul3A_360, %scan3A_310 : i32
        %add3A_362 = arith.constant 2 : i32
        %add3A_363 = arith.addi %mul3A_361, %add3A_362 : i32
        %get3A_364 = arith.index_cast %add3A_363 : i32 to index
        %get3A_365 = arith.constant 0 : index
        %get3A_366 = tpu.vector_load %arg15[%get3A_364, %get3A_365] {strides = array<i32>} : memref<96x16xf32, #tpu.memory_space<vmem>>, vector<16xf32>,
        %mul3A_367 = arith.mulf %gather3A, %get3A_366 : vector<16xf32>
        %mul3A_368 = arith.constant 4 : i32
        %mul3A_369 = arith.muli %mul3A_368, %scan3A_310 : i32
        %add3A_370 = arith.constant 2 : i32
        %add3A_371 = arith.addi %mul3A_369, %add3A_370 : i32
        %swap3A_372 = arith.index_cast %add3A_371 : i32 to index
        %swap3A_373 = arith.constant 0 : index
        %swap3A_374 = tpu.vector_load %arg16[%swap3A_372, %swap3A_373] {strides = array<i32>} : memref<128x16xf32, #tpu.memory_space<vmem>>, vector<16xf32>,
        tpu.vector_store %arg16[%swap3A_372, %swap3A_373], %mul3A_367 {strides = array<i32>} : memref<128x16xf32, #tpu.memory_space<vmem>>, vector<16xf32>,
      }
      %scan3A_227 = arith.constant 32 : i32
      %add3A_228 = arith.constant 1 : i32
      %add3A_229 = arith.addi %scan3A_127, %add3A_228 : i32
      %min3A = arith.constant 31 : i32
      %min3A_230 = arith.minsi %add3A_229, %min3A : i32
      %mul3A_231 = arith.constant 16 : i32
      %mul3A_232 = arith.muli %min3A_230, %mul3A_231 : i32
      %get3A_233 = arith.constant 0 : i32
      %get3A_234 = arith.index_cast %get3A_233 : i32 to index
      %get3A_235 = arith.index_cast %mul3A_232 : i32 to index
      %get3A_236 = tpu.vector_load %arg5[%get3A_234, %get3A_235] {strides = array<i32>} : memref<8x512xf32, #tpu.memory_space<vmem>>, vector<16xf32>,
      %get3A_237 = arith.constant 1 : i32
      %get3A_238 = arith.index_cast %get3A_237 : i32 to index
      %get3A_239 = arith.index_cast %mul3A_232 : i32 to index
      %get3A_240 = tpu.vector_load %arg5[%get3A_238, %get3A_239] {strides = array<i32>} : memref<8x512xf32, #tpu.memory_space<vmem>>, vector<16xf32>,
      %get3A_241 = arith.constant 2 : i32
      %get3A_242 = arith.index_cast %get3A_241 : i32 to index
      %get3A_243 = arith.index_cast %mul3A_232 : i32 to index
      %get3A_244 = tpu.vector_load %arg5[%get3A_242, %get3A_243] {strides = array<i32>} : memref<8x512xf32, #tpu.memory_space<vmem>>, vector<16xf32>,
      %get3A_245 = arith.constant 3 : i32
      %get3A_246 = arith.index_cast %get3A_245 : i32 to index
      %get3A_247 = arith.index_cast %mul3A_232 : i32 to index
      %get3A_248 = tpu.vector_load %arg5[%get3A_246, %get3A_247] {strides = array<i32>} : memref<8x512xf32, #tpu.memory_space<vmem>>, vector<16xf32>,
      %get3A_249 = arith.constant 4 : i32
      %get3A_250 = arith.index_cast %get3A_249 : i32 to index
      %get3A_251 = arith.index_cast %mul3A_232 : i32 to index
      %get3A_252 = tpu.vector_load %arg5[%get3A_250, %get3A_251] {strides = array<i32>} : memref<8x512xf32, #tpu.memory_space<vmem>>, vector<16xf32>,
      %get3A_253 = arith.constant 5 : i32
      %get3A_254 = arith.index_cast %get3A_253 : i32 to index
      %get3A_255 = arith.index_cast %mul3A_232 : i32 to index
      %get3A_256 = tpu.vector_load %arg5[%get3A_254, %get3A_255] {strides = array<i32>} : memref<8x512xf32, #tpu.memory_space<vmem>>, vector<16xf32>,
      %scan3A_257 = arith.constant 0 : i32
      %scan3A_258 = arith.constant 0 : i32
      %scan3A_259 = arith.constant 64 : i32
      %scan3A_260 = arith.addi %scan3A_258, %scan3A_259 : i32
      %scan3A_261 = arith.constant 1 : i32
      scf.for %scan3A_310 = %scan3A_258 to %scan3A_260 step %scan3A_261  : i32 {
        %convert_element_type3A = arith.sitofp %scan3A_310 : i32 to f32
        %add3A_311 = arith.constant 5.000000e-01 : f32
        %add3A_312 = arith.addf %convert_element_type3A, %add3A_311 : f32
        %mul3A_313 = arith.constant 3.125000e-02 : f32
        %mul3A_314 = arith.mulf %add3A_312, %mul3A_313 : f32
        %add3A_315 = arith.constant 0.000000e+00 : f32
        %add3A_316 = arith.addf %mul3A_314, %add3A_315 : f32
        %mul3A_317 = vector.broadcast %add3A_316 : f32 to vector<16xf32>
        %mul3A_318 = arith.mulf %mul3A_317, %get3A_248 : vector<16xf32>
        %add3A_319 = arith.addf %get3A_236, %mul3A_318 : vector<16xf32>
        %mul3A_320 = vector.broadcast %add3A_316 : f32 to vector<16xf32>
        %mul3A_321 = arith.mulf %mul3A_320, %get3A_252 : vector<16xf32>
        %add3A_322 = arith.addf %get3A_240, %mul3A_321 : vector<16xf32>
        %mul3A_323 = vector.broadcast %add3A_316 : f32 to vector<16xf32>
        %mul3A_324 = arith.mulf %mul3A_323, %get3A_256 : vector<16xf32>
        %add3A_325 = arith.addf %get3A_244, %mul3A_324 : vector<16xf32>
        %mul3A_326 = arith.constant 5.000000e-01 : f32
        %mul3A_327 = vector.broadcast %mul3A_326 : f32 to vector<16xf32>
        %mul3A_328 = arith.mulf %mul3A_327, %add3A_319 : vector<16xf32>
        %add3A_329 = arith.constant 5.000000e-01 : f32
        %add3A_330 = vector.broadcast %add3A_329 : f32 to vector<16xf32>
        %add3A_331 = arith.addf %add3A_330, %mul3A_328 : vector<16xf32>
        %jit3A = arith.constant 0.000000e+00 : f32
        %jit3A_332 = arith.constant 0.999998986 : f32
        %max3A = vector.broadcast %jit3A : f32 to vector<16xf32>
        %max3A_333 = arith.maximumf %max3A, %add3A_331 : vector<16xf32>
        %min3A_334 = vector.broadcast %jit3A_332 : f32 to vector<16xf32>
        %min3A_335 = arith.minimumf %min3A_334, %max3A_333 : vector<16xf32>
        %mul3A_336 = arith.constant 6.400000e+01 : f32
        %mul3A_337 = vector.broadcast %mul3A_336 : f32 to vector<16xf32>
        %mul3A_338 = arith.mulf %min3A_335, %mul3A_337 : vector<16xf32>
        %mul3A_339 = arith.constant 5.000000e-01 : f32
        %mul3A_340 = vector.broadcast %mul3A_339 : f32 to vector<16xf32>
        %mul3A_341 = arith.mulf %mul3A_340, %add3A_322 : vector<16xf32>
        %add3A_342 = arith.constant 5.000000e-01 : f32
        %add3A_343 = vector.broadcast %add3A_342 : f32 to vector<16xf32>
        %add3A_344 = arith.addf %add3A_343, %mul3A_341 : vector<16xf32>
        %jit3A_345 = arith.constant 0.000000e+00 : f32
        %jit3A_346 = arith.constant 0.999998986 : f32
        %max3A_347 = vector.broadcast %jit3A_345 : f32 to vector<16xf32>
        %max3A_348 = arith.maximumf %max3A_347, %add3A_344 : vector<16xf32>
        %min3A_349 = vector.broadcast %jit3A_346 : f32 to vector<16xf32>
        %min3A_350 = arith.minimumf %min3A_349, %max3A_348 : vector<16xf32>
        %mul3A_351 = arith.constant 6.400000e+01 : f32
        %mul3A_352 = vector.broadcast %mul3A_351 : f32 to vector<16xf32>
        %mul3A_353 = arith.mulf %min3A_350, %mul3A_352 : vector<16xf32>
        %mul3A_354 = arith.constant 5.000000e-01 : f32
        %mul3A_355 = vector.broadcast %mul3A_354 : f32 to vector<16xf32>
        %mul3A_356 = arith.mulf %mul3A_355, %add3A_325 : vector<16xf32>
        %add3A_357 = arith.constant 5.000000e-01 : f32
        %add3A_358 = vector.broadcast %add3A_357 : f32 to vector<16xf32>
        %add3A_359 = arith.addf %add3A_358, %mul3A_356 : vector<16xf32>
        %jit3A_360 = arith.constant 0.000000e+00 : f32
        %jit3A_361 = arith.constant 0.999998986 : f32
        %max3A_362 = vector.broadcast %jit3A_360 : f32 to vector<16xf32>
        %max3A_363 = arith.maximumf %max3A_362, %add3A_359 : vector<16xf32>
        %min3A_364 = vector.broadcast %jit3A_361 : f32 to vector<16xf32>
        %min3A_365 = arith.minimumf %min3A_364, %max3A_363 : vector<16xf32>
        %mul3A_366 = arith.constant 6.400000e+01 : f32
        %mul3A_367 = vector.broadcast %mul3A_366 : f32 to vector<16xf32>
        %mul3A_368 = arith.mulf %min3A_365, %mul3A_367 : vector<16xf32>
        %convert_element_type3A_369 = arith.fptosi %mul3A_338 : vector<16xf32> to vector<16xi32>
        %convert_element_type3A_370 = arith.fptosi %mul3A_353 : vector<16xf32> to vector<16xi32>
        %convert_element_type3A_371 = arith.fptosi %mul3A_368 : vector<16xf32> to vector<16xi32>
        %convert_element_type3A_372 = arith.sitofp %convert_element_type3A_369 : vector<16xi32> to vector<16xf32>
        %sub3A_373 = arith.subf %mul3A_338, %convert_element_type3A_372 : vector<16xf32>
        %convert_element_type3A_374 = arith.sitofp %convert_element_type3A_370 : vector<16xi32> to vector<16xf32>
        %sub3A_375 = arith.subf %mul3A_353, %convert_element_type3A_374 : vector<16xf32>
        %convert_element_type3A_376 = arith.sitofp %convert_element_type3A_371 : vector<16xi32> to vector<16xf32>
        %sub3A_377 = arith.subf %mul3A_368, %convert_element_type3A_376 : vector<16xf32>
        %mul3A_378 = arith.constant 65 : i32
        %mul3A_379 = vector.broadcast %mul3A_378 : i32 to vector<16xi32>
        %mul3A_380 = arith.muli %convert_element_type3A_369, %mul3A_379 : vector<16xi32>
        %add3A_381 = arith.addi %mul3A_380, %convert_element_type3A_370 : vector<16xi32>
        %mul3A_382 = arith.constant 65 : i32
        %mul3A_383 = vector.broadcast %mul3A_382 : i32 to vector<16xi32>
        %mul3A_384 = arith.muli %add3A_381, %mul3A_383 : vector<16xi32>
        %add3A_385 = arith.addi %mul3A_384, %convert_element_type3A_371 : vector<16xi32>
        %add3A_386 = arith.constant 0 : i32
        %add3A_387 = vector.broadcast %add3A_386 : i32 to vector<16xi32>
        %add3A_388 = arith.addi %add3A_385, %add3A_387 : vector<16xi32>
        %swap3A_389 = arith.index_cast %sub3A_129 : i32 to index
        %swap3A_390 = arith.index_cast %scan3A_310 : i32 to index
        %swap3A_391 = arith.constant 0 : index
        %swap3A_392 = tpu.vector_load %arg6[%swap3A_389, %swap3A_390, %swap3A_391] {strides = array<i32>} : memref<2x64x128xi32, #tpu.memory_space<vmem>>, vector<16xi32>,
        tpu.vector_store %arg6[%swap3A_389, %swap3A_390, %swap3A_391], %add3A_388 {strides = array<i32>} : memref<2x64x128xi32, #tpu.memory_space<vmem>>, vector<16xi32>,
        %add3A_393 = arith.constant 1 : i32
        %add3A_394 = vector.broadcast %add3A_393 : i32 to vector<16xi32>
        %add3A_395 = arith.addi %add3A_385, %add3A_394 : vector<16xi32>
        %swap3A_396 = arith.index_cast %sub3A_129 : i32 to index
        %swap3A_397 = arith.index_cast %scan3A_310 : i32 to index
        %swap3A_398 = arith.constant 16 : index
        %swap3A_399 = tpu.vector_load %arg6[%swap3A_396, %swap3A_397, %swap3A_398] {strides = array<i32>} : memref<2x64x128xi32, #tpu.memory_space<vmem>>, vector<16xi32>,
        tpu.vector_store %arg6[%swap3A_396, %swap3A_397, %swap3A_398], %add3A_395 {strides = array<i32>} : memref<2x64x128xi32, #tpu.memory_space<vmem>>, vector<16xi32>,
        %add3A_400 = arith.constant 65 : i32
        %add3A_401 = vector.broadcast %add3A_400 : i32 to vector<16xi32>
        %add3A_402 = arith.addi %add3A_385, %add3A_401 : vector<16xi32>
        %swap3A_403 = arith.index_cast %sub3A_129 : i32 to index
        %swap3A_404 = arith.index_cast %scan3A_310 : i32 to index
        %swap3A_405 = arith.constant 32 : index
        %swap3A_406 = tpu.vector_load %arg6[%swap3A_403, %swap3A_404, %swap3A_405] {strides = array<i32>} : memref<2x64x128xi32, #tpu.memory_space<vmem>>, vector<16xi32>,
        tpu.vector_store %arg6[%swap3A_403, %swap3A_404, %swap3A_405], %add3A_402 {strides = array<i32>} : memref<2x64x128xi32, #tpu.memory_space<vmem>>, vector<16xi32>,
        %add3A_407 = arith.constant 66 : i32
        %add3A_408 = vector.broadcast %add3A_407 : i32 to vector<16xi32>
        %add3A_409 = arith.addi %add3A_385, %add3A_408 : vector<16xi32>
        %swap3A_410 = arith.index_cast %sub3A_129 : i32 to index
        %swap3A_411 = arith.index_cast %scan3A_310 : i32 to index
        %swap3A_412 = arith.constant 48 : index
        %swap3A_413 = tpu.vector_load %arg6[%swap3A_410, %swap3A_411, %swap3A_412] {strides = array<i32>} : memref<2x64x128xi32, #tpu.memory_space<vmem>>, vector<16xi32>,
        tpu.vector_store %arg6[%swap3A_410, %swap3A_411, %swap3A_412], %add3A_409 {strides = array<i32>} : memref<2x64x128xi32, #tpu.memory_space<vmem>>, vector<16xi32>,
        %add3A_414 = arith.constant 4225 : i32
        %add3A_415 = vector.broadcast %add3A_414 : i32 to vector<16xi32>
        %add3A_416 = arith.addi %add3A_385, %add3A_415 : vector<16xi32>
        %swap3A_417 = arith.index_cast %sub3A_129 : i32 to index
        %swap3A_418 = arith.index_cast %scan3A_310 : i32 to index
        %swap3A_419 = arith.constant 64 : index
        %swap3A_420 = tpu.vector_load %arg6[%swap3A_417, %swap3A_418, %swap3A_419] {strides = array<i32>} : memref<2x64x128xi32, #tpu.memory_space<vmem>>, vector<16xi32>,
        tpu.vector_store %arg6[%swap3A_417, %swap3A_418, %swap3A_419], %add3A_416 {strides = array<i32>} : memref<2x64x128xi32, #tpu.memory_space<vmem>>, vector<16xi32>,
        %add3A_421 = arith.constant 4226 : i32
        %add3A_422 = vector.broadcast %add3A_421 : i32 to vector<16xi32>
        %add3A_423 = arith.addi %add3A_385, %add3A_422 : vector<16xi32>
        %swap3A_424 = arith.index_cast %sub3A_129 : i32 to index
        %swap3A_425 = arith.index_cast %scan3A_310 : i32 to index
        %swap3A_426 = arith.constant 80 : index
        %swap3A_427 = tpu.vector_load %arg6[%swap3A_424, %swap3A_425, %swap3A_426] {strides = array<i32>} : memref<2x64x128xi32, #tpu.memory_space<vmem>>, vector<16xi32>,
        tpu.vector_store %arg6[%swap3A_424, %swap3A_425, %swap3A_426], %add3A_423 {strides = array<i32>} : memref<2x64x128xi32, #tpu.memory_space<vmem>>, vector<16xi32>,
        %add3A_428 = arith.constant 4290 : i32
        %add3A_429 = vector.broadcast %add3A_428 : i32 to vector<16xi32>
        %add3A_430 = arith.addi %add3A_385, %add3A_429 : vector<16xi32>
        %swap3A_431 = arith.index_cast %sub3A_129 : i32 to index
        %swap3A_432 = arith.index_cast %scan3A_310 : i32 to index
        %swap3A_433 = arith.constant 96 : index
        %swap3A_434 = tpu.vector_load %arg6[%swap3A_431, %swap3A_432, %swap3A_433] {strides = array<i32>} : memref<2x64x128xi32, #tpu.memory_space<vmem>>, vector<16xi32>,
        tpu.vector_store %arg6[%swap3A_431, %swap3A_432, %swap3A_433], %add3A_430 {strides = array<i32>} : memref<2x64x128xi32, #tpu.memory_space<vmem>>, vector<16xi32>,
        %add3A_435 = arith.constant 4291 : i32
        %add3A_436 = vector.broadcast %add3A_435 : i32 to vector<16xi32>
        %add3A_437 = arith.addi %add3A_385, %add3A_436 : vector<16xi32>
        %swap3A_438 = arith.index_cast %sub3A_129 : i32 to index
        %swap3A_439 = arith.index_cast %scan3A_310 : i32 to index
        %swap3A_440 = arith.constant 112 : index
        %swap3A_441 = tpu.vector_load %arg6[%swap3A_438, %swap3A_439, %swap3A_440] {strides = array<i32>} : memref<2x64x128xi32, #tpu.memory_space<vmem>>, vector<16xi32>,
        tpu.vector_store %arg6[%swap3A_438, %swap3A_439, %swap3A_440], %add3A_437 {strides = array<i32>} : memref<2x64x128xi32, #tpu.memory_space<vmem>>, vector<16xi32>,
        %swap3A_442 = arith.index_cast %sub3A_129 : i32 to index
        %swap3A_443 = arith.index_cast %scan3A_310 : i32 to index
        %swap3A_444 = arith.constant 0 : index
        %swap3A_445 = tpu.vector_load %arg7[%swap3A_442, %swap3A_443, %swap3A_444] {strides = array<i32>} : memref<2x64x48xf32, #tpu.memory_space<vmem>>, vector<16xf32>,
        tpu.vector_store %arg7[%swap3A_442, %swap3A_443, %swap3A_444], %sub3A_373 {strides = array<i32>} : memref<2x64x48xf32, #tpu.memory_space<vmem>>, vector<16xf32>,
        %swap3A_446 = arith.index_cast %sub3A_129 : i32 to index
        %swap3A_447 = arith.index_cast %scan3A_310 : i32 to index
        %swap3A_448 = arith.constant 16 : index
        %swap3A_449 = tpu.vector_load %arg7[%swap3A_446, %swap3A_447, %swap3A_448] {strides = array<i32>} : memref<2x64x48xf32, #tpu.memory_space<vmem>>, vector<16xf32>,
        tpu.vector_store %arg7[%swap3A_446, %swap3A_447, %swap3A_448], %sub3A_375 {strides = array<i32>} : memref<2x64x48xf32, #tpu.memory_space<vmem>>, vector<16xf32>,
        %swap3A_450 = arith.index_cast %sub3A_129 : i32 to index
        %swap3A_451 = arith.index_cast %scan3A_310 : i32 to index
        %swap3A_452 = arith.constant 32 : index
        %swap3A_453 = tpu.vector_load %arg7[%swap3A_450, %swap3A_451, %swap3A_452] {strides = array<i32>} : memref<2x64x48xf32, #tpu.memory_space<vmem>>, vector<16xf32>,
        tpu.vector_store %arg7[%swap3A_450, %swap3A_451, %swap3A_452], %sub3A_377 {strides = array<i32>} : memref<2x64x48xf32, #tpu.memory_space<vmem>>, vector<16xf32>,
      }
      %scan3A_262 = arith.constant 64 : i32
      %broadcast_in_dim3A_263 = arith.constant 1.000000e+00 : f32
      %broadcast_in_dim3A_264 = vector.broadcast %broadcast_in_dim3A_263 : f32 to vector<16xf32>
      %broadcast_in_dim3A_265 = arith.constant 0.000000e+00 : f32
      %broadcast_in_dim3A_266 = vector.broadcast %broadcast_in_dim3A_265 : f32 to vector<16xf32>
      %scan3A_267 = arith.constant 0 : i32
      %scan3A_268 = arith.constant 16 : i32
      %scan3A_269 = arith.addi %scan3A_267, %scan3A_268 : i32
      %scan3A_270 = arith.constant 1 : i32
      %scan3A_271:5 = scf.for %scan3A_310 = %scan3A_267 to %scan3A_269 step %scan3A_270 iter_args(%scan3A_311 = %broadcast_in_dim3A_264, %scan3A_312 = %broadcast_in_dim3A_266, %scan3A_313 = %broadcast_in_dim3A_266, %scan3A_314 = %broadcast_in_dim3A_266, %scan3A_315 = %broadcast_in_dim3A_266) -> (vector<16xf32>, vector<16xf32>, vector<16xf32>, vector<16xf32>, vector<16xf32>)  : i32 {
        %mul3A_316 = arith.constant 4 : i32
        %mul3A_317 = arith.muli %mul3A_316, %scan3A_310 : i32
        %add3A_318 = arith.constant 0 : i32
        %add3A_319 = arith.addi %mul3A_317, %add3A_318 : i32
        %dma_wait3A_320 = arith.constant 0 : i32
        %dma_wait3A_321 = tpu.memref_slice %arg6[%and3A_128, %add3A_319, %dma_wait3A_320] : memref<2x64x128xi32, #tpu.memory_space<vmem>> -> memref<1x1x128xi32, #tpu.memory_space<vmem>>
        %dma_wait3A_322 = tpu.memref_squeeze %dma_wait3A_321 : memref<1x1x128xi32, #tpu.memory_space<vmem>> -> memref<128xi32, #tpu.memory_space<vmem>>
        %dma_wait3A_323 = arith.constant 0 : i32
        %dma_wait3A_324 = arith.constant 0 : i32
        %dma_wait3A_325 = tpu.memref_slice %arg2[%dma_wait3A_323, %dma_wait3A_324] : memref<274625x32xf32, #tpu.memory_space<hbm>> -> memref<274625x32xf32, #tpu.memory_space<hbm>>
        tpu.wait_indirect_dma semaphore(%arg17 : memref<!tpu.dma_semaphore, #tpu.memory_space<semaphore_mem>>) src(%dma_wait3A_325 : memref<274625x32xf32, #tpu.memory_space<hbm>>) dst(%arg8 : memref<128x32xf32, #tpu.memory_space<vmem>>)
        %get3A_326 = arith.index_cast %and3A_128 : i32 to index
        %get3A_327 = arith.index_cast %add3A_319 : i32 to index
        %get3A_328 = arith.constant 0 : index
        %get3A_329 = tpu.vector_load %arg7[%get3A_326, %get3A_327, %get3A_328] {strides = array<i32>} : memref<2x64x48xf32, #tpu.memory_space<vmem>>, vector<16xf32>,
        %get3A_330 = arith.index_cast %and3A_128 : i32 to index
        %get3A_331 = arith.index_cast %add3A_319 : i32 to index
        %get3A_332 = arith.constant 16 : index
        %get3A_333 = tpu.vector_load %arg7[%get3A_330, %get3A_331, %get3A_332] {strides = array<i32>} : memref<2x64x48xf32, #tpu.memory_space<vmem>>, vector<16xf32>,
        %get3A_334 = arith.index_cast %and3A_128 : i32 to index
        %get3A_335 = arith.index_cast %add3A_319 : i32 to index
        %get3A_336 = arith.constant 32 : index
        %get3A_337 = tpu.vector_load %arg7[%get3A_334, %get3A_335, %get3A_336] {strides = array<i32>} : memref<2x64x48xf32, #tpu.memory_space<vmem>>, vector<16xf32>,
        %sub3A_338 = arith.constant 1.000000e+00 : f32
        %sub3A_339 = vector.broadcast %sub3A_338 : f32 to vector<16xf32>
        %sub3A_340 = arith.subf %sub3A_339, %get3A_329 : vector<16xf32>
        %sub3A_341 = arith.constant 1.000000e+00 : f32
        %sub3A_342 = vector.broadcast %sub3A_341 : f32 to vector<16xf32>
        %sub3A_343 = arith.subf %sub3A_342, %get3A_333 : vector<16xf32>
        %sub3A_344 = arith.constant 1.000000e+00 : f32
        %sub3A_345 = vector.broadcast %sub3A_344 : f32 to vector<16xf32>
        %sub3A_346 = arith.subf %sub3A_345, %get3A_337 : vector<16xf32>
        %mul3A_347 = arith.mulf %sub3A_340, %sub3A_343 : vector<16xf32>
        %mul3A_348 = arith.mulf %sub3A_340, %get3A_333 : vector<16xf32>
        %mul3A_349 = arith.mulf %get3A_329, %sub3A_343 : vector<16xf32>
        %mul3A_350 = arith.mulf %get3A_329, %get3A_333 : vector<16xf32>
        %mul3A_351 = arith.mulf %mul3A_347, %sub3A_346 : vector<16xf32>
        %mul3A_352 = arith.mulf %mul3A_347, %get3A_337 : vector<16xf32>
        %mul3A_353 = arith.mulf %mul3A_348, %sub3A_346 : vector<16xf32>
        %mul3A_354 = arith.mulf %mul3A_348, %get3A_337 : vector<16xf32>
        %mul3A_355 = arith.mulf %mul3A_349, %sub3A_346 : vector<16xf32>
        %mul3A_356 = arith.mulf %mul3A_349, %get3A_337 : vector<16xf32>
        %mul3A_357 = arith.mulf %mul3A_350, %sub3A_346 : vector<16xf32>
        %mul3A_358 = arith.mulf %mul3A_350, %get3A_337 : vector<16xf32>
        %broadcast_in_dim3A_359 = arith.constant 0.000000e+00 : f32
        %broadcast_in_dim3A_360 = vector.broadcast %broadcast_in_dim3A_359 : f32 to vector<16xf32>
        %scan3A_361 = arith.constant 0 : i32
        %scan3A_362 = arith.constant 8 : i32
        %scan3A_363 = arith.addi %scan3A_361, %scan3A_362 : i32
        %scan3A_364 = arith.constant 1 : i32
        %scan3A_365:4 = scf.for %scan3A_784 = %scan3A_361 to %scan3A_363 step %scan3A_364 iter_args(%scan3A_785 = %broadcast_in_dim3A_360, %scan3A_786 = %broadcast_in_dim3A_360, %scan3A_787 = %broadcast_in_dim3A_360, %scan3A_788 = %broadcast_in_dim3A_360) -> (vector<16xf32>, vector<16xf32>, vector<16xf32>, vector<16xf32>)  : i32 {
          %mul3A_789 = arith.constant 4 : i32
          %mul3A_790 = arith.muli %mul3A_789, %scan3A_784 : i32
          %add3A_791 = arith.constant 0 : i32
          %add3A_792 = arith.addi %mul3A_790, %add3A_791 : i32
          %get3A_793 = arith.index_cast %add3A_792 : i32 to index
          %get3A_794 = arith.constant 0 : index
          %get3A_795 = tpu.vector_load %arg13[%get3A_793, %get3A_794] {strides = array<i32>} : memref<32x16xi32, #tpu.memory_space<vmem>>, vector<16xi32>,
          %gather3A = tpu.vector_load_idx %arg8[%add3A_3, %get3A_795] : memref<128x32xf32, #tpu.memory_space<vmem>>[vector<16xi32>, vector<16xi32>], vector<16xf32>,
          %mul3A_796 = arith.mulf %mul3A_351, %gather3A : vector<16xf32>
          %gather3A_797 = tpu.vector_load_idx %arg8[%add3A_6, %get3A_795] : memref<128x32xf32, #tpu.memory_space<vmem>>[vector<16xi32>, vector<16xi32>], vector<16xf32>,
          %mul3A_798 = arith.mulf %mul3A_352, %gather3A_797 : vector<16xf32>
          %add3A_799 = arith.addf %mul3A_796, %mul3A_798 : vector<16xf32>
          %gather3A_800 = tpu.vector_load_idx %arg8[%add3A_9, %get3A_795] : memref<128x32xf32, #tpu.memory_space<vmem>>[vector<16xi32>, vector<16xi32>], vector<16xf32>,
          %mul3A_801 = arith.mulf %mul3A_353, %gather3A_800 : vector<16xf32>
          %gather3A_802 = tpu.vector_load_idx %arg8[%add3A_12, %get3A_795] : memref<128x32xf32, #tpu.memory_space<vmem>>[vector<16xi32>, vector<16xi32>], vector<16xf32>,
          %mul3A_803 = arith.mulf %mul3A_354, %gather3A_802 : vector<16xf32>
          %add3A_804 = arith.addf %mul3A_801, %mul3A_803 : vector<16xf32>
          %gather3A_805 = tpu.vector_load_idx %arg8[%add3A_15, %get3A_795] : memref<128x32xf32, #tpu.memory_space<vmem>>[vector<16xi32>, vector<16xi32>], vector<16xf32>,
          %mul3A_806 = arith.mulf %mul3A_355, %gather3A_805 : vector<16xf32>
          %gather3A_807 = tpu.vector_load_idx %arg8[%add3A_18, %get3A_795] : memref<128x32xf32, #tpu.memory_space<vmem>>[vector<16xi32>, vector<16xi32>], vector<16xf32>,
          %mul3A_808 = arith.mulf %mul3A_356, %gather3A_807 : vector<16xf32>
          %add3A_809 = arith.addf %mul3A_806, %mul3A_808 : vector<16xf32>
          %gather3A_810 = tpu.vector_load_idx %arg8[%add3A_21, %get3A_795] : memref<128x32xf32, #tpu.memory_space<vmem>>[vector<16xi32>, vector<16xi32>], vector<16xf32>,
          %mul3A_811 = arith.mulf %mul3A_357, %gather3A_810 : vector<16xf32>
          %gather3A_812 = tpu.vector_load_idx %arg8[%add3A_24, %get3A_795] : memref<128x32xf32, #tpu.memory_space<vmem>>[vector<16xi32>, vector<16xi32>], vector<16xf32>,
          %mul3A_813 = arith.mulf %mul3A_358, %gather3A_812 : vector<16xf32>
          %add3A_814 = arith.addf %mul3A_811, %mul3A_813 : vector<16xf32>
          %add3A_815 = arith.addf %add3A_799, %add3A_804 : vector<16xf32>
          %add3A_816 = arith.addf %add3A_809, %add3A_814 : vector<16xf32>
          %add3A_817 = arith.addf %add3A_815, %add3A_816 : vector<16xf32>
          %mul3A_818 = arith.constant 4 : i32
          %mul3A_819 = arith.muli %mul3A_818, %add3A_792 : i32
          %get3A_820 = arith.index_cast %mul3A_819 : i32 to index
          %get3A_821 = arith.constant 0 : index
          %get3A_822 = tpu.vector_load %arg16[%get3A_820, %get3A_821] {strides = array<i32>} : memref<128x16xf32, #tpu.memory_space<vmem>>, vector<16xf32>,
          %mul3A_823 = arith.mulf %add3A_817, %get3A_822 : vector<16xf32>
          %add3A_824 = arith.addf %scan3A_785, %mul3A_823 : vector<16xf32>
          %mul3A_825 = arith.constant 4 : i32
          %mul3A_826 = arith.muli %mul3A_825, %add3A_792 : i32
          %add3A_827 = arith.constant 1 : i32
          %add3A_828 = arith.addi %mul3A_826, %add3A_827 : i32
          %get3A_829 = arith.index_cast %add3A_828 : i32 to index
          %get3A_830 = arith.constant 0 : index
          %get3A_831 = tpu.vector_load %arg16[%get3A_829, %get3A_830] {strides = array<i32>} : memref<128x16xf32, #tpu.memory_space<vmem>>, vector<16xf32>,
          %mul3A_832 = arith.mulf %add3A_817, %get3A_831 : vector<16xf32>
          %add3A_833 = arith.addf %scan3A_786, %mul3A_832 : vector<16xf32>
          %mul3A_834 = arith.constant 4 : i32
          %mul3A_835 = arith.muli %mul3A_834, %add3A_792 : i32
          %add3A_836 = arith.constant 2 : i32
          %add3A_837 = arith.addi %mul3A_835, %add3A_836 : i32
          %get3A_838 = arith.index_cast %add3A_837 : i32 to index
          %get3A_839 = arith.constant 0 : index
          %get3A_840 = tpu.vector_load %arg16[%get3A_838, %get3A_839] {strides = array<i32>} : memref<128x16xf32, #tpu.memory_space<vmem>>, vector<16xf32>,
          %mul3A_841 = arith.mulf %add3A_817, %get3A_840 : vector<16xf32>
          %add3A_842 = arith.addf %scan3A_787, %mul3A_841 : vector<16xf32>
          %mul3A_843 = arith.constant 4 : i32
          %mul3A_844 = arith.muli %mul3A_843, %add3A_792 : i32
          %add3A_845 = arith.constant 3 : i32
          %add3A_846 = arith.addi %mul3A_844, %add3A_845 : i32
          %get3A_847 = arith.index_cast %add3A_846 : i32 to index
          %get3A_848 = arith.constant 0 : index
          %get3A_849 = tpu.vector_load %arg16[%get3A_847, %get3A_848] {strides = array<i32>} : memref<128x16xf32, #tpu.memory_space<vmem>>, vector<16xf32>,
          %mul3A_850 = arith.mulf %add3A_817, %get3A_849 : vector<16xf32>
          %add3A_851 = arith.addf %scan3A_788, %mul3A_850 : vector<16xf32>
          %mul3A_852 = arith.constant 4 : i32
          %mul3A_853 = arith.muli %mul3A_852, %scan3A_784 : i32
          %add3A_854 = arith.constant 1 : i32
          %add3A_855 = arith.addi %mul3A_853, %add3A_854 : i32
          %get3A_856 = arith.index_cast %add3A_855 : i32 to index
          %get3A_857 = arith.constant 0 : index
          %get3A_858 = tpu.vector_load %arg13[%get3A_856, %get3A_857] {strides = array<i32>} : memref<32x16xi32, #tpu.memory_space<vmem>>, vector<16xi32>,
          %gather3A_859 = tpu.vector_load_idx %arg8[%add3A_3, %get3A_858] : memref<128x32xf32, #tpu.memory_space<vmem>>[vector<16xi32>, vector<16xi32>], vector<16xf32>,
          %mul3A_860 = arith.mulf %mul3A_351, %gather3A_859 : vector<16xf32>
          %gather3A_861 = tpu.vector_load_idx %arg8[%add3A_6, %get3A_858] : memref<128x32xf32, #tpu.memory_space<vmem>>[vector<16xi32>, vector<16xi32>], vector<16xf32>,
          %mul3A_862 = arith.mulf %mul3A_352, %gather3A_861 : vector<16xf32>
          %add3A_863 = arith.addf %mul3A_860, %mul3A_862 : vector<16xf32>
          %gather3A_864 = tpu.vector_load_idx %arg8[%add3A_9, %get3A_858] : memref<128x32xf32, #tpu.memory_space<vmem>>[vector<16xi32>, vector<16xi32>], vector<16xf32>,
          %mul3A_865 = arith.mulf %mul3A_353, %gather3A_864 : vector<16xf32>
          %gather3A_866 = tpu.vector_load_idx %arg8[%add3A_12, %get3A_858] : memref<128x32xf32, #tpu.memory_space<vmem>>[vector<16xi32>, vector<16xi32>], vector<16xf32>,
          %mul3A_867 = arith.mulf %mul3A_354, %gather3A_866 : vector<16xf32>
          %add3A_868 = arith.addf %mul3A_865, %mul3A_867 : vector<16xf32>
          %gather3A_869 = tpu.vector_load_idx %arg8[%add3A_15, %get3A_858] : memref<128x32xf32, #tpu.memory_space<vmem>>[vector<16xi32>, vector<16xi32>], vector<16xf32>,
          %mul3A_870 = arith.mulf %mul3A_355, %gather3A_869 : vector<16xf32>
          %gather3A_871 = tpu.vector_load_idx %arg8[%add3A_18, %get3A_858] : memref<128x32xf32, #tpu.memory_space<vmem>>[vector<16xi32>, vector<16xi32>], vector<16xf32>,
          %mul3A_872 = arith.mulf %mul3A_356, %gather3A_871 : vector<16xf32>
          %add3A_873 = arith.addf %mul3A_870, %mul3A_872 : vector<16xf32>
          %gather3A_874 = tpu.vector_load_idx %arg8[%add3A_21, %get3A_858] : memref<128x32xf32, #tpu.memory_space<vmem>>[vector<16xi32>, vector<16xi32>], vector<16xf32>,
          %mul3A_875 = arith.mulf %mul3A_357, %gather3A_874 : vector<16xf32>
          %gather3A_876 = tpu.vector_load_idx %arg8[%add3A_24, %get3A_858] : memref<128x32xf32, #tpu.memory_space<vmem>>[vector<16xi32>, vector<16xi32>], vector<16xf32>,
          %mul3A_877 = arith.mulf %mul3A_358, %gather3A_876 : vector<16xf32>
          %add3A_878 = arith.addf %mul3A_875, %mul3A_877 : vector<16xf32>
          %add3A_879 = arith.addf %add3A_863, %add3A_868 : vector<16xf32>
          %add3A_880 = arith.addf %add3A_873, %add3A_878 : vector<16xf32>
          %add3A_881 = arith.addf %add3A_879, %add3A_880 : vector<16xf32>
          %mul3A_882 = arith.constant 4 : i32
          %mul3A_883 = arith.muli %mul3A_882, %add3A_855 : i32
          %get3A_884 = arith.index_cast %mul3A_883 : i32 to index
          %get3A_885 = arith.constant 0 : index
          %get3A_886 = tpu.vector_load %arg16[%get3A_884, %get3A_885] {strides = array<i32>} : memref<128x16xf32, #tpu.memory_space<vmem>>, vector<16xf32>,
          %mul3A_887 = arith.mulf %add3A_881, %get3A_886 : vector<16xf32>
          %add3A_888 = arith.addf %add3A_824, %mul3A_887 : vector<16xf32>
          %mul3A_889 = arith.constant 4 : i32
          %mul3A_890 = arith.muli %mul3A_889, %add3A_855 : i32
          %add3A_891 = arith.constant 1 : i32
          %add3A_892 = arith.addi %mul3A_890, %add3A_891 : i32
          %get3A_893 = arith.index_cast %add3A_892 : i32 to index
          %get3A_894 = arith.constant 0 : index
          %get3A_895 = tpu.vector_load %arg16[%get3A_893, %get3A_894] {strides = array<i32>} : memref<128x16xf32, #tpu.memory_space<vmem>>, vector<16xf32>,
          %mul3A_896 = arith.mulf %add3A_881, %get3A_895 : vector<16xf32>
          %add3A_897 = arith.addf %add3A_833, %mul3A_896 : vector<16xf32>
          %mul3A_898 = arith.constant 4 : i32
          %mul3A_899 = arith.muli %mul3A_898, %add3A_855 : i32
          %add3A_900 = arith.constant 2 : i32
          %add3A_901 = arith.addi %mul3A_899, %add3A_900 : i32
          %get3A_902 = arith.index_cast %add3A_901 : i32 to index
          %get3A_903 = arith.constant 0 : index
          %get3A_904 = tpu.vector_load %arg16[%get3A_902, %get3A_903] {strides = array<i32>} : memref<128x16xf32, #tpu.memory_space<vmem>>, vector<16xf32>,
          %mul3A_905 = arith.mulf %add3A_881, %get3A_904 : vector<16xf32>
          %add3A_906 = arith.addf %add3A_842, %mul3A_905 : vector<16xf32>
          %mul3A_907 = arith.constant 4 : i32
          %mul3A_908 = arith.muli %mul3A_907, %add3A_855 : i32
          %add3A_909 = arith.constant 3 : i32
          %add3A_910 = arith.addi %mul3A_908, %add3A_909 : i32
          %get3A_911 = arith.index_cast %add3A_910 : i32 to index
          %get3A_912 = arith.constant 0 : index
          %get3A_913 = tpu.vector_load %arg16[%get3A_911, %get3A_912] {strides = array<i32>} : memref<128x16xf32, #tpu.memory_space<vmem>>, vector<16xf32>,
          %mul3A_914 = arith.mulf %add3A_881, %get3A_913 : vector<16xf32>
          %add3A_915 = arith.addf %add3A_851, %mul3A_914 : vector<16xf32>
          %mul3A_916 = arith.constant 4 : i32
          %mul3A_917 = arith.muli %mul3A_916, %scan3A_784 : i32
          %add3A_918 = arith.constant 2 : i32
          %add3A_919 = arith.addi %mul3A_917, %add3A_918 : i32
          %get3A_920 = arith.index_cast %add3A_919 : i32 to index
          %get3A_921 = arith.constant 0 : index
          %get3A_922 = tpu.vector_load %arg13[%get3A_920, %get3A_921] {strides = array<i32>} : memref<32x16xi32, #tpu.memory_space<vmem>>, vector<16xi32>,
          %gather3A_923 = tpu.vector_load_idx %arg8[%add3A_3, %get3A_922] : memref<128x32xf32, #tpu.memory_space<vmem>>[vector<16xi32>, vector<16xi32>], vector<16xf32>,
          %mul3A_924 = arith.mulf %mul3A_351, %gather3A_923 : vector<16xf32>
          %gather3A_925 = tpu.vector_load_idx %arg8[%add3A_6, %get3A_922] : memref<128x32xf32, #tpu.memory_space<vmem>>[vector<16xi32>, vector<16xi32>], vector<16xf32>,
          %mul3A_926 = arith.mulf %mul3A_352, %gather3A_925 : vector<16xf32>
          %add3A_927 = arith.addf %mul3A_924, %mul3A_926 : vector<16xf32>
          %gather3A_928 = tpu.vector_load_idx %arg8[%add3A_9, %get3A_922] : memref<128x32xf32, #tpu.memory_space<vmem>>[vector<16xi32>, vector<16xi32>], vector<16xf32>,
          %mul3A_929 = arith.mulf %mul3A_353, %gather3A_928 : vector<16xf32>
          %gather3A_930 = tpu.vector_load_idx %arg8[%add3A_12, %get3A_922] : memref<128x32xf32, #tpu.memory_space<vmem>>[vector<16xi32>, vector<16xi32>], vector<16xf32>,
          %mul3A_931 = arith.mulf %mul3A_354, %gather3A_930 : vector<16xf32>
          %add3A_932 = arith.addf %mul3A_929, %mul3A_931 : vector<16xf32>
          %gather3A_933 = tpu.vector_load_idx %arg8[%add3A_15, %get3A_922] : memref<128x32xf32, #tpu.memory_space<vmem>>[vector<16xi32>, vector<16xi32>], vector<16xf32>,
          %mul3A_934 = arith.mulf %mul3A_355, %gather3A_933 : vector<16xf32>
          %gather3A_935 = tpu.vector_load_idx %arg8[%add3A_18, %get3A_922] : memref<128x32xf32, #tpu.memory_space<vmem>>[vector<16xi32>, vector<16xi32>], vector<16xf32>,
          %mul3A_936 = arith.mulf %mul3A_356, %gather3A_935 : vector<16xf32>
          %add3A_937 = arith.addf %mul3A_934, %mul3A_936 : vector<16xf32>
          %gather3A_938 = tpu.vector_load_idx %arg8[%add3A_21, %get3A_922] : memref<128x32xf32, #tpu.memory_space<vmem>>[vector<16xi32>, vector<16xi32>], vector<16xf32>,
          %mul3A_939 = arith.mulf %mul3A_357, %gather3A_938 : vector<16xf32>
          %gather3A_940 = tpu.vector_load_idx %arg8[%add3A_24, %get3A_922] : memref<128x32xf32, #tpu.memory_space<vmem>>[vector<16xi32>, vector<16xi32>], vector<16xf32>,
          %mul3A_941 = arith.mulf %mul3A_358, %gather3A_940 : vector<16xf32>
          %add3A_942 = arith.addf %mul3A_939, %mul3A_941 : vector<16xf32>
          %add3A_943 = arith.addf %add3A_927, %add3A_932 : vector<16xf32>
          %add3A_944 = arith.addf %add3A_937, %add3A_942 : vector<16xf32>
          %add3A_945 = arith.addf %add3A_943, %add3A_944 : vector<16xf32>
          %mul3A_946 = arith.constant 4 : i32
          %mul3A_947 = arith.muli %mul3A_946, %add3A_919 : i32
          %get3A_948 = arith.index_cast %mul3A_947 : i32 to index
          %get3A_949 = arith.constant 0 : index
          %get3A_950 = tpu.vector_load %arg16[%get3A_948, %get3A_949] {strides = array<i32>} : memref<128x16xf32, #tpu.memory_space<vmem>>, vector<16xf32>,
          %mul3A_951 = arith.mulf %add3A_945, %get3A_950 : vector<16xf32>
          %add3A_952 = arith.addf %add3A_888, %mul3A_951 : vector<16xf32>
          %mul3A_953 = arith.constant 4 : i32
          %mul3A_954 = arith.muli %mul3A_953, %add3A_919 : i32
          %add3A_955 = arith.constant 1 : i32
          %add3A_956 = arith.addi %mul3A_954, %add3A_955 : i32
          %get3A_957 = arith.index_cast %add3A_956 : i32 to index
          %get3A_958 = arith.constant 0 : index
          %get3A_959 = tpu.vector_load %arg16[%get3A_957, %get3A_958] {strides = array<i32>} : memref<128x16xf32, #tpu.memory_space<vmem>>, vector<16xf32>,
          %mul3A_960 = arith.mulf %add3A_945, %get3A_959 : vector<16xf32>
          %add3A_961 = arith.addf %add3A_897, %mul3A_960 : vector<16xf32>
          %mul3A_962 = arith.constant 4 : i32
          %mul3A_963 = arith.muli %mul3A_962, %add3A_919 : i32
          %add3A_964 = arith.constant 2 : i32
          %add3A_965 = arith.addi %mul3A_963, %add3A_964 : i32
          %get3A_966 = arith.index_cast %add3A_965 : i32 to index
          %get3A_967 = arith.constant 0 : index
          %get3A_968 = tpu.vector_load %arg16[%get3A_966, %get3A_967] {strides = array<i32>} : memref<128x16xf32, #tpu.memory_space<vmem>>, vector<16xf32>,
          %mul3A_969 = arith.mulf %add3A_945, %get3A_968 : vector<16xf32>
          %add3A_970 = arith.addf %add3A_906, %mul3A_969 : vector<16xf32>
          %mul3A_971 = arith.constant 4 : i32
          %mul3A_972 = arith.muli %mul3A_971, %add3A_919 : i32
          %add3A_973 = arith.constant 3 : i32
          %add3A_974 = arith.addi %mul3A_972, %add3A_973 : i32
          %get3A_975 = arith.index_cast %add3A_974 : i32 to index
          %get3A_976 = arith.constant 0 : index
          %get3A_977 = tpu.vector_load %arg16[%get3A_975, %get3A_976] {strides = array<i32>} : memref<128x16xf32, #tpu.memory_space<vmem>>, vector<16xf32>,
          %mul3A_978 = arith.mulf %add3A_945, %get3A_977 : vector<16xf32>
          %add3A_979 = arith.addf %add3A_915, %mul3A_978 : vector<16xf32>
          %mul3A_980 = arith.constant 4 : i32
          %mul3A_981 = arith.muli %mul3A_980, %scan3A_784 : i32
          %add3A_982 = arith.constant 3 : i32
          %add3A_983 = arith.addi %mul3A_981, %add3A_982 : i32
          %get3A_984 = arith.index_cast %add3A_983 : i32 to index
          %get3A_985 = arith.constant 0 : index
          %get3A_986 = tpu.vector_load %arg13[%get3A_984, %get3A_985] {strides = array<i32>} : memref<32x16xi32, #tpu.memory_space<vmem>>, vector<16xi32>,
          %gather3A_987 = tpu.vector_load_idx %arg8[%add3A_3, %get3A_986] : memref<128x32xf32, #tpu.memory_space<vmem>>[vector<16xi32>, vector<16xi32>], vector<16xf32>,
          %mul3A_988 = arith.mulf %mul3A_351, %gather3A_987 : vector<16xf32>
          %gather3A_989 = tpu.vector_load_idx %arg8[%add3A_6, %get3A_986] : memref<128x32xf32, #tpu.memory_space<vmem>>[vector<16xi32>, vector<16xi32>], vector<16xf32>,
          %mul3A_990 = arith.mulf %mul3A_352, %gather3A_989 : vector<16xf32>
          %add3A_991 = arith.addf %mul3A_988, %mul3A_990 : vector<16xf32>
          %gather3A_992 = tpu.vector_load_idx %arg8[%add3A_9, %get3A_986] : memref<128x32xf32, #tpu.memory_space<vmem>>[vector<16xi32>, vector<16xi32>], vector<16xf32>,
          %mul3A_993 = arith.mulf %mul3A_353, %gather3A_992 : vector<16xf32>
          %gather3A_994 = tpu.vector_load_idx %arg8[%add3A_12, %get3A_986] : memref<128x32xf32, #tpu.memory_space<vmem>>[vector<16xi32>, vector<16xi32>], vector<16xf32>,
          %mul3A_995 = arith.mulf %mul3A_354, %gather3A_994 : vector<16xf32>
          %add3A_996 = arith.addf %mul3A_993, %mul3A_995 : vector<16xf32>
          %gather3A_997 = tpu.vector_load_idx %arg8[%add3A_15, %get3A_986] : memref<128x32xf32, #tpu.memory_space<vmem>>[vector<16xi32>, vector<16xi32>], vector<16xf32>,
          %mul3A_998 = arith.mulf %mul3A_355, %gather3A_997 : vector<16xf32>
          %gather3A_999 = tpu.vector_load_idx %arg8[%add3A_18, %get3A_986] : memref<128x32xf32, #tpu.memory_space<vmem>>[vector<16xi32>, vector<16xi32>], vector<16xf32>,
          %mul3A_1000 = arith.mulf %mul3A_356, %gather3A_999 : vector<16xf32>
          %add3A_1001 = arith.addf %mul3A_998, %mul3A_1000 : vector<16xf32>
          %gather3A_1002 = tpu.vector_load_idx %arg8[%add3A_21, %get3A_986] : memref<128x32xf32, #tpu.memory_space<vmem>>[vector<16xi32>, vector<16xi32>], vector<16xf32>,
          %mul3A_1003 = arith.mulf %mul3A_357, %gather3A_1002 : vector<16xf32>
          %gather3A_1004 = tpu.vector_load_idx %arg8[%add3A_24, %get3A_986] : memref<128x32xf32, #tpu.memory_space<vmem>>[vector<16xi32>, vector<16xi32>], vector<16xf32>,
          %mul3A_1005 = arith.mulf %mul3A_358, %gather3A_1004 : vector<16xf32>
          %add3A_1006 = arith.addf %mul3A_1003, %mul3A_1005 : vector<16xf32>
          %add3A_1007 = arith.addf %add3A_991, %add3A_996 : vector<16xf32>
          %add3A_1008 = arith.addf %add3A_1001, %add3A_1006 : vector<16xf32>
          %add3A_1009 = arith.addf %add3A_1007, %add3A_1008 : vector<16xf32>
          %mul3A_1010 = arith.constant 4 : i32
          %mul3A_1011 = arith.muli %mul3A_1010, %add3A_983 : i32
          %get3A_1012 = arith.index_cast %mul3A_1011 : i32 to index
          %get3A_1013 = arith.constant 0 : index
          %get3A_1014 = tpu.vector_load %arg16[%get3A_1012, %get3A_1013] {strides = array<i32>} : memref<128x16xf32, #tpu.memory_space<vmem>>, vector<16xf32>,
          %mul3A_1015 = arith.mulf %add3A_1009, %get3A_1014 : vector<16xf32>
          %add3A_1016 = arith.addf %add3A_952, %mul3A_1015 : vector<16xf32>
          %mul3A_1017 = arith.constant 4 : i32
          %mul3A_1018 = arith.muli %mul3A_1017, %add3A_983 : i32
          %add3A_1019 = arith.constant 1 : i32
          %add3A_1020 = arith.addi %mul3A_1018, %add3A_1019 : i32
          %get3A_1021 = arith.index_cast %add3A_1020 : i32 to index
          %get3A_1022 = arith.constant 0 : index
          %get3A_1023 = tpu.vector_load %arg16[%get3A_1021, %get3A_1022] {strides = array<i32>} : memref<128x16xf32, #tpu.memory_space<vmem>>, vector<16xf32>,
          %mul3A_1024 = arith.mulf %add3A_1009, %get3A_1023 : vector<16xf32>
          %add3A_1025 = arith.addf %add3A_961, %mul3A_1024 : vector<16xf32>
          %mul3A_1026 = arith.constant 4 : i32
          %mul3A_1027 = arith.muli %mul3A_1026, %add3A_983 : i32
          %add3A_1028 = arith.constant 2 : i32
          %add3A_1029 = arith.addi %mul3A_1027, %add3A_1028 : i32
          %get3A_1030 = arith.index_cast %add3A_1029 : i32 to index
          %get3A_1031 = arith.constant 0 : index
          %get3A_1032 = tpu.vector_load %arg16[%get3A_1030, %get3A_1031] {strides = array<i32>} : memref<128x16xf32, #tpu.memory_space<vmem>>, vector<16xf32>,
          %mul3A_1033 = arith.mulf %add3A_1009, %get3A_1032 : vector<16xf32>
          %add3A_1034 = arith.addf %add3A_970, %mul3A_1033 : vector<16xf32>
          %mul3A_1035 = arith.constant 4 : i32
          %mul3A_1036 = arith.muli %mul3A_1035, %add3A_983 : i32
          %add3A_1037 = arith.constant 3 : i32
          %add3A_1038 = arith.addi %mul3A_1036, %add3A_1037 : i32
          %get3A_1039 = arith.index_cast %add3A_1038 : i32 to index
          %get3A_1040 = arith.constant 0 : index
          %get3A_1041 = tpu.vector_load %arg16[%get3A_1039, %get3A_1040] {strides = array<i32>} : memref<128x16xf32, #tpu.memory_space<vmem>>, vector<16xf32>,
          %mul3A_1042 = arith.mulf %add3A_1009, %get3A_1041 : vector<16xf32>
          %add3A_1043 = arith.addf %add3A_979, %mul3A_1042 : vector<16xf32>
          scf.yield %add3A_1016, %add3A_1025, %add3A_1034, %add3A_1043 : vector<16xf32>, vector<16xf32>, vector<16xf32>, vector<16xf32>
        }
        %scan3A_366 = arith.constant 8 : i32
        %max3A = arith.constant 0.000000e+00 : f32
        %max3A_367 = vector.broadcast %max3A : f32 to vector<16xf32>
        %max3A_368 = arith.maximumf %scan3A_365#3, %max3A_367 : vector<16xf32>
        %neg3A = arith.constant 0.000000e+00 : f32
        %neg3A_369 = vector.broadcast %neg3A : f32 to vector<16xf32>
        %neg3A_370 = arith.subf %neg3A_369, %scan3A_365#0 : vector<16xf32>
        %exp3A = math.exp %neg3A_370 : vector<16xf32>
        %add3A_371 = arith.constant 1.000000e+00 : f32
        %add3A_372 = vector.broadcast %add3A_371 : f32 to vector<16xf32>
        %add3A_373 = arith.addf %add3A_372, %exp3A : vector<16xf32>
        %div3A = arith.constant 1.000000e+00 : f32
        %div3A_374 = vector.broadcast %div3A : f32 to vector<16xf32>
        %div3A_375 = arith.divf %div3A_374, %add3A_373 : vector<16xf32>
        %neg3A_376 = arith.constant 0.000000e+00 : f32
        %neg3A_377 = vector.broadcast %neg3A_376 : f32 to vector<16xf32>
        %neg3A_378 = arith.subf %neg3A_377, %scan3A_365#1 : vector<16xf32>
        %exp3A_379 = math.exp %neg3A_378 : vector<16xf32>
        %add3A_380 = arith.constant 1.000000e+00 : f32
        %add3A_381 = vector.broadcast %add3A_380 : f32 to vector<16xf32>
        %add3A_382 = arith.addf %add3A_381, %exp3A_379 : vector<16xf32>
        %div3A_383 = arith.constant 1.000000e+00 : f32
        %div3A_384 = vector.broadcast %div3A_383 : f32 to vector<16xf32>
        %div3A_385 = arith.divf %div3A_384, %add3A_382 : vector<16xf32>
        %neg3A_386 = arith.constant 0.000000e+00 : f32
        %neg3A_387 = vector.broadcast %neg3A_386 : f32 to vector<16xf32>
        %neg3A_388 = arith.subf %neg3A_387, %scan3A_365#2 : vector<16xf32>
        %exp3A_389 = math.exp %neg3A_388 : vector<16xf32>
        %add3A_390 = arith.constant 1.000000e+00 : f32
        %add3A_391 = vector.broadcast %add3A_390 : f32 to vector<16xf32>
        %add3A_392 = arith.addf %add3A_391, %exp3A_389 : vector<16xf32>
        %div3A_393 = arith.constant 1.000000e+00 : f32
        %div3A_394 = vector.broadcast %div3A_393 : f32 to vector<16xf32>
        %div3A_395 = arith.divf %div3A_394, %add3A_392 : vector<16xf32>
        %neg3A_396 = arith.constant 0.000000e+00 : f32
        %neg3A_397 = vector.broadcast %neg3A_396 : f32 to vector<16xf32>
        %neg3A_398 = arith.subf %neg3A_397, %max3A_368 : vector<16xf32>
        %mul3A_399 = arith.mulf %neg3A_398, %get3A_147 : vector<16xf32>
        %exp3A_400 = math.exp %mul3A_399 : vector<16xf32>
        %sub3A_401 = arith.constant 1.000000e+00 : f32
        %sub3A_402 = vector.broadcast %sub3A_401 : f32 to vector<16xf32>
        %sub3A_403 = arith.subf %sub3A_402, %exp3A_400 : vector<16xf32>
        %mul3A_404 = arith.mulf %sub3A_403, %scan3A_311 : vector<16xf32>
        %mul3A_405 = arith.mulf %mul3A_404, %div3A_375 : vector<16xf32>
        %add3A_406 = arith.addf %scan3A_313, %mul3A_405 : vector<16xf32>
        %mul3A_407 = arith.mulf %mul3A_404, %div3A_385 : vector<16xf32>
        %add3A_408 = arith.addf %scan3A_314, %mul3A_407 : vector<16xf32>
        %mul3A_409 = arith.mulf %mul3A_404, %div3A_395 : vector<16xf32>
        %add3A_410 = arith.addf %scan3A_315, %mul3A_409 : vector<16xf32>
        %add3A_411 = arith.addf %scan3A_312, %mul3A_404 : vector<16xf32>
        %sub3A_412 = arith.constant 1.000000e+00 : f32
        %sub3A_413 = vector.broadcast %sub3A_412 : f32 to vector<16xf32>
        %sub3A_414 = arith.subf %sub3A_413, %sub3A_403 : vector<16xf32>
        %add3A_415 = arith.constant 1.000000e-10 : f32
        %add3A_416 = vector.broadcast %add3A_415 : f32 to vector<16xf32>
        %add3A_417 = arith.addf %sub3A_414, %add3A_416 : vector<16xf32>
        %mul3A_418 = arith.mulf %scan3A_311, %add3A_417 : vector<16xf32>
        %add3A_419 = arith.constant 4 : i32
        %add3A_420 = arith.addi %add3A_319, %add3A_419 : i32
        %lt3A = arith.constant 64 : i32
        %lt3A_421 = arith.cmpi slt, %add3A_420, %lt3A : i32
        %convert_element_type3A = arith.extui %lt3A_421 : i1 to i32
        %cond3A = arith.constant 0 : i32
        %cond3A_422 = arith.cmpi ne, %convert_element_type3A, %cond3A : i32
        scf.if %cond3A_422 {
          %dma_start3A_784 = arith.constant 0 : i32
          %dma_start3A_785 = tpu.memref_slice %arg6[%and3A_128, %add3A_420, %dma_start3A_784] : memref<2x64x128xi32, #tpu.memory_space<vmem>> -> memref<1x1x128xi32, #tpu.memory_space<vmem>>
          %dma_start3A_786 = tpu.memref_squeeze %dma_start3A_785 : memref<1x1x128xi32, #tpu.memory_space<vmem>> -> memref<128xi32, #tpu.memory_space<vmem>>
          %dma_start3A_787 = arith.constant 0 : i32
          %dma_start3A_788 = arith.constant 0 : i32
          %dma_start3A_789 = tpu.memref_slice %arg2[%dma_start3A_787, %dma_start3A_788] : memref<274625x32xf32, #tpu.memory_space<hbm>> -> memref<274625x32xf32, #tpu.memory_space<hbm>>
          tpu.enqueue_indirect_dma source(%dma_start3A_789 : memref<274625x32xf32, #tpu.memory_space<hbm>>) target(%arg8 : memref<128x32xf32, #tpu.memory_space<vmem>>) offsets(%dma_start3A_786 : memref<128xi32, #tpu.memory_space<vmem>>) semaphore(%arg17 : memref<!tpu.dma_semaphore, #tpu.memory_space<semaphore_mem>>)
        } else {
        }
        %ge3A = arith.constant 64 : i32
        %ge3A_423 = arith.cmpi sge, %add3A_420, %ge3A : i32
        %convert_element_type3A_424 = arith.extui %ge3A_423 : i1 to i32
        %cond3A_425 = arith.constant 0 : i32
        %cond3A_426 = arith.cmpi ne, %convert_element_type3A_424, %cond3A_425 : i32
        scf.if %cond3A_426 {
          %sub3A_784 = arith.constant 64 : i32
          %sub3A_785 = arith.subi %add3A_420, %sub3A_784 : i32
          %dma_start3A_786 = arith.constant 0 : i32
          %dma_start3A_787 = tpu.memref_slice %arg6[%sub3A_129, %sub3A_785, %dma_start3A_786] : memref<2x64x128xi32, #tpu.memory_space<vmem>> -> memref<1x1x128xi32, #tpu.memory_space<vmem>>
          %dma_start3A_788 = tpu.memref_squeeze %dma_start3A_787 : memref<1x1x128xi32, #tpu.memory_space<vmem>> -> memref<128xi32, #tpu.memory_space<vmem>>
          %dma_start3A_789 = arith.constant 0 : i32
          %dma_start3A_790 = arith.constant 0 : i32
          %dma_start3A_791 = tpu.memref_slice %arg2[%dma_start3A_789, %dma_start3A_790] : memref<274625x32xf32, #tpu.memory_space<hbm>> -> memref<274625x32xf32, #tpu.memory_space<hbm>>
          tpu.enqueue_indirect_dma source(%dma_start3A_791 : memref<274625x32xf32, #tpu.memory_space<hbm>>) target(%arg8 : memref<128x32xf32, #tpu.memory_space<vmem>>) offsets(%dma_start3A_788 : memref<128xi32, #tpu.memory_space<vmem>>) semaphore(%arg17 : memref<!tpu.dma_semaphore, #tpu.memory_space<semaphore_mem>>)
        } else {
        }
        %mul3A_427 = arith.constant 4 : i32
        %mul3A_428 = arith.muli %mul3A_427, %scan3A_310 : i32
        %add3A_429 = arith.constant 1 : i32
        %add3A_430 = arith.addi %mul3A_428, %add3A_429 : i32
        %dma_wait3A_431 = arith.constant 0 : i32
        %dma_wait3A_432 = tpu.memref_slice %arg6[%and3A_128, %add3A_430, %dma_wait3A_431] : memref<2x64x128xi32, #tpu.memory_space<vmem>> -> memref<1x1x128xi32, #tpu.memory_space<vmem>>
        %dma_wait3A_433 = tpu.memref_squeeze %dma_wait3A_432 : memref<1x1x128xi32, #tpu.memory_space<vmem>> -> memref<128xi32, #tpu.memory_space<vmem>>
        %dma_wait3A_434 = arith.constant 0 : i32
        %dma_wait3A_435 = arith.constant 0 : i32
        %dma_wait3A_436 = tpu.memref_slice %arg2[%dma_wait3A_434, %dma_wait3A_435] : memref<274625x32xf32, #tpu.memory_space<hbm>> -> memref<274625x32xf32, #tpu.memory_space<hbm>>
        tpu.wait_indirect_dma semaphore(%arg18 : memref<!tpu.dma_semaphore, #tpu.memory_space<semaphore_mem>>) src(%dma_wait3A_436 : memref<274625x32xf32, #tpu.memory_space<hbm>>) dst(%arg9 : memref<128x32xf32, #tpu.memory_space<vmem>>)
        %get3A_437 = arith.index_cast %and3A_128 : i32 to index
        %get3A_438 = arith.index_cast %add3A_430 : i32 to index
        %get3A_439 = arith.constant 0 : index
        %get3A_440 = tpu.vector_load %arg7[%get3A_437, %get3A_438, %get3A_439] {strides = array<i32>} : memref<2x64x48xf32, #tpu.memory_space<vmem>>, vector<16xf32>,
        %get3A_441 = arith.index_cast %and3A_128 : i32 to index
        %get3A_442 = arith.index_cast %add3A_430 : i32 to index
        %get3A_443 = arith.constant 16 : index
        %get3A_444 = tpu.vector_load %arg7[%get3A_441, %get3A_442, %get3A_443] {strides = array<i32>} : memref<2x64x48xf32, #tpu.memory_space<vmem>>, vector<16xf32>,
        %get3A_445 = arith.index_cast %and3A_128 : i32 to index
        %get3A_446 = arith.index_cast %add3A_430 : i32 to index
        %get3A_447 = arith.constant 32 : index
        %get3A_448 = tpu.vector_load %arg7[%get3A_445, %get3A_446, %get3A_447] {strides = array<i32>} : memref<2x64x48xf32, #tpu.memory_space<vmem>>, vector<16xf32>,
        %sub3A_449 = arith.constant 1.000000e+00 : f32
        %sub3A_450 = vector.broadcast %sub3A_449 : f32 to vector<16xf32>
        %sub3A_451 = arith.subf %sub3A_450, %get3A_440 : vector<16xf32>
        %sub3A_452 = arith.constant 1.000000e+00 : f32
        %sub3A_453 = vector.broadcast %sub3A_452 : f32 to vector<16xf32>
        %sub3A_454 = arith.subf %sub3A_453, %get3A_444 : vector<16xf32>
        %sub3A_455 = arith.constant 1.000000e+00 : f32
        %sub3A_456 = vector.broadcast %sub3A_455 : f32 to vector<16xf32>
        %sub3A_457 = arith.subf %sub3A_456, %get3A_448 : vector<16xf32>
        %mul3A_458 = arith.mulf %sub3A_451, %sub3A_454 : vector<16xf32>
        %mul3A_459 = arith.mulf %sub3A_451, %get3A_444 : vector<16xf32>
        %mul3A_460 = arith.mulf %get3A_440, %sub3A_454 : vector<16xf32>
        %mul3A_461 = arith.mulf %get3A_440, %get3A_444 : vector<16xf32>
        %mul3A_462 = arith.mulf %mul3A_458, %sub3A_457 : vector<16xf32>
        %mul3A_463 = arith.mulf %mul3A_458, %get3A_448 : vector<16xf32>
        %mul3A_464 = arith.mulf %mul3A_459, %sub3A_457 : vector<16xf32>
        %mul3A_465 = arith.mulf %mul3A_459, %get3A_448 : vector<16xf32>
        %mul3A_466 = arith.mulf %mul3A_460, %sub3A_457 : vector<16xf32>
        %mul3A_467 = arith.mulf %mul3A_460, %get3A_448 : vector<16xf32>
        %mul3A_468 = arith.mulf %mul3A_461, %sub3A_457 : vector<16xf32>
        %mul3A_469 = arith.mulf %mul3A_461, %get3A_448 : vector<16xf32>
        %broadcast_in_dim3A_470 = arith.constant 0.000000e+00 : f32
        %broadcast_in_dim3A_471 = vector.broadcast %broadcast_in_dim3A_470 : f32 to vector<16xf32>
        %scan3A_472 = arith.constant 0 : i32
        %scan3A_473 = arith.constant 8 : i32
        %scan3A_474 = arith.addi %scan3A_472, %scan3A_473 : i32
        %scan3A_475 = arith.constant 1 : i32
        %scan3A_476:4 = scf.for %scan3A_784 = %scan3A_472 to %scan3A_474 step %scan3A_475 iter_args(%scan3A_785 = %broadcast_in_dim3A_471, %scan3A_786 = %broadcast_in_dim3A_471, %scan3A_787 = %broadcast_in_dim3A_471, %scan3A_788 = %broadcast_in_dim3A_471) -> (vector<16xf32>, vector<16xf32>, vector<16xf32>, vector<16xf32>)  : i32 {
          %mul3A_789 = arith.constant 4 : i32
          %mul3A_790 = arith.muli %mul3A_789, %scan3A_784 : i32
          %add3A_791 = arith.constant 0 : i32
          %add3A_792 = arith.addi %mul3A_790, %add3A_791 : i32
          %get3A_793 = arith.index_cast %add3A_792 : i32 to index
          %get3A_794 = arith.constant 0 : index
          %get3A_795 = tpu.vector_load %arg13[%get3A_793, %get3A_794] {strides = array<i32>} : memref<32x16xi32, #tpu.memory_space<vmem>>, vector<16xi32>,
          %gather3A = tpu.vector_load_idx %arg9[%add3A_3, %get3A_795] : memref<128x32xf32, #tpu.memory_space<vmem>>[vector<16xi32>, vector<16xi32>], vector<16xf32>,
          %mul3A_796 = arith.mulf %mul3A_462, %gather3A : vector<16xf32>
          %gather3A_797 = tpu.vector_load_idx %arg9[%add3A_6, %get3A_795] : memref<128x32xf32, #tpu.memory_space<vmem>>[vector<16xi32>, vector<16xi32>], vector<16xf32>,
          %mul3A_798 = arith.mulf %mul3A_463, %gather3A_797 : vector<16xf32>
          %add3A_799 = arith.addf %mul3A_796, %mul3A_798 : vector<16xf32>
          %gather3A_800 = tpu.vector_load_idx %arg9[%add3A_9, %get3A_795] : memref<128x32xf32, #tpu.memory_space<vmem>>[vector<16xi32>, vector<16xi32>], vector<16xf32>,
          %mul3A_801 = arith.mulf %mul3A_464, %gather3A_800 : vector<16xf32>
          %gather3A_802 = tpu.vector_load_idx %arg9[%add3A_12, %get3A_795] : memref<128x32xf32, #tpu.memory_space<vmem>>[vector<16xi32>, vector<16xi32>], vector<16xf32>,
          %mul3A_803 = arith.mulf %mul3A_465, %gather3A_802 : vector<16xf32>
          %add3A_804 = arith.addf %mul3A_801, %mul3A_803 : vector<16xf32>
          %gather3A_805 = tpu.vector_load_idx %arg9[%add3A_15, %get3A_795] : memref<128x32xf32, #tpu.memory_space<vmem>>[vector<16xi32>, vector<16xi32>], vector<16xf32>,
          %mul3A_806 = arith.mulf %mul3A_466, %gather3A_805 : vector<16xf32>
          %gather3A_807 = tpu.vector_load_idx %arg9[%add3A_18, %get3A_795] : memref<128x32xf32, #tpu.memory_space<vmem>>[vector<16xi32>, vector<16xi32>], vector<16xf32>,
          %mul3A_808 = arith.mulf %mul3A_467, %gather3A_807 : vector<16xf32>
          %add3A_809 = arith.addf %mul3A_806, %mul3A_808 : vector<16xf32>
          %gather3A_810 = tpu.vector_load_idx %arg9[%add3A_21, %get3A_795] : memref<128x32xf32, #tpu.memory_space<vmem>>[vector<16xi32>, vector<16xi32>], vector<16xf32>,
          %mul3A_811 = arith.mulf %mul3A_468, %gather3A_810 : vector<16xf32>
          %gather3A_812 = tpu.vector_load_idx %arg9[%add3A_24, %get3A_795] : memref<128x32xf32, #tpu.memory_space<vmem>>[vector<16xi32>, vector<16xi32>], vector<16xf32>,
          %mul3A_813 = arith.mulf %mul3A_469, %gather3A_812 : vector<16xf32>
          %add3A_814 = arith.addf %mul3A_811, %mul3A_813 : vector<16xf32>
          %add3A_815 = arith.addf %add3A_799, %add3A_804 : vector<16xf32>
          %add3A_816 = arith.addf %add3A_809, %add3A_814 : vector<16xf32>
          %add3A_817 = arith.addf %add3A_815, %add3A_816 : vector<16xf32>
          %mul3A_818 = arith.constant 4 : i32
          %mul3A_819 = arith.muli %mul3A_818, %add3A_792 : i32
          %get3A_820 = arith.index_cast %mul3A_819 : i32 to index
          %get3A_821 = arith.constant 0 : index
          %get3A_822 = tpu.vector_load %arg16[%get3A_820, %get3A_821] {strides = array<i32>} : memref<128x16xf32, #tpu.memory_space<vmem>>, vector<16xf32>,
          %mul3A_823 = arith.mulf %add3A_817, %get3A_822 : vector<16xf32>
          %add3A_824 = arith.addf %scan3A_785, %mul3A_823 : vector<16xf32>
          %mul3A_825 = arith.constant 4 : i32
          %mul3A_826 = arith.muli %mul3A_825, %add3A_792 : i32
          %add3A_827 = arith.constant 1 : i32
          %add3A_828 = arith.addi %mul3A_826, %add3A_827 : i32
          %get3A_829 = arith.index_cast %add3A_828 : i32 to index
          %get3A_830 = arith.constant 0 : index
          %get3A_831 = tpu.vector_load %arg16[%get3A_829, %get3A_830] {strides = array<i32>} : memref<128x16xf32, #tpu.memory_space<vmem>>, vector<16xf32>,
          %mul3A_832 = arith.mulf %add3A_817, %get3A_831 : vector<16xf32>
          %add3A_833 = arith.addf %scan3A_786, %mul3A_832 : vector<16xf32>
          %mul3A_834 = arith.constant 4 : i32
          %mul3A_835 = arith.muli %mul3A_834, %add3A_792 : i32
          %add3A_836 = arith.constant 2 : i32
          %add3A_837 = arith.addi %mul3A_835, %add3A_836 : i32
          %get3A_838 = arith.index_cast %add3A_837 : i32 to index
          %get3A_839 = arith.constant 0 : index
          %get3A_840 = tpu.vector_load %arg16[%get3A_838, %get3A_839] {strides = array<i32>} : memref<128x16xf32, #tpu.memory_space<vmem>>, vector<16xf32>,
          %mul3A_841 = arith.mulf %add3A_817, %get3A_840 : vector<16xf32>
          %add3A_842 = arith.addf %scan3A_787, %mul3A_841 : vector<16xf32>
          %mul3A_843 = arith.constant 4 : i32
          %mul3A_844 = arith.muli %mul3A_843, %add3A_792 : i32
          %add3A_845 = arith.constant 3 : i32
          %add3A_846 = arith.addi %mul3A_844, %add3A_845 : i32
          %get3A_847 = arith.index_cast %add3A_846 : i32 to index
          %get3A_848 = arith.constant 0 : index
          %get3A_849 = tpu.vector_load %arg16[%get3A_847, %get3A_848] {strides = array<i32>} : memref<128x16xf32, #tpu.memory_space<vmem>>, vector<16xf32>,
          %mul3A_850 = arith.mulf %add3A_817, %get3A_849 : vector<16xf32>
          %add3A_851 = arith.addf %scan3A_788, %mul3A_850 : vector<16xf32>
          %mul3A_852 = arith.constant 4 : i32
          %mul3A_853 = arith.muli %mul3A_852, %scan3A_784 : i32
          %add3A_854 = arith.constant 1 : i32
          %add3A_855 = arith.addi %mul3A_853, %add3A_854 : i32
          %get3A_856 = arith.index_cast %add3A_855 : i32 to index
          %get3A_857 = arith.constant 0 : index
          %get3A_858 = tpu.vector_load %arg13[%get3A_856, %get3A_857] {strides = array<i32>} : memref<32x16xi32, #tpu.memory_space<vmem>>, vector<16xi32>,
          %gather3A_859 = tpu.vector_load_idx %arg9[%add3A_3, %get3A_858] : memref<128x32xf32, #tpu.memory_space<vmem>>[vector<16xi32>, vector<16xi32>], vector<16xf32>,
          %mul3A_860 = arith.mulf %mul3A_462, %gather3A_859 : vector<16xf32>
          %gather3A_861 = tpu.vector_load_idx %arg9[%add3A_6, %get3A_858] : memref<128x32xf32, #tpu.memory_space<vmem>>[vector<16xi32>, vector<16xi32>], vector<16xf32>,
          %mul3A_862 = arith.mulf %mul3A_463, %gather3A_861 : vector<16xf32>
          %add3A_863 = arith.addf %mul3A_860, %mul3A_862 : vector<16xf32>
          %gather3A_864 = tpu.vector_load_idx %arg9[%add3A_9, %get3A_858] : memref<128x32xf32, #tpu.memory_space<vmem>>[vector<16xi32>, vector<16xi32>], vector<16xf32>,
          %mul3A_865 = arith.mulf %mul3A_464, %gather3A_864 : vector<16xf32>
          %gather3A_866 = tpu.vector_load_idx %arg9[%add3A_12, %get3A_858] : memref<128x32xf32, #tpu.memory_space<vmem>>[vector<16xi32>, vector<16xi32>], vector<16xf32>,
          %mul3A_867 = arith.mulf %mul3A_465, %gather3A_866 : vector<16xf32>
          %add3A_868 = arith.addf %mul3A_865, %mul3A_867 : vector<16xf32>
          %gather3A_869 = tpu.vector_load_idx %arg9[%add3A_15, %get3A_858] : memref<128x32xf32, #tpu.memory_space<vmem>>[vector<16xi32>, vector<16xi32>], vector<16xf32>,
          %mul3A_870 = arith.mulf %mul3A_466, %gather3A_869 : vector<16xf32>
          %gather3A_871 = tpu.vector_load_idx %arg9[%add3A_18, %get3A_858] : memref<128x32xf32, #tpu.memory_space<vmem>>[vector<16xi32>, vector<16xi32>], vector<16xf32>,
          %mul3A_872 = arith.mulf %mul3A_467, %gather3A_871 : vector<16xf32>
          %add3A_873 = arith.addf %mul3A_870, %mul3A_872 : vector<16xf32>
          %gather3A_874 = tpu.vector_load_idx %arg9[%add3A_21, %get3A_858] : memref<128x32xf32, #tpu.memory_space<vmem>>[vector<16xi32>, vector<16xi32>], vector<16xf32>,
          %mul3A_875 = arith.mulf %mul3A_468, %gather3A_874 : vector<16xf32>
          %gather3A_876 = tpu.vector_load_idx %arg9[%add3A_24, %get3A_858] : memref<128x32xf32, #tpu.memory_space<vmem>>[vector<16xi32>, vector<16xi32>], vector<16xf32>,
          %mul3A_877 = arith.mulf %mul3A_469, %gather3A_876 : vector<16xf32>
          %add3A_878 = arith.addf %mul3A_875, %mul3A_877 : vector<16xf32>
          %add3A_879 = arith.addf %add3A_863, %add3A_868 : vector<16xf32>
          %add3A_880 = arith.addf %add3A_873, %add3A_878 : vector<16xf32>
          %add3A_881 = arith.addf %add3A_879, %add3A_880 : vector<16xf32>
          %mul3A_882 = arith.constant 4 : i32
          %mul3A_883 = arith.muli %mul3A_882, %add3A_855 : i32
          %get3A_884 = arith.index_cast %mul3A_883 : i32 to index
          %get3A_885 = arith.constant 0 : index
          %get3A_886 = tpu.vector_load %arg16[%get3A_884, %get3A_885] {strides = array<i32>} : memref<128x16xf32, #tpu.memory_space<vmem>>, vector<16xf32>,
          %mul3A_887 = arith.mulf %add3A_881, %get3A_886 : vector<16xf32>
          %add3A_888 = arith.addf %add3A_824, %mul3A_887 : vector<16xf32>
          %mul3A_889 = arith.constant 4 : i32
          %mul3A_890 = arith.muli %mul3A_889, %add3A_855 : i32
          %add3A_891 = arith.constant 1 : i32
          %add3A_892 = arith.addi %mul3A_890, %add3A_891 : i32
          %get3A_893 = arith.index_cast %add3A_892 : i32 to index
          %get3A_894 = arith.constant 0 : index
          %get3A_895 = tpu.vector_load %arg16[%get3A_893, %get3A_894] {strides = array<i32>} : memref<128x16xf32, #tpu.memory_space<vmem>>, vector<16xf32>,
          %mul3A_896 = arith.mulf %add3A_881, %get3A_895 : vector<16xf32>
          %add3A_897 = arith.addf %add3A_833, %mul3A_896 : vector<16xf32>
          %mul3A_898 = arith.constant 4 : i32
          %mul3A_899 = arith.muli %mul3A_898, %add3A_855 : i32
          %add3A_900 = arith.constant 2 : i32
          %add3A_901 = arith.addi %mul3A_899, %add3A_900 : i32
          %get3A_902 = arith.index_cast %add3A_901 : i32 to index
          %get3A_903 = arith.constant 0 : index
          %get3A_904 = tpu.vector_load %arg16[%get3A_902, %get3A_903] {strides = array<i32>} : memref<128x16xf32, #tpu.memory_space<vmem>>, vector<16xf32>,
          %mul3A_905 = arith.mulf %add3A_881, %get3A_904 : vector<16xf32>
          %add3A_906 = arith.addf %add3A_842, %mul3A_905 : vector<16xf32>
          %mul3A_907 = arith.constant 4 : i32
          %mul3A_908 = arith.muli %mul3A_907, %add3A_855 : i32
          %add3A_909 = arith.constant 3 : i32
          %add3A_910 = arith.addi %mul3A_908, %add3A_909 : i32
          %get3A_911 = arith.index_cast %add3A_910 : i32 to index
          %get3A_912 = arith.constant 0 : index
          %get3A_913 = tpu.vector_load %arg16[%get3A_911, %get3A_912] {strides = array<i32>} : memref<128x16xf32, #tpu.memory_space<vmem>>, vector<16xf32>,
          %mul3A_914 = arith.mulf %add3A_881, %get3A_913 : vector<16xf32>
          %add3A_915 = arith.addf %add3A_851, %mul3A_914 : vector<16xf32>
          %mul3A_916 = arith.constant 4 : i32
          %mul3A_917 = arith.muli %mul3A_916, %scan3A_784 : i32
          %add3A_918 = arith.constant 2 : i32
          %add3A_919 = arith.addi %mul3A_917, %add3A_918 : i32
          %get3A_920 = arith.index_cast %add3A_919 : i32 to index
          %get3A_921 = arith.constant 0 : index
          %get3A_922 = tpu.vector_load %arg13[%get3A_920, %get3A_921] {strides = array<i32>} : memref<32x16xi32, #tpu.memory_space<vmem>>, vector<16xi32>,
          %gather3A_923 = tpu.vector_load_idx %arg9[%add3A_3, %get3A_922] : memref<128x32xf32, #tpu.memory_space<vmem>>[vector<16xi32>, vector<16xi32>], vector<16xf32>,
          %mul3A_924 = arith.mulf %mul3A_462, %gather3A_923 : vector<16xf32>
          %gather3A_925 = tpu.vector_load_idx %arg9[%add3A_6, %get3A_922] : memref<128x32xf32, #tpu.memory_space<vmem>>[vector<16xi32>, vector<16xi32>], vector<16xf32>,
          %mul3A_926 = arith.mulf %mul3A_463, %gather3A_925 : vector<16xf32>
          %add3A_927 = arith.addf %mul3A_924, %mul3A_926 : vector<16xf32>
          %gather3A_928 = tpu.vector_load_idx %arg9[%add3A_9, %get3A_922] : memref<128x32xf32, #tpu.memory_space<vmem>>[vector<16xi32>, vector<16xi32>], vector<16xf32>,
          %mul3A_929 = arith.mulf %mul3A_464, %gather3A_928 : vector<16xf32>
          %gather3A_930 = tpu.vector_load_idx %arg9[%add3A_12, %get3A_922] : memref<128x32xf32, #tpu.memory_space<vmem>>[vector<16xi32>, vector<16xi32>], vector<16xf32>,
          %mul3A_931 = arith.mulf %mul3A_465, %gather3A_930 : vector<16xf32>
          %add3A_932 = arith.addf %mul3A_929, %mul3A_931 : vector<16xf32>
          %gather3A_933 = tpu.vector_load_idx %arg9[%add3A_15, %get3A_922] : memref<128x32xf32, #tpu.memory_space<vmem>>[vector<16xi32>, vector<16xi32>], vector<16xf32>,
          %mul3A_934 = arith.mulf %mul3A_466, %gather3A_933 : vector<16xf32>
          %gather3A_935 = tpu.vector_load_idx %arg9[%add3A_18, %get3A_922] : memref<128x32xf32, #tpu.memory_space<vmem>>[vector<16xi32>, vector<16xi32>], vector<16xf32>,
          %mul3A_936 = arith.mulf %mul3A_467, %gather3A_935 : vector<16xf32>
          %add3A_937 = arith.addf %mul3A_934, %mul3A_936 : vector<16xf32>
          %gather3A_938 = tpu.vector_load_idx %arg9[%add3A_21, %get3A_922] : memref<128x32xf32, #tpu.memory_space<vmem>>[vector<16xi32>, vector<16xi32>], vector<16xf32>,
          %mul3A_939 = arith.mulf %mul3A_468, %gather3A_938 : vector<16xf32>
          %gather3A_940 = tpu.vector_load_idx %arg9[%add3A_24, %get3A_922] : memref<128x32xf32, #tpu.memory_space<vmem>>[vector<16xi32>, vector<16xi32>], vector<16xf32>,
          %mul3A_941 = arith.mulf %mul3A_469, %gather3A_940 : vector<16xf32>
          %add3A_942 = arith.addf %mul3A_939, %mul3A_941 : vector<16xf32>
          %add3A_943 = arith.addf %add3A_927, %add3A_932 : vector<16xf32>
          %add3A_944 = arith.addf %add3A_937, %add3A_942 : vector<16xf32>
          %add3A_945 = arith.addf %add3A_943, %add3A_944 : vector<16xf32>
          %mul3A_946 = arith.constant 4 : i32
          %mul3A_947 = arith.muli %mul3A_946, %add3A_919 : i32
          %get3A_948 = arith.index_cast %mul3A_947 : i32 to index
          %get3A_949 = arith.constant 0 : index
          %get3A_950 = tpu.vector_load %arg16[%get3A_948, %get3A_949] {strides = array<i32>} : memref<128x16xf32, #tpu.memory_space<vmem>>, vector<16xf32>,
          %mul3A_951 = arith.mulf %add3A_945, %get3A_950 : vector<16xf32>
          %add3A_952 = arith.addf %add3A_888, %mul3A_951 : vector<16xf32>
          %mul3A_953 = arith.constant 4 : i32
          %mul3A_954 = arith.muli %mul3A_953, %add3A_919 : i32
          %add3A_955 = arith.constant 1 : i32
          %add3A_956 = arith.addi %mul3A_954, %add3A_955 : i32
          %get3A_957 = arith.index_cast %add3A_956 : i32 to index
          %get3A_958 = arith.constant 0 : index
          %get3A_959 = tpu.vector_load %arg16[%get3A_957, %get3A_958] {strides = array<i32>} : memref<128x16xf32, #tpu.memory_space<vmem>>, vector<16xf32>,
          %mul3A_960 = arith.mulf %add3A_945, %get3A_959 : vector<16xf32>
          %add3A_961 = arith.addf %add3A_897, %mul3A_960 : vector<16xf32>
          %mul3A_962 = arith.constant 4 : i32
          %mul3A_963 = arith.muli %mul3A_962, %add3A_919 : i32
          %add3A_964 = arith.constant 2 : i32
          %add3A_965 = arith.addi %mul3A_963, %add3A_964 : i32
          %get3A_966 = arith.index_cast %add3A_965 : i32 to index
          %get3A_967 = arith.constant 0 : index
          %get3A_968 = tpu.vector_load %arg16[%get3A_966, %get3A_967] {strides = array<i32>} : memref<128x16xf32, #tpu.memory_space<vmem>>, vector<16xf32>,
          %mul3A_969 = arith.mulf %add3A_945, %get3A_968 : vector<16xf32>
          %add3A_970 = arith.addf %add3A_906, %mul3A_969 : vector<16xf32>
          %mul3A_971 = arith.constant 4 : i32
          %mul3A_972 = arith.muli %mul3A_971, %add3A_919 : i32
          %add3A_973 = arith.constant 3 : i32
          %add3A_974 = arith.addi %mul3A_972, %add3A_973 : i32
          %get3A_975 = arith.index_cast %add3A_974 : i32 to index
          %get3A_976 = arith.constant 0 : index
          %get3A_977 = tpu.vector_load %arg16[%get3A_975, %get3A_976] {strides = array<i32>} : memref<128x16xf32, #tpu.memory_space<vmem>>, vector<16xf32>,
          %mul3A_978 = arith.mulf %add3A_945, %get3A_977 : vector<16xf32>
          %add3A_979 = arith.addf %add3A_915, %mul3A_978 : vector<16xf32>
          %mul3A_980 = arith.constant 4 : i32
          %mul3A_981 = arith.muli %mul3A_980, %scan3A_784 : i32
          %add3A_982 = arith.constant 3 : i32
          %add3A_983 = arith.addi %mul3A_981, %add3A_982 : i32
          %get3A_984 = arith.index_cast %add3A_983 : i32 to index
          %get3A_985 = arith.constant 0 : index
          %get3A_986 = tpu.vector_load %arg13[%get3A_984, %get3A_985] {strides = array<i32>} : memref<32x16xi32, #tpu.memory_space<vmem>>, vector<16xi32>,
          %gather3A_987 = tpu.vector_load_idx %arg9[%add3A_3, %get3A_986] : memref<128x32xf32, #tpu.memory_space<vmem>>[vector<16xi32>, vector<16xi32>], vector<16xf32>,
          %mul3A_988 = arith.mulf %mul3A_462, %gather3A_987 : vector<16xf32>
          %gather3A_989 = tpu.vector_load_idx %arg9[%add3A_6, %get3A_986] : memref<128x32xf32, #tpu.memory_space<vmem>>[vector<16xi32>, vector<16xi32>], vector<16xf32>,
          %mul3A_990 = arith.mulf %mul3A_463, %gather3A_989 : vector<16xf32>
          %add3A_991 = arith.addf %mul3A_988, %mul3A_990 : vector<16xf32>
          %gather3A_992 = tpu.vector_load_idx %arg9[%add3A_9, %get3A_986] : memref<128x32xf32, #tpu.memory_space<vmem>>[vector<16xi32>, vector<16xi32>], vector<16xf32>,
          %mul3A_993 = arith.mulf %mul3A_464, %gather3A_992 : vector<16xf32>
          %gather3A_994 = tpu.vector_load_idx %arg9[%add3A_12, %get3A_986] : memref<128x32xf32, #tpu.memory_space<vmem>>[vector<16xi32>, vector<16xi32>], vector<16xf32>,
          %mul3A_995 = arith.mulf %mul3A_465, %gather3A_994 : vector<16xf32>
          %add3A_996 = arith.addf %mul3A_993, %mul3A_995 : vector<16xf32>
          %gather3A_997 = tpu.vector_load_idx %arg9[%add3A_15, %get3A_986] : memref<128x32xf32, #tpu.memory_space<vmem>>[vector<16xi32>, vector<16xi32>], vector<16xf32>,
          %mul3A_998 = arith.mulf %mul3A_466, %gather3A_997 : vector<16xf32>
          %gather3A_999 = tpu.vector_load_idx %arg9[%add3A_18, %get3A_986] : memref<128x32xf32, #tpu.memory_space<vmem>>[vector<16xi32>, vector<16xi32>], vector<16xf32>,
          %mul3A_1000 = arith.mulf %mul3A_467, %gather3A_999 : vector<16xf32>
          %add3A_1001 = arith.addf %mul3A_998, %mul3A_1000 : vector<16xf32>
          %gather3A_1002 = tpu.vector_load_idx %arg9[%add3A_21, %get3A_986] : memref<128x32xf32, #tpu.memory_space<vmem>>[vector<16xi32>, vector<16xi32>], vector<16xf32>,
          %mul3A_1003 = arith.mulf %mul3A_468, %gather3A_1002 : vector<16xf32>
          %gather3A_1004 = tpu.vector_load_idx %arg9[%add3A_24, %get3A_986] : memref<128x32xf32, #tpu.memory_space<vmem>>[vector<16xi32>, vector<16xi32>], vector<16xf32>,
          %mul3A_1005 = arith.mulf %mul3A_469, %gather3A_1004 : vector<16xf32>
          %add3A_1006 = arith.addf %mul3A_1003, %mul3A_1005 : vector<16xf32>
          %add3A_1007 = arith.addf %add3A_991, %add3A_996 : vector<16xf32>
          %add3A_1008 = arith.addf %add3A_1001, %add3A_1006 : vector<16xf32>
          %add3A_1009 = arith.addf %add3A_1007, %add3A_1008 : vector<16xf32>
          %mul3A_1010 = arith.constant 4 : i32
          %mul3A_1011 = arith.muli %mul3A_1010, %add3A_983 : i32
          %get3A_1012 = arith.index_cast %mul3A_1011 : i32 to index
          %get3A_1013 = arith.constant 0 : index
          %get3A_1014 = tpu.vector_load %arg16[%get3A_1012, %get3A_1013] {strides = array<i32>} : memref<128x16xf32, #tpu.memory_space<vmem>>, vector<16xf32>,
          %mul3A_1015 = arith.mulf %add3A_1009, %get3A_1014 : vector<16xf32>
          %add3A_1016 = arith.addf %add3A_952, %mul3A_1015 : vector<16xf32>
          %mul3A_1017 = arith.constant 4 : i32
          %mul3A_1018 = arith.muli %mul3A_1017, %add3A_983 : i32
          %add3A_1019 = arith.constant 1 : i32
          %add3A_1020 = arith.addi %mul3A_1018, %add3A_1019 : i32
          %get3A_1021 = arith.index_cast %add3A_1020 : i32 to index
          %get3A_1022 = arith.constant 0 : index
          %get3A_1023 = tpu.vector_load %arg16[%get3A_1021, %get3A_1022] {strides = array<i32>} : memref<128x16xf32, #tpu.memory_space<vmem>>, vector<16xf32>,
          %mul3A_1024 = arith.mulf %add3A_1009, %get3A_1023 : vector<16xf32>
          %add3A_1025 = arith.addf %add3A_961, %mul3A_1024 : vector<16xf32>
          %mul3A_1026 = arith.constant 4 : i32
          %mul3A_1027 = arith.muli %mul3A_1026, %add3A_983 : i32
          %add3A_1028 = arith.constant 2 : i32
          %add3A_1029 = arith.addi %mul3A_1027, %add3A_1028 : i32
          %get3A_1030 = arith.index_cast %add3A_1029 : i32 to index
          %get3A_1031 = arith.constant 0 : index
          %get3A_1032 = tpu.vector_load %arg16[%get3A_1030, %get3A_1031] {strides = array<i32>} : memref<128x16xf32, #tpu.memory_space<vmem>>, vector<16xf32>,
          %mul3A_1033 = arith.mulf %add3A_1009, %get3A_1032 : vector<16xf32>
          %add3A_1034 = arith.addf %add3A_970, %mul3A_1033 : vector<16xf32>
          %mul3A_1035 = arith.constant 4 : i32
          %mul3A_1036 = arith.muli %mul3A_1035, %add3A_983 : i32
          %add3A_1037 = arith.constant 3 : i32
          %add3A_1038 = arith.addi %mul3A_1036, %add3A_1037 : i32
          %get3A_1039 = arith.index_cast %add3A_1038 : i32 to index
          %get3A_1040 = arith.constant 0 : index
          %get3A_1041 = tpu.vector_load %arg16[%get3A_1039, %get3A_1040] {strides = array<i32>} : memref<128x16xf32, #tpu.memory_space<vmem>>, vector<16xf32>,
          %mul3A_1042 = arith.mulf %add3A_1009, %get3A_1041 : vector<16xf32>
          %add3A_1043 = arith.addf %add3A_979, %mul3A_1042 : vector<16xf32>
          scf.yield %add3A_1016, %add3A_1025, %add3A_1034, %add3A_1043 : vector<16xf32>, vector<16xf32>, vector<16xf32>, vector<16xf32>
        }
        %scan3A_477 = arith.constant 8 : i32
        %max3A_478 = arith.constant 0.000000e+00 : f32
        %max3A_479 = vector.broadcast %max3A_478 : f32 to vector<16xf32>
        %max3A_480 = arith.maximumf %scan3A_476#3, %max3A_479 : vector<16xf32>
        %neg3A_481 = arith.constant 0.000000e+00 : f32
        %neg3A_482 = vector.broadcast %neg3A_481 : f32 to vector<16xf32>
        %neg3A_483 = arith.subf %neg3A_482, %scan3A_476#0 : vector<16xf32>
        %exp3A_484 = math.exp %neg3A_483 : vector<16xf32>
        %add3A_485 = arith.constant 1.000000e+00 : f32
        %add3A_486 = vector.broadcast %add3A_485 : f32 to vector<16xf32>
        %add3A_487 = arith.addf %add3A_486, %exp3A_484 : vector<16xf32>
        %div3A_488 = arith.constant 1.000000e+00 : f32
        %div3A_489 = vector.broadcast %div3A_488 : f32 to vector<16xf32>
        %div3A_490 = arith.divf %div3A_489, %add3A_487 : vector<16xf32>
        %neg3A_491 = arith.constant 0.000000e+00 : f32
        %neg3A_492 = vector.broadcast %neg3A_491 : f32 to vector<16xf32>
        %neg3A_493 = arith.subf %neg3A_492, %scan3A_476#1 : vector<16xf32>
        %exp3A_494 = math.exp %neg3A_493 : vector<16xf32>
        %add3A_495 = arith.constant 1.000000e+00 : f32
        %add3A_496 = vector.broadcast %add3A_495 : f32 to vector<16xf32>
        %add3A_497 = arith.addf %add3A_496, %exp3A_494 : vector<16xf32>
        %div3A_498 = arith.constant 1.000000e+00 : f32
        %div3A_499 = vector.broadcast %div3A_498 : f32 to vector<16xf32>
        %div3A_500 = arith.divf %div3A_499, %add3A_497 : vector<16xf32>
        %neg3A_501 = arith.constant 0.000000e+00 : f32
        %neg3A_502 = vector.broadcast %neg3A_501 : f32 to vector<16xf32>
        %neg3A_503 = arith.subf %neg3A_502, %scan3A_476#2 : vector<16xf32>
        %exp3A_504 = math.exp %neg3A_503 : vector<16xf32>
        %add3A_505 = arith.constant 1.000000e+00 : f32
        %add3A_506 = vector.broadcast %add3A_505 : f32 to vector<16xf32>
        %add3A_507 = arith.addf %add3A_506, %exp3A_504 : vector<16xf32>
        %div3A_508 = arith.constant 1.000000e+00 : f32
        %div3A_509 = vector.broadcast %div3A_508 : f32 to vector<16xf32>
        %div3A_510 = arith.divf %div3A_509, %add3A_507 : vector<16xf32>
        %neg3A_511 = arith.constant 0.000000e+00 : f32
        %neg3A_512 = vector.broadcast %neg3A_511 : f32 to vector<16xf32>
        %neg3A_513 = arith.subf %neg3A_512, %max3A_480 : vector<16xf32>
        %mul3A_514 = arith.mulf %neg3A_513, %get3A_147 : vector<16xf32>
        %exp3A_515 = math.exp %mul3A_514 : vector<16xf32>
        %sub3A_516 = arith.constant 1.000000e+00 : f32
        %sub3A_517 = vector.broadcast %sub3A_516 : f32 to vector<16xf32>
        %sub3A_518 = arith.subf %sub3A_517, %exp3A_515 : vector<16xf32>
        %mul3A_519 = arith.mulf %sub3A_518, %mul3A_418 : vector<16xf32>
        %mul3A_520 = arith.mulf %mul3A_519, %div3A_490 : vector<16xf32>
        %add3A_521 = arith.addf %add3A_406, %mul3A_520 : vector<16xf32>
        %mul3A_522 = arith.mulf %mul3A_519, %div3A_500 : vector<16xf32>
        %add3A_523 = arith.addf %add3A_408, %mul3A_522 : vector<16xf32>
        %mul3A_524 = arith.mulf %mul3A_519, %div3A_510 : vector<16xf32>
        %add3A_525 = arith.addf %add3A_410, %mul3A_524 : vector<16xf32>
        %add3A_526 = arith.addf %add3A_411, %mul3A_519 : vector<16xf32>
        %sub3A_527 = arith.constant 1.000000e+00 : f32
        %sub3A_528 = vector.broadcast %sub3A_527 : f32 to vector<16xf32>
        %sub3A_529 = arith.subf %sub3A_528, %sub3A_518 : vector<16xf32>
        %add3A_530 = arith.constant 1.000000e-10 : f32
        %add3A_531 = vector.broadcast %add3A_530 : f32 to vector<16xf32>
        %add3A_532 = arith.addf %sub3A_529, %add3A_531 : vector<16xf32>
        %mul3A_533 = arith.mulf %mul3A_418, %add3A_532 : vector<16xf32>
        %add3A_534 = arith.constant 4 : i32
        %add3A_535 = arith.addi %add3A_430, %add3A_534 : i32
        %lt3A_536 = arith.constant 64 : i32
        %lt3A_537 = arith.cmpi slt, %add3A_535, %lt3A_536 : i32
        %convert_element_type3A_538 = arith.extui %lt3A_537 : i1 to i32
        %cond3A_539 = arith.constant 0 : i32
        %cond3A_540 = arith.cmpi ne, %convert_element_type3A_538, %cond3A_539 : i32
        scf.if %cond3A_540 {
          %dma_start3A_784 = arith.constant 0 : i32
          %dma_start3A_785 = tpu.memref_slice %arg6[%and3A_128, %add3A_535, %dma_start3A_784] : memref<2x64x128xi32, #tpu.memory_space<vmem>> -> memref<1x1x128xi32, #tpu.memory_space<vmem>>
          %dma_start3A_786 = tpu.memref_squeeze %dma_start3A_785 : memref<1x1x128xi32, #tpu.memory_space<vmem>> -> memref<128xi32, #tpu.memory_space<vmem>>
          %dma_start3A_787 = arith.constant 0 : i32
          %dma_start3A_788 = arith.constant 0 : i32
          %dma_start3A_789 = tpu.memref_slice %arg2[%dma_start3A_787, %dma_start3A_788] : memref<274625x32xf32, #tpu.memory_space<hbm>> -> memref<274625x32xf32, #tpu.memory_space<hbm>>
          tpu.enqueue_indirect_dma source(%dma_start3A_789 : memref<274625x32xf32, #tpu.memory_space<hbm>>) target(%arg9 : memref<128x32xf32, #tpu.memory_space<vmem>>) offsets(%dma_start3A_786 : memref<128xi32, #tpu.memory_space<vmem>>) semaphore(%arg18 : memref<!tpu.dma_semaphore, #tpu.memory_space<semaphore_mem>>)
        } else {
        }
        %ge3A_541 = arith.constant 64 : i32
        %ge3A_542 = arith.cmpi sge, %add3A_535, %ge3A_541 : i32
        %convert_element_type3A_543 = arith.extui %ge3A_542 : i1 to i32
        %cond3A_544 = arith.constant 0 : i32
        %cond3A_545 = arith.cmpi ne, %convert_element_type3A_543, %cond3A_544 : i32
        scf.if %cond3A_545 {
          %sub3A_784 = arith.constant 64 : i32
          %sub3A_785 = arith.subi %add3A_535, %sub3A_784 : i32
          %dma_start3A_786 = arith.constant 0 : i32
          %dma_start3A_787 = tpu.memref_slice %arg6[%sub3A_129, %sub3A_785, %dma_start3A_786] : memref<2x64x128xi32, #tpu.memory_space<vmem>> -> memref<1x1x128xi32, #tpu.memory_space<vmem>>
          %dma_start3A_788 = tpu.memref_squeeze %dma_start3A_787 : memref<1x1x128xi32, #tpu.memory_space<vmem>> -> memref<128xi32, #tpu.memory_space<vmem>>
          %dma_start3A_789 = arith.constant 0 : i32
          %dma_start3A_790 = arith.constant 0 : i32
          %dma_start3A_791 = tpu.memref_slice %arg2[%dma_start3A_789, %dma_start3A_790] : memref<274625x32xf32, #tpu.memory_space<hbm>> -> memref<274625x32xf32, #tpu.memory_space<hbm>>
          tpu.enqueue_indirect_dma source(%dma_start3A_791 : memref<274625x32xf32, #tpu.memory_space<hbm>>) target(%arg9 : memref<128x32xf32, #tpu.memory_space<vmem>>) offsets(%dma_start3A_788 : memref<128xi32, #tpu.memory_space<vmem>>) semaphore(%arg18 : memref<!tpu.dma_semaphore, #tpu.memory_space<semaphore_mem>>)
        } else {
        }
        %mul3A_546 = arith.constant 4 : i32
        %mul3A_547 = arith.muli %mul3A_546, %scan3A_310 : i32
        %add3A_548 = arith.constant 2 : i32
        %add3A_549 = arith.addi %mul3A_547, %add3A_548 : i32
        %dma_wait3A_550 = arith.constant 0 : i32
        %dma_wait3A_551 = tpu.memref_slice %arg6[%and3A_128, %add3A_549, %dma_wait3A_550] : memref<2x64x128xi32, #tpu.memory_space<vmem>> -> memref<1x1x128xi32, #tpu.memory_space<vmem>>
        %dma_wait3A_552 = tpu.memref_squeeze %dma_wait3A_551 : memref<1x1x128xi32, #tpu.memory_space<vmem>> -> memref<128xi32, #tpu.memory_space<vmem>>
        %dma_wait3A_553 = arith.constant 0 : i32
        %dma_wait3A_554 = arith.constant 0 : i32
        %dma_wait3A_555 = tpu.memref_slice %arg2[%dma_wait3A_553, %dma_wait3A_554] : memref<274625x32xf32, #tpu.memory_space<hbm>> -> memref<274625x32xf32, #tpu.memory_space<hbm>>
        tpu.wait_indirect_dma semaphore(%arg19 : memref<!tpu.dma_semaphore, #tpu.memory_space<semaphore_mem>>) src(%dma_wait3A_555 : memref<274625x32xf32, #tpu.memory_space<hbm>>) dst(%arg10 : memref<128x32xf32, #tpu.memory_space<vmem>>)
        %get3A_556 = arith.index_cast %and3A_128 : i32 to index
        %get3A_557 = arith.index_cast %add3A_549 : i32 to index
        %get3A_558 = arith.constant 0 : index
        %get3A_559 = tpu.vector_load %arg7[%get3A_556, %get3A_557, %get3A_558] {strides = array<i32>} : memref<2x64x48xf32, #tpu.memory_space<vmem>>, vector<16xf32>,
        %get3A_560 = arith.index_cast %and3A_128 : i32 to index
        %get3A_561 = arith.index_cast %add3A_549 : i32 to index
        %get3A_562 = arith.constant 16 : index
        %get3A_563 = tpu.vector_load %arg7[%get3A_560, %get3A_561, %get3A_562] {strides = array<i32>} : memref<2x64x48xf32, #tpu.memory_space<vmem>>, vector<16xf32>,
        %get3A_564 = arith.index_cast %and3A_128 : i32 to index
        %get3A_565 = arith.index_cast %add3A_549 : i32 to index
        %get3A_566 = arith.constant 32 : index
        %get3A_567 = tpu.vector_load %arg7[%get3A_564, %get3A_565, %get3A_566] {strides = array<i32>} : memref<2x64x48xf32, #tpu.memory_space<vmem>>, vector<16xf32>,
        %sub3A_568 = arith.constant 1.000000e+00 : f32
        %sub3A_569 = vector.broadcast %sub3A_568 : f32 to vector<16xf32>
        %sub3A_570 = arith.subf %sub3A_569, %get3A_559 : vector<16xf32>
        %sub3A_571 = arith.constant 1.000000e+00 : f32
        %sub3A_572 = vector.broadcast %sub3A_571 : f32 to vector<16xf32>
        %sub3A_573 = arith.subf %sub3A_572, %get3A_563 : vector<16xf32>
        %sub3A_574 = arith.constant 1.000000e+00 : f32
        %sub3A_575 = vector.broadcast %sub3A_574 : f32 to vector<16xf32>
        %sub3A_576 = arith.subf %sub3A_575, %get3A_567 : vector<16xf32>
        %mul3A_577 = arith.mulf %sub3A_570, %sub3A_573 : vector<16xf32>
        %mul3A_578 = arith.mulf %sub3A_570, %get3A_563 : vector<16xf32>
        %mul3A_579 = arith.mulf %get3A_559, %sub3A_573 : vector<16xf32>
        %mul3A_580 = arith.mulf %get3A_559, %get3A_563 : vector<16xf32>
        %mul3A_581 = arith.mulf %mul3A_577, %sub3A_576 : vector<16xf32>
        %mul3A_582 = arith.mulf %mul3A_577, %get3A_567 : vector<16xf32>
        %mul3A_583 = arith.mulf %mul3A_578, %sub3A_576 : vector<16xf32>
        %mul3A_584 = arith.mulf %mul3A_578, %get3A_567 : vector<16xf32>
        %mul3A_585 = arith.mulf %mul3A_579, %sub3A_576 : vector<16xf32>
        %mul3A_586 = arith.mulf %mul3A_579, %get3A_567 : vector<16xf32>
        %mul3A_587 = arith.mulf %mul3A_580, %sub3A_576 : vector<16xf32>
        %mul3A_588 = arith.mulf %mul3A_580, %get3A_567 : vector<16xf32>
        %broadcast_in_dim3A_589 = arith.constant 0.000000e+00 : f32
        %broadcast_in_dim3A_590 = vector.broadcast %broadcast_in_dim3A_589 : f32 to vector<16xf32>
        %scan3A_591 = arith.constant 0 : i32
        %scan3A_592 = arith.constant 8 : i32
        %scan3A_593 = arith.addi %scan3A_591, %scan3A_592 : i32
        %scan3A_594 = arith.constant 1 : i32
        %scan3A_595:4 = scf.for %scan3A_784 = %scan3A_591 to %scan3A_593 step %scan3A_594 iter_args(%scan3A_785 = %broadcast_in_dim3A_590, %scan3A_786 = %broadcast_in_dim3A_590, %scan3A_787 = %broadcast_in_dim3A_590, %scan3A_788 = %broadcast_in_dim3A_590) -> (vector<16xf32>, vector<16xf32>, vector<16xf32>, vector<16xf32>)  : i32 {
          %mul3A_789 = arith.constant 4 : i32
          %mul3A_790 = arith.muli %mul3A_789, %scan3A_784 : i32
          %add3A_791 = arith.constant 0 : i32
          %add3A_792 = arith.addi %mul3A_790, %add3A_791 : i32
          %get3A_793 = arith.index_cast %add3A_792 : i32 to index
          %get3A_794 = arith.constant 0 : index
          %get3A_795 = tpu.vector_load %arg13[%get3A_793, %get3A_794] {strides = array<i32>} : memref<32x16xi32, #tpu.memory_space<vmem>>, vector<16xi32>,
          %gather3A = tpu.vector_load_idx %arg10[%add3A_3, %get3A_795] : memref<128x32xf32, #tpu.memory_space<vmem>>[vector<16xi32>, vector<16xi32>], vector<16xf32>,
          %mul3A_796 = arith.mulf %mul3A_581, %gather3A : vector<16xf32>
          %gather3A_797 = tpu.vector_load_idx %arg10[%add3A_6, %get3A_795] : memref<128x32xf32, #tpu.memory_space<vmem>>[vector<16xi32>, vector<16xi32>], vector<16xf32>,
          %mul3A_798 = arith.mulf %mul3A_582, %gather3A_797 : vector<16xf32>
          %add3A_799 = arith.addf %mul3A_796, %mul3A_798 : vector<16xf32>
          %gather3A_800 = tpu.vector_load_idx %arg10[%add3A_9, %get3A_795] : memref<128x32xf32, #tpu.memory_space<vmem>>[vector<16xi32>, vector<16xi32>], vector<16xf32>,
          %mul3A_801 = arith.mulf %mul3A_583, %gather3A_800 : vector<16xf32>
          %gather3A_802 = tpu.vector_load_idx %arg10[%add3A_12, %get3A_795] : memref<128x32xf32, #tpu.memory_space<vmem>>[vector<16xi32>, vector<16xi32>], vector<16xf32>,
          %mul3A_803 = arith.mulf %mul3A_584, %gather3A_802 : vector<16xf32>
          %add3A_804 = arith.addf %mul3A_801, %mul3A_803 : vector<16xf32>
          %gather3A_805 = tpu.vector_load_idx %arg10[%add3A_15, %get3A_795] : memref<128x32xf32, #tpu.memory_space<vmem>>[vector<16xi32>, vector<16xi32>], vector<16xf32>,
          %mul3A_806 = arith.mulf %mul3A_585, %gather3A_805 : vector<16xf32>
          %gather3A_807 = tpu.vector_load_idx %arg10[%add3A_18, %get3A_795] : memref<128x32xf32, #tpu.memory_space<vmem>>[vector<16xi32>, vector<16xi32>], vector<16xf32>,
          %mul3A_808 = arith.mulf %mul3A_586, %gather3A_807 : vector<16xf32>
          %add3A_809 = arith.addf %mul3A_806, %mul3A_808 : vector<16xf32>
          %gather3A_810 = tpu.vector_load_idx %arg10[%add3A_21, %get3A_795] : memref<128x32xf32, #tpu.memory_space<vmem>>[vector<16xi32>, vector<16xi32>], vector<16xf32>,
          %mul3A_811 = arith.mulf %mul3A_587, %gather3A_810 : vector<16xf32>
          %gather3A_812 = tpu.vector_load_idx %arg10[%add3A_24, %get3A_795] : memref<128x32xf32, #tpu.memory_space<vmem>>[vector<16xi32>, vector<16xi32>], vector<16xf32>,
          %mul3A_813 = arith.mulf %mul3A_588, %gather3A_812 : vector<16xf32>
          %add3A_814 = arith.addf %mul3A_811, %mul3A_813 : vector<16xf32>
          %add3A_815 = arith.addf %add3A_799, %add3A_804 : vector<16xf32>
          %add3A_816 = arith.addf %add3A_809, %add3A_814 : vector<16xf32>
          %add3A_817 = arith.addf %add3A_815, %add3A_816 : vector<16xf32>
          %mul3A_818 = arith.constant 4 : i32
          %mul3A_819 = arith.muli %mul3A_818, %add3A_792 : i32
          %get3A_820 = arith.index_cast %mul3A_819 : i32 to index
          %get3A_821 = arith.constant 0 : index
          %get3A_822 = tpu.vector_load %arg16[%get3A_820, %get3A_821] {strides = array<i32>} : memref<128x16xf32, #tpu.memory_space<vmem>>, vector<16xf32>,
          %mul3A_823 = arith.mulf %add3A_817, %get3A_822 : vector<16xf32>
          %add3A_824 = arith.addf %scan3A_785, %mul3A_823 : vector<16xf32>
          %mul3A_825 = arith.constant 4 : i32
          %mul3A_826 = arith.muli %mul3A_825, %add3A_792 : i32
          %add3A_827 = arith.constant 1 : i32
          %add3A_828 = arith.addi %mul3A_826, %add3A_827 : i32
          %get3A_829 = arith.index_cast %add3A_828 : i32 to index
          %get3A_830 = arith.constant 0 : index
          %get3A_831 = tpu.vector_load %arg16[%get3A_829, %get3A_830] {strides = array<i32>} : memref<128x16xf32, #tpu.memory_space<vmem>>, vector<16xf32>,
          %mul3A_832 = arith.mulf %add3A_817, %get3A_831 : vector<16xf32>
          %add3A_833 = arith.addf %scan3A_786, %mul3A_832 : vector<16xf32>
          %mul3A_834 = arith.constant 4 : i32
          %mul3A_835 = arith.muli %mul3A_834, %add3A_792 : i32
          %add3A_836 = arith.constant 2 : i32
          %add3A_837 = arith.addi %mul3A_835, %add3A_836 : i32
          %get3A_838 = arith.index_cast %add3A_837 : i32 to index
          %get3A_839 = arith.constant 0 : index
          %get3A_840 = tpu.vector_load %arg16[%get3A_838, %get3A_839] {strides = array<i32>} : memref<128x16xf32, #tpu.memory_space<vmem>>, vector<16xf32>,
          %mul3A_841 = arith.mulf %add3A_817, %get3A_840 : vector<16xf32>
          %add3A_842 = arith.addf %scan3A_787, %mul3A_841 : vector<16xf32>
          %mul3A_843 = arith.constant 4 : i32
          %mul3A_844 = arith.muli %mul3A_843, %add3A_792 : i32
          %add3A_845 = arith.constant 3 : i32
          %add3A_846 = arith.addi %mul3A_844, %add3A_845 : i32
          %get3A_847 = arith.index_cast %add3A_846 : i32 to index
          %get3A_848 = arith.constant 0 : index
          %get3A_849 = tpu.vector_load %arg16[%get3A_847, %get3A_848] {strides = array<i32>} : memref<128x16xf32, #tpu.memory_space<vmem>>, vector<16xf32>,
          %mul3A_850 = arith.mulf %add3A_817, %get3A_849 : vector<16xf32>
          %add3A_851 = arith.addf %scan3A_788, %mul3A_850 : vector<16xf32>
          %mul3A_852 = arith.constant 4 : i32
          %mul3A_853 = arith.muli %mul3A_852, %scan3A_784 : i32
          %add3A_854 = arith.constant 1 : i32
          %add3A_855 = arith.addi %mul3A_853, %add3A_854 : i32
          %get3A_856 = arith.index_cast %add3A_855 : i32 to index
          %get3A_857 = arith.constant 0 : index
          %get3A_858 = tpu.vector_load %arg13[%get3A_856, %get3A_857] {strides = array<i32>} : memref<32x16xi32, #tpu.memory_space<vmem>>, vector<16xi32>,
          %gather3A_859 = tpu.vector_load_idx %arg10[%add3A_3, %get3A_858] : memref<128x32xf32, #tpu.memory_space<vmem>>[vector<16xi32>, vector<16xi32>], vector<16xf32>,
          %mul3A_860 = arith.mulf %mul3A_581, %gather3A_859 : vector<16xf32>
          %gather3A_861 = tpu.vector_load_idx %arg10[%add3A_6, %get3A_858] : memref<128x32xf32, #tpu.memory_space<vmem>>[vector<16xi32>, vector<16xi32>], vector<16xf32>,
          %mul3A_862 = arith.mulf %mul3A_582, %gather3A_861 : vector<16xf32>
          %add3A_863 = arith.addf %mul3A_860, %mul3A_862 : vector<16xf32>
          %gather3A_864 = tpu.vector_load_idx %arg10[%add3A_9, %get3A_858] : memref<128x32xf32, #tpu.memory_space<vmem>>[vector<16xi32>, vector<16xi32>], vector<16xf32>,
          %mul3A_865 = arith.mulf %mul3A_583, %gather3A_864 : vector<16xf32>
          %gather3A_866 = tpu.vector_load_idx %arg10[%add3A_12, %get3A_858] : memref<128x32xf32, #tpu.memory_space<vmem>>[vector<16xi32>, vector<16xi32>], vector<16xf32>,
          %mul3A_867 = arith.mulf %mul3A_584, %gather3A_866 : vector<16xf32>
          %add3A_868 = arith.addf %mul3A_865, %mul3A_867 : vector<16xf32>
          %gather3A_869 = tpu.vector_load_idx %arg10[%add3A_15, %get3A_858] : memref<128x32xf32, #tpu.memory_space<vmem>>[vector<16xi32>, vector<16xi32>], vector<16xf32>,
          %mul3A_870 = arith.mulf %mul3A_585, %gather3A_869 : vector<16xf32>
          %gather3A_871 = tpu.vector_load_idx %arg10[%add3A_18, %get3A_858] : memref<128x32xf32, #tpu.memory_space<vmem>>[vector<16xi32>, vector<16xi32>], vector<16xf32>,
          %mul3A_872 = arith.mulf %mul3A_586, %gather3A_871 : vector<16xf32>
          %add3A_873 = arith.addf %mul3A_870, %mul3A_872 : vector<16xf32>
          %gather3A_874 = tpu.vector_load_idx %arg10[%add3A_21, %get3A_858] : memref<128x32xf32, #tpu.memory_space<vmem>>[vector<16xi32>, vector<16xi32>], vector<16xf32>,
          %mul3A_875 = arith.mulf %mul3A_587, %gather3A_874 : vector<16xf32>
          %gather3A_876 = tpu.vector_load_idx %arg10[%add3A_24, %get3A_858] : memref<128x32xf32, #tpu.memory_space<vmem>>[vector<16xi32>, vector<16xi32>], vector<16xf32>,
          %mul3A_877 = arith.mulf %mul3A_588, %gather3A_876 : vector<16xf32>
          %add3A_878 = arith.addf %mul3A_875, %mul3A_877 : vector<16xf32>
          %add3A_879 = arith.addf %add3A_863, %add3A_868 : vector<16xf32>
          %add3A_880 = arith.addf %add3A_873, %add3A_878 : vector<16xf32>
          %add3A_881 = arith.addf %add3A_879, %add3A_880 : vector<16xf32>
          %mul3A_882 = arith.constant 4 : i32
          %mul3A_883 = arith.muli %mul3A_882, %add3A_855 : i32
          %get3A_884 = arith.index_cast %mul3A_883 : i32 to index
          %get3A_885 = arith.constant 0 : index
          %get3A_886 = tpu.vector_load %arg16[%get3A_884, %get3A_885] {strides = array<i32>} : memref<128x16xf32, #tpu.memory_space<vmem>>, vector<16xf32>,
          %mul3A_887 = arith.mulf %add3A_881, %get3A_886 : vector<16xf32>
          %add3A_888 = arith.addf %add3A_824, %mul3A_887 : vector<16xf32>
          %mul3A_889 = arith.constant 4 : i32
          %mul3A_890 = arith.muli %mul3A_889, %add3A_855 : i32
          %add3A_891 = arith.constant 1 : i32
          %add3A_892 = arith.addi %mul3A_890, %add3A_891 : i32
          %get3A_893 = arith.index_cast %add3A_892 : i32 to index
          %get3A_894 = arith.constant 0 : index
          %get3A_895 = tpu.vector_load %arg16[%get3A_893, %get3A_894] {strides = array<i32>} : memref<128x16xf32, #tpu.memory_space<vmem>>, vector<16xf32>,
          %mul3A_896 = arith.mulf %add3A_881, %get3A_895 : vector<16xf32>
          %add3A_897 = arith.addf %add3A_833, %mul3A_896 : vector<16xf32>
          %mul3A_898 = arith.constant 4 : i32
          %mul3A_899 = arith.muli %mul3A_898, %add3A_855 : i32
          %add3A_900 = arith.constant 2 : i32
          %add3A_901 = arith.addi %mul3A_899, %add3A_900 : i32
          %get3A_902 = arith.index_cast %add3A_901 : i32 to index
          %get3A_903 = arith.constant 0 : index
          %get3A_904 = tpu.vector_load %arg16[%get3A_902, %get3A_903] {strides = array<i32>} : memref<128x16xf32, #tpu.memory_space<vmem>>, vector<16xf32>,
          %mul3A_905 = arith.mulf %add3A_881, %get3A_904 : vector<16xf32>
          %add3A_906 = arith.addf %add3A_842, %mul3A_905 : vector<16xf32>
          %mul3A_907 = arith.constant 4 : i32
          %mul3A_908 = arith.muli %mul3A_907, %add3A_855 : i32
          %add3A_909 = arith.constant 3 : i32
          %add3A_910 = arith.addi %mul3A_908, %add3A_909 : i32
          %get3A_911 = arith.index_cast %add3A_910 : i32 to index
          %get3A_912 = arith.constant 0 : index
          %get3A_913 = tpu.vector_load %arg16[%get3A_911, %get3A_912] {strides = array<i32>} : memref<128x16xf32, #tpu.memory_space<vmem>>, vector<16xf32>,
          %mul3A_914 = arith.mulf %add3A_881, %get3A_913 : vector<16xf32>
          %add3A_915 = arith.addf %add3A_851, %mul3A_914 : vector<16xf32>
          %mul3A_916 = arith.constant 4 : i32
          %mul3A_917 = arith.muli %mul3A_916, %scan3A_784 : i32
          %add3A_918 = arith.constant 2 : i32
          %add3A_919 = arith.addi %mul3A_917, %add3A_918 : i32
          %get3A_920 = arith.index_cast %add3A_919 : i32 to index
          %get3A_921 = arith.constant 0 : index
          %get3A_922 = tpu.vector_load %arg13[%get3A_920, %get3A_921] {strides = array<i32>} : memref<32x16xi32, #tpu.memory_space<vmem>>, vector<16xi32>,
          %gather3A_923 = tpu.vector_load_idx %arg10[%add3A_3, %get3A_922] : memref<128x32xf32, #tpu.memory_space<vmem>>[vector<16xi32>, vector<16xi32>], vector<16xf32>,
          %mul3A_924 = arith.mulf %mul3A_581, %gather3A_923 : vector<16xf32>
          %gather3A_925 = tpu.vector_load_idx %arg10[%add3A_6, %get3A_922] : memref<128x32xf32, #tpu.memory_space<vmem>>[vector<16xi32>, vector<16xi32>], vector<16xf32>,
          %mul3A_926 = arith.mulf %mul3A_582, %gather3A_925 : vector<16xf32>
          %add3A_927 = arith.addf %mul3A_924, %mul3A_926 : vector<16xf32>
          %gather3A_928 = tpu.vector_load_idx %arg10[%add3A_9, %get3A_922] : memref<128x32xf32, #tpu.memory_space<vmem>>[vector<16xi32>, vector<16xi32>], vector<16xf32>,
          %mul3A_929 = arith.mulf %mul3A_583, %gather3A_928 : vector<16xf32>
          %gather3A_930 = tpu.vector_load_idx %arg10[%add3A_12, %get3A_922] : memref<128x32xf32, #tpu.memory_space<vmem>>[vector<16xi32>, vector<16xi32>], vector<16xf32>,
          %mul3A_931 = arith.mulf %mul3A_584, %gather3A_930 : vector<16xf32>
          %add3A_932 = arith.addf %mul3A_929, %mul3A_931 : vector<16xf32>
          %gather3A_933 = tpu.vector_load_idx %arg10[%add3A_15, %get3A_922] : memref<128x32xf32, #tpu.memory_space<vmem>>[vector<16xi32>, vector<16xi32>], vector<16xf32>,
          %mul3A_934 = arith.mulf %mul3A_585, %gather3A_933 : vector<16xf32>
          %gather3A_935 = tpu.vector_load_idx %arg10[%add3A_18, %get3A_922] : memref<128x32xf32, #tpu.memory_space<vmem>>[vector<16xi32>, vector<16xi32>], vector<16xf32>,
          %mul3A_936 = arith.mulf %mul3A_586, %gather3A_935 : vector<16xf32>
          %add3A_937 = arith.addf %mul3A_934, %mul3A_936 : vector<16xf32>
          %gather3A_938 = tpu.vector_load_idx %arg10[%add3A_21, %get3A_922] : memref<128x32xf32, #tpu.memory_space<vmem>>[vector<16xi32>, vector<16xi32>], vector<16xf32>,
          %mul3A_939 = arith.mulf %mul3A_587, %gather3A_938 : vector<16xf32>
          %gather3A_940 = tpu.vector_load_idx %arg10[%add3A_24, %get3A_922] : memref<128x32xf32, #tpu.memory_space<vmem>>[vector<16xi32>, vector<16xi32>], vector<16xf32>,
          %mul3A_941 = arith.mulf %mul3A_588, %gather3A_940 : vector<16xf32>
          %add3A_942 = arith.addf %mul3A_939, %mul3A_941 : vector<16xf32>
          %add3A_943 = arith.addf %add3A_927, %add3A_932 : vector<16xf32>
          %add3A_944 = arith.addf %add3A_937, %add3A_942 : vector<16xf32>
          %add3A_945 = arith.addf %add3A_943, %add3A_944 : vector<16xf32>
          %mul3A_946 = arith.constant 4 : i32
          %mul3A_947 = arith.muli %mul3A_946, %add3A_919 : i32
          %get3A_948 = arith.index_cast %mul3A_947 : i32 to index
          %get3A_949 = arith.constant 0 : index
          %get3A_950 = tpu.vector_load %arg16[%get3A_948, %get3A_949] {strides = array<i32>} : memref<128x16xf32, #tpu.memory_space<vmem>>, vector<16xf32>,
          %mul3A_951 = arith.mulf %add3A_945, %get3A_950 : vector<16xf32>
          %add3A_952 = arith.addf %add3A_888, %mul3A_951 : vector<16xf32>
          %mul3A_953 = arith.constant 4 : i32
          %mul3A_954 = arith.muli %mul3A_953, %add3A_919 : i32
          %add3A_955 = arith.constant 1 : i32
          %add3A_956 = arith.addi %mul3A_954, %add3A_955 : i32
          %get3A_957 = arith.index_cast %add3A_956 : i32 to index
          %get3A_958 = arith.constant 0 : index
          %get3A_959 = tpu.vector_load %arg16[%get3A_957, %get3A_958] {strides = array<i32>} : memref<128x16xf32, #tpu.memory_space<vmem>>, vector<16xf32>,
          %mul3A_960 = arith.mulf %add3A_945, %get3A_959 : vector<16xf32>
          %add3A_961 = arith.addf %add3A_897, %mul3A_960 : vector<16xf32>
          %mul3A_962 = arith.constant 4 : i32
          %mul3A_963 = arith.muli %mul3A_962, %add3A_919 : i32
          %add3A_964 = arith.constant 2 : i32
          %add3A_965 = arith.addi %mul3A_963, %add3A_964 : i32
          %get3A_966 = arith.index_cast %add3A_965 : i32 to index
          %get3A_967 = arith.constant 0 : index
          %get3A_968 = tpu.vector_load %arg16[%get3A_966, %get3A_967] {strides = array<i32>} : memref<128x16xf32, #tpu.memory_space<vmem>>, vector<16xf32>,
          %mul3A_969 = arith.mulf %add3A_945, %get3A_968 : vector<16xf32>
          %add3A_970 = arith.addf %add3A_906, %mul3A_969 : vector<16xf32>
          %mul3A_971 = arith.constant 4 : i32
          %mul3A_972 = arith.muli %mul3A_971, %add3A_919 : i32
          %add3A_973 = arith.constant 3 : i32
          %add3A_974 = arith.addi %mul3A_972, %add3A_973 : i32
          %get3A_975 = arith.index_cast %add3A_974 : i32 to index
          %get3A_976 = arith.constant 0 : index
          %get3A_977 = tpu.vector_load %arg16[%get3A_975, %get3A_976] {strides = array<i32>} : memref<128x16xf32, #tpu.memory_space<vmem>>, vector<16xf32>,
          %mul3A_978 = arith.mulf %add3A_945, %get3A_977 : vector<16xf32>
          %add3A_979 = arith.addf %add3A_915, %mul3A_978 : vector<16xf32>
          %mul3A_980 = arith.constant 4 : i32
          %mul3A_981 = arith.muli %mul3A_980, %scan3A_784 : i32
          %add3A_982 = arith.constant 3 : i32
          %add3A_983 = arith.addi %mul3A_981, %add3A_982 : i32
          %get3A_984 = arith.index_cast %add3A_983 : i32 to index
          %get3A_985 = arith.constant 0 : index
          %get3A_986 = tpu.vector_load %arg13[%get3A_984, %get3A_985] {strides = array<i32>} : memref<32x16xi32, #tpu.memory_space<vmem>>, vector<16xi32>,
          %gather3A_987 = tpu.vector_load_idx %arg10[%add3A_3, %get3A_986] : memref<128x32xf32, #tpu.memory_space<vmem>>[vector<16xi32>, vector<16xi32>], vector<16xf32>,
          %mul3A_988 = arith.mulf %mul3A_581, %gather3A_987 : vector<16xf32>
          %gather3A_989 = tpu.vector_load_idx %arg10[%add3A_6, %get3A_986] : memref<128x32xf32, #tpu.memory_space<vmem>>[vector<16xi32>, vector<16xi32>], vector<16xf32>,
          %mul3A_990 = arith.mulf %mul3A_582, %gather3A_989 : vector<16xf32>
          %add3A_991 = arith.addf %mul3A_988, %mul3A_990 : vector<16xf32>
          %gather3A_992 = tpu.vector_load_idx %arg10[%add3A_9, %get3A_986] : memref<128x32xf32, #tpu.memory_space<vmem>>[vector<16xi32>, vector<16xi32>], vector<16xf32>,
          %mul3A_993 = arith.mulf %mul3A_583, %gather3A_992 : vector<16xf32>
          %gather3A_994 = tpu.vector_load_idx %arg10[%add3A_12, %get3A_986] : memref<128x32xf32, #tpu.memory_space<vmem>>[vector<16xi32>, vector<16xi32>], vector<16xf32>,
          %mul3A_995 = arith.mulf %mul3A_584, %gather3A_994 : vector<16xf32>
          %add3A_996 = arith.addf %mul3A_993, %mul3A_995 : vector<16xf32>
          %gather3A_997 = tpu.vector_load_idx %arg10[%add3A_15, %get3A_986] : memref<128x32xf32, #tpu.memory_space<vmem>>[vector<16xi32>, vector<16xi32>], vector<16xf32>,
          %mul3A_998 = arith.mulf %mul3A_585, %gather3A_997 : vector<16xf32>
          %gather3A_999 = tpu.vector_load_idx %arg10[%add3A_18, %get3A_986] : memref<128x32xf32, #tpu.memory_space<vmem>>[vector<16xi32>, vector<16xi32>], vector<16xf32>,
          %mul3A_1000 = arith.mulf %mul3A_586, %gather3A_999 : vector<16xf32>
          %add3A_1001 = arith.addf %mul3A_998, %mul3A_1000 : vector<16xf32>
          %gather3A_1002 = tpu.vector_load_idx %arg10[%add3A_21, %get3A_986] : memref<128x32xf32, #tpu.memory_space<vmem>>[vector<16xi32>, vector<16xi32>], vector<16xf32>,
          %mul3A_1003 = arith.mulf %mul3A_587, %gather3A_1002 : vector<16xf32>
          %gather3A_1004 = tpu.vector_load_idx %arg10[%add3A_24, %get3A_986] : memref<128x32xf32, #tpu.memory_space<vmem>>[vector<16xi32>, vector<16xi32>], vector<16xf32>,
          %mul3A_1005 = arith.mulf %mul3A_588, %gather3A_1004 : vector<16xf32>
          %add3A_1006 = arith.addf %mul3A_1003, %mul3A_1005 : vector<16xf32>
          %add3A_1007 = arith.addf %add3A_991, %add3A_996 : vector<16xf32>
          %add3A_1008 = arith.addf %add3A_1001, %add3A_1006 : vector<16xf32>
          %add3A_1009 = arith.addf %add3A_1007, %add3A_1008 : vector<16xf32>
          %mul3A_1010 = arith.constant 4 : i32
          %mul3A_1011 = arith.muli %mul3A_1010, %add3A_983 : i32
          %get3A_1012 = arith.index_cast %mul3A_1011 : i32 to index
          %get3A_1013 = arith.constant 0 : index
          %get3A_1014 = tpu.vector_load %arg16[%get3A_1012, %get3A_1013] {strides = array<i32>} : memref<128x16xf32, #tpu.memory_space<vmem>>, vector<16xf32>,
          %mul3A_1015 = arith.mulf %add3A_1009, %get3A_1014 : vector<16xf32>
          %add3A_1016 = arith.addf %add3A_952, %mul3A_1015 : vector<16xf32>
          %mul3A_1017 = arith.constant 4 : i32
          %mul3A_1018 = arith.muli %mul3A_1017, %add3A_983 : i32
          %add3A_1019 = arith.constant 1 : i32
          %add3A_1020 = arith.addi %mul3A_1018, %add3A_1019 : i32
          %get3A_1021 = arith.index_cast %add3A_1020 : i32 to index
          %get3A_1022 = arith.constant 0 : index
          %get3A_1023 = tpu.vector_load %arg16[%get3A_1021, %get3A_1022] {strides = array<i32>} : memref<128x16xf32, #tpu.memory_space<vmem>>, vector<16xf32>,
          %mul3A_1024 = arith.mulf %add3A_1009, %get3A_1023 : vector<16xf32>
          %add3A_1025 = arith.addf %add3A_961, %mul3A_1024 : vector<16xf32>
          %mul3A_1026 = arith.constant 4 : i32
          %mul3A_1027 = arith.muli %mul3A_1026, %add3A_983 : i32
          %add3A_1028 = arith.constant 2 : i32
          %add3A_1029 = arith.addi %mul3A_1027, %add3A_1028 : i32
          %get3A_1030 = arith.index_cast %add3A_1029 : i32 to index
          %get3A_1031 = arith.constant 0 : index
          %get3A_1032 = tpu.vector_load %arg16[%get3A_1030, %get3A_1031] {strides = array<i32>} : memref<128x16xf32, #tpu.memory_space<vmem>>, vector<16xf32>,
          %mul3A_1033 = arith.mulf %add3A_1009, %get3A_1032 : vector<16xf32>
          %add3A_1034 = arith.addf %add3A_970, %mul3A_1033 : vector<16xf32>
          %mul3A_1035 = arith.constant 4 : i32
          %mul3A_1036 = arith.muli %mul3A_1035, %add3A_983 : i32
          %add3A_1037 = arith.constant 3 : i32
          %add3A_1038 = arith.addi %mul3A_1036, %add3A_1037 : i32
          %get3A_1039 = arith.index_cast %add3A_1038 : i32 to index
          %get3A_1040 = arith.constant 0 : index
          %get3A_1041 = tpu.vector_load %arg16[%get3A_1039, %get3A_1040] {strides = array<i32>} : memref<128x16xf32, #tpu.memory_space<vmem>>, vector<16xf32>,
          %mul3A_1042 = arith.mulf %add3A_1009, %get3A_1041 : vector<16xf32>
          %add3A_1043 = arith.addf %add3A_979, %mul3A_1042 : vector<16xf32>
          scf.yield %add3A_1016, %add3A_1025, %add3A_1034, %add3A_1043 : vector<16xf32>, vector<16xf32>, vector<16xf32>, vector<16xf32>
        }
        %scan3A_596 = arith.constant 8 : i32
        %max3A_597 = arith.constant 0.000000e+00 : f32
        %max3A_598 = vector.broadcast %max3A_597 : f32 to vector<16xf32>
        %max3A_599 = arith.maximumf %scan3A_595#3, %max3A_598 : vector<16xf32>
        %neg3A_600 = arith.constant 0.000000e+00 : f32
        %neg3A_601 = vector.broadcast %neg3A_600 : f32 to vector<16xf32>
        %neg3A_602 = arith.subf %neg3A_601, %scan3A_595#0 : vector<16xf32>
        %exp3A_603 = math.exp %neg3A_602 : vector<16xf32>
        %add3A_604 = arith.constant 1.000000e+00 : f32
        %add3A_605 = vector.broadcast %add3A_604 : f32 to vector<16xf32>
        %add3A_606 = arith.addf %add3A_605, %exp3A_603 : vector<16xf32>
        %div3A_607 = arith.constant 1.000000e+00 : f32
        %div3A_608 = vector.broadcast %div3A_607 : f32 to vector<16xf32>
        %div3A_609 = arith.divf %div3A_608, %add3A_606 : vector<16xf32>
        %neg3A_610 = arith.constant 0.000000e+00 : f32
        %neg3A_611 = vector.broadcast %neg3A_610 : f32 to vector<16xf32>
        %neg3A_612 = arith.subf %neg3A_611, %scan3A_595#1 : vector<16xf32>
        %exp3A_613 = math.exp %neg3A_612 : vector<16xf32>
        %add3A_614 = arith.constant 1.000000e+00 : f32
        %add3A_615 = vector.broadcast %add3A_614 : f32 to vector<16xf32>
        %add3A_616 = arith.addf %add3A_615, %exp3A_613 : vector<16xf32>
        %div3A_617 = arith.constant 1.000000e+00 : f32
        %div3A_618 = vector.broadcast %div3A_617 : f32 to vector<16xf32>
        %div3A_619 = arith.divf %div3A_618, %add3A_616 : vector<16xf32>
        %neg3A_620 = arith.constant 0.000000e+00 : f32
        %neg3A_621 = vector.broadcast %neg3A_620 : f32 to vector<16xf32>
        %neg3A_622 = arith.subf %neg3A_621, %scan3A_595#2 : vector<16xf32>
        %exp3A_623 = math.exp %neg3A_622 : vector<16xf32>
        %add3A_624 = arith.constant 1.000000e+00 : f32
        %add3A_625 = vector.broadcast %add3A_624 : f32 to vector<16xf32>
        %add3A_626 = arith.addf %add3A_625, %exp3A_623 : vector<16xf32>
        %div3A_627 = arith.constant 1.000000e+00 : f32
        %div3A_628 = vector.broadcast %div3A_627 : f32 to vector<16xf32>
        %div3A_629 = arith.divf %div3A_628, %add3A_626 : vector<16xf32>
        %neg3A_630 = arith.constant 0.000000e+00 : f32
        %neg3A_631 = vector.broadcast %neg3A_630 : f32 to vector<16xf32>
        %neg3A_632 = arith.subf %neg3A_631, %max3A_599 : vector<16xf32>
        %mul3A_633 = arith.mulf %neg3A_632, %get3A_147 : vector<16xf32>
        %exp3A_634 = math.exp %mul3A_633 : vector<16xf32>
        %sub3A_635 = arith.constant 1.000000e+00 : f32
        %sub3A_636 = vector.broadcast %sub3A_635 : f32 to vector<16xf32>
        %sub3A_637 = arith.subf %sub3A_636, %exp3A_634 : vector<16xf32>
        %mul3A_638 = arith.mulf %sub3A_637, %mul3A_533 : vector<16xf32>
        %mul3A_639 = arith.mulf %mul3A_638, %div3A_609 : vector<16xf32>
        %add3A_640 = arith.addf %add3A_521, %mul3A_639 : vector<16xf32>
        %mul3A_641 = arith.mulf %mul3A_638, %div3A_619 : vector<16xf32>
        %add3A_642 = arith.addf %add3A_523, %mul3A_641 : vector<16xf32>
        %mul3A_643 = arith.mulf %mul3A_638, %div3A_629 : vector<16xf32>
        %add3A_644 = arith.addf %add3A_525, %mul3A_643 : vector<16xf32>
        %add3A_645 = arith.addf %add3A_526, %mul3A_638 : vector<16xf32>
        %sub3A_646 = arith.constant 1.000000e+00 : f32
        %sub3A_647 = vector.broadcast %sub3A_646 : f32 to vector<16xf32>
        %sub3A_648 = arith.subf %sub3A_647, %sub3A_637 : vector<16xf32>
        %add3A_649 = arith.constant 1.000000e-10 : f32
        %add3A_650 = vector.broadcast %add3A_649 : f32 to vector<16xf32>
        %add3A_651 = arith.addf %sub3A_648, %add3A_650 : vector<16xf32>
        %mul3A_652 = arith.mulf %mul3A_533, %add3A_651 : vector<16xf32>
        %add3A_653 = arith.constant 4 : i32
        %add3A_654 = arith.addi %add3A_549, %add3A_653 : i32
        %lt3A_655 = arith.constant 64 : i32
        %lt3A_656 = arith.cmpi slt, %add3A_654, %lt3A_655 : i32
        %convert_element_type3A_657 = arith.extui %lt3A_656 : i1 to i32
        %cond3A_658 = arith.constant 0 : i32
        %cond3A_659 = arith.cmpi ne, %convert_element_type3A_657, %cond3A_658 : i32
        scf.if %cond3A_659 {
          %dma_start3A_784 = arith.constant 0 : i32
          %dma_start3A_785 = tpu.memref_slice %arg6[%and3A_128, %add3A_654, %dma_start3A_784] : memref<2x64x128xi32, #tpu.memory_space<vmem>> -> memref<1x1x128xi32, #tpu.memory_space<vmem>>
          %dma_start3A_786 = tpu.memref_squeeze %dma_start3A_785 : memref<1x1x128xi32, #tpu.memory_space<vmem>> -> memref<128xi32, #tpu.memory_space<vmem>>
          %dma_start3A_787 = arith.constant 0 : i32
          %dma_start3A_788 = arith.constant 0 : i32
          %dma_start3A_789 = tpu.memref_slice %arg2[%dma_start3A_787, %dma_start3A_788] : memref<274625x32xf32, #tpu.memory_space<hbm>> -> memref<274625x32xf32, #tpu.memory_space<hbm>>
          tpu.enqueue_indirect_dma source(%dma_start3A_789 : memref<274625x32xf32, #tpu.memory_space<hbm>>) target(%arg10 : memref<128x32xf32, #tpu.memory_space<vmem>>) offsets(%dma_start3A_786 : memref<128xi32, #tpu.memory_space<vmem>>) semaphore(%arg19 : memref<!tpu.dma_semaphore, #tpu.memory_space<semaphore_mem>>)
        } else {
        }
        %ge3A_660 = arith.constant 64 : i32
        %ge3A_661 = arith.cmpi sge, %add3A_654, %ge3A_660 : i32
        %convert_element_type3A_662 = arith.extui %ge3A_661 : i1 to i32
        %cond3A_663 = arith.constant 0 : i32
        %cond3A_664 = arith.cmpi ne, %convert_element_type3A_662, %cond3A_663 : i32
        scf.if %cond3A_664 {
          %sub3A_784 = arith.constant 64 : i32
          %sub3A_785 = arith.subi %add3A_654, %sub3A_784 : i32
          %dma_start3A_786 = arith.constant 0 : i32
          %dma_start3A_787 = tpu.memref_slice %arg6[%sub3A_129, %sub3A_785, %dma_start3A_786] : memref<2x64x128xi32, #tpu.memory_space<vmem>> -> memref<1x1x128xi32, #tpu.memory_space<vmem>>
          %dma_start3A_788 = tpu.memref_squeeze %dma_start3A_787 : memref<1x1x128xi32, #tpu.memory_space<vmem>> -> memref<128xi32, #tpu.memory_space<vmem>>
          %dma_start3A_789 = arith.constant 0 : i32
          %dma_start3A_790 = arith.constant 0 : i32
          %dma_start3A_791 = tpu.memref_slice %arg2[%dma_start3A_789, %dma_start3A_790] : memref<274625x32xf32, #tpu.memory_space<hbm>> -> memref<274625x32xf32, #tpu.memory_space<hbm>>
          tpu.enqueue_indirect_dma source(%dma_start3A_791 : memref<274625x32xf32, #tpu.memory_space<hbm>>) target(%arg10 : memref<128x32xf32, #tpu.memory_space<vmem>>) offsets(%dma_start3A_788 : memref<128xi32, #tpu.memory_space<vmem>>) semaphore(%arg19 : memref<!tpu.dma_semaphore, #tpu.memory_space<semaphore_mem>>)
        } else {
        }
        %mul3A_665 = arith.constant 4 : i32
        %mul3A_666 = arith.muli %mul3A_665, %scan3A_310 : i32
        %add3A_667 = arith.constant 3 : i32
        %add3A_668 = arith.addi %mul3A_666, %add3A_667 : i32
        %dma_wait3A_669 = arith.constant 0 : i32
        %dma_wait3A_670 = tpu.memref_slice %arg6[%and3A_128, %add3A_668, %dma_wait3A_669] : memref<2x64x128xi32, #tpu.memory_space<vmem>> -> memref<1x1x128xi32, #tpu.memory_space<vmem>>
        %dma_wait3A_671 = tpu.memref_squeeze %dma_wait3A_670 : memref<1x1x128xi32, #tpu.memory_space<vmem>> -> memref<128xi32, #tpu.memory_space<vmem>>
        %dma_wait3A_672 = arith.constant 0 : i32
        %dma_wait3A_673 = arith.constant 0 : i32
        %dma_wait3A_674 = tpu.memref_slice %arg2[%dma_wait3A_672, %dma_wait3A_673] : memref<274625x32xf32, #tpu.memory_space<hbm>> -> memref<274625x32xf32, #tpu.memory_space<hbm>>
        tpu.wait_indirect_dma semaphore(%arg20 : memref<!tpu.dma_semaphore, #tpu.memory_space<semaphore_mem>>) src(%dma_wait3A_674 : memref<274625x32xf32, #tpu.memory_space<hbm>>) dst(%arg11 : memref<128x32xf32, #tpu.memory_space<vmem>>)
        %get3A_675 = arith.index_cast %and3A_128 : i32 to index
        %get3A_676 = arith.index_cast %add3A_668 : i32 to index
        %get3A_677 = arith.constant 0 : index
        %get3A_678 = tpu.vector_load %arg7[%get3A_675, %get3A_676, %get3A_677] {strides = array<i32>} : memref<2x64x48xf32, #tpu.memory_space<vmem>>, vector<16xf32>,
        %get3A_679 = arith.index_cast %and3A_128 : i32 to index
        %get3A_680 = arith.index_cast %add3A_668 : i32 to index
        %get3A_681 = arith.constant 16 : index
        %get3A_682 = tpu.vector_load %arg7[%get3A_679, %get3A_680, %get3A_681] {strides = array<i32>} : memref<2x64x48xf32, #tpu.memory_space<vmem>>, vector<16xf32>,
        %get3A_683 = arith.index_cast %and3A_128 : i32 to index
        %get3A_684 = arith.index_cast %add3A_668 : i32 to index
        %get3A_685 = arith.constant 32 : index
        %get3A_686 = tpu.vector_load %arg7[%get3A_683, %get3A_684, %get3A_685] {strides = array<i32>} : memref<2x64x48xf32, #tpu.memory_space<vmem>>, vector<16xf32>,
        %sub3A_687 = arith.constant 1.000000e+00 : f32
        %sub3A_688 = vector.broadcast %sub3A_687 : f32 to vector<16xf32>
        %sub3A_689 = arith.subf %sub3A_688, %get3A_678 : vector<16xf32>
        %sub3A_690 = arith.constant 1.000000e+00 : f32
        %sub3A_691 = vector.broadcast %sub3A_690 : f32 to vector<16xf32>
        %sub3A_692 = arith.subf %sub3A_691, %get3A_682 : vector<16xf32>
        %sub3A_693 = arith.constant 1.000000e+00 : f32
        %sub3A_694 = vector.broadcast %sub3A_693 : f32 to vector<16xf32>
        %sub3A_695 = arith.subf %sub3A_694, %get3A_686 : vector<16xf32>
        %mul3A_696 = arith.mulf %sub3A_689, %sub3A_692 : vector<16xf32>
        %mul3A_697 = arith.mulf %sub3A_689, %get3A_682 : vector<16xf32>
        %mul3A_698 = arith.mulf %get3A_678, %sub3A_692 : vector<16xf32>
        %mul3A_699 = arith.mulf %get3A_678, %get3A_682 : vector<16xf32>
        %mul3A_700 = arith.mulf %mul3A_696, %sub3A_695 : vector<16xf32>
        %mul3A_701 = arith.mulf %mul3A_696, %get3A_686 : vector<16xf32>
        %mul3A_702 = arith.mulf %mul3A_697, %sub3A_695 : vector<16xf32>
        %mul3A_703 = arith.mulf %mul3A_697, %get3A_686 : vector<16xf32>
        %mul3A_704 = arith.mulf %mul3A_698, %sub3A_695 : vector<16xf32>
        %mul3A_705 = arith.mulf %mul3A_698, %get3A_686 : vector<16xf32>
        %mul3A_706 = arith.mulf %mul3A_699, %sub3A_695 : vector<16xf32>
        %mul3A_707 = arith.mulf %mul3A_699, %get3A_686 : vector<16xf32>
        %broadcast_in_dim3A_708 = arith.constant 0.000000e+00 : f32
        %broadcast_in_dim3A_709 = vector.broadcast %broadcast_in_dim3A_708 : f32 to vector<16xf32>
        %scan3A_710 = arith.constant 0 : i32
        %scan3A_711 = arith.constant 8 : i32
        %scan3A_712 = arith.addi %scan3A_710, %scan3A_711 : i32
        %scan3A_713 = arith.constant 1 : i32
        %scan3A_714:4 = scf.for %scan3A_784 = %scan3A_710 to %scan3A_712 step %scan3A_713 iter_args(%scan3A_785 = %broadcast_in_dim3A_709, %scan3A_786 = %broadcast_in_dim3A_709, %scan3A_787 = %broadcast_in_dim3A_709, %scan3A_788 = %broadcast_in_dim3A_709) -> (vector<16xf32>, vector<16xf32>, vector<16xf32>, vector<16xf32>)  : i32 {
          %mul3A_789 = arith.constant 4 : i32
          %mul3A_790 = arith.muli %mul3A_789, %scan3A_784 : i32
          %add3A_791 = arith.constant 0 : i32
          %add3A_792 = arith.addi %mul3A_790, %add3A_791 : i32
          %get3A_793 = arith.index_cast %add3A_792 : i32 to index
          %get3A_794 = arith.constant 0 : index
          %get3A_795 = tpu.vector_load %arg13[%get3A_793, %get3A_794] {strides = array<i32>} : memref<32x16xi32, #tpu.memory_space<vmem>>, vector<16xi32>,
          %gather3A = tpu.vector_load_idx %arg11[%add3A_3, %get3A_795] : memref<128x32xf32, #tpu.memory_space<vmem>>[vector<16xi32>, vector<16xi32>], vector<16xf32>,
          %mul3A_796 = arith.mulf %mul3A_700, %gather3A : vector<16xf32>
          %gather3A_797 = tpu.vector_load_idx %arg11[%add3A_6, %get3A_795] : memref<128x32xf32, #tpu.memory_space<vmem>>[vector<16xi32>, vector<16xi32>], vector<16xf32>,
          %mul3A_798 = arith.mulf %mul3A_701, %gather3A_797 : vector<16xf32>
          %add3A_799 = arith.addf %mul3A_796, %mul3A_798 : vector<16xf32>
          %gather3A_800 = tpu.vector_load_idx %arg11[%add3A_9, %get3A_795] : memref<128x32xf32, #tpu.memory_space<vmem>>[vector<16xi32>, vector<16xi32>], vector<16xf32>,
          %mul3A_801 = arith.mulf %mul3A_702, %gather3A_800 : vector<16xf32>
          %gather3A_802 = tpu.vector_load_idx %arg11[%add3A_12, %get3A_795] : memref<128x32xf32, #tpu.memory_space<vmem>>[vector<16xi32>, vector<16xi32>], vector<16xf32>,
          %mul3A_803 = arith.mulf %mul3A_703, %gather3A_802 : vector<16xf32>
          %add3A_804 = arith.addf %mul3A_801, %mul3A_803 : vector<16xf32>
          %gather3A_805 = tpu.vector_load_idx %arg11[%add3A_15, %get3A_795] : memref<128x32xf32, #tpu.memory_space<vmem>>[vector<16xi32>, vector<16xi32>], vector<16xf32>,
          %mul3A_806 = arith.mulf %mul3A_704, %gather3A_805 : vector<16xf32>
          %gather3A_807 = tpu.vector_load_idx %arg11[%add3A_18, %get3A_795] : memref<128x32xf32, #tpu.memory_space<vmem>>[vector<16xi32>, vector<16xi32>], vector<16xf32>,
          %mul3A_808 = arith.mulf %mul3A_705, %gather3A_807 : vector<16xf32>
          %add3A_809 = arith.addf %mul3A_806, %mul3A_808 : vector<16xf32>
          %gather3A_810 = tpu.vector_load_idx %arg11[%add3A_21, %get3A_795] : memref<128x32xf32, #tpu.memory_space<vmem>>[vector<16xi32>, vector<16xi32>], vector<16xf32>,
          %mul3A_811 = arith.mulf %mul3A_706, %gather3A_810 : vector<16xf32>
          %gather3A_812 = tpu.vector_load_idx %arg11[%add3A_24, %get3A_795] : memref<128x32xf32, #tpu.memory_space<vmem>>[vector<16xi32>, vector<16xi32>], vector<16xf32>,
          %mul3A_813 = arith.mulf %mul3A_707, %gather3A_812 : vector<16xf32>
          %add3A_814 = arith.addf %mul3A_811, %mul3A_813 : vector<16xf32>
          %add3A_815 = arith.addf %add3A_799, %add3A_804 : vector<16xf32>
          %add3A_816 = arith.addf %add3A_809, %add3A_814 : vector<16xf32>
          %add3A_817 = arith.addf %add3A_815, %add3A_816 : vector<16xf32>
          %mul3A_818 = arith.constant 4 : i32
          %mul3A_819 = arith.muli %mul3A_818, %add3A_792 : i32
          %get3A_820 = arith.index_cast %mul3A_819 : i32 to index
          %get3A_821 = arith.constant 0 : index
          %get3A_822 = tpu.vector_load %arg16[%get3A_820, %get3A_821] {strides = array<i32>} : memref<128x16xf32, #tpu.memory_space<vmem>>, vector<16xf32>,
          %mul3A_823 = arith.mulf %add3A_817, %get3A_822 : vector<16xf32>
          %add3A_824 = arith.addf %scan3A_785, %mul3A_823 : vector<16xf32>
          %mul3A_825 = arith.constant 4 : i32
          %mul3A_826 = arith.muli %mul3A_825, %add3A_792 : i32
          %add3A_827 = arith.constant 1 : i32
          %add3A_828 = arith.addi %mul3A_826, %add3A_827 : i32
          %get3A_829 = arith.index_cast %add3A_828 : i32 to index
          %get3A_830 = arith.constant 0 : index
          %get3A_831 = tpu.vector_load %arg16[%get3A_829, %get3A_830] {strides = array<i32>} : memref<128x16xf32, #tpu.memory_space<vmem>>, vector<16xf32>,
          %mul3A_832 = arith.mulf %add3A_817, %get3A_831 : vector<16xf32>
          %add3A_833 = arith.addf %scan3A_786, %mul3A_832 : vector<16xf32>
          %mul3A_834 = arith.constant 4 : i32
          %mul3A_835 = arith.muli %mul3A_834, %add3A_792 : i32
          %add3A_836 = arith.constant 2 : i32
          %add3A_837 = arith.addi %mul3A_835, %add3A_836 : i32
          %get3A_838 = arith.index_cast %add3A_837 : i32 to index
          %get3A_839 = arith.constant 0 : index
          %get3A_840 = tpu.vector_load %arg16[%get3A_838, %get3A_839] {strides = array<i32>} : memref<128x16xf32, #tpu.memory_space<vmem>>, vector<16xf32>,
          %mul3A_841 = arith.mulf %add3A_817, %get3A_840 : vector<16xf32>
          %add3A_842 = arith.addf %scan3A_787, %mul3A_841 : vector<16xf32>
          %mul3A_843 = arith.constant 4 : i32
          %mul3A_844 = arith.muli %mul3A_843, %add3A_792 : i32
          %add3A_845 = arith.constant 3 : i32
          %add3A_846 = arith.addi %mul3A_844, %add3A_845 : i32
          %get3A_847 = arith.index_cast %add3A_846 : i32 to index
          %get3A_848 = arith.constant 0 : index
          %get3A_849 = tpu.vector_load %arg16[%get3A_847, %get3A_848] {strides = array<i32>} : memref<128x16xf32, #tpu.memory_space<vmem>>, vector<16xf32>,
          %mul3A_850 = arith.mulf %add3A_817, %get3A_849 : vector<16xf32>
          %add3A_851 = arith.addf %scan3A_788, %mul3A_850 : vector<16xf32>
          %mul3A_852 = arith.constant 4 : i32
          %mul3A_853 = arith.muli %mul3A_852, %scan3A_784 : i32
          %add3A_854 = arith.constant 1 : i32
          %add3A_855 = arith.addi %mul3A_853, %add3A_854 : i32
          %get3A_856 = arith.index_cast %add3A_855 : i32 to index
          %get3A_857 = arith.constant 0 : index
          %get3A_858 = tpu.vector_load %arg13[%get3A_856, %get3A_857] {strides = array<i32>} : memref<32x16xi32, #tpu.memory_space<vmem>>, vector<16xi32>,
          %gather3A_859 = tpu.vector_load_idx %arg11[%add3A_3, %get3A_858] : memref<128x32xf32, #tpu.memory_space<vmem>>[vector<16xi32>, vector<16xi32>], vector<16xf32>,
          %mul3A_860 = arith.mulf %mul3A_700, %gather3A_859 : vector<16xf32>
          %gather3A_861 = tpu.vector_load_idx %arg11[%add3A_6, %get3A_858] : memref<128x32xf32, #tpu.memory_space<vmem>>[vector<16xi32>, vector<16xi32>], vector<16xf32>,
          %mul3A_862 = arith.mulf %mul3A_701, %gather3A_861 : vector<16xf32>
          %add3A_863 = arith.addf %mul3A_860, %mul3A_862 : vector<16xf32>
          %gather3A_864 = tpu.vector_load_idx %arg11[%add3A_9, %get3A_858] : memref<128x32xf32, #tpu.memory_space<vmem>>[vector<16xi32>, vector<16xi32>], vector<16xf32>,
          %mul3A_865 = arith.mulf %mul3A_702, %gather3A_864 : vector<16xf32>
          %gather3A_866 = tpu.vector_load_idx %arg11[%add3A_12, %get3A_858] : memref<128x32xf32, #tpu.memory_space<vmem>>[vector<16xi32>, vector<16xi32>], vector<16xf32>,
          %mul3A_867 = arith.mulf %mul3A_703, %gather3A_866 : vector<16xf32>
          %add3A_868 = arith.addf %mul3A_865, %mul3A_867 : vector<16xf32>
          %gather3A_869 = tpu.vector_load_idx %arg11[%add3A_15, %get3A_858] : memref<128x32xf32, #tpu.memory_space<vmem>>[vector<16xi32>, vector<16xi32>], vector<16xf32>,
          %mul3A_870 = arith.mulf %mul3A_704, %gather3A_869 : vector<16xf32>
          %gather3A_871 = tpu.vector_load_idx %arg11[%add3A_18, %get3A_858] : memref<128x32xf32, #tpu.memory_space<vmem>>[vector<16xi32>, vector<16xi32>], vector<16xf32>,
          %mul3A_872 = arith.mulf %mul3A_705, %gather3A_871 : vector<16xf32>
          %add3A_873 = arith.addf %mul3A_870, %mul3A_872 : vector<16xf32>
          %gather3A_874 = tpu.vector_load_idx %arg11[%add3A_21, %get3A_858] : memref<128x32xf32, #tpu.memory_space<vmem>>[vector<16xi32>, vector<16xi32>], vector<16xf32>,
          %mul3A_875 = arith.mulf %mul3A_706, %gather3A_874 : vector<16xf32>
          %gather3A_876 = tpu.vector_load_idx %arg11[%add3A_24, %get3A_858] : memref<128x32xf32, #tpu.memory_space<vmem>>[vector<16xi32>, vector<16xi32>], vector<16xf32>,
          %mul3A_877 = arith.mulf %mul3A_707, %gather3A_876 : vector<16xf32>
          %add3A_878 = arith.addf %mul3A_875, %mul3A_877 : vector<16xf32>
          %add3A_879 = arith.addf %add3A_863, %add3A_868 : vector<16xf32>
          %add3A_880 = arith.addf %add3A_873, %add3A_878 : vector<16xf32>
          %add3A_881 = arith.addf %add3A_879, %add3A_880 : vector<16xf32>
          %mul3A_882 = arith.constant 4 : i32
          %mul3A_883 = arith.muli %mul3A_882, %add3A_855 : i32
          %get3A_884 = arith.index_cast %mul3A_883 : i32 to index
          %get3A_885 = arith.constant 0 : index
          %get3A_886 = tpu.vector_load %arg16[%get3A_884, %get3A_885] {strides = array<i32>} : memref<128x16xf32, #tpu.memory_space<vmem>>, vector<16xf32>,
          %mul3A_887 = arith.mulf %add3A_881, %get3A_886 : vector<16xf32>
          %add3A_888 = arith.addf %add3A_824, %mul3A_887 : vector<16xf32>
          %mul3A_889 = arith.constant 4 : i32
          %mul3A_890 = arith.muli %mul3A_889, %add3A_855 : i32
          %add3A_891 = arith.constant 1 : i32
          %add3A_892 = arith.addi %mul3A_890, %add3A_891 : i32
          %get3A_893 = arith.index_cast %add3A_892 : i32 to index
          %get3A_894 = arith.constant 0 : index
          %get3A_895 = tpu.vector_load %arg16[%get3A_893, %get3A_894] {strides = array<i32>} : memref<128x16xf32, #tpu.memory_space<vmem>>, vector<16xf32>,
          %mul3A_896 = arith.mulf %add3A_881, %get3A_895 : vector<16xf32>
          %add3A_897 = arith.addf %add3A_833, %mul3A_896 : vector<16xf32>
          %mul3A_898 = arith.constant 4 : i32
          %mul3A_899 = arith.muli %mul3A_898, %add3A_855 : i32
          %add3A_900 = arith.constant 2 : i32
          %add3A_901 = arith.addi %mul3A_899, %add3A_900 : i32
          %get3A_902 = arith.index_cast %add3A_901 : i32 to index
          %get3A_903 = arith.constant 0 : index
          %get3A_904 = tpu.vector_load %arg16[%get3A_902, %get3A_903] {strides = array<i32>} : memref<128x16xf32, #tpu.memory_space<vmem>>, vector<16xf32>,
          %mul3A_905 = arith.mulf %add3A_881, %get3A_904 : vector<16xf32>
          %add3A_906 = arith.addf %add3A_842, %mul3A_905 : vector<16xf32>
          %mul3A_907 = arith.constant 4 : i32
          %mul3A_908 = arith.muli %mul3A_907, %add3A_855 : i32
          %add3A_909 = arith.constant 3 : i32
          %add3A_910 = arith.addi %mul3A_908, %add3A_909 : i32
          %get3A_911 = arith.index_cast %add3A_910 : i32 to index
          %get3A_912 = arith.constant 0 : index
          %get3A_913 = tpu.vector_load %arg16[%get3A_911, %get3A_912] {strides = array<i32>} : memref<128x16xf32, #tpu.memory_space<vmem>>, vector<16xf32>,
          %mul3A_914 = arith.mulf %add3A_881, %get3A_913 : vector<16xf32>
          %add3A_915 = arith.addf %add3A_851, %mul3A_914 : vector<16xf32>
          %mul3A_916 = arith.constant 4 : i32
          %mul3A_917 = arith.muli %mul3A_916, %scan3A_784 : i32
          %add3A_918 = arith.constant 2 : i32
          %add3A_919 = arith.addi %mul3A_917, %add3A_918 : i32
          %get3A_920 = arith.index_cast %add3A_919 : i32 to index
          %get3A_921 = arith.constant 0 : index
          %get3A_922 = tpu.vector_load %arg13[%get3A_920, %get3A_921] {strides = array<i32>} : memref<32x16xi32, #tpu.memory_space<vmem>>, vector<16xi32>,
          %gather3A_923 = tpu.vector_load_idx %arg11[%add3A_3, %get3A_922] : memref<128x32xf32, #tpu.memory_space<vmem>>[vector<16xi32>, vector<16xi32>], vector<16xf32>,
          %mul3A_924 = arith.mulf %mul3A_700, %gather3A_923 : vector<16xf32>
          %gather3A_925 = tpu.vector_load_idx %arg11[%add3A_6, %get3A_922] : memref<128x32xf32, #tpu.memory_space<vmem>>[vector<16xi32>, vector<16xi32>], vector<16xf32>,
          %mul3A_926 = arith.mulf %mul3A_701, %gather3A_925 : vector<16xf32>
          %add3A_927 = arith.addf %mul3A_924, %mul3A_926 : vector<16xf32>
          %gather3A_928 = tpu.vector_load_idx %arg11[%add3A_9, %get3A_922] : memref<128x32xf32, #tpu.memory_space<vmem>>[vector<16xi32>, vector<16xi32>], vector<16xf32>,
          %mul3A_929 = arith.mulf %mul3A_702, %gather3A_928 : vector<16xf32>
          %gather3A_930 = tpu.vector_load_idx %arg11[%add3A_12, %get3A_922] : memref<128x32xf32, #tpu.memory_space<vmem>>[vector<16xi32>, vector<16xi32>], vector<16xf32>,
          %mul3A_931 = arith.mulf %mul3A_703, %gather3A_930 : vector<16xf32>
          %add3A_932 = arith.addf %mul3A_929, %mul3A_931 : vector<16xf32>
          %gather3A_933 = tpu.vector_load_idx %arg11[%add3A_15, %get3A_922] : memref<128x32xf32, #tpu.memory_space<vmem>>[vector<16xi32>, vector<16xi32>], vector<16xf32>,
          %mul3A_934 = arith.mulf %mul3A_704, %gather3A_933 : vector<16xf32>
          %gather3A_935 = tpu.vector_load_idx %arg11[%add3A_18, %get3A_922] : memref<128x32xf32, #tpu.memory_space<vmem>>[vector<16xi32>, vector<16xi32>], vector<16xf32>,
          %mul3A_936 = arith.mulf %mul3A_705, %gather3A_935 : vector<16xf32>
          %add3A_937 = arith.addf %mul3A_934, %mul3A_936 : vector<16xf32>
          %gather3A_938 = tpu.vector_load_idx %arg11[%add3A_21, %get3A_922] : memref<128x32xf32, #tpu.memory_space<vmem>>[vector<16xi32>, vector<16xi32>], vector<16xf32>,
          %mul3A_939 = arith.mulf %mul3A_706, %gather3A_938 : vector<16xf32>
          %gather3A_940 = tpu.vector_load_idx %arg11[%add3A_24, %get3A_922] : memref<128x32xf32, #tpu.memory_space<vmem>>[vector<16xi32>, vector<16xi32>], vector<16xf32>,
          %mul3A_941 = arith.mulf %mul3A_707, %gather3A_940 : vector<16xf32>
          %add3A_942 = arith.addf %mul3A_939, %mul3A_941 : vector<16xf32>
          %add3A_943 = arith.addf %add3A_927, %add3A_932 : vector<16xf32>
          %add3A_944 = arith.addf %add3A_937, %add3A_942 : vector<16xf32>
          %add3A_945 = arith.addf %add3A_943, %add3A_944 : vector<16xf32>
          %mul3A_946 = arith.constant 4 : i32
          %mul3A_947 = arith.muli %mul3A_946, %add3A_919 : i32
          %get3A_948 = arith.index_cast %mul3A_947 : i32 to index
          %get3A_949 = arith.constant 0 : index
          %get3A_950 = tpu.vector_load %arg16[%get3A_948, %get3A_949] {strides = array<i32>} : memref<128x16xf32, #tpu.memory_space<vmem>>, vector<16xf32>,
          %mul3A_951 = arith.mulf %add3A_945, %get3A_950 : vector<16xf32>
          %add3A_952 = arith.addf %add3A_888, %mul3A_951 : vector<16xf32>
          %mul3A_953 = arith.constant 4 : i32
          %mul3A_954 = arith.muli %mul3A_953, %add3A_919 : i32
          %add3A_955 = arith.constant 1 : i32
          %add3A_956 = arith.addi %mul3A_954, %add3A_955 : i32
          %get3A_957 = arith.index_cast %add3A_956 : i32 to index
          %get3A_958 = arith.constant 0 : index
          %get3A_959 = tpu.vector_load %arg16[%get3A_957, %get3A_958] {strides = array<i32>} : memref<128x16xf32, #tpu.memory_space<vmem>>, vector<16xf32>,
          %mul3A_960 = arith.mulf %add3A_945, %get3A_959 : vector<16xf32>
          %add3A_961 = arith.addf %add3A_897, %mul3A_960 : vector<16xf32>
          %mul3A_962 = arith.constant 4 : i32
          %mul3A_963 = arith.muli %mul3A_962, %add3A_919 : i32
          %add3A_964 = arith.constant 2 : i32
          %add3A_965 = arith.addi %mul3A_963, %add3A_964 : i32
          %get3A_966 = arith.index_cast %add3A_965 : i32 to index
          %get3A_967 = arith.constant 0 : index
          %get3A_968 = tpu.vector_load %arg16[%get3A_966, %get3A_967] {strides = array<i32>} : memref<128x16xf32, #tpu.memory_space<vmem>>, vector<16xf32>,
          %mul3A_969 = arith.mulf %add3A_945, %get3A_968 : vector<16xf32>
          %add3A_970 = arith.addf %add3A_906, %mul3A_969 : vector<16xf32>
          %mul3A_971 = arith.constant 4 : i32
          %mul3A_972 = arith.muli %mul3A_971, %add3A_919 : i32
          %add3A_973 = arith.constant 3 : i32
          %add3A_974 = arith.addi %mul3A_972, %add3A_973 : i32
          %get3A_975 = arith.index_cast %add3A_974 : i32 to index
          %get3A_976 = arith.constant 0 : index
          %get3A_977 = tpu.vector_load %arg16[%get3A_975, %get3A_976] {strides = array<i32>} : memref<128x16xf32, #tpu.memory_space<vmem>>, vector<16xf32>,
          %mul3A_978 = arith.mulf %add3A_945, %get3A_977 : vector<16xf32>
          %add3A_979 = arith.addf %add3A_915, %mul3A_978 : vector<16xf32>
          %mul3A_980 = arith.constant 4 : i32
          %mul3A_981 = arith.muli %mul3A_980, %scan3A_784 : i32
          %add3A_982 = arith.constant 3 : i32
          %add3A_983 = arith.addi %mul3A_981, %add3A_982 : i32
          %get3A_984 = arith.index_cast %add3A_983 : i32 to index
          %get3A_985 = arith.constant 0 : index
          %get3A_986 = tpu.vector_load %arg13[%get3A_984, %get3A_985] {strides = array<i32>} : memref<32x16xi32, #tpu.memory_space<vmem>>, vector<16xi32>,
          %gather3A_987 = tpu.vector_load_idx %arg11[%add3A_3, %get3A_986] : memref<128x32xf32, #tpu.memory_space<vmem>>[vector<16xi32>, vector<16xi32>], vector<16xf32>,
          %mul3A_988 = arith.mulf %mul3A_700, %gather3A_987 : vector<16xf32>
          %gather3A_989 = tpu.vector_load_idx %arg11[%add3A_6, %get3A_986] : memref<128x32xf32, #tpu.memory_space<vmem>>[vector<16xi32>, vector<16xi32>], vector<16xf32>,
          %mul3A_990 = arith.mulf %mul3A_701, %gather3A_989 : vector<16xf32>
          %add3A_991 = arith.addf %mul3A_988, %mul3A_990 : vector<16xf32>
          %gather3A_992 = tpu.vector_load_idx %arg11[%add3A_9, %get3A_986] : memref<128x32xf32, #tpu.memory_space<vmem>>[vector<16xi32>, vector<16xi32>], vector<16xf32>,
          %mul3A_993 = arith.mulf %mul3A_702, %gather3A_992 : vector<16xf32>
          %gather3A_994 = tpu.vector_load_idx %arg11[%add3A_12, %get3A_986] : memref<128x32xf32, #tpu.memory_space<vmem>>[vector<16xi32>, vector<16xi32>], vector<16xf32>,
          %mul3A_995 = arith.mulf %mul3A_703, %gather3A_994 : vector<16xf32>
          %add3A_996 = arith.addf %mul3A_993, %mul3A_995 : vector<16xf32>
          %gather3A_997 = tpu.vector_load_idx %arg11[%add3A_15, %get3A_986] : memref<128x32xf32, #tpu.memory_space<vmem>>[vector<16xi32>, vector<16xi32>], vector<16xf32>,
          %mul3A_998 = arith.mulf %mul3A_704, %gather3A_997 : vector<16xf32>
          %gather3A_999 = tpu.vector_load_idx %arg11[%add3A_18, %get3A_986] : memref<128x32xf32, #tpu.memory_space<vmem>>[vector<16xi32>, vector<16xi32>], vector<16xf32>,
          %mul3A_1000 = arith.mulf %mul3A_705, %gather3A_999 : vector<16xf32>
          %add3A_1001 = arith.addf %mul3A_998, %mul3A_1000 : vector<16xf32>
          %gather3A_1002 = tpu.vector_load_idx %arg11[%add3A_21, %get3A_986] : memref<128x32xf32, #tpu.memory_space<vmem>>[vector<16xi32>, vector<16xi32>], vector<16xf32>,
          %mul3A_1003 = arith.mulf %mul3A_706, %gather3A_1002 : vector<16xf32>
          %gather3A_1004 = tpu.vector_load_idx %arg11[%add3A_24, %get3A_986] : memref<128x32xf32, #tpu.memory_space<vmem>>[vector<16xi32>, vector<16xi32>], vector<16xf32>,
          %mul3A_1005 = arith.mulf %mul3A_707, %gather3A_1004 : vector<16xf32>
          %add3A_1006 = arith.addf %mul3A_1003, %mul3A_1005 : vector<16xf32>
          %add3A_1007 = arith.addf %add3A_991, %add3A_996 : vector<16xf32>
          %add3A_1008 = arith.addf %add3A_1001, %add3A_1006 : vector<16xf32>
          %add3A_1009 = arith.addf %add3A_1007, %add3A_1008 : vector<16xf32>
          %mul3A_1010 = arith.constant 4 : i32
          %mul3A_1011 = arith.muli %mul3A_1010, %add3A_983 : i32
          %get3A_1012 = arith.index_cast %mul3A_1011 : i32 to index
          %get3A_1013 = arith.constant 0 : index
          %get3A_1014 = tpu.vector_load %arg16[%get3A_1012, %get3A_1013] {strides = array<i32>} : memref<128x16xf32, #tpu.memory_space<vmem>>, vector<16xf32>,
          %mul3A_1015 = arith.mulf %add3A_1009, %get3A_1014 : vector<16xf32>
          %add3A_1016 = arith.addf %add3A_952, %mul3A_1015 : vector<16xf32>
          %mul3A_1017 = arith.constant 4 : i32
          %mul3A_1018 = arith.muli %mul3A_1017, %add3A_983 : i32
          %add3A_1019 = arith.constant 1 : i32
          %add3A_1020 = arith.addi %mul3A_1018, %add3A_1019 : i32
          %get3A_1021 = arith.index_cast %add3A_1020 : i32 to index
          %get3A_1022 = arith.constant 0 : index
          %get3A_1023 = tpu.vector_load %arg16[%get3A_1021, %get3A_1022] {strides = array<i32>} : memref<128x16xf32, #tpu.memory_space<vmem>>, vector<16xf32>,
          %mul3A_1024 = arith.mulf %add3A_1009, %get3A_1023 : vector<16xf32>
          %add3A_1025 = arith.addf %add3A_961, %mul3A_1024 : vector<16xf32>
          %mul3A_1026 = arith.constant 4 : i32
          %mul3A_1027 = arith.muli %mul3A_1026, %add3A_983 : i32
          %add3A_1028 = arith.constant 2 : i32
          %add3A_1029 = arith.addi %mul3A_1027, %add3A_1028 : i32
          %get3A_1030 = arith.index_cast %add3A_1029 : i32 to index
          %get3A_1031 = arith.constant 0 : index
          %get3A_1032 = tpu.vector_load %arg16[%get3A_1030, %get3A_1031] {strides = array<i32>} : memref<128x16xf32, #tpu.memory_space<vmem>>, vector<16xf32>,
          %mul3A_1033 = arith.mulf %add3A_1009, %get3A_1032 : vector<16xf32>
          %add3A_1034 = arith.addf %add3A_970, %mul3A_1033 : vector<16xf32>
          %mul3A_1035 = arith.constant 4 : i32
          %mul3A_1036 = arith.muli %mul3A_1035, %add3A_983 : i32
          %add3A_1037 = arith.constant 3 : i32
          %add3A_1038 = arith.addi %mul3A_1036, %add3A_1037 : i32
          %get3A_1039 = arith.index_cast %add3A_1038 : i32 to index
          %get3A_1040 = arith.constant 0 : index
          %get3A_1041 = tpu.vector_load %arg16[%get3A_1039, %get3A_1040] {strides = array<i32>} : memref<128x16xf32, #tpu.memory_space<vmem>>, vector<16xf32>,
          %mul3A_1042 = arith.mulf %add3A_1009, %get3A_1041 : vector<16xf32>
          %add3A_1043 = arith.addf %add3A_979, %mul3A_1042 : vector<16xf32>
          scf.yield %add3A_1016, %add3A_1025, %add3A_1034, %add3A_1043 : vector<16xf32>, vector<16xf32>, vector<16xf32>, vector<16xf32>
        }
        %scan3A_715 = arith.constant 8 : i32
        %max3A_716 = arith.constant 0.000000e+00 : f32
        %max3A_717 = vector.broadcast %max3A_716 : f32 to vector<16xf32>
        %max3A_718 = arith.maximumf %scan3A_714#3, %max3A_717 : vector<16xf32>
        %neg3A_719 = arith.constant 0.000000e+00 : f32
        %neg3A_720 = vector.broadcast %neg3A_719 : f32 to vector<16xf32>
        %neg3A_721 = arith.subf %neg3A_720, %scan3A_714#0 : vector<16xf32>
        %exp3A_722 = math.exp %neg3A_721 : vector<16xf32>
        %add3A_723 = arith.constant 1.000000e+00 : f32
        %add3A_724 = vector.broadcast %add3A_723 : f32 to vector<16xf32>
        %add3A_725 = arith.addf %add3A_724, %exp3A_722 : vector<16xf32>
        %div3A_726 = arith.constant 1.000000e+00 : f32
        %div3A_727 = vector.broadcast %div3A_726 : f32 to vector<16xf32>
        %div3A_728 = arith.divf %div3A_727, %add3A_725 : vector<16xf32>
        %neg3A_729 = arith.constant 0.000000e+00 : f32
        %neg3A_730 = vector.broadcast %neg3A_729 : f32 to vector<16xf32>
        %neg3A_731 = arith.subf %neg3A_730, %scan3A_714#1 : vector<16xf32>
        %exp3A_732 = math.exp %neg3A_731 : vector<16xf32>
        %add3A_733 = arith.constant 1.000000e+00 : f32
        %add3A_734 = vector.broadcast %add3A_733 : f32 to vector<16xf32>
        %add3A_735 = arith.addf %add3A_734, %exp3A_732 : vector<16xf32>
        %div3A_736 = arith.constant 1.000000e+00 : f32
        %div3A_737 = vector.broadcast %div3A_736 : f32 to vector<16xf32>
        %div3A_738 = arith.divf %div3A_737, %add3A_735 : vector<16xf32>
        %neg3A_739 = arith.constant 0.000000e+00 : f32
        %neg3A_740 = vector.broadcast %neg3A_739 : f32 to vector<16xf32>
        %neg3A_741 = arith.subf %neg3A_740, %scan3A_714#2 : vector<16xf32>
        %exp3A_742 = math.exp %neg3A_741 : vector<16xf32>
        %add3A_743 = arith.constant 1.000000e+00 : f32
        %add3A_744 = vector.broadcast %add3A_743 : f32 to vector<16xf32>
        %add3A_745 = arith.addf %add3A_744, %exp3A_742 : vector<16xf32>
        %div3A_746 = arith.constant 1.000000e+00 : f32
        %div3A_747 = vector.broadcast %div3A_746 : f32 to vector<16xf32>
        %div3A_748 = arith.divf %div3A_747, %add3A_745 : vector<16xf32>
        %neg3A_749 = arith.constant 0.000000e+00 : f32
        %neg3A_750 = vector.broadcast %neg3A_749 : f32 to vector<16xf32>
        %neg3A_751 = arith.subf %neg3A_750, %max3A_718 : vector<16xf32>
        %mul3A_752 = arith.mulf %neg3A_751, %get3A_147 : vector<16xf32>
        %exp3A_753 = math.exp %mul3A_752 : vector<16xf32>
        %sub3A_754 = arith.constant 1.000000e+00 : f32
        %sub3A_755 = vector.broadcast %sub3A_754 : f32 to vector<16xf32>
        %sub3A_756 = arith.subf %sub3A_755, %exp3A_753 : vector<16xf32>
        %mul3A_757 = arith.mulf %sub3A_756, %mul3A_652 : vector<16xf32>
        %mul3A_758 = arith.mulf %mul3A_757, %div3A_728 : vector<16xf32>
        %add3A_759 = arith.addf %add3A_640, %mul3A_758 : vector<16xf32>
        %mul3A_760 = arith.mulf %mul3A_757, %div3A_738 : vector<16xf32>
        %add3A_761 = arith.addf %add3A_642, %mul3A_760 : vector<16xf32>
        %mul3A_762 = arith.mulf %mul3A_757, %div3A_748 : vector<16xf32>
        %add3A_763 = arith.addf %add3A_644, %mul3A_762 : vector<16xf32>
        %add3A_764 = arith.addf %add3A_645, %mul3A_757 : vector<16xf32>
        %sub3A_765 = arith.constant 1.000000e+00 : f32
        %sub3A_766 = vector.broadcast %sub3A_765 : f32 to vector<16xf32>
        %sub3A_767 = arith.subf %sub3A_766, %sub3A_756 : vector<16xf32>
        %add3A_768 = arith.constant 1.000000e-10 : f32
        %add3A_769 = vector.broadcast %add3A_768 : f32 to vector<16xf32>
        %add3A_770 = arith.addf %sub3A_767, %add3A_769 : vector<16xf32>
        %mul3A_771 = arith.mulf %mul3A_652, %add3A_770 : vector<16xf32>
        %add3A_772 = arith.constant 4 : i32
        %add3A_773 = arith.addi %add3A_668, %add3A_772 : i32
        %lt3A_774 = arith.constant 64 : i32
        %lt3A_775 = arith.cmpi slt, %add3A_773, %lt3A_774 : i32
        %convert_element_type3A_776 = arith.extui %lt3A_775 : i1 to i32
        %cond3A_777 = arith.constant 0 : i32
        %cond3A_778 = arith.cmpi ne, %convert_element_type3A_776, %cond3A_777 : i32
        scf.if %cond3A_778 {
          %dma_start3A_784 = arith.constant 0 : i32
          %dma_start3A_785 = tpu.memref_slice %arg6[%and3A_128, %add3A_773, %dma_start3A_784] : memref<2x64x128xi32, #tpu.memory_space<vmem>> -> memref<1x1x128xi32, #tpu.memory_space<vmem>>
          %dma_start3A_786 = tpu.memref_squeeze %dma_start3A_785 : memref<1x1x128xi32, #tpu.memory_space<vmem>> -> memref<128xi32, #tpu.memory_space<vmem>>
          %dma_start3A_787 = arith.constant 0 : i32
          %dma_start3A_788 = arith.constant 0 : i32
          %dma_start3A_789 = tpu.memref_slice %arg2[%dma_start3A_787, %dma_start3A_788] : memref<274625x32xf32, #tpu.memory_space<hbm>> -> memref<274625x32xf32, #tpu.memory_space<hbm>>
          tpu.enqueue_indirect_dma source(%dma_start3A_789 : memref<274625x32xf32, #tpu.memory_space<hbm>>) target(%arg11 : memref<128x32xf32, #tpu.memory_space<vmem>>) offsets(%dma_start3A_786 : memref<128xi32, #tpu.memory_space<vmem>>) semaphore(%arg20 : memref<!tpu.dma_semaphore, #tpu.memory_space<semaphore_mem>>)
        } else {
        }
        %ge3A_779 = arith.constant 64 : i32
        %ge3A_780 = arith.cmpi sge, %add3A_773, %ge3A_779 : i32
        %convert_element_type3A_781 = arith.extui %ge3A_780 : i1 to i32
        %cond3A_782 = arith.constant 0 : i32
        %cond3A_783 = arith.cmpi ne, %convert_element_type3A_781, %cond3A_782 : i32
        scf.if %cond3A_783 {
          %sub3A_784 = arith.constant 64 : i32
          %sub3A_785 = arith.subi %add3A_773, %sub3A_784 : i32
          %dma_start3A_786 = arith.constant 0 : i32
          %dma_start3A_787 = tpu.memref_slice %arg6[%sub3A_129, %sub3A_785, %dma_start3A_786] : memref<2x64x128xi32, #tpu.memory_space<vmem>> -> memref<1x1x128xi32, #tpu.memory_space<vmem>>
          %dma_start3A_788 = tpu.memref_squeeze %dma_start3A_787 : memref<1x1x128xi32, #tpu.memory_space<vmem>> -> memref<128xi32, #tpu.memory_space<vmem>>
          %dma_start3A_789 = arith.constant 0 : i32
          %dma_start3A_790 = arith.constant 0 : i32
          %dma_start3A_791 = tpu.memref_slice %arg2[%dma_start3A_789, %dma_start3A_790] : memref<274625x32xf32, #tpu.memory_space<hbm>> -> memref<274625x32xf32, #tpu.memory_space<hbm>>
          tpu.enqueue_indirect_dma source(%dma_start3A_791 : memref<274625x32xf32, #tpu.memory_space<hbm>>) target(%arg11 : memref<128x32xf32, #tpu.memory_space<vmem>>) offsets(%dma_start3A_788 : memref<128xi32, #tpu.memory_space<vmem>>) semaphore(%arg20 : memref<!tpu.dma_semaphore, #tpu.memory_space<semaphore_mem>>)
        } else {
        }
        scf.yield %mul3A_771, %add3A_764, %add3A_759, %add3A_761, %add3A_763 : vector<16xf32>, vector<16xf32>, vector<16xf32>, vector<16xf32>, vector<16xf32>
      }
      %scan3A_272 = arith.constant 16 : i32
      %sub3A_273 = arith.constant 1.000000e+00 : f32
      %sub3A_274 = vector.broadcast %sub3A_273 : f32 to vector<16xf32>
      %sub3A_275 = arith.subf %sub3A_274, %scan3A_271#1 : vector<16xf32>
      %mul3A_276 = arith.constant 1.000000e+00 : f32
      %mul3A_277 = vector.broadcast %mul3A_276 : f32 to vector<16xf32>
      %mul3A_278 = arith.mulf %mul3A_277, %sub3A_275 : vector<16xf32>
      %add3A_279 = arith.addf %scan3A_271#2, %mul3A_278 : vector<16xf32>
      %swap3A_280 = arith.constant 0 : i32
      %swap3A_281 = arith.index_cast %swap3A_280 : i32 to index
      %swap3A_282 = arith.index_cast %mul3A_131 : i32 to index
      %swap3A_283 = tpu.vector_load %arg12[%swap3A_281, %swap3A_282] {strides = array<i32>} : memref<4x512xf32, #tpu.memory_space<vmem>>, vector<16xf32>,
      tpu.vector_store %arg12[%swap3A_281, %swap3A_282], %add3A_279 {strides = array<i32>} : memref<4x512xf32, #tpu.memory_space<vmem>>, vector<16xf32>,
      %sub3A_284 = arith.constant 1.000000e+00 : f32
      %sub3A_285 = vector.broadcast %sub3A_284 : f32 to vector<16xf32>
      %sub3A_286 = arith.subf %sub3A_285, %scan3A_271#1 : vector<16xf32>
      %mul3A_287 = arith.constant 1.000000e+00 : f32
      %mul3A_288 = vector.broadcast %mul3A_287 : f32 to vector<16xf32>
      %mul3A_289 = arith.mulf %mul3A_288, %sub3A_286 : vector<16xf32>
      %add3A_290 = arith.addf %scan3A_271#3, %mul3A_289 : vector<16xf32>
      %swap3A_291 = arith.constant 1 : i32
      %swap3A_292 = arith.index_cast %swap3A_291 : i32 to index
      %swap3A_293 = arith.index_cast %mul3A_131 : i32 to index
      %swap3A_294 = tpu.vector_load %arg12[%swap3A_292, %swap3A_293] {strides = array<i32>} : memref<4x512xf32, #tpu.memory_space<vmem>>, vector<16xf32>,
      tpu.vector_store %arg12[%swap3A_292, %swap3A_293], %add3A_290 {strides = array<i32>} : memref<4x512xf32, #tpu.memory_space<vmem>>, vector<16xf32>,
      %sub3A_295 = arith.constant 1.000000e+00 : f32
      %sub3A_296 = vector.broadcast %sub3A_295 : f32 to vector<16xf32>
      %sub3A_297 = arith.subf %sub3A_296, %scan3A_271#1 : vector<16xf32>
      %mul3A_298 = arith.constant 1.000000e+00 : f32
      %mul3A_299 = vector.broadcast %mul3A_298 : f32 to vector<16xf32>
      %mul3A_300 = arith.mulf %mul3A_299, %sub3A_297 : vector<16xf32>
      %add3A_301 = arith.addf %scan3A_271#4, %mul3A_300 : vector<16xf32>
      %swap3A_302 = arith.constant 2 : i32
      %swap3A_303 = arith.index_cast %swap3A_302 : i32 to index
      %swap3A_304 = arith.index_cast %mul3A_131 : i32 to index
      %swap3A_305 = tpu.vector_load %arg12[%swap3A_303, %swap3A_304] {strides = array<i32>} : memref<4x512xf32, #tpu.memory_space<vmem>>, vector<16xf32>,
      tpu.vector_store %arg12[%swap3A_303, %swap3A_304], %add3A_301 {strides = array<i32>} : memref<4x512xf32, #tpu.memory_space<vmem>>, vector<16xf32>,
      %swap3A_306 = arith.constant 3 : i32
      %swap3A_307 = arith.index_cast %swap3A_306 : i32 to index
      %swap3A_308 = arith.index_cast %mul3A_131 : i32 to index
      %swap3A_309 = tpu.vector_load %arg12[%swap3A_307, %swap3A_308] {strides = array<i32>} : memref<4x512xf32, #tpu.memory_space<vmem>>, vector<16xf32>,
      tpu.vector_store %arg12[%swap3A_307, %swap3A_308], %scan3A_271#1 {strides = array<i32>} : memref<4x512xf32, #tpu.memory_space<vmem>>, vector<16xf32>,
    }
    %scan3A_95 = arith.constant 32 : i32
    %dma_wait3A = arith.constant 0 : i32
    %dma_wait3A_96 = arith.constant 0 : i32
    %dma_wait3A_97 = arith.constant 0 : i32
    %dma_wait3A_98 = tpu.memref_slice %arg6[%dma_wait3A, %dma_wait3A_96, %dma_wait3A_97] : memref<2x64x128xi32, #tpu.memory_space<vmem>> -> memref<1x1x128xi32, #tpu.memory_space<vmem>>
    %dma_wait3A_99 = tpu.memref_squeeze %dma_wait3A_98 : memref<1x1x128xi32, #tpu.memory_space<vmem>> -> memref<128xi32, #tpu.memory_space<vmem>>
    %dma_wait3A_100 = arith.constant 0 : i32
    %dma_wait3A_101 = arith.constant 0 : i32
    %dma_wait3A_102 = tpu.memref_slice %arg2[%dma_wait3A_100, %dma_wait3A_101] : memref<274625x32xf32, #tpu.memory_space<hbm>> -> memref<274625x32xf32, #tpu.memory_space<hbm>>
    tpu.wait_indirect_dma semaphore(%arg17 : memref<!tpu.dma_semaphore, #tpu.memory_space<semaphore_mem>>) src(%dma_wait3A_102 : memref<274625x32xf32, #tpu.memory_space<hbm>>) dst(%arg8 : memref<128x32xf32, #tpu.memory_space<vmem>>)
    %dma_wait3A_103 = arith.constant 0 : i32
    %dma_wait3A_104 = arith.constant 1 : i32
    %dma_wait3A_105 = arith.constant 0 : i32
    %dma_wait3A_106 = tpu.memref_slice %arg6[%dma_wait3A_103, %dma_wait3A_104, %dma_wait3A_105] : memref<2x64x128xi32, #tpu.memory_space<vmem>> -> memref<1x1x128xi32, #tpu.memory_space<vmem>>
    %dma_wait3A_107 = tpu.memref_squeeze %dma_wait3A_106 : memref<1x1x128xi32, #tpu.memory_space<vmem>> -> memref<128xi32, #tpu.memory_space<vmem>>
    %dma_wait3A_108 = arith.constant 0 : i32
    %dma_wait3A_109 = arith.constant 0 : i32
    %dma_wait3A_110 = tpu.memref_slice %arg2[%dma_wait3A_108, %dma_wait3A_109] : memref<274625x32xf32, #tpu.memory_space<hbm>> -> memref<274625x32xf32, #tpu.memory_space<hbm>>
    tpu.wait_indirect_dma semaphore(%arg18 : memref<!tpu.dma_semaphore, #tpu.memory_space<semaphore_mem>>) src(%dma_wait3A_110 : memref<274625x32xf32, #tpu.memory_space<hbm>>) dst(%arg9 : memref<128x32xf32, #tpu.memory_space<vmem>>)
    %dma_wait3A_111 = arith.constant 0 : i32
    %dma_wait3A_112 = arith.constant 2 : i32
    %dma_wait3A_113 = arith.constant 0 : i32
    %dma_wait3A_114 = tpu.memref_slice %arg6[%dma_wait3A_111, %dma_wait3A_112, %dma_wait3A_113] : memref<2x64x128xi32, #tpu.memory_space<vmem>> -> memref<1x1x128xi32, #tpu.memory_space<vmem>>
    %dma_wait3A_115 = tpu.memref_squeeze %dma_wait3A_114 : memref<1x1x128xi32, #tpu.memory_space<vmem>> -> memref<128xi32, #tpu.memory_space<vmem>>
    %dma_wait3A_116 = arith.constant 0 : i32
    %dma_wait3A_117 = arith.constant 0 : i32
    %dma_wait3A_118 = tpu.memref_slice %arg2[%dma_wait3A_116, %dma_wait3A_117] : memref<274625x32xf32, #tpu.memory_space<hbm>> -> memref<274625x32xf32, #tpu.memory_space<hbm>>
    tpu.wait_indirect_dma semaphore(%arg19 : memref<!tpu.dma_semaphore, #tpu.memory_space<semaphore_mem>>) src(%dma_wait3A_118 : memref<274625x32xf32, #tpu.memory_space<hbm>>) dst(%arg10 : memref<128x32xf32, #tpu.memory_space<vmem>>)
    %dma_wait3A_119 = arith.constant 0 : i32
    %dma_wait3A_120 = arith.constant 3 : i32
    %dma_wait3A_121 = arith.constant 0 : i32
    %dma_wait3A_122 = tpu.memref_slice %arg6[%dma_wait3A_119, %dma_wait3A_120, %dma_wait3A_121] : memref<2x64x128xi32, #tpu.memory_space<vmem>> -> memref<1x1x128xi32, #tpu.memory_space<vmem>>
    %dma_wait3A_123 = tpu.memref_squeeze %dma_wait3A_122 : memref<1x1x128xi32, #tpu.memory_space<vmem>> -> memref<128xi32, #tpu.memory_space<vmem>>
    %dma_wait3A_124 = arith.constant 0 : i32
    %dma_wait3A_125 = arith.constant 0 : i32
    %dma_wait3A_126 = tpu.memref_slice %arg2[%dma_wait3A_124, %dma_wait3A_125] : memref<274625x32xf32, #tpu.memory_space<hbm>> -> memref<274625x32xf32, #tpu.memory_space<hbm>>
    tpu.wait_indirect_dma semaphore(%arg20 : memref<!tpu.dma_semaphore, #tpu.memory_space<semaphore_mem>>) src(%dma_wait3A_126 : memref<274625x32xf32, #tpu.memory_space<hbm>>) dst(%arg11 : memref<128x32xf32, #tpu.memory_space<vmem>>)
    "tpu.region"() ({
      %run_scoped3A = tpu.sem_alloc : memref<!tpu.dma_semaphore, #tpu.memory_space<semaphore_mem>>
      %dma_start3A_127 = arith.constant 0 : i32
      %dma_start3A_128 = arith.constant 0 : i32
      %dma_start3A_129 = tpu.memref_slice %arg4[%add3A, %dma_start3A_127, %dma_start3A_128] : memref<32x4x512xf32, #tpu.memory_space<hbm>> -> memref<1x4x512xf32, #tpu.memory_space<hbm>>
      %dma_start3A_130 = tpu.memref_squeeze %dma_start3A_129 : memref<1x4x512xf32, #tpu.memory_space<hbm>> -> memref<4x512xf32, #tpu.memory_space<hbm>>
      %dma_start3A_131 = arith.constant 0 : i32
      %dma_start3A_132 = arith.constant 0 : i32
      %dma_start3A_133 = tpu.memref_slice %arg4[%add3A, %dma_start3A_131, %dma_start3A_132] : memref<32x4x512xf32, #tpu.memory_space<hbm>> -> memref<1x4x512xf32, #tpu.memory_space<hbm>>
      %dma_start3A_134 = tpu.memref_squeeze %dma_start3A_133 : memref<1x4x512xf32, #tpu.memory_space<hbm>> -> memref<4x512xf32, #tpu.memory_space<hbm>>
      tpu.enqueue_dma source(%arg12 : memref<4x512xf32, #tpu.memory_space<vmem>>) target(%dma_start3A_134 : memref<4x512xf32, #tpu.memory_space<hbm>>) target_semaphore(%run_scoped3A : memref<!tpu.dma_semaphore, #tpu.memory_space<semaphore_mem>>)
      %dma_wait3A_135 = arith.constant 0 : i32
      %dma_wait3A_136 = arith.constant 0 : i32
      %dma_wait3A_137 = tpu.memref_slice %arg4[%add3A, %dma_wait3A_135, %dma_wait3A_136] : memref<32x4x512xf32, #tpu.memory_space<hbm>> -> memref<1x4x512xf32, #tpu.memory_space<hbm>>
      %dma_wait3A_138 = tpu.memref_squeeze %dma_wait3A_137 : memref<1x4x512xf32, #tpu.memory_space<hbm>> -> memref<4x512xf32, #tpu.memory_space<hbm>>
      %dma_wait3A_139 = arith.constant 0 : i32
      %dma_wait3A_140 = arith.constant 0 : i32
      %dma_wait3A_141 = tpu.memref_slice %arg4[%add3A, %dma_wait3A_139, %dma_wait3A_140] : memref<32x4x512xf32, #tpu.memory_space<hbm>> -> memref<1x4x512xf32, #tpu.memory_space<hbm>>
      %dma_wait3A_142 = tpu.memref_squeeze %dma_wait3A_141 : memref<1x4x512xf32, #tpu.memory_space<hbm>> -> memref<4x512xf32, #tpu.memory_space<hbm>>
      tpu.wait_dma2 semaphore(%run_scoped3A : memref<!tpu.dma_semaphore, #tpu.memory_space<semaphore_mem>>) src(%arg12 : memref<4x512xf32, #tpu.memory_space<vmem>>) dst(%dma_wait3A_142 : memref<4x512xf32, #tpu.memory_space<hbm>>)
      tpu.yield
    }) : () -> ()
    return
  }
}

</mosaic_0001>

<sc_bundles>
// kernel: kernel.3.cloned.1.call-start
scs
__scs_entry_jumppad:
0x0: {  	(pc) =	sbr.rel $0x88, $3  }
0x1: {  	(tag) =	ssettag $0x0;
	lr =	simm.s32 $0x1  }
0x2: {  	[smem:$0x3F9E] =	sst lr;
	_ =	strace $0xD0000000  }
0x3: {  	_ = 	snop  }
0x4: {  	_ = 	snop  }
0x5: {  	_ = 	snop  }
0x6: {  	_ = 	snop  }
0x7: {  	_ = 	snop  }
__scs_overlays_trampoline_lowered:
0x8: {  	[smem:$0x3FAD] =	sst s0  }
0x9: {  	[smem:$0x3FAE] =	sst s1  }
0xa: {  	[smem:$0x3FAF] =	sst s2  }
0xb: {  	[smem:$0x3FB0] =	sst s3  }
0xc: {  	[smem:$0x3FB1] =	sst s4  }
0xd: {  	[smem:$0x3FB2] =	sst s5  }
0xe: {  	[smem:$0x3FB3] =	sst s6  }
0xf: {  	[smem:$0x3FB4] =	sst s7  }
0x10: {  	[smem:$0x3FB5] =	sst s8  }
0x11: {  	[smem:$0x3FB6] =	sst s9;
	s0 =	simm.s32 @!p0 $0x0  }
0x12: {  	s1 =	sld [smem:$0x3F9C];
	s0 =	simm.s32 @p0 $0x1  }
0x13: {  	[smem:$0x3FB7] =	sst s0;
	s0 =	simm.s32 @!p1 $0x0  }
0x14: {  	s2 =	sld [smem:$0x3F9B];
	s0 =	simm.s32 @p1 $0x1  }
0x15: {  	[smem:$0x3FB8] =	sst s0;
	s0 =	simm.s32 @!p2 $0x0  }
0x16: {  	s3 =	sld [smem:$0x3FDB];
	s0 =	simm.s32 @p2 $0x1  }
0x17: {  	s4 =	simm.s32 $0x1BF5;
	[smem:$0x3FBA] =	sst s0  }
0x18: {  	s0 =	sld [smem:$0x3F9D];
	_ =	swait.ge [sflag:s4], $0x0  }
0x19: {  	s7 =	sld [smem:$0x3F9E]  }
0x1a: {  	s8 =	sadd.s32 $0xFFFFE003, lr  }
0x1b: {  	s9 =	sadd.s32 $0xFFFFFEF7, lr;
	s5 =	simm.s32 $0xFFFFFFFF;
	p2 =	slt.u32 s8, $0xFFFFF086  }
0x1c: {  	p1 =	slt.u32 s9, $0xF7A;
	s5 =	simm.s32 @!p2 $0x0  }
0x1d: {  	s5 =	simm.s32 @p1 $0x1;
	p0 =	seq.s32 s7, s2  }
0x1e: {  	s7 =	smul.u32 @!p0 $0xF7A, s2;
	p2 =	seq.s32 @!p0 s5, $0x0  }
0x1f: {  	s9 =	smul.u32 $0xF7A, s1;
	s8 =	simm.s32 @!p0 $0x1BF5;
	p2 =	por !p2, p0  }
0x20: {  	[sflag:s8] =	ssyncset.s32 @!p0 $0xFFFFF086;
	s6 =	sadd.s32 @!p0 s3, s7;
	s7 =	simm.s32 @!p0 $0x108  }
0x21: {  	s3 =	sadd.s32 s3, s9;
	s6 =	sadd.s32 @!p0 $0x88, s6;
	s7 =	simm.s32 @p2 $0x1082  }
0x22: {  	[simem:s7], [sflag:s8] =	dma.local @!p0 [hbm:s6], $0xF7A  }
0x23: {  	s9 =	sor.u32 $0xD0000000, s2;
	s6 =	simm.s32 $0x108;
	_ =	swait.ge @!p0 [sflag:s8], $0x0  }
0x24: {  	s3 =	sadd.s32 $0x88, s3;
	s6 =	simm.s32 @!p1 $0x1082;
	[sflag:s4] =	ssyncset.s32 $0xFFFFF086  }
0x25: {  	[simem:s6], [sflag:s4] =	dma.local [hbm:s3], $0xF7A  }
0x26: {  	[smem:$0x3F9E] =	sst s1;
	(tag) =	ssettag s2;
	_ =	strace s9  }
0x27: {  	s1 =	sld [smem:$0x3FAE]  }
0x28: {  	s2 =	sld [smem:$0x3FAF]  }
0x29: {  	s4 =	sld [smem:$0x3FB1]  }
0x2a: {  	p0 =	seq.s32 s5, $0x0;
	s5 =	sld [smem:$0x3FB2]  }
0x2b: {  	s6 =	sld [smem:$0x3FB3]  }
0x2c: {  	s7 =	sld [smem:$0x3FB4]  }
0x2d: {  	s3 =	simm.s32 $0x108;
	s8 =	sld [smem:$0x3FB5]  }
0x2e: {  	s3 =	simm.s32 @!p0 $0x1082;
	s9 =	sld [smem:$0x3FB6]  }
0x2f: {  	lr =	sadd.s32 s0, s3;
	s0 =	sld [smem:$0x3FAD]  }
0x30: {  	s3 =	sld [smem:$0x3FB0]  }
0x31: {  	[smem:$0x3FB9] =	sst s10  }
0x32: {  	s10 =	sld [smem:$0x3FB7];
	_ =	sdelay $0x3  }
0x33: {  	p0 =	seq.s32 s10, $0x1;
	s10 =	sld [smem:$0x3FB9];
	_ =	sdelay $0x3  }
0x34: {  	[smem:$0x3FB9] =	sst s10  }
0x35: {  	s10 =	sld [smem:$0x3FB8];
	_ =	sdelay $0x3  }
0x36: {  	p1 =	seq.s32 s10, $0x1;
	s10 =	sld [smem:$0x3FB9];
	_ =	sdelay $0x3  }
0x37: {  	[smem:$0x3FB9] =	sst s10  }
0x38: {  	s10 =	sld [smem:$0x3FBA]  }
0x39: {  	_ = 	snop;
	(pc) =	sbr.ind lr, $3  }
0x3a: {  	_ = 	snop  }
0x3b: {  	_ = 	snop  }
0x3c: {  	p2 =	seq.s32 s10, $0x1;
	s10 =	sld [smem:$0x3FB9]  }
0x3d: {  	_ =	shalt  }
0x3e: {  	_ =	shalt  }
0x3f: {  	_ =	shalt  }
0x40: {  	_ =	shalt  }
0x41: {  	_ =	shalt  }
0x42: {  	_ =	shalt  }
0x43: {  	_ =	shalt  }
0x44: {  	_ =	shalt  }
0x45: {  	_ =	shalt  }
0x46: {  	_ =	shalt  }
0x47: {  	_ =	shalt  }
0x48: {  	_ =	shalt  }
0x49: {  	_ =	shalt  }
0x4a: {  	_ =	shalt  }
0x4b: {  	_ =	shalt  }
0x4c: {  	_ =	shalt  }
0x4d: {  	_ =	shalt  }
0x4e: {  	_ =	shalt  }
0x4f: {  	_ =	shalt  }
0x50: {  	_ =	shalt  }
0x51: {  	_ =	shalt  }
0x52: {  	_ =	shalt  }
0x53: {  	_ =	shalt  }
0x54: {  	_ =	shalt  }
0x55: {  	_ =	shalt  }
0x56: {  	_ =	shalt  }
0x57: {  	_ =	shalt  }
0x58: {  	_ =	shalt  }
0x59: {  	_ =	shalt  }
0x5a: {  	_ =	shalt  }
0x5b: {  	_ =	shalt  }
0x5c: {  	_ =	shalt  }
0x5d: {  	_ =	shalt  }
0x5e: {  	_ =	shalt  }
0x5f: {  	_ =	shalt  }
0x60: {  	_ =	shalt  }
0x61: {  	_ =	shalt  }
0x62: {  	_ =	shalt  }
0x63: {  	_ =	shalt  }
0x64: {  	_ =	shalt  }
0x65: {  	_ =	shalt  }
0x66: {  	_ =	shalt  }
0x67: {  	_ =	shalt  }
0x68: {  	_ =	shalt  }
0x69: {  	_ =	shalt  }
0x6a: {  	_ =	shalt  }
0x6b: {  	_ =	shalt  }
0x6c: {  	_ =	shalt  }
0x6d: {  	_ =	shalt  }
0x6e: {  	_ =	shalt  }
0x6f: {  	_ =	shalt  }
0x70: {  	_ =	shalt  }
0x71: {  	_ =	shalt  }
0x72: {  	_ =	shalt  }
0x73: {  	_ =	shalt  }
0x74: {  	_ =	shalt  }
0x75: {  	_ =	shalt  }
0x76: {  	_ =	shalt  }
0x77: {  	_ =	shalt  }
0x78: {  	_ =	shalt  }
0x79: {  	_ =	shalt  }
0x7a: {  	_ =	shalt  }
0x7b: {  	_ =	shalt  }
0x7c: {  	_ =	shalt  }
0x7d: {  	_ =	shalt  }
0x7e: {  	_ =	shalt  }
0x7f: {  	_ =	shalt  }
0x80: {  	_ =	shalt  }
0x81: {  	_ =	shalt  }
0x82: {  	_ =	shalt  }
0x83: {  	_ =	shalt  }
0x84: {  	_ =	shalt  }
0x85: {  	_ =	shalt  }
0x86: {  	_ =	shalt  }
0x87: {  	_ =	shalt  }
.Lfunc_end0:
.L_simem_size_0:
called_computation_lowered:
.L_overlay_start_0:
0x88: {  	s2 =	sld [smem:$0x3FD9]  }
0x89: {  	s3 =	sld [smem:$0x3FFE];
	_ =	sdelay $0x1  }
0x8a: {  	s1 =	srdreg.scid  }
0x8b: {  	s0 =	sand.u32 $0x1, s1  }
0x8c: {  	s16 =	sshll.u32 s0, $0xA;
	s2 =	sadd.s32 s3, s2  }
0x8d: {  	s2 =	sadd.s32 s2, s16  }
0x8e: {  	[smem:$0x3FC5] =	sst s2  }
0x8f: {  	_ = 	snop  }
0x90: {  	(tm) =	ssettm $0x1  }
0x91: {  	s17 =	sld [smem:$0x3FFB];
	_ =	sdelay $0x3  }
0x92: {  	_ =	strace s17  }
0x93: {  	s2 =	sld [smem:$0x3FFC];
	_ =	sdelay $0x3  }
0x94: {  	_ =	strace s2  }
0x95: {  	s2 =	sld [smem:$0x3FFD];
	_ =	sdelay $0x3  }
0x96: {  	_ =	strace s2  }
0x97: {  	_ =	strace $0x8FFFFFFF  }
0x98: {  	s18 =	sld [smem:$0x3FDB];
	_ =	sdelay $0x1  }
0x99: {  	s19 =	simm.s32 $_scs_section_size  }
0x9a: {  	s4 =	simm.s32 $_size__tile_overlayer_lowered;
	s5 =	simm.s32 $_tile_overlayer_lowered  }
0x9b: {  	s22 =	simm.s32 $0x1BFF;
	s21 =	sshll.u32 s5, $0x1;
	s2 =	sadd.s32 s19, s18  }
0x9c: {  	s6 =	simm.s32 $0x0;
	s20 =	sshll.u32 s4, $0x1;
	s4 =	sadd.s32 s21, s2  }
0x9d: {  	[timem:s6], [sflag:s22] =	dma.local [hbm:s4], s20  }
0x9e: {  	_ =	swait.ge [sflag:s22], s20  }
0x9f: {  	s3 =	ssub.s32 $0x0, s20;
	[sflag:s22] =	ssyncset.done $0x0  }
0xa0: {  	[sflag:s22] =	ssyncadd.s32 s3;
	_ =	sdelay $0x1  }
0xa1: {  	s23 =	simm.s32 $0x1B8B  }
0xa2: {  	_ =	swait.ge [sflag:s23], $0x1  }
0xa3: {  	[sflag:s23] =	ssyncset.done $0x0  }
0xa4: {  	s25 =	simm.s32 $0x1B8E;
	s24 =	sld [smem:$0x3FFE];
	[sflag:s23] =	ssyncadd.s32 $0xFFFFFFFF  }
0xa5: {  	s26 =	simm.s32 $execute0_lowered;
	[smem:$0x3FD2] =	sst s25  }
0xa6: {  	s4 =	sshll.u32 s26, $0x1;
	_ =	strace $0x80000046;
	[dreg:$0x1] =	wrdreg $0xFFFFFFFF  }
0xa7: {  	s28 =	simm.s32 $_size_execute0_lowered;
	s2 =	sadd.s32 s2, s4;
	[dreg:$0x0] =	wrdreg $0x0  }
0xa8: {  	s4 =	sshll.u32 s28, $0x1;
	[dreg:$0x2] =	wrdreg s2  }
0xa9: {  	[dreg:$0x3] =	wrdreg s4  }
0xaa: {  	[dreg:$0x4] =	wrdreg $0xC0  }
0xab: {  	_ =	task [dreg:s6], $0x5FFFF  }
0xac: {  	[dreg:$0x1] =	wrdreg $0xFFFFFFFF  }
0xad: {  	[dreg:$0x0] =	wrdreg $0x60  }
0xae: {  	[dreg:$0x2] =	wrdreg s24  }
0xaf: {  	[dreg:$0x3] =	wrdreg $0x9  }
0xb0: {  	_ =	task.clear_ibuf [dreg:s6], $0x4FFFF;
	_ =	strace $0x90000046  }
0xb1: {  	s29 =	simm.s32 $0x9;
	_ =	strace $0x80000048  }
0xb2: {  	_ =	swait.ge [sflag:s29], $0x1  }
0xb3: {  	[sflag:s29] =	ssyncadd.s32 $0xFFFFFFFF  }
0xb4: {  	_ =	strace $0x90000048  }
0xb5: {  	_ =	sfence  }
0xb6: {  	s30 =	sld [smem:$0x0];
	_ =	sdelay $0x2  }
0xb7: {  	s31 =	sshll.u32 s1, $0xD;
	s1 =	sshrl.u32 s1, $0x2  }
0xb8: {  	s3 =	sand.u32 $0x4000, s31;
	s1 =	sadd.s32 s1, s30  }
0xb9: {  	s0 =	sor.u32 s3, s0;
	s1 =	sshll.u32 s1, $0x11  }
0xba: {  	s0 =	sor.u32 s1, s0  }
0xbb: {  	s0 =	sadd.s32 $0x8F2B, s0  }
0xbc: {  	[sflag:s0] =	ssyncadd.remote.s32 $0x1  }
0xbd: {  	_ =	sfence.sel $0xFFFF  }
0xbe: {  	[dreg:$0x0] =	wrdreg $0xFFFFFFFF;
	(pc) =	sbr.abs _section_cstart, $3  }
0xbf: {  	[dreg:$0x1] =	wrdreg $0xFFFFFFFF  }
0xc0: {  	_ =	task.clear_ibuf [dreg:s6], $0x2FFFF;
	_ =	strace $0x9FFFFFFF  }
0xc1: {  	(tm) =	ssettm $0x7FFFFFFF  }
tec
execute0_lowered:
.L_overlay_start_1:
0x0: {  	(tag) =	ssettag $0x1  }
0x1: {  	s0 =	rddreg [dreg:$0x0]  }
0x2: {  	s3 =	simm.s32 $0x0;
	s1 =	srdreg.scid;
	s2 =	stileid.u32;
	v17 =	vlaneseq.u32;
	v0 =	vimm.s32 $0xECA86420;
	v18 =	vimm.f32 $0.0e+00  }
0x3: {  	vm0 =	vcmask $0xB08;
	vm1 =	vcmask $0x1310;
	vm2 =	vcmask $0x1B18;
	s7 =	simm.s32 $0x80;
	s10 =	simm.s32 $0x6800;
	s12 =	simm.s32 $0x7800  }
0x4: {  	vm3 =	vcmask $0x300;
	vm4 =	vcmask $0x2320;
	vm5 =	vcmask $0x2B28;
	s14 =	simm.s32 $0x8800;
	s31 =	simm.s32 $0xB200;
	[smem:$0x7FF] =	sst s3  }
0x5: {  	vm6 =	vcmask $0x3330;
	vm7 =	vcmask $0x3B38;
	vm8 =	vmmov $0xff;
	s1 =	sand.u32 $0x1, s1;
	s2 =	sshll.u32 s2, $0x1;
	s6 =	sadd.s32 $0x600, s0  }
0x6: {  	vm10 =	vcmask $0xF0C;
	vm11 =	vcmask $0x1714;
	vm12 =	vcmask $0x1F1C;
	_ =	strace $0x80000047;
	s2 =	sor.u32 s1, s2;
	[dreg:$0x2] =	wrdreg s31  }
0x7: {  	vm13 =	vcmask $0x2724;
	vm14 =	vcmask $0x2F2C;
	v0 =	vunpack.c.l.s4.s8 v0;
	s1 =	ssub.s32 $0x2, s1;
	[dreg:$0xf] =	wrdreg s6;
	s4 =	sshll.u32 s2, $0x9  }
.Ltmp0:
0x8: {  	vm15 =	vcmask $0x3734;
	v4 =	vmul.u32 $0x2, v17;
	v6 =	vmul.u32 $0x20, v17;
	s2 =	sshll.u32 s2, $0x8;
	s4 =	sadd.s32 s4, s0;
	(pc) =	sbr.rel .LBB2_1-.Ltmp0, $4  }
0x9: {  	v8 =	vand.u32 $0x7, v17;
	s5 =	sshrl.u32 s1, $0x1;
	v3 =	vunpack.c.0.s8.s32 v0;
	v0 =	vshrl.u32 v17, $0x3;
	s0 =	sadd.s32 s2, s0;
	s29 =	sadd.s32 $0x10CA00, s4  }
0xa: {  	v9 =	vor.u32 $0x200, v6;
	v10 =	vor.u32 $0x400, v6;
	s1 =	ssub.s32 s1, s5;
	v5 =	vmul.u32 $0x8, v0;
	s0 =	sadd.s32 $0x110A00, s0;
	[dreg:$0x10] =	wrdreg s29  }
0xb: {  	s16 =	simm.s32 $0x9800;
	v11 =	vor.u32 $0x600, v6;
	v12 =	vor.u32 $0x800, v6;
	v13 =	vor.u32 $0xA00, v6;
	s30 =	smax.u32 s1, $0x1;
	[dreg:$0x11] =	wrdreg s0  }
0xc: {  	v14 =	vor.u32 $0xC00, v6;
	v15 =	vor.u32 $0xE00, v6;
	s2 =	simm.s32 $0x0;
	s1 =	simm.s32 $0x5;
	[dreg:$0x12] =	wrdreg s30;
	v7 =	vor.u32 $0x90, v5  }
.LBB2_22:
0xd: {  	_ =	swait.ge [sflag:s5], $0x1000  }
0xe: {  	[sflag:s5] =	ssyncset.done $0x0  }
0xf: {  	[sflag:s5] =	ssyncadd.s32 $0xFFFFF000  }
0x10: {  	_ =	swait.ge [sflag:s8], $0x1000  }
0x11: {  	[sflag:s8] =	ssyncset.done $0x0  }
0x12: {  	[sflag:s8] =	ssyncadd.s32 $0xFFFFF000  }
0x13: {  	_ =	swait.ge [sflag:s17], $0x1000  }
0x14: {  	[sflag:s17] =	ssyncset.done $0x0  }
0x15: {  	[sflag:s17] =	ssyncadd.s32 $0xFFFFF000  }
0x16: {  	_ =	swait.ge [sflag:s18], $0x1000  }
0x17: {  	s3 =	simm.s32 $0x0;
	[sflag:s18] =	ssyncset.done $0x0  }
0x18: {  	s1 =	simm.s32 $0xA800;
	s0 =	rddreg [dreg:$0x11];
	[sflag:s18] =	ssyncadd.s32 $0xFFFFF000  }
0x19: {  	[hbm4b:s0+s3] =	stream.linear.scatter [tilespmem:s1], [sflag:$0x5], $0x800, $0x38;
	[tilespmem:$0xC090] =	vst v63  }
0x1a: {  	s1 =	simm.s32 $0x5  }
0x1b: {  	_ =	swait.ge [sflag:s1], $0x800  }
0x1c: {  	s2 =	rddreg [dreg:$0x13]  }
0x1d: {  	s31 =	rddreg [dreg:$0x12];
	s2 =	sadd.s32 $0x1, s2  }
0x1e: {  	p0 =	sne.s32 s2, s31  }
.Ltmp1:
0x1f: {  	_ = 	snop;
	(pc) =	sbr.rel @!p0 .LBB2_23-.Ltmp1, $3  }
0x20: {  	_ =	sdelay $0x1  }
0x21: {  	[sflag:s1] =	ssyncset.done $0x0  }
0x22: {  	v17 =	vlaneseq.u32;
	v18 =	vimm.f32 $0.0e+00;
	[sflag:s1] =	ssyncadd.s32 $0xFFFFF800  }
.LBB2_1:
0x23: {  	[dreg:$0x13] =	wrdreg s2  }
0x24: {  	s0 =	rddreg [dreg:$0x10]  }
0x25: {  	v0 =	vadd.s32 s3, v17;
	[tilespmem:s3], [sflag:$0x5] =	stream.linear.gather [hbm4b:s0+s3], $0x1000, $0x38;
	[tilespmem:$0xC090] =	vst v63  }
0x26: {  	s28 =	sand.u32 $0x10, s3;
	v0 =	vand.u32 $0xF, v0;
	_ =	swait.ge [sflag:s1], $0x1000  }
0x27: {  	v0 =	vor.u32 s28, v0;
	[sflag:s1] =	ssyncset.done $0x0  }
0x28: {  	s29 =	simm.s32 $0xB000;
	vm9 =	vlt.u32 v0, $0x9;
	v1 =	vadd.s32 $0xFFFFFFF7, v0;
	[sflag:s1] =	ssyncadd.s32 $0xFFFFF000  }
0x29: {  	s30 =	simm.s32 $0xB2B0;
	s31 =	simm.s32 $0x1;
	v2 =	vsel vm9, $0x3F800000, v18;
	vm9 =	vlt.u32 v1, $0x9;
	v1 =	vadd.s32 $0xFFFFFFEE, v0;
	[tilespmem:s29+$0x0] =	vst v0  }
0x2a: {  	[tilespmem:s30+$0xFFFFFFE0] =	vst v2;
	v2 =	vsel vm9, $0x3F800000, v18;
	vm9 =	vlt.u32 v1, $0x9;
	v1 =	vadd.s32 s31, v17  }
0x2b: {  	s2 =	sand.u32 $0x10, s31;
	[tilespmem:s30+$0xFFFFFFF0] =	vst v2;
	v2 =	vsel vm9, $0x3F800000, v18;
	vm9 =	veq.s32 v0, $0x1B;
	v0 =	vand.u32 $0xF, v1  }
0x2c: {  	s0 =	simm.s32 $0xB8C0;
	[tilespmem:s30+$0x0] =	vst v2;
	v1 =	vsel vm9, $0x3F800000, v18;
	v0 =	vor.u32 s2, v0  }
0x2d: {  	s1 =	simm.s32 $0xB010;
	[tilespmem:s0+$0x0] =	vst v1;
	vm9 =	vlt.u32 v0, $0x9;
	v1 =	vadd.s32 $0xFFFFFFF7, v0  }
0x2e: {  	s2 =	simm.s32 $0xB2E0;
	v16 =	vadd.s32 $0xFFFFFFEE, v0;
	[tilespmem:s1+$0x0] =	vst v0;
	v2 =	vsel vm9, $0x3F800000, v18;
	vm9 =	vlt.u32 v1, $0x9  }
0x2f: {  	s4 =	simm.s32 $0x2;
	[tilespmem:s2+$0xFFFFFFE0] =	vst v2;
	v1 =	vsel vm9, $0x3F800000, v18;
	vm9 =	vlt.u32 v16, $0x9  }
.LBB2_2:
0x30: {  	v2 =	vadd.s32 s4, v17;
	[tilespmem:s2+$0xFFFFFFF0] =	vst v1;
	v1 =	vsel vm9, $0x3F800000, v18;
	vm9 =	veq.s32 v0, $0x1B;
	p0 =	sne.s32 s4, $0x1F  }
.Ltmp2:
0x31: {  	s5 =	sand.u32 $0x10, s4;
	s0 =	sadd.s32 $0x40, s0;
	v0 =	vand.u32 $0xF, v2;
	[tilespmem:s2+$0x0] =	vst v1;
	v1 =	vsel vm9, $0x3F800000, v18;
	(pc) =	sbr.rel @p0 .LBB2_2-.Ltmp2, $4  }
0x32: {  	s4 =	sadd.s32 $0x1, s4;
	v0 =	vor.u32 s5, v0;
	[tilespmem:s0+$0x0] =	vst v1  }
0x33: {  	s1 =	sadd.s32 $0x10, s1;
	vm9 =	vlt.u32 v0, $0x9;
	v1 =	vadd.s32 $0xFFFFFFF7, v0  }
0x34: {  	s2 =	sadd.s32 $0x30, s2;
	v16 =	vadd.s32 $0xFFFFFFEE, v0;
	[tilespmem:s1+$0x0] =	vst v0;
	v2 =	vsel vm9, $0x3F800000, v18;
	vm9 =	vlt.u32 v1, $0x9  }
0x35: {  	[tilespmem:s2+$0xFFFFFFE0] =	vst v2;
	v1 =	vsel vm9, $0x3F800000, v18;
	vm9 =	vlt.u32 v16, $0x9  }
0x36: {  	[tilespmem:s2+$0xFFFFFFF0] =	vst v1;
	v1 =	vsel vm9, $0x3F800000, v18;
	vm9 =	veq.s32 v0, $0x1B  }
0x37: {  	s0 =	sadd.s32 $0x40, s0;
	[tilespmem:s2+$0x0] =	vst v1;
	v0 =	vsel vm9, $0x3F800000, v18  }
0x38: {  	s30 =	simm.s32 $0x0;
	[tilespmem:s0+$0x0] =	vst v0  }
0x39: {  	s0 =	scvt.s32.f32 s30;
	v16 =	vld [tilespmem:$0x600]  }
0x3a: {  	v18 =	vld [tilespmem:$0x800]  }
0x3b: {  	v19 =	vld [tilespmem:$0x0];
	s0 =	sadd.f32 $5.000000000e-01, s0  }
0x3c: {  	v20 =	vld [tilespmem:$0x200]  }
0x3d: {  	v21 =	vld [tilespmem:$0xA00];
	s0 =	smul.f32 $3.125000000e-02, s0;
	_ =	sdelay $0x1  }
0x3e: {  	v22 =	vld [tilespmem:$0x400];
	v0 =	vmul.f32 s0, v16  }
0x3f: {  	v1 =	vmul.f32 s0, v18  }
0x40: {  	v0 =	vadd.f32 v0, v19  }
0x41: {  	v2 =	vmul.f32 s0, v21;
	v1 =	vadd.f32 v1, v20  }
0x42: {  	v0 =	vmul.f32 $5.000000000e-01, v0  }
0x43: {  	s31 =	simm.s32 $0x1;
	v2 =	vadd.f32 v2, v22;
	v1 =	vmul.f32 $5.000000000e-01, v1  }
0x44: {  	s0 =	scvt.s32.f32 s31;
	v0 =	vadd.f32 $5.000000000e-01, v0  }
0x45: {  	v2 =	vmul.f32 $5.000000000e-01, v2;
	v1 =	vadd.f32 $5.000000000e-01, v1  }
0x46: {  	s0 =	sadd.f32 $5.000000000e-01, s0;
	v0 =	vmax.f32 v0, $0.0e+00  }
0x47: {  	v2 =	vadd.f32 $5.000000000e-01, v2;
	v1 =	vmax.f32 v1, $0.0e+00;
	v0 =	vmin.f32 v0, $9.999989860e-01  }
0x48: {  	s0 =	smul.f32 $3.125000000e-02, s0;
	v1 =	vmin.f32 v1, $9.999989860e-01;
	v0 =	vmul.f32 $6.400000000e+01, v0  }
0x49: {  	v17 =	vmul.f32 $6.400000000e+01, v1;
	v1 =	vmax.f32 v2, $0.0e+00  }
0x4a: {  	v25 =	vmul.f32 s0, v18;
	v1 =	vmin.f32 v1, $9.999989860e-01;
	v2 =	vtrunc.f32 v0  }
0x4b: {  	v24 =	vtrunc.f32 v17;
	v23 =	vmul.f32 $6.400000000e+01, v1  }
0x4c: {  	v1 =	vcvt.f32.s32 v2;
	v2 =	vmul.f32 s0, v16  }
0x4d: {  	v26 =	vmul.f32 s0, v21;
	v25 =	vadd.f32 v25, v20;
	v24 =	vcvt.f32.s32 v24  }
0x4e: {  	v27 =	vtrunc.f32 v23;
	v28 =	vmul.u32 $0x41, v1;
	v2 =	vadd.f32 v2, v19  }
0x4f: {  	v26 =	vadd.f32 v26, v22;
	v27 =	vcvt.f32.s32 v27;
	v29 =	vcvt.s32.f32 v1  }
0x50: {  	v1 =	vmul.f32 $5.000000000e-01, v2;
	v2 =	vmul.f32 $5.000000000e-01, v25;
	v25 =	vadd.s32 v24, v28  }
0x51: {  	v28 =	vmul.f32 $5.000000000e-01, v26;
	v26 =	vcvt.s32.f32 v27;
	v30 =	vmul.u32 $0x41, v25  }
0x52: {  	v25 =	vcvt.s32.f32 v24;
	v24 =	vsub.f32 v0, v29;
	v31 =	vadd.f32 $5.000000000e-01, v1  }
0x53: {  	s9 =	simm.s32 $0x1040;
	s4 =	simm.s32 $0x2;
	v1 =	vadd.f32 $5.000000000e-01, v2;
	v28 =	vadd.f32 $5.000000000e-01, v28;
	v27 =	vadd.s32 v27, v30  }
0x54: {  	s1 =	simm.s32 $0x10C0;
	s11 =	simm.s32 $0x5020;
	s0 =	simm.s32 $0x5020;
	v2 =	vmax.f32 v31, $0.0e+00;
	[tilespmem:s9+$0xFFFFFFC0] =	vst v27;
	v29 =	vadd.s32 $0x1, v27;
	v0 =	vadd.s32 $0x41, v27  }
.LBB2_4:
0x55: {  	s2 =	smov.u32 s4  }
0x56: {  	s5 =	scvt.s32.f32 s4;
	v1 =	vmax.f32 v1, $0.0e+00;
	[tilespmem:s9+$0xFFFFFFD0] =	vst v29;
	v29 =	vadd.s32 $0x42, v27;
	v30 =	vadd.s32 $0x1081, v27;
	s0 =	sadd.s32 $0x30, s0;
	s2 =	sadd.s32 $0x1, s4  }
0x57: {  	p0 =	sne.s32 s4, $0x3F;
	v2 =	vmin.f32 v2, $9.999989860e-01;
	v1 =	vmin.f32 v1, $9.999989860e-01;
	[tilespmem:s9+$0x0] =	vst v30;
	v30 =	vadd.s32 $0x1082, v27  }
0x58: {  	v2 =	vmul.f32 $6.400000000e+01, v2;
	s4 =	sadd.f32 $5.000000000e-01, s5;
	v1 =	vmul.f32 $6.400000000e+01, v1;
	[tilespmem:s9+$0xFFFFFFE0] =	vst v0;
	v0 =	vadd.s32 $0x10C2, v27  }
0x59: {  	v28 =	vmax.f32 v28, $0.0e+00;
	v26 =	vsub.f32 v23, v26;
	v27 =	vadd.s32 $0x10C3, v27;
	[tilespmem:s9+$0x10] =	vst v30  }
0x5a: {  	v23 =	vmin.f32 v28, $9.999989860e-01;
	v28 =	vtrunc.f32 v2;
	s4 =	smul.f32 $3.125000000e-02, s4;
	v30 =	vtrunc.f32 v1;
	[tilespmem:s9+$0xFFFFFFF0] =	vst v29  }
0x5b: {  	v25 =	vsub.f32 v17, v25;
	v23 =	vmul.f32 $6.400000000e+01, v23;
	v28 =	vcvt.f32.s32 v28;
	v17 =	vmovc v1;
	[tilespmem:s9+$0x20] =	vst v0  }
0x5c: {  	v0 =	vmul.f32 s4, v16;
	v1 =	vmul.f32 s4, v18;
	[tilespmem:s9+$0x30] =	vst v27;
	s9 =	smov.u32 s1  }
0x5d: {  	v29 =	vtrunc.f32 v23;
	v31 =	vmul.u32 $0x41, v28;
	v27 =	vmul.f32 s4, v21;
	[tilespmem:s11+$0xFFFFFFE0] =	vst v24  }
0x5e: {  	v0 =	vadd.f32 v0, v19;
	v1 =	vadd.f32 v1, v20;
	v24 =	vcvt.f32.s32 v30;
	[tilespmem:s11+$0x0] =	vst v26  }
0x5f: {  	v26 =	vadd.f32 v27, v22;
	v27 =	vcvt.f32.s32 v29;
	v29 =	vcvt.s32.f32 v28;
	[tilespmem:s11+$0xFFFFFFF0] =	vst v25;
	s11 =	smov.u32 s0  }
.Ltmp3:
0x60: {  	v0 =	vmul.f32 $5.000000000e-01, v0;
	v1 =	vmul.f32 $5.000000000e-01, v1;
	v25 =	vadd.s32 v24, v31;
	(pc) =	sbr.rel @p0 .LBB2_4-.Ltmp3, $4  }
0x61: {  	v28 =	vmul.f32 $5.000000000e-01, v26;
	v26 =	vcvt.s32.f32 v27;
	v30 =	vmul.u32 $0x41, v25  }
0x62: {  	v25 =	vcvt.s32.f32 v24;
	v0 =	vadd.f32 $5.000000000e-01, v0;
	v1 =	vadd.f32 $5.000000000e-01, v1  }
0x63: {  	v24 =	vsub.f32 v2, v29;
	v28 =	vadd.f32 $5.000000000e-01, v28;
	v27 =	vadd.s32 v27, v30  }
0x64: {  	s1 =	sadd.s32 $0x80, s1;
	s4 =	smov.u32 s2;
	v2 =	vmax.f32 v0, $0.0e+00;
	v29 =	vadd.s32 $0x1, v27;
	v0 =	vadd.s32 $0x41, v27;
	[tilespmem:s9+$0xFFFFFFC0] =	vst v27  }
0x65: {  	v2 =	vmin.f32 v2, $9.999989860e-01  }
0x66: {  	v1 =	vmax.f32 v1, $0.0e+00;
	v2 =	vmul.f32 $6.400000000e+01, v2  }
0x67: {  	[tilespmem:s9+$0xFFFFFFD0] =	vst v29;
	v16 =	vadd.s32 $0x1081, v27;
	v1 =	vmin.f32 v1, $9.999989860e-01  }
0x68: {  	v18 =	vadd.s32 $0x42, v27;
	[tilespmem:s9+$0x0] =	vst v16;
	v1 =	vmul.f32 $6.400000000e+01, v1;
	v16 =	vtrunc.f32 v2  }
0x69: {  	v19 =	vadd.s32 $0x1082, v27;
	[tilespmem:s9+$0xFFFFFFE0] =	vst v0;
	v0 =	vmax.f32 v28, $0.0e+00;
	v16 =	vcvt.f32.s32 v16  }
0x6a: {  	v20 =	vadd.s32 $0x10C2, v27;
	[tilespmem:s9+$0x10] =	vst v19;
	v0 =	vmin.f32 v0, $9.999989860e-01;
	v54 =	vtrunc.f32 v1  }
0x6b: {  	[tilespmem:s9+$0xFFFFFFF0] =	vst v18;
	v0 =	vmul.f32 $6.400000000e+01, v0;
	v19 =	vcvt.f32.s32 v54;
	v55 =	vmul.u32 $0x41, v16  }
0x6c: {  	v56 =	vadd.s32 $0x10C3, v27;
	[tilespmem:s9+$0x20] =	vst v20  }
0x6d: {  	v21 =	vsub.f32 v23, v26;
	[tilespmem:s9+$0x30] =	vst v56;
	v57 =	vtrunc.f32 v0;
	v18 =	vadd.s32 v19, v55  }
0x6e: {  	v17 =	vsub.f32 v17, v25;
	[tilespmem:s11+$0xFFFFFFE0] =	vst v24;
	v20 =	vcvt.f32.s32 v57;
	v18 =	vmul.u32 $0x41, v18  }
0x6f: {  	[tilespmem:s11+$0x0] =	vst v21  }
0x70: {  	[tilespmem:s11+$0xFFFFFFF0] =	vst v17;
	v17 =	vadd.s32 v20, v18  }
0x71: {  	[tilespmem:s1+$0xFFFFFFC0] =	vst v17;
	v18 =	vadd.s32 $0x1, v17  }
0x72: {  	v58 =	vadd.s32 $0x1081, v17;
	[tilespmem:s1+$0xFFFFFFD0] =	vst v18  }
0x73: {  	v59 =	vadd.s32 $0x41, v17;
	[tilespmem:s1+$0x0] =	vst v58  }
0x74: {  	v60 =	vadd.s32 $0x1082, v17;
	[tilespmem:s1+$0xFFFFFFE0] =	vst v59  }
0x75: {  	v16 =	vcvt.s32.f32 v16;
	v61 =	vadd.s32 $0x42, v17;
	[tilespmem:s1+$0x10] =	vst v60  }
0x76: {  	v62 =	vcvt.s32.f32 v20;
	v63 =	vadd.s32 $0x10C2, v17;
	[tilespmem:s1+$0xFFFFFFF0] =	vst v61  }
0x77: {  	v19 =	vcvt.s32.f32 v19;
	v2 =	vsub.f32 v2, v16;
	v16 =	vadd.s32 $0x10C3, v17;
	[tilespmem:s1+$0x20] =	vst v63  }
0x78: {  	s0 =	sadd.s32 $0x30, s0;
	v0 =	vsub.f32 v0, v62;
	[tilespmem:s1+$0x30] =	vst v16  }
0x79: {  	v1 =	vsub.f32 v1, v19;
	[tilespmem:s0+$0xFFFFFFE0] =	vst v2  }
0x7a: {  	[tilespmem:s0+$0x0] =	vst v0  }
0x7b: {  	s28 =	simm.s32 $0x1000;
	[tilespmem:s0+$0xFFFFFFF0] =	vst v1  }
0x7c: {  	[tilespmem:s10], [sflag:$0x1] =	stream.indirect.gather [hbm4b:s6+s7], $0x20, s28, s7, $0xb8;
	[tilespmem:$0xC090] =	vst v63  }
0x7d: {  	s29 =	simm.s32 $0x1080  }
0x7e: {  	[tilespmem:s12], [sflag:$0x2] =	stream.indirect.gather [hbm4b:s6+s7], $0x20, s29, s7, $0xb8;
	[tilespmem:$0xC090] =	vst v63  }
.Ltmp4:
0x7f: {  	_ = 	snop;
	(pc) =	sbr.rel .LBB2_6-.Ltmp4, $4  }
0x80: {  	s30 =	simm.s32 $0x1100  }
0x81: {  	[tilespmem:s14], [sflag:$0x3] =	stream.indirect.gather [hbm4b:s6+s7], $0x20, s30, s7, $0xb8;
	[tilespmem:$0xC090] =	vst v63  }
0x82: {  	s31 =	simm.s32 $0x1180;
	s19 =	simm.s32 $0x0;
	p0 =	por $0x1, $0x1  }
0x83: {  	vm9 =	vcmask $0x704;
	[tilespmem:s16], [sflag:$0x4] =	stream.indirect.gather [hbm4b:s6+s7], $0x20, s31, s7, $0xb8;
	[tilespmem:$0xC090] =	vst v63  }
.LBB2_21:
0x84: {  	v0 =	vsub.f32 $1.000000000e+00, v16  }
0x85: {  	[tilespmem:s16], [sflag:$0x4] =	stream.indirect.gather [hbm4b:s6+s7], $0x20, s31, s7, $0xb8;
	[tilespmem:$0xC090] =	vst v63  }
0x86: {  	p1 =	sne.s32 s19, $0x20;
	v1 =	vadd.f32 v0, v22  }
.Ltmp5:
0x87: {  	s0 =	rddreg [dreg:$0x15];
	v2 =	vadd.f32 v18, v0;
	(pc) =	sbr.rel @!p1 .LBB2_22-.Ltmp5, $4  }
0x88: {  	v0 =	vadd.f32 v17, v0;
	[tilespmem:s0+$0xA800] =	vst v1  }
0x89: {  	[tilespmem:s0+$0xAA00] =	vst v2  }
0x8a: {  	s31 =	rddreg [dreg:$0x16];
	[tilespmem:s0+$0xAC00] =	vst v0  }
0x8b: {  	p0 =	por !p0, !p0;
	[tilespmem:s31+$0xA800] =	vst v16  }
.LBB2_6:
0x8c: {  	s0 =	sshll.u32 s19, $0x4  }
0x8d: {  	v0 =	vld [tilespmem:s0+$0xA00]  }
0x8e: {  	s1 =	sor.u32 $0x600, s0;
	v1 =	vld [tilespmem:s0+$0x800]  }
0x8f: {  	v2 =	vld [tilespmem:s1+$0x0];
	_ =	sdelay $0x3  }
0x90: {  	v16 =	vadd.f32 v0, v0;
	v17 =	vmul.f32 $-4.886025190e-01, v1  }
0x91: {  	v20 =	vmul.f32 $4.886025190e-01, v0;
	v19 =	vmul.f32 v2, v2  }
0x92: {  	v18 =	vmul.f32 v16, v0;
	v16 =	vld [tilespmem:s0+$0xC00];
	[tilespmem:$0xB210] =	vst v17;
	v17 =	vmul.f32 $1.092548490e+00, v2  }
0x93: {  	v22 =	vmul.f32 v1, v1;
	v21 =	vmul.f32 $-4.886025190e-01, v2  }
0x94: {  	v62 =	vmul.f32 $-1.092548490e+00, v1;
	[tilespmem:$0xB220] =	vst v20;
	v18 =	vsub.f32 v18, v19;
	v1 =	vmul.f32 v1, v17  }
0x95: {  	[tilespmem:$0xB230] =	vst v21  }
0x96: {  	v17 =	vsub.f32 v18, v22;
	[tilespmem:$0xB240] =	vst v1  }
0x97: {  	v2 =	vmul.f32 $-1.092548490e+00, v2;
	v18 =	vmul.f32 v0, v62;
	[tilespmem:$0x1FFF0] =	vst v16;
	v16 =	vimm.f32 $2.820948060e-01  }
0x98: {  	[tilespmem:$0xB200] =	vst v16;
	v1 =	vmul.f32 $3.153915700e-01, v17;
	v17 =	vsub.f32 v19, v22  }
0x99: {  	v0 =	vmul.f32 v0, v2;
	[tilespmem:$0xB250] =	vst v18  }
0x9a: {  	[tilespmem:$0xB260] =	vst v1;
	v1 =	vmul.f32 $5.462742450e-01, v17  }
0x9b: {  	[tilespmem:$0xB270] =	vst v0  }
0x9c: {  	s29 =	simm.s32 $0x0;
	[tilespmem:$0xB280] =	vst v1  }
0x9d: {  	v17 =	vld [tilespmem:s29+$0xB000];
	_ =	sdelay $0x4  }
0x9e: {  	(v2sf) =	vpush v17, $0x9  }
0x9f: {  	(v2sf) =	vpush v17, $0xF;
	_ =	sdelay $0x1  }
0xa0: {  	(v2sf) =	vpush v17, $0x8  }
0xa1: {  	(v2sf) =	vpush v17, $0x3  }
0xa2: {  	(v2sf) =	vpush v17, $0x1;
	_ =	sdelay $0x1  }
0xa3: {  	(v2sf) =	vpush v17, $0x0;
	_ =	sdelay $0x1  }
0xa4: {  	(v2sf) =	vpush v17, $0x7;
	_ =	sdelay $0x1  }
0xa5: {  	(v2sf) =	vpush v17, $0xA  }
0xa6: {  	(v2sf) =	vpush v17, $0x2  }
0xa7: {  	(v2sf) =	vpush v17, $0x4;
	_ =	sdelay $0x1  }
0xa8: {  	[dreg:$0x15] =	wrdreg s0;
	(v2sf) =	vpush v17, $0x5;
	s30 =	spop (v2sf)  }
0xa9: {  	(v2sf) =	vpush v17, $0xB;
	s4 =	spop (v2sf);
	s8 =	smulhi.u32 $0x38E38E39, s30  }
0xaa: {  	[dreg:$0x16] =	wrdreg s1;
	(v2sf) =	vpush v17, $0xE;
	s0 =	sshra.s32 s30, $0x1F;
	s1 =	smulhi.u32 $0x38E38E39, s4  }
0xab: {  	s5 =	spop (v2sf);
	s17 =	smul.u32 $0x38E38E39, s0  }
0xac: {  	(v2sf) =	vpush v17, $0xC;
	s2 =	spop (v2sf);
	s28 =	smulhi.u32 $0x38E38E39, s5  }
0xad: {  	(v2sf) =	vpush v17, $0xD;
	s6 =	spop (v2sf);
	s13 =	smulhi.u32 $0x38E38E39, s2  }
0xae: {  	s2 =	sshra.s32 s2, $0x1F;
	s9 =	smulhi.u32 $0x38E38E39, s6  }
0xaf: {  	s11 =	spop (v2sf);
	s24 =	smul.u32 $0x38E38E39, s2  }
0xb0: {  	[dreg:$0x14] =	wrdreg s19;
	s6 =	sshra.s32 s6, $0x1F;
	s19 =	smulhi.u32 $0x38E38E39, s11  }
0xb1: {  	(v2sf) =	vpush v17, $0x6;
	s7 =	spop (v2sf);
	s6 =	smul.u32 $0x38E38E39, s6  }
0xb2: {  	s11 =	sshra.s32 s11, $0x1F;
	s15 =	smulhi.u32 $0x38E38E39, s7  }
0xb3: {  	s7 =	sshra.s32 s7, $0x1F;
	s18 =	spop (v2sf);
	s11 =	smul.u32 $0x38E38E39, s11  }
0xb4: {  	s31 =	smul.u32 $0x38E38E39, s7;
	s3 =	spop (v2sf)  }
0xb5: {  	s26 =	sshra.s32 s5, $0x1F;
	s20 =	spop (v2sf);
	s21 =	smulhi.u32 $0x38E38E39, s3  }
0xb6: {  	s5 =	sshra.s32 s3, $0x1F;
	s22 =	sshra.s32 s20, $0x1F;
	s20 =	smulhi.u32 $0x38E38E39, s20  }
0xb7: {  	s30 =	sshra.s32 s4, $0x1F;
	s23 =	spop (v2sf);
	s4 =	smul.u32 $0x38E38E39, s5  }
0xb8: {  	s22 =	smul.u32 $0x38E38E39, s22;
	s25 =	spop (v2sf)  }
0xb9: {  	s8 =	sadd.s32 s17, s8;
	s2 =	smulhi.u32 $0x38E38E39, s25;
	s29 =	spop (v2sf)  }
0xba: {  	s0 =	sadd.s32 s31, s15;
	s31 =	sshra.s32 s25, $0x1F;
	s7 =	smulhi.u32 $0x38E38E39, s29  }
0xbb: {  	s9 =	sadd.s32 s6, s9;
	s6 =	smul.u32 $0x38E38E39, s31;
	s3 =	spop (v2sf)  }
0xbc: {  	s5 =	sadd.s32 s22, s20;
	s25 =	spop (v2sf);
	s22 =	smulhi.u32 $0x38E38E39, s3  }
0xbd: {  	s13 =	sadd.s32 s24, s13;
	s15 =	sshra.s32 s3, $0x1F;
	s20 =	smulhi.u32 $0x38E38E39, s25  }
0xbe: {  	s11 =	sadd.s32 s11, s19;
	s24 =	sshra.s32 s0, $0x1F;
	s15 =	smul.u32 $0x38E38E39, s15  }
0xbf: {  	s21 =	sadd.s32 s4, s21;
	s31 =	sshra.s32 s25, $0x1F;
	s25 =	smul.u32 $0x38E38E39, s26  }
0xc0: {  	v0 =	vmov s24;
	s24 =	sshrl.u32 s9, $0x1F;
	s19 =	spop (v2sf);
	s3 =	smul.u32 $0x38E38E39, s31  }
0xc1: {  	s29 =	sshra.s32 s29, $0x1F;
	s26 =	sshrl.u32 s21, $0x1F;
	s4 =	smulhi.u32 $0x38E38E39, s19  }
0xc2: {  	s2 =	sadd.s32 s6, s2;
	s31 =	smul.u32 $0x38E38E39, s30;
	s19 =	sshra.s32 s19, $0x1F  }
0xc3: {  	s15 =	sadd.s32 s15, s22;
	s22 =	sshra.s32 s18, $0x1F;
	s18 =	smulhi.u32 $0x38E38E39, s18  }
0xc4: {  	s17 =	sadd.s32 s3, s20;
	s1 =	sadd.s32 s31, s1;
	s3 =	sshrl.u32 s11, $0x1F  }
0xc5: {  	s31 =	sshra.s32 s11, $0x1F;
	s11 =	sshra.s32 s11, $0x1;
	s22 =	smul.u32 $0x38E38E39, s22  }
0xc6: {  	s30 =	sshra.s32 s13, $0x1;
	s20 =	sshra.s32 s23, $0x1F;
	v0 =	vsel vm3, s11, v0;
	s11 =	smulhi.u32 $0x38E38E39, s23  }
0xc7: {  	s23 =	sshrl.u32 s13, $0x1F;
	s13 =	sshra.s32 s13, $0x1F;
	v1 =	vmov s3;
	v0 =	vsel vm9, s31, v0;
	s31 =	sshra.s32 s9, $0x1  }
0xc8: {  	s3 =	sshrl.u32 s5, $0x1F;
	s9 =	sshra.s32 s9, $0x1F;
	v1 =	vnsel vm3, $0x0, v1;
	s18 =	sadd.s32 s22, s18;
	v0 =	vsel vm0, s31, v0  }
0xc9: {  	s31 =	sshra.s32 s21, $0x1F;
	v1 =	vsel vm0, s24, v1;
	s24 =	sshrl.u32 s8, $0x1F;
	v0 =	vsel vm10, s9, v0;
	s9 =	sshra.s32 s21, $0x1  }
0xca: {  	s8 =	sshra.s32 s8, $0x1;
	s21 =	smul.u32 $0x38E38E39, s29;
	v1 =	vsel vm1, s26, v1;
	s26 =	sshra.s32 s15, $0x1;
	v0 =	vsel vm1, s9, v0  }
0xcb: {  	s29 =	smul.u32 $0x38E38E39, s19;
	s19 =	sshra.s32 s18, $0x1;
	s9 =	sadd.s32 s25, s28;
	v1 =	vsel vm2, s23, v1;
	v0 =	vsel vm11, s31, v0  }
0xcc: {  	v2 =	vmov s26;
	s7 =	sadd.s32 s21, s7;
	v1 =	vsel vm4, s3, v1;
	s3 =	sshrl.u32 s9, $0x1F;
	s21 =	sshrl.u32 s15, $0x1F;
	v0 =	vsel vm2, s30, v0  }
0xcd: {  	s23 =	smul.u32 $0x38E38E39, s20;
	s30 =	sshrl.u32 s17, $0x1F;
	s17 =	sshra.s32 s17, $0x1;
	v18 =	vmov s3;
	v19 =	vmov s21;
	v0 =	vsel vm12, s13, v0  }
0xce: {  	s26 =	sshrl.u32 s18, $0x1F;
	s31 =	sshra.s32 s5, $0x1;
	v18 =	vsel vm0, s24, v18;
	v2 =	vsel vm0, s17, v2;
	v19 =	vsel vm0, s30, v19;
	s30 =	sshra.s32 s9, $0x1  }
0xcf: {  	s5 =	sshra.s32 s5, $0x1F;
	s25 =	sshrl.u32 s7, $0x1F;
	s13 =	sshra.s32 s7, $0x1;
	v0 =	vsel vm4, s31, v0;
	v18 =	vsel vm1, s26, v18;
	v63 =	vmov s30  }
0xd0: {  	s20 =	sshra.s32 s1, $0x1;
	s3 =	sshrl.u32 s2, $0x1F;
	s31 =	sadd.s32 s23, s11;
	v19 =	vsel vm1, s25, v19;
	v2 =	vsel vm1, s13, v2;
	v0 =	vsel vm13, s5, v0  }
0xd1: {  	s1 =	sshrl.u32 s1, $0x1F;
	s4 =	sadd.s32 s29, s4;
	v18 =	vsel vm2, s3, v18;
	s17 =	sshra.s32 s31, $0x1;
	v20 =	vsel vm0, s8, v63;
	v2 =	vsel vm2, s20, v2  }
0xd2: {  	s2 =	sshra.s32 s2, $0x1;
	s21 =	sshra.s32 s31, $0x1F;
	s22 =	sshrl.u32 s31, $0x1F;
	v19 =	vsel vm2, s1, v19;
	v0 =	vsel vm5, s17, v0;
	v20 =	vsel vm1, s19, v20  }
0xd3: {  	s24 =	sshra.s32 s4, $0x1F;
	s23 =	sshra.s32 s4, $0x1;
	s4 =	sshrl.u32 s4, $0x1F;
	v1 =	vsel vm5, s22, v1;
	v18 =	vcombine.low v18, v19;
	v0 =	vsel vm14, s21, v0  }
0xd4: {  	s6 =	simm.s32 $0x1;
	s25 =	sshra.s32 s0, $0x1;
	s0 =	sshrl.u32 s0, $0x1F;
	v20 =	vsel vm2, s2, v20;
	v1 =	vsel vm6, s4, v1;
	v0 =	vsel vm6, s23, v0  }
0xd5: {  	s6 =	simm.s32 @!p0 $0x0;
	v2 =	vcombine.low v20, v2;
	v1 =	vsel vm7, s0, v1;
	v0 =	vsel vm15, s24, v0  }
0xd6: {  	s26 =	smul.u32 $0x3000, s6;
	v18 =	vperm.xlane v18, v3;
	v1 =	vperm.xlane v1, v4;
	v0 =	vsel vm7, s25, v0  }
0xd7: {  	s28 =	simm.s32 $0x40;
	s30 =	sshll.u32 s6, $0xD;
	v2 =	vperm.xlane v2, v3;
	v0 =	vperm.xlane v0, v4  }
0xd8: {  	s31 =	sor.u32 $0x1040, s30;
	s3 =	simm.s32 $0xB2B0;
	s29 =	sshrl.u32 s26, $0x2;
	vm15 =	vmmov vm14;
	vm14 =	vmmov vm13;
	vm13 =	vmmov vm12  }
0xd9: {  	s1 =	simm.s32 $0xB8B0;
	[dreg:$0x18] =	wrdreg s31;
	s0 =	sor.u32 $0x5020, s29;
	vm12 =	vmmov vm11;
	v1 =	vsel vm8, v1, v18;
	v0 =	vsel vm8, v0, v2  }
0xda: {  	s26 =	simm.s32 $0xB8B0;
	[dreg:$0x17] =	wrdreg s0;
	s0 =	simm.s32 $0xB2B0;
	vm11 =	vmmov vm10;
	vm10 =	vmmov vm9;
	v0 =	vadd.s32 v1, v0  }
.LBB2_7:
0xdb: {  	v0 =	vmul.u32 $0x9, v0;
	_ =	sdelay $0x1  }
0xdc: {  	v0 =	vsub.s32 v17, v0  }
0xdd: {  	vm9 =	vlt.s32 v0, $0x0  }
0xde: {  	v0 =	vshll.u32 v0, $0x4;
	v1 =	vsel vm9, v7, v5  }
0xdf: {  	v0 =	vadd.s32 v0, v1  }
0xe0: {  	v0 =	vor.u32 v8, v0;
	_ =	sdelay $0x3  }
0xe1: {  	s4 =	rddreg [dreg:$0x2];
	v1 =	vld [tilespmem:s3+$0xFFFFFFE0]  }
0xe2: {  	v0 =	vld.idx.msk [tilespmem:v0+s4+$0x0], $0xffff;
	_ =	sdelay $0x4  }
0xe3: {  	v1 =	vmul.f32 v1, v0;
	_ =	sdelay $0x1  }
0xe4: {  	[tilespmem:s1+$0xFFFFFFE0] =	vst v1  }
0xe5: {  	v1 =	vld [tilespmem:s3+$0xFFFFFFF0];
	_ =	sdelay $0x4  }
0xe6: {  	v1 =	vmul.f32 v1, v0;
	_ =	sdelay $0x1  }
0xe7: {  	[tilespmem:s1+$0xFFFFFFF0] =	vst v1  }
0xe8: {  	v1 =	vld [tilespmem:s3+$0x0];
	_ =	sdelay $0x4  }
0xe9: {  	v0 =	vmul.f32 v1, v0  }
0xea: {  	s2 =	smov.u32 s28  }
0xeb: {  	s2 =	sshra.s32 s2, $0x2;
	[tilespmem:s1+$0x0] =	vst v0  }
0xec: {  	v17 =	vld [tilespmem:s2+$0xB000];
	_ =	sdelay $0x4  }
0xed: {  	(v2sf) =	vpush v17, $0x9  }
0xee: {  	(v2sf) =	vpush v17, $0xF  }
0xef: {  	(v2sf) =	vpush v17, $0x8;
	_ =	sdelay $0x1  }
0xf0: {  	(v2sf) =	vpush v17, $0x3;
	_ =	sdelay $0x1  }
0xf1: {  	(v2sf) =	vpush v17, $0x1  }
0xf2: {  	(v2sf) =	vpush v17, $0x0;
	_ =	sdelay $0x2  }
0xf3: {  	(v2sf) =	vpush v17, $0x7;
	_ =	sdelay $0x1  }
0xf4: {  	s0 =	sadd.s32 $0x30, s0;
	(v2sf) =	vpush v17, $0xA  }
0xf5: {  	s26 =	sadd.s32 $0x40, s26;
	[dreg:$0x3] =	wrdreg s0;
	s18 =	smov.u32 s0;
	(v2sf) =	vpush v17, $0x2  }
0xf6: {  	s19 =	smov.u32 s26;
	[dreg:$0x5] =	wrdreg s18  }
0xf7: {  	[dreg:$0x4] =	wrdreg s19;
	(v2sf) =	vpush v17, $0x4;
	s20 =	spop (v2sf)  }
0xf8: {  	s21 =	spop (v2sf);
	s23 =	smulhi.u32 $0x38E38E39, s20  }
0xf9: {  	(v2sf) =	vpush v17, $0x5;
	s2 =	sshra.s32 s20, $0x1F;
	s17 =	spop (v2sf);
	s22 =	smulhi.u32 $0x38E38E39, s21  }
0xfa: {  	s25 =	sshra.s32 s21, $0x1F;
	s29 =	smul.u32 $0x38E38E39, s2;
	[dreg:$0x8] =	wrdreg s23  }
0xfb: {  	s5 =	spop (v2sf);
	[dreg:$0xa] =	wrdreg s25  }
0xfc: {  	s23 =	smulhi.u32 $0x38E38E39, s17;
	[dreg:$0x6] =	wrdreg s22  }
0xfd: {  	(v2sf) =	vpush v17, $0xB;
	s15 =	spop (v2sf);
	s4 =	smulhi.u32 $0x38E38E39, s5  }
0xfe: {  	(v2sf) =	vpush v17, $0xE;
	s24 =	sshra.s32 s17, $0x1F;
	s18 =	smulhi.u32 $0x38E38E39, s15;
	s19 =	spop (v2sf)  }
0xff: {  	[dreg:$0x7] =	wrdreg s24;
	s30 =	sshra.s32 s15, $0x1F;
	s3 =	smulhi.u32 $0x38E38E39, s19  }
0x100: {  	[dreg:$0xc] =	wrdreg s29;
	s5 =	sshra.s32 s5, $0x1F;
	s2 =	smul.u32 $0x38E38E39, s30  }
0x101: {  	(v2sf) =	vpush v17, $0xC;
	s7 =	spop (v2sf);
	s30 =	smul.u32 $0x38E38E39, s5  }
0x102: {  	(v2sf) =	vpush v17, $0xD;
	[dreg:$0xe] =	wrdreg s23;
	s29 =	sshra.s32 s19, $0x1F;
	s20 =	smulhi.u32 $0x38E38E39, s7  }
0x103: {  	s21 =	sshra.s32 s7, $0x1F;
	s8 =	spop (v2sf);
	s17 =	smul.u32 $0x38E38E39, s29  }
0x104: {  	(v2sf) =	vpush v17, $0x6;
	s31 =	smul.u32 $0x38E38E39, s21;
	s0 =	spop (v2sf)  }
0x105: {  	s18 =	sadd.s32 s2, s18;
	s30 =	sadd.s32 s30, s4;
	s4 =	rddreg [dreg:$0xc]  }
0x106: {  	s22 =	sshra.s32 s0, $0x1F;
	s1 =	spop (v2sf);
	s0 =	smulhi.u32 $0x38E38E39, s0  }
0x107: {  	s3 =	sadd.s32 s17, s3;
	s15 =	sadd.s32 s31, s20;
	s7 =	smulhi.u32 $0x38E38E39, s1  }
0x108: {  	s6 =	sshra.s32 s1, $0x1F;
	s20 =	spop (v2sf);
	s1 =	smul.u32 $0x38E38E39, s22  }
0x109: {  	s17 =	sshrl.u32 s3, $0x1F;
	s11 =	smul.u32 $0x38E38E39, s6;
	s21 =	sshra.s32 s20, $0x1F  }
0x10a: {  	s9 =	sshra.s32 s15, $0x1F;
	s20 =	smulhi.u32 $0x38E38E39, s20;
	[dreg:$0xb] =	wrdreg s21  }
0x10b: {  	s5 =	sadd.s32 s11, s7;
	s7 =	sshra.s32 s8, $0x1F;
	s8 =	smulhi.u32 $0x38E38E39, s8  }
0x10c: {  	v0 =	vmov s17;
	s17 =	sshra.s32 s3, $0x1F;
	s7 =	smul.u32 $0x38E38E39, s7;
	s31 =	spop (v2sf)  }
0x10d: {  	s3 =	sshra.s32 s3, $0x1;
	s13 =	smulhi.u32 $0x38E38E39, s31;
	s24 =	spop (v2sf)  }
0x10e: {  	s0 =	sadd.s32 s1, s0;
	s25 =	sshra.s32 s31, $0x1F;
	s21 =	smulhi.u32 $0x38E38E39, s24  }
0x10f: {  	v1 =	vmov s9;
	s19 =	sshra.s32 s24, $0x1F;
	s22 =	smul.u32 $0x38E38E39, s25;
	[dreg:$0x9] =	wrdreg s13  }
0x110: {  	v1 =	vsel vm3, s3, v1;
	s3 =	sshra.s32 s30, $0x1F;
	s19 =	smul.u32 $0x38E38E39, s19;
	s2 =	spop (v2sf)  }
0x111: {  	s11 =	sshrl.u32 s5, $0x1F;
	s13 =	spop (v2sf);
	s1 =	smulhi.u32 $0x38E38E39, s2  }
0x112: {  	s24 =	sshrl.u32 s0, $0x1F;
	s23 =	sshra.s32 s2, $0x1F;
	s29 =	smulhi.u32 $0x38E38E39, s13  }
0x113: {  	s2 =	sshra.s32 s0, $0x1F;
	s6 =	spop (v2sf);
	s23 =	smul.u32 $0x38E38E39, s23  }
0x114: {  	s0 =	sshra.s32 s0, $0x1;
	s31 =	sshra.s32 s13, $0x1F;
	s25 =	smulhi.u32 $0x38E38E39, s6  }
0x115: {  	v0 =	vnsel vm3, $0x0, v0;
	s13 =	sshrl.u32 s18, $0x1F;
	s9 =	smul.u32 $0x38E38E39, s31;
	s31 =	rddreg [dreg:$0xa]  }
0x116: {  	s6 =	sshra.s32 s6, $0x1F;
	v0 =	vsel vm0, s13, v0;
	s13 =	sshrl.u32 s30, $0x1F;
	[dreg:$0xd] =	wrdreg s25  }
0x117: {  	s25 =	sshra.s32 s30, $0x1;
	s30 =	smul.u32 $0x38E38E39, s31;
	s31 =	rddreg [dreg:$0x8]  }
0x118: {  	v0 =	vsel vm1, s24, v0;
	s1 =	sadd.s32 s23, s1;
	s9 =	sadd.s32 s9, s29;
	s29 =	rddreg [dreg:$0x6]  }
0x119: {  	s23 =	sshra.s32 s5, $0x1;
	v0 =	vsel vm2, s13, v0;
	s13 =	rddreg [dreg:$0xe];
	s31 =	sadd.s32 s4, s31  }
0x11a: {  	v1 =	vsel vm10, s17, v1;
	s4 =	sshra.s32 s18, $0x1;
	s18 =	sshra.s32 s18, $0x1F;
	s24 =	sshrl.u32 s31, $0x1F  }
0x11b: {  	v1 =	vsel vm0, s4, v1;
	s17 =	sadd.s32 s30, s29;
	s30 =	rddreg [dreg:$0x7];
	s4 =	sshra.s32 s1, $0x1  }
0x11c: {  	v0 =	vsel vm4, s11, v0;
	s1 =	sshrl.u32 s1, $0x1F;
	s29 =	sshra.s32 s5, $0x1F;
	v1 =	vsel vm11, s18, v1;
	s11 =	smul.u32 $0x38E38E39, s30  }
0x11d: {  	s18 =	sshra.s32 s31, $0x1;
	s30 =	sadd.s32 s7, s8;
	s31 =	rddreg [dreg:$0x9];
	v1 =	vsel vm1, s0, v1  }
0x11e: {  	vm9 =	vcmask $0x3734;
	s0 =	sshrl.u32 s9, $0x1F;
	s9 =	sshra.s32 s9, $0x1;
	s7 =	sadd.s32 s22, s31;
	v1 =	vsel vm12, s2, v1  }
0x11f: {  	v2 =	vmov s4;
	v19 =	vmov s1;
	s2 =	sadd.s32 s11, s13;
	s11 =	sadd.s32 s19, s21;
	s21 =	rddreg [dreg:$0xb];
	v1 =	vsel vm2, s25, v1  }
0x120: {  	v2 =	vsel vm0, s9, v2;
	v19 =	vsel vm0, s0, v19;
	s19 =	sshrl.u32 s11, $0x1F;
	s25 =	sshrl.u32 s2, $0x1F;
	s2 =	sshra.s32 s2, $0x1;
	v1 =	vsel vm13, s3, v1  }
0x121: {  	s22 =	rddreg [dreg:$0xd];
	s4 =	sshrl.u32 s7, $0x1F;
	s13 =	smul.u32 $0x38E38E39, s21;
	v18 =	vmov s25;
	v20 =	vmov s2;
	v19 =	vsel vm1, s19, v19  }
0x122: {  	s9 =	smul.u32 $0x38E38E39, s6;
	s3 =	sshrl.u32 s30, $0x1F;
	s19 =	sshrl.u32 s17, $0x1F;
	v1 =	vsel vm4, s23, v1;
	v18 =	vsel vm0, s24, v18;
	v20 =	vsel vm0, s18, v20  }
0x123: {  	s8 =	sadd.s32 s13, s20;
	s13 =	sshra.s32 s30, $0x1;
	s20 =	sshra.s32 s11, $0x1;
	v19 =	vsel vm2, s19, v19;
	v1 =	vsel vm14, s29, v1;
	v18 =	vsel vm1, s3, v18  }
0x124: {  	s7 =	sshra.s32 s7, $0x1;
	s23 =	sshra.s32 s17, $0x1;
	s21 =	sshra.s32 s8, $0x1;
	v2 =	vsel vm1, s20, v2;
	v20 =	vsel vm1, s13, v20;
	v18 =	vsel vm2, s4, v18  }
0x125: {  	s1 =	sadd.s32 s9, s22;
	s24 =	sshra.s32 s8, $0x1F;
	s0 =	sshrl.u32 s8, $0x1F;
	v1 =	vsel vm5, s21, v1;
	v2 =	vsel vm2, s23, v2;
	v20 =	vsel vm2, s7, v20  }
0x126: {  	s25 =	sshra.s32 s1, $0x1;
	s29 =	sshrl.u32 s1, $0x1F;
	v0 =	vsel vm5, s0, v0;
	v1 =	vsel vm15, s24, v1;
	v2 =	vcombine.low v20, v2  }
0x127: {  	s31 =	sshrl.u32 s15, $0x1F;
	s1 =	sshra.s32 s1, $0x1F;
	v0 =	vsel vm6, s29, v0;
	v18 =	vcombine.low v18, v19;
	v1 =	vsel vm6, s25, v1  }
0x128: {  	p1 =	sne.s32 s28, $0x7C0;
	s30 =	sshra.s32 s15, $0x1;
	v0 =	vsel vm7, s31, v0;
	v1 =	vsel vm9, s1, v1  }
.Ltmp6:
0x129: {  	v2 =	vperm.xlane v2, v3;
	v18 =	vperm.xlane v18, v3;
	v1 =	vsel vm7, s30, v1;
	(pc) =	sbr.rel @p1 .LBB2_7-.Ltmp6, $4  }
0x12a: {  	v0 =	vperm.xlane v0, v4;
	v1 =	vperm.xlane v1, v4  }
0x12b: {  	s3 =	rddreg [dreg:$0x5]  }
0x12c: {  	s0 =	rddreg [dreg:$0x3];
	v0 =	vsel vm8, v0, v18;
	v1 =	vsel vm8, v1, v2  }
0x12d: {  	s28 =	sadd.s32 $0x40, s28;
	s1 =	rddreg [dreg:$0x4];
	v0 =	vadd.s32 v0, v1  }
0x12e: {  	v0 =	vmul.u32 $0x9, v0;
	_ =	sdelay $0x1  }
0x12f: {  	v0 =	vsub.s32 v17, v0  }
0x130: {  	vm9 =	vlt.s32 v0, $0x0  }
0x131: {  	v0 =	vshll.u32 v0, $0x4;
	v1 =	vsel vm9, v7, v5  }
0x132: {  	v0 =	vadd.s32 v0, v1  }
0x133: {  	v0 =	vor.u32 v8, v0;
	_ =	sdelay $0x3  }
0x134: {  	s0 =	rddreg [dreg:$0x2];
	v1 =	vld [tilespmem:s3+$0xFFFFFFE0]  }
0x135: {  	v0 =	vld.idx.msk [tilespmem:v0+s0+$0x0], $0xffff;
	_ =	sdelay $0x4  }
0x136: {  	v1 =	vmul.f32 v1, v0;
	_ =	sdelay $0x1  }
0x137: {  	[tilespmem:s1+$0xFFFFFFE0] =	vst v1  }
0x138: {  	v1 =	vld [tilespmem:s3+$0xFFFFFFF0];
	_ =	sdelay $0x4  }
0x139: {  	v1 =	vmul.f32 v1, v0;
	_ =	sdelay $0x1  }
0x13a: {  	[tilespmem:s1+$0xFFFFFFF0] =	vst v1  }
0x13b: {  	v1 =	vld [tilespmem:s3+$0x0];
	_ =	sdelay $0x1  }
0x13c: {  	s19 =	rddreg [dreg:$0x14]  }
0x13d: {  	s11 =	sand.u32 $0x1, s19;
	s19 =	sadd.s32 $0x1, s19  }
0x13e: {  	p1 =	slt.s32 s19, $0x1F;
	s0 =	smov.u32 s19  }
0x13f: {  	s0 =	simm.s32 @!p1 $0x1F;
	v0 =	vmul.f32 v1, v0  }
0x140: {  	s0 =	sshll.u32 s0, $0x4  }
0x141: {  	s0 =	sand.u32 $0x3FFFFFF0, s0;
	[tilespmem:s1+$0x0] =	vst v0  }
0x142: {  	v17 =	vld [tilespmem:s0+$0x0]  }
0x143: {  	v18 =	vld [tilespmem:s0+$0x200]  }
0x144: {  	s2 =	simm.s32 $0x0;
	v19 =	vld [tilespmem:s0+$0x400]  }
0x145: {  	s30 =	scvt.s32.f32 s2;
	v20 =	vld [tilespmem:s0+$0x600]  }
0x146: {  	v21 =	vld [tilespmem:s0+$0x800]  }
0x147: {  	v22 =	vld [tilespmem:s0+$0xA00];
	s0 =	sadd.f32 $5.000000000e-01, s30;
	_ =	sdelay $0x1  }
0x148: {  	s0 =	smul.f32 $3.125000000e-02, s0;
	_ =	sdelay $0x1  }
0x149: {  	v0 =	vmul.f32 s0, v20  }
0x14a: {  	v1 =	vmul.f32 s0, v21  }
0x14b: {  	v0 =	vadd.f32 v0, v17  }
0x14c: {  	v2 =	vmul.f32 s0, v22;
	v1 =	vadd.f32 v1, v18  }
0x14d: {  	v0 =	vmul.f32 $5.000000000e-01, v0  }
0x14e: {  	s31 =	simm.s32 $0x1;
	v2 =	vadd.f32 v2, v19;
	v1 =	vmul.f32 $5.000000000e-01, v1  }
0x14f: {  	s0 =	scvt.s32.f32 s31;
	v0 =	vadd.f32 $5.000000000e-01, v0  }
0x150: {  	v2 =	vmul.f32 $5.000000000e-01, v2;
	v1 =	vadd.f32 $5.000000000e-01, v1  }
0x151: {  	s0 =	sadd.f32 $5.000000000e-01, s0;
	v0 =	vmax.f32 v0, $0.0e+00  }
0x152: {  	v2 =	vadd.f32 $5.000000000e-01, v2;
	v1 =	vmax.f32 v1, $0.0e+00;
	v0 =	vmin.f32 v0, $9.999989860e-01  }
0x153: {  	s0 =	smul.f32 $3.125000000e-02, s0;
	v1 =	vmin.f32 v1, $9.999989860e-01;
	v0 =	vmul.f32 $6.400000000e+01, v0  }
0x154: {  	vm3 =	vcmask $0x3734;
	v23 =	vmul.f32 $6.400000000e+01, v1;
	v1 =	vmax.f32 v2, $0.0e+00  }
0x155: {  	v26 =	vmul.f32 s0, v21;
	v1 =	vmin.f32 v1, $9.999989860e-01;
	v2 =	vtrunc.f32 v0  }
0x156: {  	vm10 =	vmmov vm11;
	v25 =	vtrunc.f32 v23;
	v24 =	vmul.f32 $6.400000000e+01, v1  }
0x157: {  	vm11 =	vmmov vm12;
	v1 =	vcvt.f32.s32 v2;
	v2 =	vmul.f32 s0, v20  }
0x158: {  	v27 =	vmul.f32 s0, v22;
	v26 =	vadd.f32 v26, v18;
	v25 =	vcvt.f32.s32 v25  }
0x159: {  	v28 =	vtrunc.f32 v24;
	v29 =	vmul.u32 $0x41, v1;
	v2 =	vadd.f32 v2, v17  }
0x15a: {  	v27 =	vadd.f32 v27, v19;
	v28 =	vcvt.f32.s32 v28;
	v30 =	vcvt.s32.f32 v1  }
0x15b: {  	s4 =	simm.s32 $0x2;
	s20 =	rddreg [dreg:$0x18];
	v1 =	vmul.f32 $5.000000000e-01, v2;
	v2 =	vmul.f32 $5.000000000e-01, v26;
	v26 =	vadd.s32 v25, v29  }
0x15c: {  	s6 =	rddreg [dreg:$0xf];
	s7 =	simm.s32 $0x80;
	s5 =	simm.s32 $0x1;
	v29 =	vmul.f32 $5.000000000e-01, v27;
	v27 =	vcvt.s32.f32 v28;
	v31 =	vmul.u32 $0x41, v26  }
0x15d: {  	s8 =	simm.s32 $0x2;
	s17 =	simm.s32 $0x3;
	s29 =	sxor.u32 $0x1, s11;
	v26 =	vcvt.s32.f32 v25;
	v25 =	vsub.f32 v0, v30;
	v32 =	vadd.f32 $5.000000000e-01, v1  }
0x15e: {  	s18 =	simm.s32 $0x4;
	s9 =	sshll.u32 s29, $0xD;
	s3 =	rddreg [dreg:$0x17];
	v1 =	vadd.f32 $5.000000000e-01, v2;
	v29 =	vadd.f32 $5.000000000e-01, v29;
	v28 =	vadd.s32 v28, v31  }
0x15f: {  	s13 =	sadd.s32 $0x80, s20;
	s26 =	sor.u32 $0x1000, s9;
	s15 =	smov.u32 s3;
	v2 =	vmax.f32 v32, $0.0e+00;
	[tilespmem:s20+$0xFFFFFFC0] =	vst v28;
	v30 =	vadd.s32 $0x1, v28;
	v0 =	vadd.s32 $0x41, v28  }
.LBB2_9:
0x160: {  	s0 =	scvt.s32.f32 s4  }
0x161: {  	v1 =	vmax.f32 v1, $0.0e+00;
	[tilespmem:s20+$0xFFFFFFD0] =	vst v30;
	v30 =	vadd.s32 $0x42, v28;
	v31 =	vadd.s32 $0x1081, v28;
	s3 =	sadd.s32 $0x30, s3;
	s1 =	smov.u32 s4;
	s2 =	sadd.s32 $0x1, s4  }
0x162: {  	p1 =	seq.s32 s4, $0x3F;
	v2 =	vmin.f32 v2, $9.999989860e-01;
	v1 =	vmin.f32 v1, $9.999989860e-01;
	[tilespmem:s20+$0x0] =	vst v31;
	v31 =	vadd.s32 $0x1082, v28  }
0x163: {  	v2 =	vmul.f32 $6.400000000e+01, v2;
	s0 =	sadd.f32 $5.000000000e-01, s0;
	v1 =	vmul.f32 $6.400000000e+01, v1;
	[tilespmem:s20+$0xFFFFFFE0] =	vst v0;
	v0 =	vadd.s32 $0x10C2, v28  }
0x164: {  	v29 =	vmax.f32 v29, $0.0e+00;
	v27 =	vsub.f32 v24, v27;
	v28 =	vadd.s32 $0x10C3, v28;
	[tilespmem:s20+$0x10] =	vst v31  }
0x165: {  	v24 =	vmin.f32 v29, $9.999989860e-01;
	v29 =	vtrunc.f32 v2;
	s0 =	smul.f32 $3.125000000e-02, s0;
	v31 =	vtrunc.f32 v1;
	[tilespmem:s20+$0xFFFFFFF0] =	vst v30  }
0x166: {  	v26 =	vsub.f32 v23, v26;
	v24 =	vmul.f32 $6.400000000e+01, v24;
	v29 =	vcvt.f32.s32 v29;
	v23 =	vmovc v1;
	[tilespmem:s20+$0x20] =	vst v0  }
0x167: {  	v0 =	vmul.f32 s0, v20;
	v1 =	vmul.f32 s0, v21;
	[tilespmem:s20+$0x30] =	vst v28;
	s20 =	smov.u32 s13  }
0x168: {  	v30 =	vtrunc.f32 v24;
	v28 =	vmul.f32 s0, v22;
	v32 =	vmul.u32 $0x41, v29;
	[tilespmem:s15+$0xFFFFFFE0] =	vst v25  }
0x169: {  	v25 =	vcvt.f32.s32 v31;
	v0 =	vadd.f32 v0, v17;
	v1 =	vadd.f32 v1, v18;
	[tilespmem:s15+$0x0] =	vst v27  }
0x16a: {  	v27 =	vadd.f32 v28, v19;
	v28 =	vcvt.f32.s32 v30;
	v30 =	vcvt.s32.f32 v29;
	[tilespmem:s15+$0xFFFFFFF0] =	vst v26;
	s15 =	smov.u32 s3  }
.Ltmp7:
0x16b: {  	v26 =	vadd.s32 v25, v32;
	v0 =	vmul.f32 $5.000000000e-01, v0;
	v1 =	vmul.f32 $5.000000000e-01, v1;
	(pc) =	sbr.rel @!p1 .LBB2_9-.Ltmp7, $4  }
0x16c: {  	v29 =	vmul.f32 $5.000000000e-01, v27;
	v27 =	vcvt.s32.f32 v28;
	v31 =	vmul.u32 $0x41, v26  }
0x16d: {  	v26 =	vcvt.s32.f32 v25;
	v0 =	vadd.f32 $5.000000000e-01, v0;
	v1 =	vadd.f32 $5.000000000e-01, v1  }
0x16e: {  	v25 =	vsub.f32 v2, v30;
	v29 =	vadd.f32 $5.000000000e-01, v29;
	v28 =	vadd.s32 v28, v31  }
0x16f: {  	s4 =	smov.u32 s2;
	s13 =	sadd.s32 $0x80, s13;
	v30 =	vadd.s32 $0x1, v28;
	v2 =	vmax.f32 v0, $0.0e+00;
	[tilespmem:s20+$0xFFFFFFC0] =	vst v28;
	v0 =	vadd.s32 $0x41, v28  }
0x170: {  	v2 =	vmin.f32 v2, $9.999989860e-01  }
0x171: {  	v1 =	vmax.f32 v1, $0.0e+00;
	v2 =	vmul.f32 $6.400000000e+01, v2  }
0x172: {  	[tilespmem:s20+$0xFFFFFFD0] =	vst v30;
	v17 =	vadd.s32 $0x1081, v28;
	v1 =	vmin.f32 v1, $9.999989860e-01  }
0x173: {  	v18 =	vadd.s32 $0x42, v28;
	[tilespmem:s20+$0x0] =	vst v17;
	v1 =	vmul.f32 $6.400000000e+01, v1;
	v17 =	vtrunc.f32 v2  }
0x174: {  	v19 =	vadd.s32 $0x1082, v28;
	[tilespmem:s20+$0xFFFFFFE0] =	vst v0;
	v0 =	vmax.f32 v29, $0.0e+00;
	v17 =	vcvt.f32.s32 v17  }
0x175: {  	v20 =	vadd.s32 $0x10C2, v28;
	[tilespmem:s20+$0x10] =	vst v19;
	v0 =	vmin.f32 v0, $9.999989860e-01;
	v62 =	vtrunc.f32 v1  }
0x176: {  	[tilespmem:s20+$0xFFFFFFF0] =	vst v18;
	v0 =	vmul.f32 $6.400000000e+01, v0;
	v19 =	vcvt.f32.s32 v62;
	v63 =	vmul.u32 $0x41, v17  }
0x177: {  	[tilespmem:s20+$0x20] =	vst v20;
	v20 =	vadd.s32 $0x10C3, v28  }
0x178: {  	v21 =	vsub.f32 v24, v27;
	[tilespmem:s20+$0x30] =	vst v20;
	v20 =	vtrunc.f32 v0;
	v18 =	vadd.s32 v19, v63  }
0x179: {  	v22 =	vsub.f32 v23, v26;
	[tilespmem:s15+$0xFFFFFFE0] =	vst v25;
	v20 =	vcvt.f32.s32 v20;
	v18 =	vmul.u32 $0x41, v18  }
0x17a: {  	[tilespmem:s15+$0x0] =	vst v21  }
0x17b: {  	[tilespmem:s15+$0xFFFFFFF0] =	vst v22;
	v18 =	vadd.s32 v20, v18  }
0x17c: {  	v17 =	vcvt.s32.f32 v17;
	[tilespmem:s13+$0xFFFFFFC0] =	vst v18;
	v21 =	vadd.s32 $0x1, v18  }
0x17d: {  	v22 =	vadd.s32 $0x41, v18;
	[tilespmem:s13+$0xFFFFFFD0] =	vst v21  }
0x17e: {  	v2 =	vsub.f32 v2, v17;
	v17 =	vadd.s32 $0x10C3, v18;
	[tilespmem:s13+$0xFFFFFFE0] =	vst v22  }
0x17f: {  	v21 =	vadd.s32 $0x1081, v18;
	[tilespmem:s13+$0x30] =	vst v17  }
0x180: {  	v22 =	vadd.s32 $0x42, v18;
	[tilespmem:s13+$0x0] =	vst v21  }
0x181: {  	v20 =	vcvt.s32.f32 v20;
	v21 =	vadd.s32 $0x1082, v18;
	[tilespmem:s13+$0xFFFFFFF0] =	vst v22  }
0x182: {  	v19 =	vcvt.s32.f32 v19;
	[tilespmem:s13+$0x10] =	vst v21;
	v21 =	vadd.s32 $0x10C2, v18  }
0x183: {  	s0 =	sadd.s32 $0x30, s3;
	v0 =	vsub.f32 v0, v20;
	[tilespmem:s13+$0x20] =	vst v21  }
0x184: {  	s24 =	smul.u32 $0x3000, s11;
	v1 =	vsub.f32 v1, v19;
	[tilespmem:s0+$0xFFFFFFE0] =	vst v2  }
0x185: {  	[tilespmem:s0+$0x0] =	vst v0  }
0x186: {  	[tilespmem:s0+$0xFFFFFFF0] =	vst v1;
	s0 =	sshrl.u32 s24, $0x2  }
0x187: {  	v0 =	vimm.f32 $1.000000000e+00;
	s28 =	sor.u32 $0x5000, s0  }
0x188: {  	[tilespmem:$0x1FFA0] =	vst v0;
	v0 =	vmov s28  }
0x189: {  	[tilespmem:$0x1FFB0] =	vst v0;
	v0 =	vimm.f32 $0.0e+00  }
0x18a: {  	vm9 =	vcmask $0x704;
	vm12 =	vmmov vm13;
	[tilespmem:$0x1FFC0] =	vst v0;
	v0 =	vimm.f32 $0.0e+00  }
0x18b: {  	s25 =	sshll.u32 s11, $0xD;
	s30 =	sadd.s32 $0x1080, s9;
	s31 =	sadd.s32 $0x1180, s9;
	vm13 =	vmmov vm14;
	vm14 =	vmmov vm15;
	[tilespmem:$0x1FFD0] =	vst v0;
	v0 =	vimm.f32 $0.0e+00  }
0x18c: {  	s1 =	simm.s32 $0x0;
	vm15 =	vmmov vm3;
	vm3 =	vcmask $0x300;
	s29 =	sor.u32 $0x1000, s25;
	v22 =	vimm.f32 $0.0e+00;
	s0 =	sadd.s32 $0x1100, s9;
	[tilespmem:$0x1FFE0] =	vst v0  }
.LBB2_11:
0x18d: {  	_ =	swait.ge [sflag:s5], $0x1000  }
0x18e: {  	[sflag:s5] =	ssyncset.done $0x0  }
0x18f: {  	s2 =	simm.s32 $0x0;
	v16 =	vld [tilespmem:$0x1FFB0];
	[sflag:s5] =	ssyncadd.s32 $0xFFFFF000  }
0x190: {  	v0 =	vld [tilespmem:s2+$0xB030];
	_ =	sdelay $0x2  }
0x191: {  	v27 =	vld [tilespmem:s2+$0xB020]  }
0x192: {  	s3 =	smul.u32 $0x300, s1;
	v29 =	vld [tilespmem:s2+$0xB010]  }
0x193: {  	s25 =	simm.s32 $0x40;
	v31 =	vld [tilespmem:s2+$0xB000];
	v24 =	vadd.s32 v6, v0  }
0x194: {  	s11 =	sshra.s32 s3, $0x2;
	v63 =	vld [tilespmem:s25+$0xB030];
	v25 =	vadd.s32 v9, v0  }
0x195: {  	v26 =	vadd.s32 v10, v0;
	v1 =	vld.idx.msk [tilespmem:v16+s11+$0x0 ss:$0x1], $0xffff  }
0x196: {  	v28 =	vadd.s32 v11, v0;
	v2 =	vld.idx.msk [tilespmem:v16+s11+$0x10 ss:$0x1], $0xffff  }
0x197: {  	v30 =	vadd.s32 v12, v0;
	v32 =	vld.idx.msk [tilespmem:v16+s11+$0x20 ss:$0x1], $0xffff  }
0x198: {  	v34 =	vld.idx.msk [tilespmem:v24+s10+$0x0], $0xffff;
	v24 =	vadd.s32 v14, v0  }
0x199: {  	v35 =	vld.idx.msk [tilespmem:v25+s10+$0x0], $0xffff;
	v25 =	vadd.s32 v6, v27  }
0x19a: {  	v36 =	vld.idx.msk [tilespmem:v26+s10+$0x0], $0xffff;
	v26 =	vadd.s32 v9, v27  }
0x19b: {  	v37 =	vld.idx.msk [tilespmem:v28+s10+$0x0], $0xffff;
	v28 =	vadd.s32 v10, v27  }
0x19c: {  	v38 =	vld.idx.msk [tilespmem:v30+s10+$0x0], $0xffff;
	v30 =	vadd.s32 v11, v27  }
0x19d: {  	v39 =	vld.idx.msk [tilespmem:v24+s10+$0x0], $0xffff;
	v24 =	vadd.s32 v12, v27  }
0x19e: {  	v40 =	vld.idx.msk [tilespmem:v25+s10+$0x0], $0xffff;
	v25 =	vadd.s32 v13, v27  }
0x19f: {  	v41 =	vld.idx.msk [tilespmem:v26+s10+$0x0], $0xffff;
	v26 =	vadd.s32 v14, v27  }
0x1a0: {  	v42 =	vld.idx.msk [tilespmem:v28+s10+$0x0], $0xffff;
	v27 =	vadd.s32 v15, v27  }
0x1a1: {  	v28 =	vadd.s32 v6, v29;
	v43 =	vld.idx.msk [tilespmem:v30+s10+$0x0], $0xffff  }
0x1a2: {  	v30 =	vadd.s32 v9, v29;
	v44 =	vld.idx.msk [tilespmem:v24+s10+$0x0], $0xffff  }
0x1a3: {  	v24 =	vadd.s32 v10, v29;
	v45 =	vld.idx.msk [tilespmem:v25+s10+$0x0], $0xffff  }
0x1a4: {  	v25 =	vadd.s32 v11, v29;
	v46 =	vld.idx.msk [tilespmem:v26+s10+$0x0], $0xffff  }
0x1a5: {  	v26 =	vadd.s32 v12, v29;
	v47 =	vld.idx.msk [tilespmem:v27+s10+$0x0], $0xffff  }
0x1a6: {  	v48 =	vld.idx.msk [tilespmem:v28+s10+$0x0], $0xffff;
	v27 =	vadd.s32 v13, v29  }
0x1a7: {  	v49 =	vld.idx.msk [tilespmem:v30+s10+$0x0], $0xffff;
	v28 =	vadd.s32 v14, v29  }
0x1a8: {  	v50 =	vld.idx.msk [tilespmem:v24+s10+$0x0], $0xffff;
	v24 =	vadd.s32 v15, v29  }
0x1a9: {  	v29 =	vadd.s32 v6, v31;
	v51 =	vld.idx.msk [tilespmem:v25+s10+$0x0], $0xffff  }
0x1aa: {  	v25 =	vadd.s32 v9, v31;
	v52 =	vld.idx.msk [tilespmem:v26+s10+$0x0], $0xffff  }
0x1ab: {  	v33 =	vadd.s32 v13, v0;
	v53 =	vld.idx.msk [tilespmem:v27+s10+$0x0], $0xffff  }
0x1ac: {  	v0 =	vadd.s32 v15, v0;
	v30 =	vsub.f32 $1.000000000e+00, v2;
	v54 =	vld.idx.msk [tilespmem:v28+s10+$0x0], $0xffff;
	v28 =	vsub.f32 $1.000000000e+00, v1  }
0x1ad: {  	v55 =	vadd.s32 v12, v31;
	v27 =	vadd.s32 v11, v31;
	v56 =	vld.idx.msk [tilespmem:v24+s10+$0x0], $0xffff  }
0x1ae: {  	v26 =	vadd.s32 v10, v31;
	v24 =	vsub.f32 $1.000000000e+00, v32;
	v57 =	vld.idx.msk [tilespmem:v29+s10+$0x0], $0xffff;
	v29 =	vmul.f32 v30, v28  }
0x1af: {  	v58 =	vadd.s32 v13, v31;
	v28 =	vmul.f32 v2, v28;
	v59 =	vld.idx.msk [tilespmem:v25+s10+$0x0], $0xffff;
	v25 =	vmul.f32 v30, v1  }
0x1b0: {  	v60 =	vadd.s32 v14, v31;
	v33 =	vld.idx.msk [tilespmem:v33+s10+$0x0], $0xffff;
	v1 =	vmul.f32 v2, v1;
	v30 =	vmul.f32 v24, v29  }
0x1b1: {  	v61 =	vadd.s32 v15, v31;
	v0 =	vld.idx.msk [tilespmem:v0+s10+$0x0], $0xffff;
	v29 =	vmul.f32 v29, v32;
	v31 =	vmul.f32 v24, v28  }
0x1b2: {  	v62 =	vld.idx.msk [tilespmem:v27+s10+$0x0], $0xffff;
	v27 =	vmul.f32 v32, v28;
	v28 =	vmul.f32 v24, v25  }
0x1b3: {  	s9 =	simm.s32 $0xB910;
	v2 =	vld.idx.msk [tilespmem:v26+s10+$0x0], $0xffff;
	v26 =	vmul.f32 v25, v32;
	v25 =	vmul.f32 v24, v1  }
0x1b4: {  	v17 =	vld [tilespmem:s9+$0x70];
	v24 =	vmul.f32 v32, v1;
	v32 =	vmul.f32 v34, v30  }
0x1b5: {  	v55 =	vld.idx.msk [tilespmem:v55+s10+$0x0], $0xffff;
	v19 =	vmul.f32 v35, v29;
	v36 =	vmul.f32 v36, v31  }
0x1b6: {  	v58 =	vld.idx.msk [tilespmem:v58+s10+$0x0], $0xffff;
	v37 =	vmul.f32 v37, v27;
	v38 =	vmul.f32 v38, v28  }
0x1b7: {  	v18 =	vld.idx.msk [tilespmem:v61+s10+$0x0], $0xffff;
	v33 =	vmul.f32 v33, v26;
	v39 =	vmul.f32 v39, v25  }
0x1b8: {  	v61 =	vld [tilespmem:s9+$0x50];
	v0 =	vmul.f32 v0, v24;
	v40 =	vmul.f32 v40, v30  }
0x1b9: {  	v1 =	vld.idx.msk [tilespmem:v60+s10+$0x0], $0xffff;
	v41 =	vmul.f32 v41, v29;
	v42 =	vmul.f32 v42, v31  }
0x1ba: {  	v60 =	vld [tilespmem:s9+$0x40];
	v43 =	vmul.f32 v43, v27;
	v44 =	vmul.f32 v44, v28  }
0x1bb: {  	v34 =	vld [tilespmem:s9+$0x60];
	v45 =	vmul.f32 v45, v26;
	v46 =	vmul.f32 v46, v25  }
0x1bc: {  	v47 =	vmul.f32 v47, v24;
	v48 =	vmul.f32 v48, v30;
	v36 =	vadd.f32 v37, v36;
	v37 =	vld [tilespmem:s9+$0x0]  }
0x1bd: {  	v49 =	vmul.f32 v49, v29;
	v50 =	vmul.f32 v50, v31;
	v33 =	vadd.f32 v33, v38;
	v38 =	vld [tilespmem:s9+$0x10]  }
0x1be: {  	v51 =	vmul.f32 v51, v27;
	v52 =	vmul.f32 v52, v28;
	v0 =	vadd.f32 v0, v39;
	v39 =	vld [tilespmem:s9+$0xFFFFFFC0]  }
0x1bf: {  	v53 =	vmul.f32 v53, v26;
	v54 =	vmul.f32 v54, v25;
	v40 =	vadd.f32 v41, v40;
	v41 =	vld [tilespmem:s9+$0xFFFFFFD0]  }
0x1c0: {  	v55 =	vmul.f32 v55, v28;
	v58 =	vmul.f32 v58, v26;
	v42 =	vadd.f32 v43, v42;
	v43 =	vld [tilespmem:s9+$0xFFFFFF80]  }
0x1c1: {  	v35 =	vmul.f32 v18, v24;
	v56 =	vmul.f32 v56, v24;
	v44 =	vadd.f32 v45, v44;
	v45 =	vld [tilespmem:s9+$0xFFFFFF90]  }
0x1c2: {  	v57 =	vmul.f32 v57, v30;
	v59 =	vmul.f32 v59, v29;
	v46 =	vadd.f32 v47, v46;
	v47 =	vld [tilespmem:s9+$0xFFFFFFA0]  }
0x1c3: {  	v2 =	vmul.f32 v2, v31;
	v32 =	vadd.f32 v19, v32;
	v48 =	vadd.f32 v49, v48;
	v49 =	vld [tilespmem:s9+$0xFFFFFFB0]  }
0x1c4: {  	v62 =	vmul.f32 v62, v27;
	v50 =	vadd.f32 v51, v50;
	v51 =	vld [tilespmem:s25+$0xB020];
	v52 =	vadd.f32 v53, v52  }
0x1c5: {  	v53 =	vld [tilespmem:s9+$0xFFFFFFE0];
	v55 =	vadd.f32 v58, v55;
	v1 =	vmul.f32 v1, v25;
	v54 =	vadd.f32 v56, v54  }
0x1c6: {  	v58 =	vld [tilespmem:s9+$0x30];
	v57 =	vadd.f32 v59, v57;
	v2 =	vadd.f32 v62, v2;
	v59 =	vadd.s32 v6, v63  }
0x1c7: {  	v56 =	vld [tilespmem:s9+$0xFFFFFFF0];
	v32 =	vadd.f32 v36, v32;
	v0 =	vadd.f32 v0, v33;
	v33 =	vadd.s32 v10, v63  }
0x1c8: {  	v18 =	vadd.s32 v13, v63;
	v62 =	vld [tilespmem:s9+$0x20];
	v40 =	vadd.f32 v42, v40;
	v19 =	vadd.f32 v46, v44  }
0x1c9: {  	v46 =	vld [tilespmem:s25+$0xB010];
	v48 =	vadd.f32 v50, v48;
	v1 =	vadd.f32 v35, v1;
	v35 =	vadd.s32 v9, v63  }
0x1ca: {  	v44 =	vadd.s32 v11, v63;
	v36 =	vld [tilespmem:s25+$0xB000];
	v50 =	vadd.f32 v54, v52;
	v2 =	vadd.f32 v2, v57  }
0x1cb: {  	v52 =	vadd.s32 v12, v63;
	v0 =	vadd.f32 v0, v32;
	v1 =	vadd.f32 v1, v55;
	v57 =	vld.idx.msk [tilespmem:v59+s10+$0x0], $0xffff  }
0x1cc: {  	v40 =	vadd.f32 v19, v40;
	v19 =	vadd.s32 v14, v63;
	v54 =	vadd.s32 v10, v51;
	v59 =	vld.idx.msk [tilespmem:v33+s10+$0x0], $0xffff  }
0x1cd: {  	v42 =	vadd.s32 v14, v51;
	v33 =	vmul.f32 v0, v61;
	v1 =	vadd.f32 v1, v2;
	v61 =	vld.idx.msk [tilespmem:v18+s10+$0x0], $0xffff  }
0x1ce: {  	v37 =	vmul.f32 v40, v37;
	v2 =	vadd.s32 v6, v51;
	v55 =	vld.idx.msk [tilespmem:v35+s10+$0x0], $0xffff;
	v35 =	vadd.f32 v50, v48  }
0x1cf: {  	v48 =	vmul.f32 v0, v60;
	v50 =	vadd.s32 v15, v63;
	v60 =	vld.idx.msk [tilespmem:v44+s10+$0x0], $0xffff;
	v43 =	vmul.f32 v1, v43  }
0x1d0: {  	v44 =	vadd.s32 v9, v51;
	v52 =	vld.idx.msk [tilespmem:v52+s10+$0x0], $0xffff;
	v32 =	vmul.f32 v1, v45;
	v45 =	vmul.f32 v1, v47  }
0x1d1: {  	v47 =	vadd.s32 v11, v51;
	v18 =	vld.idx.msk [tilespmem:v19+s10+$0x0], $0xffff;
	v1 =	vmul.f32 v49, v1;
	v19 =	vimm.f32 $0.0e+00  }
0x1d2: {  	v39 =	vmul.f32 v35, v39;
	v41 =	vmul.f32 v35, v41;
	v20 =	vld.idx.msk [tilespmem:v54+s10+$0x0], $0xffff;
	v54 =	vadd.s32 v11, v46  }
0x1d3: {  	v49 =	vmul.f32 v35, v53;
	v63 =	vadd.f32 v43, v19;
	v43 =	vadd.s32 v12, v51;
	v53 =	vld.idx.msk [tilespmem:v2+s10+$0x0], $0xffff  }
0x1d4: {  	v35 =	vmul.f32 v56, v35;
	v56 =	vadd.f32 v45, v19;
	v45 =	vadd.s32 v15, v51;
	v16 =	vld.idx.msk [tilespmem:v50+s10+$0x0], $0xffff  }
0x1d5: {  	v38 =	vmul.f32 v40, v38;
	v32 =	vadd.f32 v32, v19;
	v2 =	vadd.s32 v13, v51;
	v23 =	vld.idx.msk [tilespmem:v44+s10+$0x0], $0xffff  }
0x1d6: {  	v58 =	vmul.f32 v58, v40;
	v21 =	vadd.s32 v6, v36;
	v1 =	vadd.f32 v1, v19;
	v19 =	vld.idx.msk [tilespmem:v47+s10+$0x0], $0xffff  }
0x1d7: {  	v39 =	vadd.f32 v39, v63;
	v32 =	vadd.f32 v41, v32;
	v50 =	vadd.s32 v6, v46;
	v54 =	vld.idx.msk [tilespmem:v54+s10+$0x0], $0xffff  }
0x1d8: {  	v63 =	vmul.f32 v40, v62;
	v49 =	vadd.f32 v49, v56;
	v56 =	vadd.s32 v9, v46;
	v41 =	vld.idx.msk [tilespmem:v43+s10+$0x0], $0xffff  }
0x1d9: {  	v1 =	vadd.f32 v35, v1;
	v40 =	vadd.s32 v10, v46;
	v32 =	vadd.f32 v38, v32;
	v38 =	vld.idx.msk [tilespmem:v45+s10+$0x0], $0xffff  }
0x1da: {  	v62 =	vmul.f32 v0, v34;
	v0 =	vmul.f32 v17, v0;
	v17 =	vadd.s32 v13, v46;
	v44 =	vld.idx.msk [tilespmem:v2+s10+$0x0], $0xffff  }
0x1db: {  	v47 =	vadd.s32 v12, v46;
	v63 =	vadd.f32 v63, v49;
	v2 =	vadd.f32 v37, v39;
	v37 =	vld.idx.msk [tilespmem:v42+s10+$0x0], $0xffff  }
0x1dc: {  	v1 =	vadd.f32 v58, v1;
	v58 =	vadd.s32 v14, v46;
	v43 =	vmul.f32 v55, v29;
	v49 =	vld.idx.msk [tilespmem:v50+s10+$0x0], $0xffff  }
0x1dd: {  	v45 =	vmul.f32 v59, v31;
	v55 =	vmul.f32 v20, v31;
	v34 =	vadd.f32 v33, v32;
	v50 =	vld.idx.msk [tilespmem:v56+s10+$0x0], $0xffff  }
0x1de: {  	v33 =	vadd.f32 v62, v63;
	v32 =	vadd.f32 v0, v1;
	v1 =	vadd.s32 v15, v46;
	v51 =	vld.idx.msk [tilespmem:v40+s10+$0x0], $0xffff  }
0x1df: {  	v42 =	vmul.f32 v57, v30;
	v62 =	vadd.s32 v9, v36;
	v46 =	vmul.f32 v60, v27;
	v59 =	vld.idx.msk [tilespmem:v17+s10+$0x0], $0xffff  }
0x1e0: {  	v63 =	vadd.s32 v10, v36;
	v39 =	vmul.f32 v18, v25;
	v40 =	vmul.f32 v16, v24;
	v56 =	vld.idx.msk [tilespmem:v47+s10+$0x0], $0xffff  }
0x1e1: {  	v35 =	vadd.f32 v48, v2;
	v48 =	vmul.f32 v61, v26;
	v2 =	vadd.s32 v11, v36;
	v61 =	vld.idx.msk [tilespmem:v21+s10+$0x0], $0xffff  }
0x1e2: {  	v0 =	vadd.s32 v12, v36;
	v47 =	vmul.f32 v52, v28;
	v52 =	vmul.f32 v53, v30;
	v60 =	vld.idx.msk [tilespmem:v58+s10+$0x0], $0xffff  }
0x1e3: {  	s13 =	simm.s32 $0x200;
	s11 =	sadd.s32 s11, s28;
	v53 =	vmul.f32 v23, v29;
	v58 =	vmul.f32 v19, v27;
	v57 =	vld.idx.msk [tilespmem:v1+s10+$0x0], $0xffff;
	v1 =	vadd.s32 v13, v36  }
.LBB2_12:
0x1e4: {  	p1 =	sne.s32 s13, $0x700;
	v16 =	vld.idx.msk [tilespmem:v62+s10+$0x0], $0xffff;
	v17 =	vadd.s32 v14, v36;
	v18 =	vmul.f32 v41, v28;
	v19 =	vmul.f32 v44, v26  }
0x1e5: {  	v21 =	vadd.s32 v15, v36;
	v23 =	vmul.f32 v37, v25;
	v36 =	vmul.f32 v38, v24;
	v20 =	vld.idx.msk [tilespmem:v63+s10+$0x0], $0xffff  }
0x1e6: {  	v37 =	vmul.f32 v49, v30;
	v38 =	vmul.f32 v50, v29;
	v2 =	vld.idx.msk [tilespmem:v2+s10+$0x0], $0xffff  }
0x1e7: {  	v41 =	vmul.f32 v51, v31;
	v44 =	vmul.f32 v54, v27;
	v0 =	vld.idx.msk [tilespmem:v0+s10+$0x0], $0xffff  }
0x1e8: {  	v49 =	vmul.f32 v56, v28;
	v50 =	vmul.f32 v59, v26;
	v1 =	vld.idx.msk [tilespmem:v1+s10+$0x0], $0xffff  }
0x1e9: {  	v51 =	vmul.f32 v60, v25;
	v54 =	vmul.f32 v57, v24;
	v17 =	vld.idx.msk [tilespmem:v17+s10+$0x0], $0xffff  }
0x1ea: {  	s9 =	sadd.s32 $0x100, s9;
	v56 =	vmul.f32 v61, v30;
	v16 =	vmul.f32 v16, v29;
	v21 =	vld.idx.msk [tilespmem:v21+s10+$0x0], $0xffff  }
0x1eb: {  	v42 =	vadd.f32 v43, v42;
	v43 =	vadd.f32 v46, v45;
	v20 =	vmul.f32 v20, v31;
	v45 =	vld [tilespmem:s9+$0x40]  }
0x1ec: {  	s4 =	sshra.s32 s13, $0x2;
	v46 =	vadd.f32 v48, v47;
	v39 =	vadd.f32 v40, v39;
	v2 =	vmul.f32 v2, v27;
	v40 =	vld [tilespmem:s9+$0x50]  }
0x1ed: {  	v48 =	vadd.f32 v53, v52;
	v52 =	vadd.f32 v58, v55;
	v0 =	vmul.f32 v0, v28;
	v47 =	vld [tilespmem:s4+$0xB030]  }
0x1ee: {  	v18 =	vadd.f32 v19, v18;
	v19 =	vadd.f32 v36, v23;
	v1 =	vmul.f32 v1, v26;
	v23 =	vld [tilespmem:s9+$0x60]  }
0x1ef: {  	v36 =	vadd.f32 v38, v37;
	v37 =	vadd.f32 v44, v41;
	v17 =	vmul.f32 v17, v25;
	v38 =	vld [tilespmem:s9+$0x0]  }
0x1f0: {  	v41 =	vadd.f32 v50, v49;
	v44 =	vadd.f32 v54, v51;
	v21 =	vmul.f32 v21, v24;
	v49 =	vld [tilespmem:s9+$0x10]  }
0x1f1: {  	v16 =	vadd.f32 v16, v56;
	v2 =	vadd.f32 v2, v20;
	v20 =	vld [tilespmem:s9+$0xFFFFFFC0]  }
0x1f2: {  	v0 =	vadd.f32 v1, v0;
	v1 =	vadd.f32 v21, v17;
	v50 =	vadd.s32 v6, v47;
	v17 =	vld [tilespmem:s9+$0xFFFFFFD0]  }
0x1f3: {  	v42 =	vadd.f32 v43, v42;
	v39 =	vadd.f32 v39, v46;
	v21 =	vadd.s32 v9, v47;
	v51 =	vld [tilespmem:s9+$0xFFFFFF80]  }
0x1f4: {  	v48 =	vadd.f32 v52, v48;
	v18 =	vadd.f32 v19, v18;
	v43 =	vadd.s32 v10, v47;
	v46 =	vld [tilespmem:s9+$0xFFFFFF90]  }
0x1f5: {  	v36 =	vadd.f32 v37, v36;
	v37 =	vadd.f32 v44, v41;
	v19 =	vadd.s32 v11, v47;
	v52 =	vld [tilespmem:s9+$0xFFFFFFA0]  }
0x1f6: {  	v39 =	vadd.f32 v39, v42;
	v2 =	vadd.f32 v2, v16;
	v41 =	vadd.s32 v12, v47;
	v16 =	vld [tilespmem:s9+$0xFFFFFFB0]  }
0x1f7: {  	v44 =	vadd.s32 v13, v47;
	v0 =	vadd.f32 v1, v0;
	v1 =	vadd.f32 v18, v48;
	v42 =	vld [tilespmem:s4+$0xB020]  }
0x1f8: {  	v40 =	vmul.f32 v39, v40;
	v18 =	vadd.f32 v37, v36;
	v37 =	vmul.f32 v39, v45;
	v36 =	vld [tilespmem:s9+$0xFFFFFFE0]  }
0x1f9: {  	v0 =	vadd.f32 v0, v2;
	v38 =	vmul.f32 v1, v38;
	v45 =	vmul.f32 v1, v49;
	v2 =	vld [tilespmem:s9+$0xFFFFFFF0]  }
0x1fa: {  	v48 =	vadd.s32 v14, v47;
	v20 =	vmul.f32 v18, v20;
	v17 =	vmul.f32 v18, v17;
	v49 =	vld [tilespmem:s9+$0x20]  }
0x1fb: {  	v47 =	vadd.s32 v15, v47;
	v51 =	vmul.f32 v0, v51;
	v46 =	vmul.f32 v0, v46;
	v53 =	vld [tilespmem:s9+$0x30]  }
0x1fc: {  	v52 =	vmul.f32 v0, v52;
	v0 =	vmul.f32 v16, v0;
	v54 =	vadd.s32 v6, v42;
	v16 =	vld [tilespmem:s9+$0x70]  }
0x1fd: {  	v35 =	vadd.f32 v51, v35;
	v34 =	vadd.f32 v46, v34;
	v55 =	vld [tilespmem:s4+$0xB010];
	v46 =	vmul.f32 v18, v36  }
0x1fe: {  	v33 =	vadd.f32 v52, v33;
	v0 =	vadd.f32 v0, v32;
	v36 =	vld [tilespmem:s4+$0xB000];
	v2 =	vmul.f32 v2, v18  }
0x1ff: {  	v20 =	vadd.f32 v20, v35;
	v17 =	vadd.f32 v17, v34;
	v18 =	vld.idx.msk [tilespmem:v50+s10+$0x0], $0xffff;
	v32 =	vmul.f32 v1, v49  }
0x200: {  	v33 =	vadd.f32 v46, v33;
	v21 =	vld.idx.msk [tilespmem:v21+s10+$0x0], $0xffff;
	v0 =	vadd.f32 v2, v0;
	v1 =	vmul.f32 v53, v1  }
0x201: {  	v23 =	vmul.f32 v39, v23;
	v20 =	vadd.f32 v38, v20;
	v17 =	vadd.f32 v45, v17;
	v2 =	vld.idx.msk [tilespmem:v43+s10+$0x0], $0xffff  }
0x202: {  	v32 =	vadd.f32 v32, v33;
	v19 =	vld.idx.msk [tilespmem:v19+s10+$0x0], $0xffff;
	v0 =	vadd.f32 v1, v0;
	v1 =	vmul.f32 v16, v39  }
0x203: {  	v35 =	vadd.f32 v37, v20;
	v34 =	vadd.f32 v40, v17;
	v16 =	vadd.s32 v9, v42;
	v39 =	vld.idx.msk [tilespmem:v41+s10+$0x0], $0xffff  }
0x204: {  	v17 =	vadd.s32 v10, v42;
	v33 =	vadd.f32 v23, v32;
	v20 =	vld.idx.msk [tilespmem:v44+s10+$0x0], $0xffff;
	v32 =	vadd.f32 v1, v0  }
0x205: {  	v0 =	vadd.s32 v11, v42;
	v1 =	vld.idx.msk [tilespmem:v48+s10+$0x0], $0xffff  }
0x206: {  	v23 =	vadd.s32 v12, v42;
	v40 =	vld.idx.msk [tilespmem:v47+s10+$0x0], $0xffff  }
0x207: {  	v37 =	vadd.s32 v13, v42;
	v52 =	vld.idx.msk [tilespmem:v54+s10+$0x0], $0xffff  }
0x208: {  	v38 =	vadd.s32 v14, v42;
	v16 =	vld.idx.msk [tilespmem:v16+s10+$0x0], $0xffff  }
0x209: {  	v42 =	vadd.s32 v15, v42;
	v17 =	vld.idx.msk [tilespmem:v17+s10+$0x0], $0xffff  }
0x20a: {  	v43 =	vadd.s32 v6, v55;
	v58 =	vld.idx.msk [tilespmem:v0+s10+$0x0], $0xffff  }
0x20b: {  	v0 =	vadd.s32 v9, v55;
	v41 =	vld.idx.msk [tilespmem:v23+s10+$0x0], $0xffff  }
0x20c: {  	v23 =	vadd.s32 v10, v55;
	v44 =	vld.idx.msk [tilespmem:v37+s10+$0x0], $0xffff  }
0x20d: {  	v45 =	vadd.s32 v11, v55;
	v37 =	vld.idx.msk [tilespmem:v38+s10+$0x0], $0xffff  }
0x20e: {  	v46 =	vadd.s32 v12, v55;
	v38 =	vld.idx.msk [tilespmem:v42+s10+$0x0], $0xffff  }
0x20f: {  	v47 =	vadd.s32 v13, v55;
	v49 =	vld.idx.msk [tilespmem:v43+s10+$0x0], $0xffff  }
0x210: {  	v50 =	vld.idx.msk [tilespmem:v0+s10+$0x0], $0xffff;
	v0 =	vadd.s32 v14, v55  }
0x211: {  	v51 =	vld.idx.msk [tilespmem:v23+s10+$0x0], $0xffff;
	v23 =	vadd.s32 v15, v55  }
0x212: {  	v42 =	vmul.f32 v18, v30;
	v43 =	vmul.f32 v21, v29;
	v55 =	vadd.s32 v6, v36;
	v54 =	vld.idx.msk [tilespmem:v45+s10+$0x0], $0xffff  }
.Ltmp8:
0x213: {  	v62 =	vadd.s32 v9, v36;
	v45 =	vmul.f32 v2, v31;
	v56 =	vld.idx.msk [tilespmem:v46+s10+$0x0], $0xffff;
	v46 =	vmul.f32 v19, v27;
	(pc) =	sbr.rel @p1 .LBB2_12-.Ltmp8, $4  }
0x214: {  	v63 =	vadd.s32 v10, v36;
	v48 =	vmul.f32 v20, v26;
	v59 =	vld.idx.msk [tilespmem:v47+s10+$0x0], $0xffff;
	v47 =	vmul.f32 v39, v28  }
0x215: {  	v40 =	vmul.f32 v40, v24;
	v2 =	vadd.s32 v11, v36;
	v39 =	vmul.f32 v1, v25;
	v60 =	vld.idx.msk [tilespmem:v0+s10+$0x0], $0xffff  }
0x216: {  	v52 =	vmul.f32 v52, v30;
	v53 =	vmul.f32 v16, v29;
	v0 =	vadd.s32 v12, v36;
	v57 =	vld.idx.msk [tilespmem:v23+s10+$0x0], $0xffff  }
0x217: {  	s13 =	sadd.s32 $0x100, s13;
	v58 =	vmul.f32 v58, v27;
	v1 =	vadd.s32 v13, v36;
	v61 =	vld.idx.msk [tilespmem:v55+s10+$0x0], $0xffff;
	v55 =	vmul.f32 v17, v31  }
0x218: {  	_ =	sdelay $0x3  }
0x219: {  	v16 =	vld.idx.msk [tilespmem:v62+s10+$0x0], $0xffff;
	v17 =	vadd.s32 v14, v36  }
0x21a: {  	v18 =	vld.idx.msk [tilespmem:v63+s10+$0x0], $0xffff;
	v19 =	vadd.s32 v15, v36  }
0x21b: {  	v20 =	vmul.f32 v41, v28;
	v2 =	vld.idx.msk [tilespmem:v2+s10+$0x0], $0xffff  }
0x21c: {  	v21 =	vmul.f32 v44, v26;
	v23 =	vmul.f32 v49, v30;
	v0 =	vld.idx.msk [tilespmem:v0+s10+$0x0], $0xffff  }
0x21d: {  	v36 =	vmul.f32 v50, v29;
	v41 =	vmul.f32 v51, v31;
	v1 =	vld.idx.msk [tilespmem:v1+s10+$0x0], $0xffff  }
0x21e: {  	v54 =	vmul.f32 v54, v27;
	v56 =	vmul.f32 v56, v28;
	v17 =	vld.idx.msk [tilespmem:v17+s10+$0x0], $0xffff  }
0x21f: {  	v59 =	vmul.f32 v59, v26;
	v63 =	vadd.f32 v58, v55;
	v20 =	vadd.f32 v21, v20;
	v19 =	vld.idx.msk [tilespmem:v19+s10+$0x0], $0xffff  }
0x220: {  	v37 =	vmul.f32 v37, v25;
	v21 =	vadd.f32 v36, v23;
	v23 =	vadd.f32 v54, v41  }
0x221: {  	v41 =	vadd.f32 v59, v56;
	v30 =	vmul.f32 v61, v30;
	v16 =	vmul.f32 v16, v29  }
0x222: {  	v18 =	vmul.f32 v18, v31;
	v29 =	vadd.f32 v43, v42;
	v2 =	vmul.f32 v2, v27  }
0x223: {  	v31 =	vadd.f32 v46, v45;
	v0 =	vmul.f32 v0, v28;
	v1 =	vmul.f32 v1, v26  }
0x224: {  	v27 =	vadd.f32 v48, v47;
	v17 =	vmul.f32 v17, v25;
	v19 =	vmul.f32 v19, v24  }
0x225: {  	v62 =	vmul.f32 v60, v25;
	v16 =	vadd.f32 v16, v30;
	v2 =	vadd.f32 v2, v18  }
0x226: {  	s2 =	sadd.s32 $0x100, s9;
	v26 =	vmul.f32 v57, v24;
	v0 =	vadd.f32 v1, v0;
	v1 =	vadd.f32 v19, v17  }
0x227: {  	v28 =	vadd.f32 v53, v52;
	v2 =	vadd.f32 v2, v16;
	v25 =	vld [tilespmem:s2+$0xFFFFFF80];
	v17 =	vmul.f32 v38, v24  }
0x228: {  	v24 =	vadd.f32 v26, v62;
	v0 =	vadd.f32 v1, v0  }
0x229: {  	v16 =	vld [tilespmem:s2+$0xFFFFFFC0];
	v1 =	vadd.f32 v17, v37;
	v17 =	vadd.f32 v23, v21  }
0x22a: {  	v43 =	vadd.f32 v24, v41;
	v0 =	vadd.f32 v0, v2  }
0x22b: {  	v44 =	vld [tilespmem:s2+$0x0];
	v21 =	vadd.f32 v63, v28;
	v2 =	vadd.f32 v40, v39  }
0x22c: {  	v1 =	vadd.f32 v1, v20;
	v17 =	vadd.f32 v43, v17;
	v45 =	vmul.f32 v0, v25  }
0x22d: {  	v23 =	vadd.f32 v31, v29;
	v20 =	vld [tilespmem:s2+$0x40];
	v2 =	vadd.f32 v2, v27  }
0x22e: {  	v1 =	vadd.f32 v1, v21;
	v16 =	vmul.f32 v17, v16;
	v18 =	vadd.f32 v45, v35;
	_ =	sdelay $0x1  }
0x22f: {  	v2 =	vadd.f32 v2, v23;
	v19 =	vmul.f32 v1, v44;
	v16 =	vadd.f32 v16, v18;
	_ =	sdelay $0x1  }
0x230: {  	v46 =	vmul.f32 v2, v20;
	v16 =	vadd.f32 v19, v16;
	_ =	sdelay $0x1  }
0x231: {  	v47 =	vld [tilespmem:s2+$0xFFFFFF90];
	v16 =	vadd.f32 v46, v16;
	_ =	sdelay $0x1  }
0x232: {  	v48 =	vld [tilespmem:s2+$0xFFFFFFD0];
	v16 =	vsub.f32 $0.0e+00, v16;
	_ =	sdelay $0x1  }
0x233: {  	v20 =	vld [tilespmem:s2+$0x10];
	v16 =	vmul.f32 $1.442695020e+00, v16  }
0x234: {  	v19 =	vmul.f32 v0, v47  }
0x235: {  	v21 =	vld [tilespmem:s2+$0x50];
	(erf) = vpow2.f32 v16  }
0x236: {  	v49 =	vadd.f32 v19, v34;
	v16 =	vmul.f32 v17, v48;
	_ =	sdelay $0x1  }
0x237: {  	v50 =	vmul.f32 v1, v20;
	v16 =	vadd.f32 v16, v49;
	_ =	sdelay $0x1  }
0x238: {  	v51 =	vmul.f32 v2, v21;
	v16 =	vadd.f32 v50, v16;
	_ =	sdelay $0x1  }
0x239: {  	v52 =	vld [tilespmem:s2+$0xFFFFFFA0];
	v16 =	vadd.f32 v51, v16;
	_ =	sdelay $0x1  }
0x23a: {  	v53 =	vld [tilespmem:s2+$0xFFFFFFE0];
	v16 =	vsub.f32 $0.0e+00, v16;
	v20 =	vpop (erf)  }
0x23b: {  	v20 =	vadd.f32 $1.000000000e+00, v20  }
0x23c: {  	v21 =	vld [tilespmem:s2+$0x20];
	v16 =	vmul.f32 $1.442695020e+00, v16  }
0x23d: {  	v19 =	vmul.f32 v0, v52;
	(erf) = vrcp.f32 v20  }
0x23e: {  	v20 =	vld [tilespmem:s2+$0x60];
	(erf) = vpow2.f32 v16  }
0x23f: {  	v54 =	vadd.f32 v19, v33;
	v16 =	vmul.f32 v17, v53;
	_ =	sdelay $0x1  }
0x240: {  	v55 =	vmul.f32 v1, v21;
	v16 =	vadd.f32 v16, v54  }
0x241: {  	v56 =	vld [tilespmem:s2+$0xFFFFFFB0]  }
0x242: {  	v20 =	vmul.f32 v2, v20;
	v16 =	vadd.f32 v55, v16  }
0x243: {  	v57 =	vld [tilespmem:s2+$0xFFFFFFF0]  }
0x244: {  	v16 =	vadd.f32 v20, v16  }
0x245: {  	v20 =	vld [tilespmem:s2+$0x30];
	v21 =	vpop (erf)  }
0x246: {  	v0 =	vmul.f32 v56, v0;
	v16 =	vsub.f32 $0.0e+00, v16;
	v58 =	vpop (erf)  }
0x247: {  	v23 =	vld [tilespmem:s2+$0x70];
	v18 =	vadd.f32 $1.000000000e+00, v58  }
0x248: {  	v0 =	vadd.f32 v0, v32;
	v17 =	vmul.f32 v57, v17;
	v16 =	vmul.f32 $1.442695020e+00, v16  }
0x249: {  	(erf) = vrcp.f32 v18  }
0x24a: {  	v0 =	vadd.f32 v17, v0;
	v1 =	vmul.f32 v20, v1;
	(erf) = vpow2.f32 v16;
	_ =	sdelay $0x1  }
0x24b: {  	v0 =	vadd.f32 v1, v0;
	v1 =	vmul.f32 v23, v2;
	_ =	sdelay $0x1  }
0x24c: {  	v16 =	vld [tilespmem:$0x1FFF0];
	v0 =	vadd.f32 v1, v0;
	_ =	sdelay $0x1  }
0x24d: {  	v0 =	vmax.f32 v0, $0.0e+00  }
0x24e: {  	v0 =	vsub.f32 $0.0e+00, v0  }
0x24f: {  	v1 =	vpop (erf)  }
0x250: {  	v0 =	vmul.f32 v0, v16;
	v2 =	vpop (erf)  }
0x251: {  	v2 =	vadd.f32 $1.000000000e+00, v2  }
0x252: {  	v0 =	vmul.f32 $1.442695020e+00, v0  }
0x253: {  	(erf) = vrcp.f32 v2  }
0x254: {  	(erf) = vpow2.f32 v0;
	_ =	sdelay $0x3  }
0x255: {  	s23 =	sshll.u32 s1, $0x9  }
0x256: {  	s2 =	sand.u32 $0x3FFFFE00, s23  }
0x257: {  	s9 =	sadd.s32 s2, s29  }
0x258: {  	p1 =	seq.s32 s1, $0xF;
	s2 =	sadd.s32 $0x200, s9  }
0x259: {  	s2 =	smov.u32 @p1 s26;
	v0 =	vpop (erf)  }
0x25a: {  	[tilespmem:s10], [sflag:$0x1] =	stream.indirect.gather [hbm4b:s6+s7], $0x20, s2, s7, $0xb8;
	v2 =	vpop (erf);
	[tilespmem:$0xC090] =	vst v63  }
0x25b: {  	_ =	swait.ge [sflag:s8], $0x1000  }
0x25c: {  	[sflag:s8] =	ssyncset.done $0x0  }
0x25d: {  	s24 =	simm.s32 $0x0;
	[sflag:s8] =	ssyncadd.s32 $0xFFFFF000  }
0x25e: {  	v16 =	vld [tilespmem:s24+$0xB030];
	_ =	sdelay $0x1  }
0x25f: {  	v60 =	vld [tilespmem:$0x1FFA0]  }
0x260: {  	v63 =	vld [tilespmem:$0x1FFC0]  }
0x261: {  	v17 =	vld [tilespmem:s11+$0x30]  }
0x262: {  	v18 =	vld [tilespmem:s11+$0x40];
	v59 =	vadd.s32 v6, v16  }
0x263: {  	v20 =	vld [tilespmem:s11+$0x50];
	v23 =	vadd.s32 v9, v16  }
0x264: {  	v25 =	vld [tilespmem:s24+$0xB020];
	v24 =	vadd.s32 v10, v16  }
0x265: {  	v29 =	vld [tilespmem:s24+$0xB000];
	v26 =	vadd.s32 v11, v16  }
0x266: {  	v27 =	vld [tilespmem:s24+$0xB010];
	v28 =	vadd.s32 v12, v16  }
0x267: {  	v30 =	vadd.s32 v13, v16;
	v19 =	vld.idx.msk [tilespmem:v59+s12+$0x0], $0xffff  }
0x268: {  	v31 =	vadd.s32 v14, v16;
	v32 =	vld.idx.msk [tilespmem:v23+s12+$0x0], $0xffff  }
0x269: {  	v16 =	vadd.s32 v15, v16;
	v33 =	vld.idx.msk [tilespmem:v24+s12+$0x0], $0xffff  }
0x26a: {  	v54 =	vadd.s32 v12, v29;
	v34 =	vld.idx.msk [tilespmem:v26+s12+$0x0], $0xffff  }
0x26b: {  	v23 =	vadd.s32 v6, v25;
	v35 =	vld.idx.msk [tilespmem:v28+s12+$0x0], $0xffff  }
0x26c: {  	v24 =	vadd.s32 v9, v25;
	v36 =	vld.idx.msk [tilespmem:v30+s12+$0x0], $0xffff  }
0x26d: {  	v26 =	vadd.s32 v10, v25;
	v37 =	vld.idx.msk [tilespmem:v31+s12+$0x0], $0xffff  }
0x26e: {  	v28 =	vadd.s32 v11, v25;
	v16 =	vld.idx.msk [tilespmem:v16+s12+$0x0], $0xffff  }
0x26f: {  	v30 =	vadd.s32 v12, v25;
	v54 =	vld.idx.msk [tilespmem:v54+s12+$0x0], $0xffff  }
0x270: {  	v38 =	vld.idx.msk [tilespmem:v23+s12+$0x0], $0xffff;
	v23 =	vadd.s32 v13, v25  }
0x271: {  	v39 =	vld.idx.msk [tilespmem:v24+s12+$0x0], $0xffff;
	v24 =	vadd.s32 v14, v25  }
0x272: {  	v40 =	vld.idx.msk [tilespmem:v26+s12+$0x0], $0xffff;
	v25 =	vadd.s32 v15, v25  }
0x273: {  	v26 =	vadd.s32 v6, v27;
	v41 =	vld.idx.msk [tilespmem:v28+s12+$0x0], $0xffff  }
0x274: {  	v28 =	vadd.s32 v9, v27;
	v42 =	vld.idx.msk [tilespmem:v30+s12+$0x0], $0xffff  }
0x275: {  	v30 =	vadd.s32 v10, v27;
	v43 =	vld.idx.msk [tilespmem:v23+s12+$0x0], $0xffff  }
0x276: {  	v23 =	vadd.s32 v11, v27;
	v44 =	vld.idx.msk [tilespmem:v24+s12+$0x0], $0xffff  }
0x277: {  	v24 =	vadd.s32 v12, v27;
	v45 =	vld.idx.msk [tilespmem:v25+s12+$0x0], $0xffff  }
0x278: {  	v2 =	vsub.f32 $1.000000000e+00, v2;
	v46 =	vld.idx.msk [tilespmem:v26+s12+$0x0], $0xffff;
	v26 =	vadd.s32 v14, v27  }
0x279: {  	v25 =	vadd.s32 v13, v27;
	v47 =	vld.idx.msk [tilespmem:v28+s12+$0x0], $0xffff  }
0x27a: {  	v49 =	vmul.f32 v2, v60;
	v2 =	vsub.f32 $1.000000000e+00, v2;
	v48 =	vld.idx.msk [tilespmem:v30+s12+$0x0], $0xffff;
	v27 =	vadd.s32 v15, v27  }
0x27b: {  	v28 =	vadd.s32 v6, v29;
	v50 =	vld.idx.msk [tilespmem:v23+s12+$0x0], $0xffff  }
0x27c: {  	v2 =	vadd.f32 $1.000000010e-10, v2;
	v30 =	vadd.s32 v9, v29;
	v51 =	vld.idx.msk [tilespmem:v24+s12+$0x0], $0xffff  }
0x27d: {  	v57 =	vadd.s32 v13, v29;
	v31 =	vsub.f32 $1.000000000e+00, v18;
	v53 =	vld.idx.msk [tilespmem:v26+s12+$0x0], $0xffff;
	v26 =	vsub.f32 $1.000000000e+00, v17  }
0x27e: {  	v61 =	vadd.s32 v15, v29;
	v52 =	vld.idx.msk [tilespmem:v25+s12+$0x0], $0xffff;
	v23 =	vmul.f32 v2, v60  }
0x27f: {  	v55 =	vld.idx.msk [tilespmem:v27+s12+$0x0], $0xffff;
	v2 =	vsub.f32 $1.000000000e+00, v20;
	v60 =	vmul.f32 v31, v17;
	v27 =	vmul.f32 v31, v26  }
0x280: {  	v0 =	vmul.f32 v49, v0;
	v24 =	vadd.s32 v10, v29;
	v56 =	vld.idx.msk [tilespmem:v28+s12+$0x0], $0xffff;
	v26 =	vmul.f32 v18, v26  }
0x281: {  	v25 =	vadd.s32 v11, v29;
	v58 =	vld.idx.msk [tilespmem:v30+s12+$0x0], $0xffff;
	v28 =	vmul.f32 v2, v60;
	v30 =	vmul.f32 v2, v27  }
0x282: {  	v59 =	vadd.s32 v14, v29;
	v57 =	vld.idx.msk [tilespmem:v57+s12+$0x0], $0xffff;
	v29 =	vmul.f32 v27, v20;
	v31 =	vmul.f32 v2, v26  }
0x283: {  	v27 =	vmul.f32 v20, v26;
	v26 =	vmul.f32 v60, v20;
	v60 =	vld.idx.msk [tilespmem:v61+s12+$0x0], $0xffff  }
0x284: {  	v21 =	vmul.f32 v49, v21;
	v0 =	vadd.f32 v0, v63;
	v61 =	vld [tilespmem:$0x1FFD0]  }
0x285: {  	v1 =	vmul.f32 v49, v1;
	v17 =	vmul.f32 v18, v17;
	v18 =	vld.idx.msk [tilespmem:v24+s12+$0x0], $0xffff  }
0x286: {  	[tilespmem:$0x1FF80] =	vst v0;
	v0 =	vmul.f32 v35, v28;
	v42 =	vmul.f32 v42, v28;
	v62 =	vld.idx.msk [tilespmem:v25+s12+$0x0], $0xffff  }
0x287: {  	v25 =	vmul.f32 v2, v17;
	v24 =	vmul.f32 v20, v17;
	v2 =	vld.idx.msk [tilespmem:v59+s12+$0x0], $0xffff  }
0x288: {  	s25 =	simm.s32 $0x40;
	v59 =	vmul.f32 v19, v30;
	v35 =	vmul.f32 v36, v26;
	v36 =	vld [tilespmem:$0x1FFE0]  }
0x289: {  	s13 =	simm.s32 $0xB910;
	v32 =	vmul.f32 v32, v29;
	v63 =	vmul.f32 v37, v25;
	v37 =	vld [tilespmem:s25+$0xB030]  }
0x28a: {  	v38 =	vmul.f32 v38, v30;
	v39 =	vmul.f32 v39, v29;
	v0 =	vadd.f32 v35, v0;
	v35 =	vld [tilespmem:s13+$0x10]  }
0x28b: {  	v40 =	vmul.f32 v40, v31;
	v41 =	vmul.f32 v41, v27;
	v32 =	vadd.f32 v32, v59;
	v59 =	vld [tilespmem:s13+$0xFFFFFFC0]  }
0x28c: {  	v54 =	vmul.f32 v54, v28;
	v43 =	vmul.f32 v43, v26;
	v38 =	vadd.f32 v39, v38;
	v39 =	vld [tilespmem:s13+$0xFFFFFFD0]  }
0x28d: {  	v57 =	vmul.f32 v57, v26;
	v16 =	vmul.f32 v16, v24;
	v40 =	vadd.f32 v41, v40;
	v41 =	vld [tilespmem:s13+$0xFFFFFF80]  }
0x28e: {  	v44 =	vmul.f32 v44, v25;
	v45 =	vmul.f32 v45, v24;
	v42 =	vadd.f32 v43, v42;
	v43 =	vld [tilespmem:s13+$0xFFFFFF90]  }
0x28f: {  	v1 =	vadd.f32 v1, v61;
	v61 =	vld [tilespmem:s13+$0x50];
	v16 =	vadd.f32 v16, v63;
	v63 =	vmul.f32 v52, v26  }
0x290: {  	v52 =	vmul.f32 v53, v25;
	v53 =	vmul.f32 v55, v24;
	v44 =	vadd.f32 v45, v44;
	v45 =	vld [tilespmem:s13+$0xFFFFFFA0]  }
0x291: {  	v21 =	vadd.f32 v21, v22;
	v55 =	vmul.f32 v56, v30;
	v56 =	vmul.f32 v58, v29;
	v58 =	vld [tilespmem:s13+$0x20]  }
0x292: {  	v17 =	vimm.f32 $0.0e+00;
	[tilespmem:$0x1FF70] =	vst v1;
	v1 =	vmul.f32 v33, v31;
	v33 =	vmul.f32 v34, v27;
	v34 =	vld [tilespmem:s13+$0x40]  }
0x293: {  	v54 =	vadd.f32 v57, v54;
	v60 =	vmul.f32 v60, v24;
	v19 =	vadd.f32 v49, v36;
	v49 =	vld [tilespmem:s13+$0x60]  }
0x294: {  	v2 =	vmul.f32 v2, v25;
	v38 =	vadd.f32 v40, v38;
	v36 =	vmul.f32 v46, v30;
	v46 =	vld [tilespmem:s13+$0xFFFFFFB0]  }
0x295: {  	v18 =	vmul.f32 v18, v31;
	v52 =	vadd.f32 v53, v52;
	v53 =	vld [tilespmem:s13+$0xFFFFFFF0];
	v55 =	vadd.f32 v56, v55  }
0x296: {  	v40 =	vadd.f32 v44, v42;
	v2 =	vadd.f32 v60, v2;
	v60 =	vld [tilespmem:s13+$0x30];
	[tilespmem:$0x1FF90] =	vst v19;
	v19 =	vmul.f32 v47, v29  }
0x297: {  	v1 =	vadd.f32 v33, v1;
	v33 =	vld [tilespmem:s13+$0x0];
	v47 =	vmul.f32 v48, v31;
	v48 =	vmul.f32 v50, v27  }
0x298: {  	v0 =	vadd.f32 v16, v0;
	v56 =	vadd.s32 v6, v37;
	v50 =	vmul.f32 v51, v28;
	v51 =	vld [tilespmem:s13+$0xFFFFFFE0]  }
0x299: {  	v16 =	vadd.s32 v10, v37;
	v38 =	vadd.f32 v40, v38;
	v47 =	vadd.f32 v48, v47;
	v48 =	vld [tilespmem:s25+$0xB020]  }
0x29a: {  	v40 =	vadd.s32 v14, v37;
	v36 =	vadd.f32 v19, v36;
	v1 =	vadd.f32 v1, v32;
	v32 =	vld [tilespmem:s13+$0x70]  }
0x29b: {  	v57 =	vadd.s32 v9, v37;
	v19 =	vmul.f32 v62, v27;
	v50 =	vadd.f32 v63, v50;
	v62 =	vld [tilespmem:s25+$0xB010]  }
0x29c: {  	[tilespmem:$0x1FF60] =	vst v21;
	v42 =	vadd.s32 v11, v37;
	v2 =	vadd.f32 v2, v54;
	v44 =	vadd.f32 v47, v36;
	v36 =	vld [tilespmem:s25+$0xB000]  }
0x29d: {  	v63 =	vadd.s32 v12, v37;
	v18 =	vadd.f32 v19, v18;
	v47 =	vadd.f32 v52, v50;
	v52 =	vld.idx.msk [tilespmem:v56+s12+$0x0], $0xffff  }
0x29e: {  	v35 =	vmul.f32 v38, v35;
	v0 =	vadd.f32 v0, v1;
	v1 =	vadd.s32 v13, v37;
	v16 =	vld.idx.msk [tilespmem:v16+s12+$0x0], $0xffff  }
0x29f: {  	v37 =	vadd.s32 v15, v37;
	v40 =	vld.idx.msk [tilespmem:v40+s12+$0x0], $0xffff;
	v18 =	vadd.f32 v18, v55;
	v44 =	vadd.f32 v47, v44  }
0x2a0: {  	v33 =	vmul.f32 v38, v33;
	v55 =	vld.idx.msk [tilespmem:v57+s12+$0x0], $0xffff;
	v47 =	vmul.f32 v0, v61;
	v54 =	vadd.s32 v9, v48  }
0x2a1: {  	v57 =	vld.idx.msk [tilespmem:v42+s12+$0x0], $0xffff;
	v50 =	vadd.s32 v10, v48;
	v2 =	vadd.f32 v2, v18;
	v42 =	vmul.f32 v44, v59  }
0x2a2: {  	v61 =	vld.idx.msk [tilespmem:v63+s12+$0x0], $0xffff;
	v18 =	vadd.s32 v6, v48;
	v39 =	vmul.f32 v44, v39;
	v59 =	vmul.f32 v44, v51  }
0x2a3: {  	v56 =	vadd.s32 v12, v48;
	v44 =	vmul.f32 v53, v44;
	v1 =	vld.idx.msk [tilespmem:v1+s12+$0x0], $0xffff;
	v41 =	vmul.f32 v2, v41  }
0x2a4: {  	v63 =	vadd.s32 v14, v48;
	v19 =	vld.idx.msk [tilespmem:v37+s12+$0x0], $0xffff;
	v43 =	vmul.f32 v2, v43;
	v45 =	vmul.f32 v2, v45  }
0x2a5: {  	v2 =	vmul.f32 v46, v2;
	v46 =	vadd.s32 v11, v48;
	v41 =	vadd.f32 v41, v17;
	v53 =	vld.idx.msk [tilespmem:v54+s12+$0x0], $0xffff  }
0x2a6: {  	v43 =	vadd.f32 v43, v17;
	v37 =	vadd.f32 v45, v17;
	v20 =	vld.idx.msk [tilespmem:v50+s12+$0x0], $0xffff;
	v50 =	vadd.s32 v9, v62  }
0x2a7: {  	v2 =	vadd.f32 v2, v17;
	v54 =	vmul.f32 v60, v38;
	v60 =	vadd.s32 v11, v62;
	v17 =	vld.idx.msk [tilespmem:v18+s12+$0x0], $0xffff  }
0x2a8: {  	v34 =	vmul.f32 v0, v34;
	v18 =	vadd.s32 v13, v48;
	v42 =	vadd.f32 v42, v41;
	v41 =	vld.idx.msk [tilespmem:v56+s12+$0x0], $0xffff  }
0x2a9: {  	v22 =	vadd.s32 v6, v36;
	v48 =	vadd.s32 v15, v48;
	v45 =	vadd.f32 v59, v37;
	v37 =	vld.idx.msk [tilespmem:v63+s12+$0x0], $0xffff  }
0x2aa: {  	v39 =	vadd.f32 v39, v43;
	v43 =	vadd.s32 v6, v62;
	v2 =	vadd.f32 v44, v2;
	v21 =	vld.idx.msk [tilespmem:v46+s12+$0x0], $0xffff  }
0x2ab: {  	v56 =	vadd.s32 v10, v62;
	v63 =	vmul.f32 v0, v49;
	v46 =	vmul.f32 v38, v58;
	v50 =	vld.idx.msk [tilespmem:v50+s12+$0x0], $0xffff  }
0x2ac: {  	v0 =	vmul.f32 v32, v0;
	v58 =	vadd.f32 v33, v42;
	v2 =	vadd.f32 v54, v2;
	v54 =	vld.idx.msk [tilespmem:v60+s12+$0x0], $0xffff  }
0x2ad: {  	v59 =	vadd.f32 v35, v39;
	v45 =	vadd.f32 v46, v45;
	v46 =	vadd.s32 v12, v62;
	v44 =	vld.idx.msk [tilespmem:v18+s12+$0x0], $0xffff  }
0x2ae: {  	v42 =	vmul.f32 v52, v30;
	v38 =	vld.idx.msk [tilespmem:v48+s12+$0x0], $0xffff;
	v48 =	vadd.s32 v13, v62;
	v35 =	vadd.f32 v34, v58  }
0x2af: {  	v34 =	vadd.f32 v47, v59;
	v18 =	vadd.s32 v14, v62;
	v47 =	vmul.f32 v61, v28;
	v61 =	vld.idx.msk [tilespmem:v22+s12+$0x0], $0xffff  }
0x2b0: {  	v39 =	vmul.f32 v40, v25;
	v40 =	vmul.f32 v19, v24;
	v58 =	vadd.s32 v15, v62;
	v49 =	vld.idx.msk [tilespmem:v43+s12+$0x0], $0xffff  }
0x2b1: {  	v53 =	vmul.f32 v53, v29;
	v32 =	vadd.f32 v0, v2;
	v62 =	vadd.s32 v9, v36;
	v51 =	vld.idx.msk [tilespmem:v56+s12+$0x0], $0xffff  }
0x2b2: {  	v2 =	vadd.s32 v10, v36;
	v52 =	vmul.f32 v17, v30;
	v33 =	vadd.f32 v63, v45;
	v56 =	vld.idx.msk [tilespmem:v46+s12+$0x0], $0xffff  }
0x2b3: {  	v43 =	vmul.f32 v55, v29;
	v45 =	vmul.f32 v16, v31;
	v63 =	vadd.s32 v11, v36;
	v59 =	vld.idx.msk [tilespmem:v48+s12+$0x0], $0xffff  }
0x2b4: {  	v0 =	vadd.s32 v12, v36;
	v55 =	vmul.f32 v20, v31;
	v46 =	vmul.f32 v57, v27;
	v60 =	vld.idx.msk [tilespmem:v18+s12+$0x0], $0xffff  }
0x2b5: {  	s15 =	simm.s32 $0x200;
	v57 =	vmul.f32 v21, v27;
	v48 =	vmul.f32 v1, v26;
	v58 =	vld.idx.msk [tilespmem:v58+s12+$0x0], $0xffff;
	v1 =	vadd.s32 v13, v36  }
.LBB2_14:
0x2b6: {  	p2 =	sne.s32 s15, $0x700;
	v16 =	vld.idx.msk [tilespmem:v62+s12+$0x0], $0xffff;
	v17 =	vadd.s32 v14, v36;
	v18 =	vmul.f32 v41, v28;
	v19 =	vmul.f32 v44, v26  }
0x2b7: {  	v20 =	vadd.s32 v15, v36;
	v21 =	vmul.f32 v37, v25;
	v22 =	vmul.f32 v38, v24;
	v2 =	vld.idx.msk [tilespmem:v2+s12+$0x0], $0xffff  }
0x2b8: {  	v37 =	vmul.f32 v49, v30;
	v38 =	vmul.f32 v50, v29;
	v36 =	vld.idx.msk [tilespmem:v63+s12+$0x0], $0xffff  }
0x2b9: {  	v41 =	vmul.f32 v51, v31;
	v44 =	vmul.f32 v54, v27;
	v0 =	vld.idx.msk [tilespmem:v0+s12+$0x0], $0xffff  }
0x2ba: {  	v49 =	vmul.f32 v56, v28;
	v50 =	vmul.f32 v59, v26;
	v1 =	vld.idx.msk [tilespmem:v1+s12+$0x0], $0xffff  }
0x2bb: {  	v51 =	vmul.f32 v60, v25;
	v54 =	vmul.f32 v58, v24;
	v17 =	vld.idx.msk [tilespmem:v17+s12+$0x0], $0xffff  }
0x2bc: {  	s13 =	sadd.s32 $0x100, s13;
	v56 =	vmul.f32 v61, v30;
	v16 =	vmul.f32 v16, v29;
	v20 =	vld.idx.msk [tilespmem:v20+s12+$0x0], $0xffff  }
0x2bd: {  	v42 =	vadd.f32 v43, v42;
	v43 =	vadd.f32 v46, v45;
	v2 =	vmul.f32 v2, v31;
	v45 =	vld [tilespmem:s13+$0x40]  }
0x2be: {  	s4 =	sshra.s32 s15, $0x2;
	v46 =	vadd.f32 v48, v47;
	v39 =	vadd.f32 v40, v39;
	v36 =	vmul.f32 v36, v27;
	v40 =	vld [tilespmem:s13+$0x50]  }
0x2bf: {  	v48 =	vadd.f32 v53, v52;
	v52 =	vadd.f32 v57, v55;
	v0 =	vmul.f32 v0, v28;
	v47 =	vld [tilespmem:s4+$0xB030]  }
0x2c0: {  	v18 =	vadd.f32 v19, v18;
	v19 =	vadd.f32 v22, v21;
	v1 =	vmul.f32 v1, v26;
	v21 =	vld [tilespmem:s13+$0x60]  }
0x2c1: {  	v22 =	vadd.f32 v38, v37;
	v37 =	vadd.f32 v44, v41;
	v17 =	vmul.f32 v17, v25;
	v38 =	vld [tilespmem:s13+$0x0]  }
0x2c2: {  	v41 =	vadd.f32 v50, v49;
	v44 =	vadd.f32 v54, v51;
	v20 =	vmul.f32 v20, v24;
	v49 =	vld [tilespmem:s13+$0x10]  }
0x2c3: {  	v16 =	vadd.f32 v16, v56;
	v2 =	vadd.f32 v36, v2;
	v36 =	vld [tilespmem:s13+$0xFFFFFFC0]  }
0x2c4: {  	v0 =	vadd.f32 v1, v0;
	v1 =	vadd.f32 v20, v17;
	v50 =	vadd.s32 v6, v47;
	v17 =	vld [tilespmem:s13+$0xFFFFFFD0]  }
0x2c5: {  	v42 =	vadd.f32 v43, v42;
	v39 =	vadd.f32 v39, v46;
	v20 =	vadd.s32 v9, v47;
	v51 =	vld [tilespmem:s13+$0xFFFFFF80]  }
0x2c6: {  	v48 =	vadd.f32 v52, v48;
	v18 =	vadd.f32 v19, v18;
	v43 =	vadd.s32 v10, v47;
	v46 =	vld [tilespmem:s13+$0xFFFFFF90]  }
0x2c7: {  	v22 =	vadd.f32 v37, v22;
	v37 =	vadd.f32 v44, v41;
	v19 =	vadd.s32 v11, v47;
	v52 =	vld [tilespmem:s13+$0xFFFFFFA0]  }
0x2c8: {  	v39 =	vadd.f32 v39, v42;
	v2 =	vadd.f32 v2, v16;
	v41 =	vadd.s32 v12, v47;
	v16 =	vld [tilespmem:s13+$0xFFFFFFB0]  }
0x2c9: {  	v44 =	vadd.s32 v13, v47;
	v0 =	vadd.f32 v1, v0;
	v1 =	vadd.f32 v18, v48;
	v42 =	vld [tilespmem:s4+$0xB020]  }
0x2ca: {  	v40 =	vmul.f32 v39, v40;
	v18 =	vadd.f32 v37, v22;
	v37 =	vmul.f32 v39, v45;
	v22 =	vld [tilespmem:s13+$0xFFFFFFE0]  }
0x2cb: {  	v0 =	vadd.f32 v0, v2;
	v38 =	vmul.f32 v1, v38;
	v45 =	vmul.f32 v1, v49;
	v2 =	vld [tilespmem:s13+$0xFFFFFFF0]  }
0x2cc: {  	v48 =	vadd.s32 v14, v47;
	v49 =	vmul.f32 v18, v36;
	v17 =	vmul.f32 v18, v17;
	v53 =	vld [tilespmem:s13+$0x20]  }
0x2cd: {  	v47 =	vadd.s32 v15, v47;
	v36 =	vmul.f32 v0, v51;
	v46 =	vmul.f32 v0, v46;
	v51 =	vld [tilespmem:s13+$0x30]  }
0x2ce: {  	v52 =	vmul.f32 v0, v52;
	v0 =	vmul.f32 v16, v0;
	v54 =	vadd.s32 v6, v42;
	v16 =	vld [tilespmem:s13+$0x70]  }
0x2cf: {  	v35 =	vadd.f32 v36, v35;
	v34 =	vadd.f32 v46, v34;
	v55 =	vld [tilespmem:s4+$0xB010];
	v22 =	vmul.f32 v18, v22  }
0x2d0: {  	v33 =	vadd.f32 v52, v33;
	v0 =	vadd.f32 v0, v32;
	v36 =	vld [tilespmem:s4+$0xB000];
	v2 =	vmul.f32 v2, v18  }
0x2d1: {  	v32 =	vadd.f32 v49, v35;
	v17 =	vadd.f32 v17, v34;
	v18 =	vld.idx.msk [tilespmem:v50+s12+$0x0], $0xffff;
	v34 =	vmul.f32 v1, v53  }
0x2d2: {  	v22 =	vadd.f32 v22, v33;
	v20 =	vld.idx.msk [tilespmem:v20+s12+$0x0], $0xffff;
	v0 =	vadd.f32 v2, v0;
	v1 =	vmul.f32 v51, v1  }
0x2d3: {  	v21 =	vmul.f32 v39, v21;
	v32 =	vadd.f32 v38, v32;
	v17 =	vadd.f32 v45, v17;
	v2 =	vld.idx.msk [tilespmem:v43+s12+$0x0], $0xffff  }
0x2d4: {  	v22 =	vadd.f32 v34, v22;
	v19 =	vld.idx.msk [tilespmem:v19+s12+$0x0], $0xffff;
	v0 =	vadd.f32 v1, v0;
	v1 =	vmul.f32 v16, v39  }
0x2d5: {  	v35 =	vadd.f32 v37, v32;
	v34 =	vadd.f32 v40, v17;
	v16 =	vadd.s32 v9, v42;
	v39 =	vld.idx.msk [tilespmem:v41+s12+$0x0], $0xffff  }
0x2d6: {  	v17 =	vadd.s32 v10, v42;
	v33 =	vadd.f32 v21, v22;
	v40 =	vld.idx.msk [tilespmem:v44+s12+$0x0], $0xffff;
	v32 =	vadd.f32 v1, v0  }
0x2d7: {  	v0 =	vadd.s32 v11, v42;
	v1 =	vld.idx.msk [tilespmem:v48+s12+$0x0], $0xffff  }
0x2d8: {  	v21 =	vadd.s32 v12, v42;
	v22 =	vld.idx.msk [tilespmem:v47+s12+$0x0], $0xffff  }
0x2d9: {  	v37 =	vadd.s32 v13, v42;
	v52 =	vld.idx.msk [tilespmem:v54+s12+$0x0], $0xffff  }
0x2da: {  	v38 =	vadd.s32 v14, v42;
	v16 =	vld.idx.msk [tilespmem:v16+s12+$0x0], $0xffff  }
0x2db: {  	v42 =	vadd.s32 v15, v42;
	v17 =	vld.idx.msk [tilespmem:v17+s12+$0x0], $0xffff  }
0x2dc: {  	v43 =	vadd.s32 v6, v55;
	v57 =	vld.idx.msk [tilespmem:v0+s12+$0x0], $0xffff  }
0x2dd: {  	v0 =	vadd.s32 v9, v55;
	v41 =	vld.idx.msk [tilespmem:v21+s12+$0x0], $0xffff  }
0x2de: {  	v21 =	vadd.s32 v10, v55;
	v44 =	vld.idx.msk [tilespmem:v37+s12+$0x0], $0xffff  }
0x2df: {  	v45 =	vadd.s32 v11, v55;
	v37 =	vld.idx.msk [tilespmem:v38+s12+$0x0], $0xffff  }
0x2e0: {  	v46 =	vadd.s32 v12, v55;
	v38 =	vld.idx.msk [tilespmem:v42+s12+$0x0], $0xffff  }
0x2e1: {  	v47 =	vadd.s32 v13, v55;
	v49 =	vld.idx.msk [tilespmem:v43+s12+$0x0], $0xffff  }
0x2e2: {  	v50 =	vld.idx.msk [tilespmem:v0+s12+$0x0], $0xffff;
	v0 =	vadd.s32 v14, v55  }
0x2e3: {  	v51 =	vld.idx.msk [tilespmem:v21+s12+$0x0], $0xffff;
	v21 =	vadd.s32 v15, v55  }
0x2e4: {  	v42 =	vmul.f32 v18, v30;
	v43 =	vmul.f32 v20, v29;
	v55 =	vadd.s32 v6, v36;
	v54 =	vld.idx.msk [tilespmem:v45+s12+$0x0], $0xffff  }
.Ltmp9:
0x2e5: {  	v62 =	vadd.s32 v9, v36;
	v45 =	vmul.f32 v2, v31;
	v56 =	vld.idx.msk [tilespmem:v46+s12+$0x0], $0xffff;
	v46 =	vmul.f32 v19, v27;
	(pc) =	sbr.rel @p2 .LBB2_14-.Ltmp9, $4  }
0x2e6: {  	v48 =	vmul.f32 v40, v26;
	v2 =	vadd.s32 v10, v36;
	v59 =	vld.idx.msk [tilespmem:v47+s12+$0x0], $0xffff;
	v47 =	vmul.f32 v39, v28  }
0x2e7: {  	v63 =	vadd.s32 v11, v36;
	v40 =	vmul.f32 v22, v24;
	v39 =	vmul.f32 v1, v25;
	v60 =	vld.idx.msk [tilespmem:v0+s12+$0x0], $0xffff  }
0x2e8: {  	v52 =	vmul.f32 v52, v30;
	v53 =	vmul.f32 v16, v29;
	v0 =	vadd.s32 v12, v36;
	v58 =	vld.idx.msk [tilespmem:v21+s12+$0x0], $0xffff  }
0x2e9: {  	s15 =	sadd.s32 $0x100, s15;
	v57 =	vmul.f32 v57, v27;
	v1 =	vadd.s32 v13, v36;
	v61 =	vld.idx.msk [tilespmem:v55+s12+$0x0], $0xffff;
	v55 =	vmul.f32 v17, v31  }
0x2ea: {  	_ =	sdelay $0x3  }
0x2eb: {  	v16 =	vld.idx.msk [tilespmem:v62+s12+$0x0], $0xffff;
	v17 =	vadd.s32 v14, v36  }
0x2ec: {  	v2 =	vld.idx.msk [tilespmem:v2+s12+$0x0], $0xffff;
	v18 =	vadd.s32 v15, v36  }
0x2ed: {  	v19 =	vmul.f32 v41, v28;
	v21 =	vld.idx.msk [tilespmem:v63+s12+$0x0], $0xffff  }
0x2ee: {  	v20 =	vmul.f32 v44, v26;
	v22 =	vmul.f32 v49, v30;
	v0 =	vld.idx.msk [tilespmem:v0+s12+$0x0], $0xffff  }
0x2ef: {  	v36 =	vmul.f32 v50, v29;
	v41 =	vmul.f32 v51, v31;
	v1 =	vld.idx.msk [tilespmem:v1+s12+$0x0], $0xffff  }
0x2f0: {  	v54 =	vmul.f32 v54, v27;
	v56 =	vmul.f32 v56, v28;
	v17 =	vld.idx.msk [tilespmem:v17+s12+$0x0], $0xffff  }
0x2f1: {  	v59 =	vmul.f32 v59, v26;
	v63 =	vadd.f32 v57, v55;
	v19 =	vadd.f32 v20, v19;
	v18 =	vld.idx.msk [tilespmem:v18+s12+$0x0], $0xffff  }
0x2f2: {  	v20 =	vadd.f32 v36, v22;
	v22 =	vadd.f32 v54, v41;
	v30 =	vmul.f32 v61, v30  }
0x2f3: {  	v44 =	vadd.f32 v59, v56;
	v16 =	vmul.f32 v16, v29;
	v2 =	vmul.f32 v2, v31  }
0x2f4: {  	v29 =	vadd.f32 v43, v42;
	v31 =	vadd.f32 v46, v45;
	v21 =	vmul.f32 v21, v27  }
0x2f5: {  	v27 =	vadd.f32 v48, v47;
	v0 =	vmul.f32 v0, v28;
	v1 =	vmul.f32 v1, v26  }
0x2f6: {  	v28 =	vadd.f32 v53, v52;
	v17 =	vmul.f32 v17, v25;
	v18 =	vmul.f32 v18, v24  }
0x2f7: {  	v62 =	vmul.f32 v60, v25;
	v16 =	vadd.f32 v16, v30;
	v2 =	vadd.f32 v21, v2  }
0x2f8: {  	s2 =	sadd.s32 $0x100, s13;
	v26 =	vmul.f32 v58, v24;
	v0 =	vadd.f32 v1, v0;
	v1 =	vadd.f32 v18, v17  }
0x2f9: {  	v21 =	vmul.f32 v37, v25;
	v2 =	vadd.f32 v2, v16;
	v25 =	vld [tilespmem:s2+$0xFFFFFF80];
	v17 =	vmul.f32 v38, v24  }
0x2fa: {  	v24 =	vadd.f32 v26, v62;
	v0 =	vadd.f32 v1, v0  }
0x2fb: {  	v16 =	vld [tilespmem:s2+$0xFFFFFFC0];
	v1 =	vadd.f32 v17, v21;
	v17 =	vadd.f32 v22, v20  }
0x2fc: {  	v18 =	vadd.f32 v24, v44;
	v0 =	vadd.f32 v0, v2  }
0x2fd: {  	v20 =	vld [tilespmem:s2+$0x0];
	v21 =	vadd.f32 v63, v28;
	v2 =	vadd.f32 v40, v39  }
0x2fe: {  	v1 =	vadd.f32 v1, v19;
	v17 =	vadd.f32 v18, v17;
	v45 =	vmul.f32 v0, v25  }
0x2ff: {  	v46 =	vld [tilespmem:s2+$0x40];
	v22 =	vadd.f32 v31, v29;
	v2 =	vadd.f32 v2, v27  }
0x300: {  	v1 =	vadd.f32 v1, v21;
	v16 =	vmul.f32 v17, v16;
	v18 =	vadd.f32 v45, v35;
	_ =	sdelay $0x1  }
0x301: {  	v2 =	vadd.f32 v2, v22;
	v20 =	vmul.f32 v1, v20;
	v16 =	vadd.f32 v16, v18;
	_ =	sdelay $0x1  }
0x302: {  	v47 =	vmul.f32 v2, v46;
	v16 =	vadd.f32 v20, v16;
	_ =	sdelay $0x1  }
0x303: {  	v48 =	vld [tilespmem:s2+$0xFFFFFF90];
	v16 =	vadd.f32 v47, v16;
	_ =	sdelay $0x1  }
0x304: {  	v49 =	vld [tilespmem:s2+$0xFFFFFFD0];
	v16 =	vsub.f32 $0.0e+00, v16;
	_ =	sdelay $0x1  }
0x305: {  	v20 =	vld [tilespmem:s2+$0x10];
	v16 =	vmul.f32 $1.442695020e+00, v16  }
0x306: {  	v19 =	vmul.f32 v0, v48  }
0x307: {  	v21 =	vld [tilespmem:s2+$0x50];
	(erf) = vpow2.f32 v16  }
0x308: {  	v50 =	vadd.f32 v19, v34;
	v16 =	vmul.f32 v17, v49;
	_ =	sdelay $0x1  }
0x309: {  	v51 =	vmul.f32 v1, v20;
	v16 =	vadd.f32 v16, v50;
	_ =	sdelay $0x1  }
0x30a: {  	v52 =	vmul.f32 v2, v21;
	v16 =	vadd.f32 v51, v16;
	_ =	sdelay $0x1  }
0x30b: {  	v53 =	vld [tilespmem:s2+$0xFFFFFFA0];
	v16 =	vadd.f32 v52, v16;
	_ =	sdelay $0x1  }
0x30c: {  	v54 =	vld [tilespmem:s2+$0xFFFFFFE0];
	v16 =	vsub.f32 $0.0e+00, v16;
	v20 =	vpop (erf)  }
0x30d: {  	v20 =	vadd.f32 $1.000000000e+00, v20  }
0x30e: {  	v21 =	vld [tilespmem:s2+$0x20];
	v16 =	vmul.f32 $1.442695020e+00, v16  }
0x30f: {  	v19 =	vmul.f32 v0, v53;
	(erf) = vrcp.f32 v20  }
0x310: {  	v20 =	vld [tilespmem:s2+$0x60];
	(erf) = vpow2.f32 v16  }
0x311: {  	v55 =	vadd.f32 v19, v33;
	v16 =	vmul.f32 v17, v54;
	_ =	sdelay $0x1  }
0x312: {  	v56 =	vmul.f32 v1, v21;
	v16 =	vadd.f32 v16, v55  }
0x313: {  	v57 =	vld [tilespmem:s2+$0xFFFFFFB0]  }
0x314: {  	v20 =	vmul.f32 v2, v20;
	v16 =	vadd.f32 v56, v16  }
0x315: {  	v58 =	vld [tilespmem:s2+$0xFFFFFFF0]  }
0x316: {  	v16 =	vadd.f32 v20, v16  }
0x317: {  	v20 =	vld [tilespmem:s2+$0x30];
	v21 =	vpop (erf)  }
0x318: {  	v0 =	vmul.f32 v57, v0;
	v16 =	vsub.f32 $0.0e+00, v16;
	v59 =	vpop (erf)  }
0x319: {  	v22 =	vld [tilespmem:s2+$0x70];
	v18 =	vadd.f32 $1.000000000e+00, v59  }
0x31a: {  	v0 =	vadd.f32 v0, v32;
	v17 =	vmul.f32 v58, v17;
	v16 =	vmul.f32 $1.442695020e+00, v16  }
0x31b: {  	(erf) = vrcp.f32 v18  }
0x31c: {  	v0 =	vadd.f32 v17, v0;
	v1 =	vmul.f32 v20, v1;
	(erf) = vpow2.f32 v16;
	_ =	sdelay $0x1  }
0x31d: {  	v0 =	vadd.f32 v1, v0;
	v1 =	vmul.f32 v22, v2;
	_ =	sdelay $0x1  }
0x31e: {  	v16 =	vld [tilespmem:$0x1FFF0];
	v0 =	vadd.f32 v1, v0;
	_ =	sdelay $0x1  }
0x31f: {  	v0 =	vmax.f32 v0, $0.0e+00  }
0x320: {  	v0 =	vsub.f32 $0.0e+00, v0  }
0x321: {  	v1 =	vpop (erf)  }
0x322: {  	v0 =	vmul.f32 v0, v16;
	v2 =	vpop (erf)  }
0x323: {  	v2 =	vadd.f32 $1.000000000e+00, v2  }
0x324: {  	v0 =	vmul.f32 $1.442695020e+00, v0  }
0x325: {  	(erf) = vrcp.f32 v2  }
0x326: {  	(erf) = vpow2.f32 v0;
	_ =	sdelay $0x6  }
0x327: {  	s2 =	sadd.s32 $0x280, s9  }
0x328: {  	s2 =	smov.u32 @p1 s30;
	v0 =	vpop (erf)  }
0x329: {  	[tilespmem:s12], [sflag:$0x2] =	stream.indirect.gather [hbm4b:s6+s7], $0x20, s2, s7, $0xb8;
	v2 =	vpop (erf);
	[tilespmem:$0xC090] =	vst v63  }
0x32a: {  	_ =	swait.ge [sflag:s17], $0x1000  }
0x32b: {  	[sflag:s17] =	ssyncset.done $0x0  }
0x32c: {  	s24 =	simm.s32 $0x0;
	[sflag:s17] =	ssyncadd.s32 $0xFFFFF000  }
0x32d: {  	v16 =	vld [tilespmem:s24+$0xB030]  }
0x32e: {  	v62 =	vld [tilespmem:$0x1FF70]  }
0x32f: {  	v63 =	vld [tilespmem:$0x1FF80]  }
0x330: {  	v2 =	vsub.f32 $1.000000000e+00, v2;
	v17 =	vld [tilespmem:s11+$0x60]  }
0x331: {  	v60 =	vld [tilespmem:s11+$0x70]  }
0x332: {  	v49 =	vmul.f32 v2, v23;
	v20 =	vld [tilespmem:s11+$0x80];
	v61 =	vadd.s32 v6, v16  }
0x333: {  	v25 =	vld [tilespmem:s24+$0xB020];
	v22 =	vadd.s32 v9, v16  }
0x334: {  	v27 =	vld [tilespmem:s24+$0xB010];
	v1 =	vmul.f32 v49, v1;
	v24 =	vadd.s32 v10, v16  }
0x335: {  	s13 =	simm.s32 $0xB910;
	v29 =	vld [tilespmem:s24+$0xB000];
	v26 =	vadd.s32 v11, v16  }
0x336: {  	v1 =	vadd.f32 v1, v62;
	v62 =	vld [tilespmem:s13+$0x50];
	v28 =	vadd.s32 v12, v16  }
0x337: {  	v30 =	vadd.s32 v13, v16;
	v19 =	vld.idx.msk [tilespmem:v61+s14+$0x0], $0xffff  }
0x338: {  	v31 =	vadd.s32 v14, v16;
	v32 =	vld.idx.msk [tilespmem:v22+s14+$0x0], $0xffff  }
0x339: {  	v16 =	vadd.s32 v15, v16;
	v33 =	vld.idx.msk [tilespmem:v24+s14+$0x0], $0xffff  }
0x33a: {  	v54 =	vadd.s32 v12, v29;
	v34 =	vld.idx.msk [tilespmem:v26+s14+$0x0], $0xffff  }
0x33b: {  	v22 =	vadd.s32 v6, v25;
	v35 =	vld.idx.msk [tilespmem:v28+s14+$0x0], $0xffff  }
0x33c: {  	v24 =	vadd.s32 v9, v25;
	v36 =	vld.idx.msk [tilespmem:v30+s14+$0x0], $0xffff  }
0x33d: {  	v26 =	vadd.s32 v10, v25;
	v37 =	vld.idx.msk [tilespmem:v31+s14+$0x0], $0xffff  }
0x33e: {  	v28 =	vadd.s32 v11, v25;
	v16 =	vld.idx.msk [tilespmem:v16+s14+$0x0], $0xffff  }
0x33f: {  	v30 =	vadd.s32 v12, v25;
	v54 =	vld.idx.msk [tilespmem:v54+s14+$0x0], $0xffff  }
0x340: {  	v38 =	vld.idx.msk [tilespmem:v22+s14+$0x0], $0xffff;
	v22 =	vadd.s32 v13, v25  }
0x341: {  	v39 =	vld.idx.msk [tilespmem:v24+s14+$0x0], $0xffff;
	v24 =	vadd.s32 v14, v25  }
0x342: {  	v40 =	vld.idx.msk [tilespmem:v26+s14+$0x0], $0xffff;
	v25 =	vadd.s32 v15, v25  }
0x343: {  	v26 =	vadd.s32 v6, v27;
	v41 =	vld.idx.msk [tilespmem:v28+s14+$0x0], $0xffff  }
0x344: {  	v28 =	vadd.s32 v9, v27;
	v42 =	vld.idx.msk [tilespmem:v30+s14+$0x0], $0xffff  }
0x345: {  	v30 =	vadd.s32 v10, v27;
	v43 =	vld.idx.msk [tilespmem:v22+s14+$0x0], $0xffff  }
0x346: {  	v22 =	vadd.s32 v11, v27;
	v44 =	vld.idx.msk [tilespmem:v24+s14+$0x0], $0xffff  }
0x347: {  	v24 =	vadd.s32 v12, v27;
	v45 =	vld.idx.msk [tilespmem:v25+s14+$0x0], $0xffff  }
0x348: {  	v46 =	vld.idx.msk [tilespmem:v26+s14+$0x0], $0xffff;
	v26 =	vadd.s32 v14, v27  }
0x349: {  	v25 =	vadd.s32 v13, v27;
	v47 =	vld.idx.msk [tilespmem:v28+s14+$0x0], $0xffff  }
0x34a: {  	v2 =	vsub.f32 $1.000000000e+00, v2;
	v48 =	vld.idx.msk [tilespmem:v30+s14+$0x0], $0xffff;
	v27 =	vadd.s32 v15, v27  }
0x34b: {  	v57 =	vadd.s32 v13, v29;
	v50 =	vld.idx.msk [tilespmem:v22+s14+$0x0], $0xffff  }
0x34c: {  	v2 =	vadd.f32 $1.000000010e-10, v2;
	v22 =	vadd.s32 v9, v29;
	v51 =	vld.idx.msk [tilespmem:v24+s14+$0x0], $0xffff  }
0x34d: {  	v28 =	vadd.s32 v6, v29;
	v30 =	vsub.f32 $1.000000000e+00, v60;
	v53 =	vld.idx.msk [tilespmem:v26+s14+$0x0], $0xffff;
	v26 =	vsub.f32 $1.000000000e+00, v17  }
0x34e: {  	v23 =	vmul.f32 v2, v23;
	v2 =	vsub.f32 $1.000000000e+00, v20;
	v24 =	vadd.s32 v10, v29;
	v52 =	vld.idx.msk [tilespmem:v25+s14+$0x0], $0xffff  }
0x34f: {  	v25 =	vadd.s32 v11, v29;
	v55 =	vld.idx.msk [tilespmem:v27+s14+$0x0], $0xffff;
	v27 =	vmul.f32 v30, v26;
	v26 =	vmul.f32 v60, v26  }
0x350: {  	v21 =	vmul.f32 v49, v21;
	v0 =	vmul.f32 v49, v0;
	v57 =	vld.idx.msk [tilespmem:v57+s14+$0x0], $0xffff  }
0x351: {  	v59 =	vadd.s32 v14, v29;
	v31 =	vmul.f32 v2, v26;
	v58 =	vld.idx.msk [tilespmem:v22+s14+$0x0], $0xffff;
	v22 =	vmul.f32 v30, v17  }
0x352: {  	v56 =	vld.idx.msk [tilespmem:v28+s14+$0x0], $0xffff;
	v17 =	vmul.f32 v60, v17;
	v30 =	vmul.f32 v2, v27  }
0x353: {  	v18 =	vld.idx.msk [tilespmem:v24+s14+$0x0], $0xffff;
	v60 =	vadd.s32 v15, v29;
	v29 =	vmul.f32 v27, v20;
	v27 =	vmul.f32 v20, v26  }
0x354: {  	[tilespmem:$0x1FF30] =	vst v1;
	v61 =	vld.idx.msk [tilespmem:v25+s14+$0x0], $0xffff;
	v1 =	vmul.f32 v33, v31;
	v40 =	vmul.f32 v40, v31  }
0x355: {  	v28 =	vmul.f32 v2, v22;
	v26 =	vmul.f32 v22, v20;
	v22 =	vld [tilespmem:$0x1FF60]  }
0x356: {  	v0 =	vadd.f32 v0, v63;
	v25 =	vmul.f32 v2, v17;
	v24 =	vmul.f32 v20, v17;
	v2 =	vld.idx.msk [tilespmem:v59+s14+$0x0], $0xffff  }
0x357: {  	v59 =	vmul.f32 v19, v30;
	v33 =	vmul.f32 v34, v27;
	v34 =	vld [tilespmem:s13+$0x40]  }
0x358: {  	s25 =	simm.s32 $0x40;
	[tilespmem:$0x1FF40] =	vst v0;
	v0 =	vmul.f32 v35, v28;
	v35 =	vmul.f32 v36, v26;
	v36 =	vld [tilespmem:$0x1FF90]  }
0x359: {  	v32 =	vmul.f32 v32, v29;
	v63 =	vmul.f32 v37, v25;
	v37 =	vld [tilespmem:s25+$0xB030]  }
0x35a: {  	v38 =	vmul.f32 v38, v30;
	v39 =	vmul.f32 v39, v29;
	v1 =	vadd.f32 v33, v1;
	v33 =	vld [tilespmem:s13+$0x0]  }
0x35b: {  	v41 =	vmul.f32 v41, v27;
	v16 =	vmul.f32 v16, v24;
	v32 =	vadd.f32 v32, v59;
	v59 =	vld [tilespmem:s13+$0xFFFFFFC0]  }
0x35c: {  	v42 =	vmul.f32 v42, v28;
	v43 =	vmul.f32 v43, v26;
	v38 =	vadd.f32 v39, v38;
	v39 =	vld [tilespmem:s13+$0xFFFFFFD0]  }
0x35d: {  	v44 =	vmul.f32 v44, v25;
	v45 =	vmul.f32 v45, v24;
	v40 =	vadd.f32 v41, v40;
	v41 =	vld [tilespmem:s13+$0xFFFFFF80]  }
0x35e: {  	v17 =	vimm.f32 $0.0e+00;
	v54 =	vmul.f32 v54, v28;
	v57 =	vmul.f32 v57, v26;
	v60 =	vld.idx.msk [tilespmem:v60+s14+$0x0], $0xffff  }
0x35f: {  	v0 =	vadd.f32 v35, v0;
	v35 =	vld [tilespmem:s13+$0x10];
	v16 =	vadd.f32 v16, v63;
	v63 =	vmul.f32 v52, v26  }
0x360: {  	v42 =	vadd.f32 v43, v42;
	v43 =	vld [tilespmem:s13+$0xFFFFFF90];
	v52 =	vmul.f32 v53, v25;
	v53 =	vmul.f32 v55, v24  }
0x361: {  	v44 =	vadd.f32 v45, v44;
	v45 =	vld [tilespmem:s13+$0xFFFFFFA0];
	v55 =	vmul.f32 v56, v30;
	v54 =	vadd.f32 v57, v54  }
0x362: {  	v56 =	vmul.f32 v58, v29;
	v58 =	vld [tilespmem:s13+$0x20];
	v1 =	vadd.f32 v1, v32;
	v38 =	vadd.f32 v40, v38  }
0x363: {  	v18 =	vmul.f32 v18, v31;
	v32 =	vld [tilespmem:s13+$0x70];
	v22 =	vadd.f32 v21, v22;
	v52 =	vadd.f32 v53, v52  }
0x364: {  	v2 =	vmul.f32 v2, v25;
	v53 =	vld [tilespmem:s13+$0xFFFFFFF0];
	v55 =	vadd.f32 v56, v55;
	v19 =	vadd.f32 v49, v36  }
0x365: {  	v0 =	vadd.f32 v16, v0;
	v49 =	vld [tilespmem:s13+$0x60];
	v36 =	vmul.f32 v46, v30;
	v60 =	vmul.f32 v60, v24  }
0x366: {  	v46 =	vld [tilespmem:s13+$0xFFFFFFB0];
	v16 =	vadd.s32 v10, v37;
	[tilespmem:$0x1FF50] =	vst v19;
	v19 =	vmul.f32 v47, v29;
	v47 =	vmul.f32 v48, v31  }
0x367: {  	v40 =	vadd.f32 v44, v42;
	v48 =	vmul.f32 v50, v27;
	v50 =	vmul.f32 v51, v28;
	v51 =	vld [tilespmem:s13+$0xFFFFFFE0]  }
0x368: {  	v56 =	vadd.s32 v6, v37;
	v0 =	vadd.f32 v0, v1;
	v2 =	vadd.f32 v60, v2;
	v60 =	vld [tilespmem:s13+$0x30]  }
0x369: {  	v1 =	vadd.s32 v13, v37;
	v38 =	vadd.f32 v40, v38;
	v47 =	vadd.f32 v48, v47;
	v48 =	vld [tilespmem:s25+$0xB020]  }
0x36a: {  	v40 =	vadd.s32 v14, v37;
	v36 =	vadd.f32 v19, v36;
	v19 =	vmul.f32 v61, v27;
	v61 =	vld [tilespmem:s25+$0xB010]  }
0x36b: {  	v57 =	vadd.s32 v9, v37;
	v42 =	vadd.s32 v11, v37;
	v50 =	vadd.f32 v63, v50;
	v16 =	vld.idx.msk [tilespmem:v16+s14+$0x0], $0xffff  }
0x36c: {  	v34 =	vmul.f32 v0, v34;
	v18 =	vadd.f32 v19, v18;
	v44 =	vadd.f32 v47, v36;
	v36 =	vld [tilespmem:s25+$0xB000]  }
0x36d: {  	v33 =	vmul.f32 v38, v33;
	v63 =	vadd.s32 v12, v37;
	v47 =	vadd.f32 v52, v50;
	v52 =	vld.idx.msk [tilespmem:v56+s14+$0x0], $0xffff  }
0x36e: {  	v37 =	vadd.s32 v15, v37;
	v2 =	vadd.f32 v2, v54;
	v1 =	vld.idx.msk [tilespmem:v1+s14+$0x0], $0xffff;
	v18 =	vadd.f32 v18, v55  }
0x36f: {  	v35 =	vmul.f32 v38, v35;
	v40 =	vld.idx.msk [tilespmem:v40+s14+$0x0], $0xffff;
	v44 =	vadd.f32 v47, v44;
	v54 =	vadd.s32 v9, v48  }
0x370: {  	v55 =	vld.idx.msk [tilespmem:v57+s14+$0x0], $0xffff;
	v47 =	vmul.f32 v0, v62;
	v50 =	vadd.s32 v10, v48;
	v2 =	vadd.f32 v2, v18  }
0x371: {  	v57 =	vld.idx.msk [tilespmem:v42+s14+$0x0], $0xffff;
	v18 =	vadd.s32 v6, v48;
	v42 =	vmul.f32 v44, v59;
	v39 =	vmul.f32 v44, v39  }
0x372: {  	v63 =	vld.idx.msk [tilespmem:v63+s14+$0x0], $0xffff;
	v56 =	vadd.s32 v12, v48;
	v59 =	vmul.f32 v44, v51;
	v44 =	vmul.f32 v53, v44  }
0x373: {  	v19 =	vld.idx.msk [tilespmem:v37+s14+$0x0], $0xffff;
	v62 =	vadd.s32 v14, v48;
	v41 =	vmul.f32 v2, v41;
	v43 =	vmul.f32 v2, v43  }
0x374: {  	v45 =	vmul.f32 v2, v45;
	v2 =	vmul.f32 v46, v2;
	v46 =	vadd.s32 v11, v48;
	v53 =	vld.idx.msk [tilespmem:v54+s14+$0x0], $0xffff  }
0x375: {  	v41 =	vadd.f32 v41, v17;
	v43 =	vadd.f32 v43, v17;
	v20 =	vld.idx.msk [tilespmem:v50+s14+$0x0], $0xffff;
	v50 =	vadd.s32 v9, v61  }
0x376: {  	v37 =	vadd.f32 v45, v17;
	v2 =	vadd.f32 v2, v17;
	v17 =	vld.idx.msk [tilespmem:v18+s14+$0x0], $0xffff;
	v18 =	vadd.s32 v13, v48  }
0x377: {  	v54 =	vmul.f32 v60, v38;
	v48 =	vadd.s32 v15, v48;
	v42 =	vadd.f32 v42, v41;
	v41 =	vld.idx.msk [tilespmem:v56+s14+$0x0], $0xffff  }
0x378: {  	v39 =	vadd.f32 v39, v43;
	v43 =	vadd.s32 v6, v61;
	v45 =	vadd.f32 v59, v37;
	v37 =	vld.idx.msk [tilespmem:v62+s14+$0x0], $0xffff  }
0x379: {  	v2 =	vadd.f32 v44, v2;
	v56 =	vadd.s32 v10, v61;
	v62 =	vmul.f32 v0, v49;
	v21 =	vld.idx.msk [tilespmem:v46+s14+$0x0], $0xffff  }
0x37a: {  	v0 =	vmul.f32 v32, v0;
	v46 =	vmul.f32 v38, v58;
	v58 =	vadd.s32 v15, v61;
	v50 =	vld.idx.msk [tilespmem:v50+s14+$0x0], $0xffff  }
0x37b: {  	v59 =	vadd.f32 v33, v42;
	v60 =	vadd.f32 v35, v39;
	v39 =	vadd.s32 v11, v61;
	v44 =	vld.idx.msk [tilespmem:v18+s14+$0x0], $0xffff  }
0x37c: {  	v2 =	vadd.f32 v54, v2;
	v45 =	vadd.f32 v46, v45;
	v46 =	vadd.s32 v12, v61;
	v38 =	vld.idx.msk [tilespmem:v48+s14+$0x0], $0xffff  }
0x37d: {  	v42 =	vmul.f32 v52, v30;
	v53 =	vmul.f32 v53, v29;
	v48 =	vadd.s32 v13, v61;
	v49 =	vld.idx.msk [tilespmem:v43+s14+$0x0], $0xffff  }
0x37e: {  	v35 =	vadd.f32 v34, v59;
	v34 =	vadd.f32 v47, v60;
	v18 =	vadd.s32 v14, v61;
	v51 =	vld.idx.msk [tilespmem:v56+s14+$0x0], $0xffff  }
0x37f: {  	v32 =	vadd.f32 v0, v2;
	v61 =	vadd.s32 v6, v36;
	v47 =	vmul.f32 v63, v28;
	v58 =	vld.idx.msk [tilespmem:v58+s14+$0x0], $0xffff  }
0x380: {  	v52 =	vmul.f32 v17, v30;
	v33 =	vadd.f32 v62, v45;
	v62 =	vadd.s32 v9, v36;
	v54 =	vld.idx.msk [tilespmem:v39+s14+$0x0], $0xffff  }
0x381: {  	v2 =	vadd.s32 v10, v36;
	v43 =	vmul.f32 v55, v29;
	v45 =	vmul.f32 v16, v31;
	v56 =	vld.idx.msk [tilespmem:v46+s14+$0x0], $0xffff  }
0x382: {  	v63 =	vadd.s32 v11, v36;
	v55 =	vmul.f32 v20, v31;
	v39 =	vmul.f32 v40, v25;
	v59 =	vld.idx.msk [tilespmem:v48+s14+$0x0], $0xffff  }
0x383: {  	v0 =	vadd.s32 v12, v36;
	v40 =	vmul.f32 v19, v24;
	v46 =	vmul.f32 v57, v27;
	v60 =	vld.idx.msk [tilespmem:v18+s14+$0x0], $0xffff  }
0x384: {  	s15 =	simm.s32 $0x200;
	v57 =	vmul.f32 v21, v27;
	v48 =	vmul.f32 v1, v26;
	v61 =	vld.idx.msk [tilespmem:v61+s14+$0x0], $0xffff;
	v1 =	vadd.s32 v13, v36  }
.LBB2_16:
0x385: {  	p2 =	sne.s32 s15, $0x700;
	v16 =	vld.idx.msk [tilespmem:v62+s14+$0x0], $0xffff;
	v17 =	vadd.s32 v14, v36;
	v18 =	vmul.f32 v41, v28;
	v19 =	vmul.f32 v44, v26  }
0x386: {  	v20 =	vadd.s32 v15, v36;
	v21 =	vmul.f32 v37, v25;
	v36 =	vmul.f32 v38, v24;
	v2 =	vld.idx.msk [tilespmem:v2+s14+$0x0], $0xffff  }
0x387: {  	v38 =	vmul.f32 v49, v30;
	v41 =	vmul.f32 v50, v29;
	v37 =	vld.idx.msk [tilespmem:v63+s14+$0x0], $0xffff  }
0x388: {  	v44 =	vmul.f32 v51, v31;
	v49 =	vmul.f32 v54, v27;
	v0 =	vld.idx.msk [tilespmem:v0+s14+$0x0], $0xffff  }
0x389: {  	v50 =	vmul.f32 v56, v28;
	v51 =	vmul.f32 v59, v26;
	v1 =	vld.idx.msk [tilespmem:v1+s14+$0x0], $0xffff  }
0x38a: {  	v54 =	vmul.f32 v60, v25;
	v56 =	vmul.f32 v58, v24;
	v17 =	vld.idx.msk [tilespmem:v17+s14+$0x0], $0xffff  }
0x38b: {  	s13 =	sadd.s32 $0x100, s13;
	v58 =	vmul.f32 v61, v30;
	v16 =	vmul.f32 v16, v29;
	v20 =	vld.idx.msk [tilespmem:v20+s14+$0x0], $0xffff  }
0x38c: {  	v42 =	vadd.f32 v43, v42;
	v43 =	vadd.f32 v46, v45;
	v2 =	vmul.f32 v2, v31;
	v45 =	vld [tilespmem:s13+$0x40]  }
0x38d: {  	s4 =	sshra.s32 s15, $0x2;
	v46 =	vadd.f32 v48, v47;
	v39 =	vadd.f32 v40, v39;
	v37 =	vmul.f32 v37, v27;
	v40 =	vld [tilespmem:s13+$0x50]  }
0x38e: {  	v48 =	vadd.f32 v53, v52;
	v52 =	vadd.f32 v57, v55;
	v0 =	vmul.f32 v0, v28;
	v47 =	vld [tilespmem:s4+$0xB030]  }
0x38f: {  	v18 =	vadd.f32 v19, v18;
	v19 =	vadd.f32 v36, v21;
	v1 =	vmul.f32 v1, v26;
	v21 =	vld [tilespmem:s13+$0x60]  }
0x390: {  	v36 =	vadd.f32 v41, v38;
	v38 =	vadd.f32 v49, v44;
	v17 =	vmul.f32 v17, v25;
	v41 =	vld [tilespmem:s13+$0x0]  }
0x391: {  	v44 =	vadd.f32 v51, v50;
	v49 =	vadd.f32 v56, v54;
	v20 =	vmul.f32 v20, v24;
	v50 =	vld [tilespmem:s13+$0x10]  }
0x392: {  	v16 =	vadd.f32 v16, v58;
	v2 =	vadd.f32 v37, v2;
	v37 =	vld [tilespmem:s13+$0xFFFFFFC0]  }
0x393: {  	v0 =	vadd.f32 v1, v0;
	v1 =	vadd.f32 v20, v17;
	v51 =	vadd.s32 v6, v47;
	v17 =	vld [tilespmem:s13+$0xFFFFFFD0]  }
0x394: {  	v42 =	vadd.f32 v43, v42;
	v39 =	vadd.f32 v39, v46;
	v20 =	vadd.s32 v9, v47;
	v53 =	vld [tilespmem:s13+$0xFFFFFF80]  }
0x395: {  	v48 =	vadd.f32 v52, v48;
	v18 =	vadd.f32 v19, v18;
	v43 =	vadd.s32 v10, v47;
	v46 =	vld [tilespmem:s13+$0xFFFFFF90]  }
0x396: {  	v36 =	vadd.f32 v38, v36;
	v38 =	vadd.f32 v49, v44;
	v19 =	vadd.s32 v11, v47;
	v52 =	vld [tilespmem:s13+$0xFFFFFFA0]  }
0x397: {  	v39 =	vadd.f32 v39, v42;
	v2 =	vadd.f32 v2, v16;
	v44 =	vadd.s32 v12, v47;
	v16 =	vld [tilespmem:s13+$0xFFFFFFB0]  }
0x398: {  	v49 =	vadd.s32 v13, v47;
	v0 =	vadd.f32 v1, v0;
	v1 =	vadd.f32 v18, v48;
	v42 =	vld [tilespmem:s4+$0xB020]  }
0x399: {  	v40 =	vmul.f32 v39, v40;
	v18 =	vadd.f32 v38, v36;
	v38 =	vmul.f32 v39, v45;
	v36 =	vld [tilespmem:s13+$0xFFFFFFE0]  }
0x39a: {  	v0 =	vadd.f32 v0, v2;
	v41 =	vmul.f32 v1, v41;
	v45 =	vmul.f32 v1, v50;
	v2 =	vld [tilespmem:s13+$0xFFFFFFF0]  }
0x39b: {  	v48 =	vadd.s32 v14, v47;
	v37 =	vmul.f32 v18, v37;
	v17 =	vmul.f32 v18, v17;
	v50 =	vld [tilespmem:s13+$0x20]  }
0x39c: {  	v47 =	vadd.s32 v15, v47;
	v53 =	vmul.f32 v0, v53;
	v46 =	vmul.f32 v0, v46;
	v54 =	vld [tilespmem:s13+$0x30]  }
0x39d: {  	v52 =	vmul.f32 v0, v52;
	v0 =	vmul.f32 v16, v0;
	v55 =	vadd.s32 v6, v42;
	v16 =	vld [tilespmem:s13+$0x70]  }
0x39e: {  	v35 =	vadd.f32 v53, v35;
	v34 =	vadd.f32 v46, v34;
	v56 =	vld [tilespmem:s4+$0xB010];
	v46 =	vmul.f32 v18, v36  }
0x39f: {  	v33 =	vadd.f32 v52, v33;
	v0 =	vadd.f32 v0, v32;
	v36 =	vld [tilespmem:s4+$0xB000];
	v2 =	vmul.f32 v2, v18  }
0x3a0: {  	v32 =	vadd.f32 v37, v35;
	v17 =	vadd.f32 v17, v34;
	v18 =	vld.idx.msk [tilespmem:v51+s14+$0x0], $0xffff;
	v34 =	vmul.f32 v1, v50  }
0x3a1: {  	v33 =	vadd.f32 v46, v33;
	v20 =	vld.idx.msk [tilespmem:v20+s14+$0x0], $0xffff;
	v0 =	vadd.f32 v2, v0;
	v1 =	vmul.f32 v54, v1  }
0x3a2: {  	v21 =	vmul.f32 v39, v21;
	v32 =	vadd.f32 v41, v32;
	v17 =	vadd.f32 v45, v17;
	v2 =	vld.idx.msk [tilespmem:v43+s14+$0x0], $0xffff  }
0x3a3: {  	v33 =	vadd.f32 v34, v33;
	v19 =	vld.idx.msk [tilespmem:v19+s14+$0x0], $0xffff;
	v0 =	vadd.f32 v1, v0;
	v1 =	vmul.f32 v16, v39  }
0x3a4: {  	v35 =	vadd.f32 v38, v32;
	v34 =	vadd.f32 v40, v17;
	v16 =	vadd.s32 v9, v42;
	v39 =	vld.idx.msk [tilespmem:v44+s14+$0x0], $0xffff  }
0x3a5: {  	v17 =	vadd.s32 v10, v42;
	v33 =	vadd.f32 v21, v33;
	v40 =	vld.idx.msk [tilespmem:v49+s14+$0x0], $0xffff;
	v32 =	vadd.f32 v1, v0  }
0x3a6: {  	v0 =	vadd.s32 v11, v42;
	v1 =	vld.idx.msk [tilespmem:v48+s14+$0x0], $0xffff  }
0x3a7: {  	v21 =	vadd.s32 v12, v42;
	v52 =	vld.idx.msk [tilespmem:v47+s14+$0x0], $0xffff  }
0x3a8: {  	v37 =	vadd.s32 v13, v42;
	v53 =	vld.idx.msk [tilespmem:v55+s14+$0x0], $0xffff  }
0x3a9: {  	v38 =	vadd.s32 v14, v42;
	v16 =	vld.idx.msk [tilespmem:v16+s14+$0x0], $0xffff  }
0x3aa: {  	v42 =	vadd.s32 v15, v42;
	v17 =	vld.idx.msk [tilespmem:v17+s14+$0x0], $0xffff  }
0x3ab: {  	v43 =	vadd.s32 v6, v56;
	v57 =	vld.idx.msk [tilespmem:v0+s14+$0x0], $0xffff  }
0x3ac: {  	v0 =	vadd.s32 v9, v56;
	v41 =	vld.idx.msk [tilespmem:v21+s14+$0x0], $0xffff  }
0x3ad: {  	v21 =	vadd.s32 v10, v56;
	v44 =	vld.idx.msk [tilespmem:v37+s14+$0x0], $0xffff  }
0x3ae: {  	v45 =	vadd.s32 v11, v56;
	v37 =	vld.idx.msk [tilespmem:v38+s14+$0x0], $0xffff  }
0x3af: {  	v46 =	vadd.s32 v12, v56;
	v38 =	vld.idx.msk [tilespmem:v42+s14+$0x0], $0xffff  }
0x3b0: {  	v47 =	vadd.s32 v13, v56;
	v49 =	vld.idx.msk [tilespmem:v43+s14+$0x0], $0xffff  }
0x3b1: {  	v50 =	vld.idx.msk [tilespmem:v0+s14+$0x0], $0xffff;
	v0 =	vadd.s32 v14, v56  }
0x3b2: {  	v51 =	vld.idx.msk [tilespmem:v21+s14+$0x0], $0xffff;
	v21 =	vadd.s32 v15, v56  }
0x3b3: {  	v55 =	vadd.s32 v6, v36;
	v42 =	vmul.f32 v18, v30;
	v43 =	vmul.f32 v20, v29;
	v54 =	vld.idx.msk [tilespmem:v45+s14+$0x0], $0xffff  }
.Ltmp10:
0x3b4: {  	v62 =	vadd.s32 v9, v36;
	v45 =	vmul.f32 v2, v31;
	v56 =	vld.idx.msk [tilespmem:v46+s14+$0x0], $0xffff;
	v46 =	vmul.f32 v19, v27;
	(pc) =	sbr.rel @p2 .LBB2_16-.Ltmp10, $4  }
0x3b5: {  	v48 =	vmul.f32 v40, v26;
	v2 =	vadd.s32 v10, v36;
	v59 =	vld.idx.msk [tilespmem:v47+s14+$0x0], $0xffff;
	v47 =	vmul.f32 v39, v28  }
0x3b6: {  	v63 =	vadd.s32 v11, v36;
	v40 =	vmul.f32 v52, v24;
	v39 =	vmul.f32 v1, v25;
	v60 =	vld.idx.msk [tilespmem:v0+s14+$0x0], $0xffff  }
0x3b7: {  	v52 =	vmul.f32 v53, v30;
	v53 =	vmul.f32 v16, v29;
	v0 =	vadd.s32 v12, v36;
	v58 =	vld.idx.msk [tilespmem:v21+s14+$0x0], $0xffff  }
0x3b8: {  	s15 =	sadd.s32 $0x100, s15;
	v57 =	vmul.f32 v57, v27;
	v1 =	vadd.s32 v13, v36;
	v61 =	vld.idx.msk [tilespmem:v55+s14+$0x0], $0xffff;
	v55 =	vmul.f32 v17, v31  }
0x3b9: {  	_ =	sdelay $0x3  }
0x3ba: {  	v16 =	vld.idx.msk [tilespmem:v62+s14+$0x0], $0xffff;
	v17 =	vadd.s32 v14, v36  }
0x3bb: {  	v2 =	vld.idx.msk [tilespmem:v2+s14+$0x0], $0xffff;
	v18 =	vadd.s32 v15, v36  }
0x3bc: {  	v19 =	vmul.f32 v41, v28;
	v21 =	vld.idx.msk [tilespmem:v63+s14+$0x0], $0xffff  }
0x3bd: {  	v20 =	vmul.f32 v44, v26;
	v36 =	vmul.f32 v49, v30;
	v0 =	vld.idx.msk [tilespmem:v0+s14+$0x0], $0xffff  }
0x3be: {  	v41 =	vmul.f32 v50, v29;
	v44 =	vmul.f32 v51, v31;
	v1 =	vld.idx.msk [tilespmem:v1+s14+$0x0], $0xffff  }
0x3bf: {  	v49 =	vmul.f32 v54, v27;
	v50 =	vmul.f32 v56, v28;
	v17 =	vld.idx.msk [tilespmem:v17+s14+$0x0], $0xffff  }
0x3c0: {  	v62 =	vmul.f32 v59, v26;
	v19 =	vadd.f32 v20, v19;
	v30 =	vmul.f32 v61, v30;
	v18 =	vld.idx.msk [tilespmem:v18+s14+$0x0], $0xffff  }
0x3c1: {  	v20 =	vadd.f32 v41, v36;
	v16 =	vmul.f32 v16, v29;
	v2 =	vmul.f32 v2, v31  }
0x3c2: {  	v29 =	vadd.f32 v43, v42;
	v31 =	vadd.f32 v46, v45;
	v21 =	vmul.f32 v21, v27  }
0x3c3: {  	v27 =	vadd.f32 v48, v47;
	v0 =	vmul.f32 v0, v28;
	v28 =	vadd.f32 v53, v52  }
0x3c4: {  	v45 =	vadd.f32 v57, v55;
	v1 =	vmul.f32 v1, v26;
	v26 =	vadd.f32 v49, v44  }
0x3c5: {  	v47 =	vadd.f32 v62, v50;
	v17 =	vmul.f32 v17, v25;
	v18 =	vmul.f32 v18, v24  }
0x3c6: {  	v63 =	vmul.f32 v60, v25;
	v16 =	vadd.f32 v16, v30;
	v2 =	vadd.f32 v21, v2  }
0x3c7: {  	s2 =	sadd.s32 $0x100, s13;
	v46 =	vmul.f32 v58, v24;
	v0 =	vadd.f32 v1, v0;
	v1 =	vadd.f32 v18, v17  }
0x3c8: {  	v21 =	vmul.f32 v37, v25;
	v2 =	vadd.f32 v2, v16;
	v25 =	vld [tilespmem:s2+$0xFFFFFF80];
	v17 =	vmul.f32 v38, v24  }
0x3c9: {  	v24 =	vadd.f32 v46, v63;
	v0 =	vadd.f32 v1, v0  }
0x3ca: {  	v16 =	vld [tilespmem:s2+$0xFFFFFFC0];
	v1 =	vadd.f32 v17, v21;
	v17 =	vadd.f32 v26, v20  }
0x3cb: {  	v18 =	vadd.f32 v24, v47;
	v0 =	vadd.f32 v0, v2  }
0x3cc: {  	v20 =	vld [tilespmem:s2+$0x0];
	v21 =	vadd.f32 v45, v28;
	v2 =	vadd.f32 v40, v39  }
0x3cd: {  	v1 =	vadd.f32 v1, v19;
	v17 =	vadd.f32 v18, v17;
	v48 =	vmul.f32 v0, v25  }
0x3ce: {  	v49 =	vld [tilespmem:s2+$0x40];
	v24 =	vadd.f32 v31, v29;
	v2 =	vadd.f32 v2, v27  }
0x3cf: {  	v1 =	vadd.f32 v1, v21;
	v16 =	vmul.f32 v17, v16;
	v18 =	vadd.f32 v48, v35;
	_ =	sdelay $0x1  }
0x3d0: {  	v2 =	vadd.f32 v2, v24;
	v20 =	vmul.f32 v1, v20;
	v16 =	vadd.f32 v16, v18;
	_ =	sdelay $0x1  }
0x3d1: {  	v50 =	vmul.f32 v2, v49;
	v16 =	vadd.f32 v20, v16;
	_ =	sdelay $0x1  }
0x3d2: {  	v51 =	vld [tilespmem:s2+$0xFFFFFF90];
	v16 =	vadd.f32 v50, v16;
	_ =	sdelay $0x1  }
0x3d3: {  	v52 =	vld [tilespmem:s2+$0xFFFFFFD0];
	v16 =	vsub.f32 $0.0e+00, v16;
	_ =	sdelay $0x1  }
0x3d4: {  	v20 =	vld [tilespmem:s2+$0x10];
	v16 =	vmul.f32 $1.442695020e+00, v16  }
0x3d5: {  	v19 =	vmul.f32 v0, v51  }
0x3d6: {  	v21 =	vld [tilespmem:s2+$0x50];
	(erf) = vpow2.f32 v16  }
0x3d7: {  	v53 =	vadd.f32 v19, v34;
	v16 =	vmul.f32 v17, v52;
	_ =	sdelay $0x1  }
0x3d8: {  	v54 =	vmul.f32 v1, v20;
	v16 =	vadd.f32 v16, v53;
	_ =	sdelay $0x1  }
0x3d9: {  	v55 =	vmul.f32 v2, v21;
	v16 =	vadd.f32 v54, v16;
	_ =	sdelay $0x1  }
0x3da: {  	v56 =	vld [tilespmem:s2+$0xFFFFFFA0];
	v16 =	vadd.f32 v55, v16;
	_ =	sdelay $0x1  }
0x3db: {  	v57 =	vld [tilespmem:s2+$0xFFFFFFE0];
	v16 =	vsub.f32 $0.0e+00, v16;
	v20 =	vpop (erf)  }
0x3dc: {  	v20 =	vadd.f32 $1.000000000e+00, v20  }
0x3dd: {  	v21 =	vld [tilespmem:s2+$0x20];
	v16 =	vmul.f32 $1.442695020e+00, v16  }
0x3de: {  	v19 =	vmul.f32 v0, v56;
	(erf) = vrcp.f32 v20  }
0x3df: {  	v20 =	vld [tilespmem:s2+$0x60];
	(erf) = vpow2.f32 v16  }
0x3e0: {  	v58 =	vadd.f32 v19, v33;
	v16 =	vmul.f32 v17, v57;
	_ =	sdelay $0x1  }
0x3e1: {  	v59 =	vmul.f32 v1, v21;
	v16 =	vadd.f32 v16, v58  }
0x3e2: {  	v60 =	vld [tilespmem:s2+$0xFFFFFFB0]  }
0x3e3: {  	v20 =	vmul.f32 v2, v20;
	v16 =	vadd.f32 v59, v16  }
0x3e4: {  	v61 =	vld [tilespmem:s2+$0xFFFFFFF0]  }
0x3e5: {  	v16 =	vadd.f32 v20, v16  }
0x3e6: {  	v20 =	vld [tilespmem:s2+$0x30];
	v21 =	vpop (erf)  }
0x3e7: {  	v0 =	vmul.f32 v60, v0;
	v16 =	vsub.f32 $0.0e+00, v16;
	v62 =	vpop (erf)  }
0x3e8: {  	v24 =	vld [tilespmem:s2+$0x70];
	v18 =	vadd.f32 $1.000000000e+00, v62  }
0x3e9: {  	v0 =	vadd.f32 v0, v32;
	v17 =	vmul.f32 v61, v17;
	v16 =	vmul.f32 $1.442695020e+00, v16  }
0x3ea: {  	(erf) = vrcp.f32 v18  }
0x3eb: {  	v0 =	vadd.f32 v17, v0;
	v1 =	vmul.f32 v20, v1;
	(erf) = vpow2.f32 v16;
	_ =	sdelay $0x1  }
0x3ec: {  	v0 =	vadd.f32 v1, v0;
	v1 =	vmul.f32 v24, v2;
	_ =	sdelay $0x1  }
0x3ed: {  	v16 =	vld [tilespmem:$0x1FFF0];
	v0 =	vadd.f32 v1, v0;
	_ =	sdelay $0x1  }
0x3ee: {  	v0 =	vmax.f32 v0, $0.0e+00  }
0x3ef: {  	v0 =	vsub.f32 $0.0e+00, v0  }
0x3f0: {  	v1 =	vpop (erf)  }
0x3f1: {  	v0 =	vmul.f32 v0, v16;
	v2 =	vpop (erf)  }
0x3f2: {  	v2 =	vadd.f32 $1.000000000e+00, v2  }
0x3f3: {  	v0 =	vmul.f32 $1.442695020e+00, v0  }
0x3f4: {  	(erf) = vrcp.f32 v2  }
0x3f5: {  	(erf) = vpow2.f32 v0;
	_ =	sdelay $0x6  }
0x3f6: {  	s2 =	sadd.s32 $0x300, s9  }
0x3f7: {  	s2 =	smov.u32 @p1 s0;
	v0 =	vpop (erf)  }
0x3f8: {  	[tilespmem:s14], [sflag:$0x3] =	stream.indirect.gather [hbm4b:s6+s7], $0x20, s2, s7, $0xb8;
	v2 =	vpop (erf);
	[tilespmem:$0xC090] =	vst v63  }
0x3f9: {  	_ =	swait.ge [sflag:s18], $0x1000  }
0x3fa: {  	[sflag:s18] =	ssyncset.done $0x0  }
0x3fb: {  	s24 =	simm.s32 $0x0;
	[sflag:s18] =	ssyncadd.s32 $0xFFFFF000  }
0x3fc: {  	v16 =	vld [tilespmem:s24+$0xB030];
	_ =	sdelay $0x2  }
0x3fd: {  	v62 =	vld [tilespmem:$0x1FF30]  }
0x3fe: {  	v17 =	vld [tilespmem:s11+$0x90]  }
0x3ff: {  	v63 =	vld [tilespmem:s11+$0xA0];
	v60 =	vadd.s32 v6, v16  }
0x400: {  	v20 =	vld [tilespmem:s11+$0xB0];
	v24 =	vadd.s32 v9, v16  }
0x401: {  	v26 =	vld [tilespmem:s24+$0xB020];
	v25 =	vadd.s32 v10, v16  }
0x402: {  	v30 =	vld [tilespmem:s24+$0xB000];
	v27 =	vadd.s32 v11, v16  }
0x403: {  	v28 =	vld [tilespmem:s24+$0xB010];
	v29 =	vadd.s32 v12, v16  }
0x404: {  	v31 =	vadd.s32 v13, v16;
	v19 =	vld.idx.msk [tilespmem:v60+s16+$0x0], $0xffff  }
0x405: {  	v61 =	vadd.s32 v14, v16;
	v33 =	vld.idx.msk [tilespmem:v24+s16+$0x0], $0xffff  }
0x406: {  	v16 =	vadd.s32 v15, v16;
	v34 =	vld.idx.msk [tilespmem:v25+s16+$0x0], $0xffff  }
0x407: {  	v54 =	vadd.s32 v12, v30;
	v35 =	vld.idx.msk [tilespmem:v27+s16+$0x0], $0xffff  }
0x408: {  	v57 =	vadd.s32 v13, v30;
	v36 =	vld.idx.msk [tilespmem:v29+s16+$0x0], $0xffff  }
0x409: {  	v24 =	vadd.s32 v6, v26;
	v37 =	vld.idx.msk [tilespmem:v31+s16+$0x0], $0xffff  }
0x40a: {  	v25 =	vadd.s32 v9, v26;
	v32 =	vld.idx.msk [tilespmem:v61+s16+$0x0], $0xffff  }
0x40b: {  	v27 =	vadd.s32 v10, v26;
	v16 =	vld.idx.msk [tilespmem:v16+s16+$0x0], $0xffff  }
0x40c: {  	v29 =	vadd.s32 v11, v26;
	v54 =	vld.idx.msk [tilespmem:v54+s16+$0x0], $0xffff  }
0x40d: {  	v31 =	vadd.s32 v12, v26;
	v57 =	vld.idx.msk [tilespmem:v57+s16+$0x0], $0xffff  }
0x40e: {  	v38 =	vld.idx.msk [tilespmem:v24+s16+$0x0], $0xffff;
	v24 =	vadd.s32 v13, v26  }
0x40f: {  	v39 =	vld.idx.msk [tilespmem:v25+s16+$0x0], $0xffff;
	v25 =	vadd.s32 v14, v26  }
0x410: {  	v40 =	vld.idx.msk [tilespmem:v27+s16+$0x0], $0xffff;
	v26 =	vadd.s32 v15, v26  }
0x411: {  	v27 =	vadd.s32 v6, v28;
	v41 =	vld.idx.msk [tilespmem:v29+s16+$0x0], $0xffff  }
0x412: {  	v29 =	vadd.s32 v9, v28;
	v42 =	vld.idx.msk [tilespmem:v31+s16+$0x0], $0xffff  }
0x413: {  	v31 =	vadd.s32 v10, v28;
	v43 =	vld.idx.msk [tilespmem:v24+s16+$0x0], $0xffff  }
0x414: {  	v24 =	vadd.s32 v11, v28;
	v44 =	vld.idx.msk [tilespmem:v25+s16+$0x0], $0xffff  }
0x415: {  	v25 =	vadd.s32 v12, v28;
	v45 =	vld.idx.msk [tilespmem:v26+s16+$0x0], $0xffff  }
0x416: {  	v2 =	vsub.f32 $1.000000000e+00, v2;
	v46 =	vld.idx.msk [tilespmem:v27+s16+$0x0], $0xffff;
	v27 =	vadd.s32 v14, v28  }
0x417: {  	v26 =	vadd.s32 v13, v28;
	v47 =	vld.idx.msk [tilespmem:v29+s16+$0x0], $0xffff  }
0x418: {  	v49 =	vmul.f32 v2, v23;
	v2 =	vsub.f32 $1.000000000e+00, v2;
	v48 =	vld.idx.msk [tilespmem:v31+s16+$0x0], $0xffff;
	v28 =	vadd.s32 v15, v28  }
0x419: {  	v60 =	vadd.s32 v15, v30;
	v50 =	vld.idx.msk [tilespmem:v24+s16+$0x0], $0xffff  }
0x41a: {  	v2 =	vadd.f32 $1.000000010e-10, v2;
	v29 =	vadd.s32 v6, v30;
	v51 =	vld.idx.msk [tilespmem:v25+s16+$0x0], $0xffff  }
0x41b: {  	v31 =	vsub.f32 $1.000000000e+00, v63;
	v24 =	vadd.s32 v9, v30;
	v53 =	vld.idx.msk [tilespmem:v27+s16+$0x0], $0xffff;
	v27 =	vsub.f32 $1.000000000e+00, v17  }
0x41c: {  	v21 =	vmul.f32 v49, v21;
	v23 =	vmul.f32 v2, v23;
	v25 =	vadd.s32 v10, v30;
	v52 =	vld.idx.msk [tilespmem:v26+s16+$0x0], $0xffff  }
0x41d: {  	v2 =	vsub.f32 $1.000000000e+00, v20;
	v26 =	vadd.s32 v11, v30;
	v55 =	vld.idx.msk [tilespmem:v28+s16+$0x0], $0xffff;
	v28 =	vmul.f32 v31, v27  }
0x41e: {  	v1 =	vmul.f32 v49, v1;
	v0 =	vmul.f32 v49, v0;
	v60 =	vld.idx.msk [tilespmem:v60+s16+$0x0], $0xffff  }
0x41f: {  	v59 =	vadd.s32 v14, v30;
	v56 =	vld.idx.msk [tilespmem:v29+s16+$0x0], $0xffff;
	v27 =	vmul.f32 v63, v27;
	v30 =	vmul.f32 v2, v28  }
0x420: {  	v29 =	vmul.f32 v28, v20;
	v58 =	vld.idx.msk [tilespmem:v24+s16+$0x0], $0xffff;
	v24 =	vmul.f32 v31, v17  }
0x421: {  	v17 =	vmul.f32 v63, v17;
	v18 =	vld.idx.msk [tilespmem:v25+s16+$0x0], $0xffff;
	v31 =	vmul.f32 v2, v27  }
0x422: {  	v61 =	vld.idx.msk [tilespmem:v26+s16+$0x0], $0xffff;
	v27 =	vmul.f32 v20, v27;
	v38 =	vmul.f32 v38, v30  }
0x423: {  	v1 =	vadd.f32 v1, v62;
	v63 =	vld [tilespmem:$0x1FF40];
	v39 =	vmul.f32 v39, v29;
	v28 =	vmul.f32 v2, v24  }
0x424: {  	s11 =	simm.s32 $0xB910;
	v26 =	vmul.f32 v24, v20;
	v25 =	vmul.f32 v2, v17;
	v2 =	vld.idx.msk [tilespmem:v59+s16+$0x0], $0xffff  }
0x425: {  	[tilespmem:$0x1FF00] =	vst v1;
	v1 =	vmul.f32 v34, v31;
	v34 =	vmul.f32 v35, v27;
	v35 =	vld [tilespmem:s11+$0x40]  }
0x426: {  	v33 =	vmul.f32 v33, v29;
	v59 =	vmul.f32 v19, v30;
	v38 =	vadd.f32 v39, v38;
	v39 =	vld [tilespmem:s11+$0xFFFFFFD0]  }
0x427: {  	v21 =	vadd.f32 v21, v22;
	v24 =	vmul.f32 v20, v17;
	v62 =	vmul.f32 v37, v26;
	v37 =	vld [tilespmem:s11+$0x50]  }
0x428: {  	v40 =	vmul.f32 v40, v31;
	v41 =	vmul.f32 v41, v27;
	v33 =	vadd.f32 v33, v59;
	v59 =	vld [tilespmem:s11+$0x60]  }
0x429: {  	v32 =	vmul.f32 v32, v25;
	v16 =	vmul.f32 v16, v24;
	v1 =	vadd.f32 v34, v1;
	v34 =	vld [tilespmem:s11+$0x0]  }
0x42a: {  	v42 =	vmul.f32 v42, v28;
	v43 =	vmul.f32 v43, v26;
	v40 =	vadd.f32 v41, v40;
	v41 =	vld [tilespmem:s11+$0xFFFFFF80]  }
0x42b: {  	v54 =	vmul.f32 v54, v28;
	v57 =	vmul.f32 v57, v26;
	v0 =	vadd.f32 v0, v63;
	v63 =	vld [tilespmem:$0x1FF50]  }
0x42c: {  	v17 =	vimm.f32 $0.0e+00;
	v60 =	vmul.f32 v60, v24;
	v16 =	vadd.f32 v16, v32;
	v32 =	vld [tilespmem:s11+$0xFFFFFFC0]  }
0x42d: {  	v18 =	vmul.f32 v18, v31;
	v42 =	vadd.f32 v43, v42;
	v43 =	vld [tilespmem:s11+$0xFFFFFF90];
	v54 =	vadd.f32 v57, v54  }
0x42e: {  	v1 =	vadd.f32 v1, v33;
	v33 =	vld [tilespmem:s11+$0x70];
	[tilespmem:$0x1FF10] =	vst v0;
	v0 =	vmul.f32 v36, v28;
	v36 =	vmul.f32 v44, v25  }
0x42f: {  	s25 =	simm.s32 $0x40;
	v38 =	vadd.f32 v40, v38;
	v44 =	vmul.f32 v45, v24;
	v45 =	vmul.f32 v46, v30;
	v46 =	vld [tilespmem:s11+$0xFFFFFFB0]  }
0x430: {  	v2 =	vmul.f32 v2, v25;
	v0 =	vadd.f32 v62, v0;
	v19 =	vadd.f32 v49, v63;
	v49 =	vld [tilespmem:s25+$0xB030]  }
0x431: {  	v62 =	vld [tilespmem:s11+$0x10];
	v36 =	vadd.f32 v44, v36;
	v63 =	vmul.f32 v52, v26;
	v52 =	vmul.f32 v53, v25  }
0x432: {  	v44 =	vld [tilespmem:s11+$0xFFFFFFA0];
	v2 =	vadd.f32 v60, v2;
	v53 =	vmul.f32 v55, v24;
	v55 =	vmul.f32 v56, v30  }
0x433: {  	v60 =	vld [tilespmem:s11+$0x30];
	v56 =	vmul.f32 v58, v29;
	v0 =	vadd.f32 v16, v0;
	v40 =	vadd.f32 v36, v42  }
0x434: {  	v58 =	vld [tilespmem:s11+$0x20];
	v2 =	vadd.f32 v2, v54;
	[tilespmem:$0x1FF20] =	vst v19;
	v19 =	vmul.f32 v47, v29;
	v47 =	vmul.f32 v48, v31  }
0x435: {  	v36 =	vld [tilespmem:s25+$0xB000];
	v48 =	vmul.f32 v50, v27;
	v55 =	vadd.f32 v56, v55;
	v56 =	vadd.s32 v6, v49  }
0x436: {  	v50 =	vmul.f32 v51, v28;
	v51 =	vld [tilespmem:s11+$0xFFFFFFE0];
	v52 =	vadd.f32 v53, v52;
	v57 =	vadd.s32 v9, v49  }
0x437: {  	v53 =	vld [tilespmem:s11+$0xFFFFFFF0];
	v45 =	vadd.f32 v19, v45;
	v19 =	vmul.f32 v61, v27;
	v16 =	vadd.s32 v10, v49  }
0x438: {  	v47 =	vadd.f32 v48, v47;
	v48 =	vld [tilespmem:s25+$0xB020];
	v50 =	vadd.f32 v63, v50;
	v42 =	vadd.s32 v11, v49  }
0x439: {  	[tilespmem:$0x1FEF0] =	vst v21;
	v0 =	vadd.f32 v0, v1;
	v61 =	vld [tilespmem:s25+$0xB010];
	v63 =	vadd.s32 v12, v49;
	v18 =	vadd.f32 v19, v18  }
0x43a: {  	v1 =	vadd.s32 v13, v49;
	v45 =	vadd.f32 v47, v45;
	v47 =	vadd.f32 v52, v50;
	v52 =	vld.idx.msk [tilespmem:v56+s16+$0x0], $0xffff  }
0x43b: {  	v38 =	vadd.f32 v40, v38;
	v40 =	vadd.s32 v14, v49;
	v18 =	vadd.f32 v18, v55;
	v55 =	vld.idx.msk [tilespmem:v57+s16+$0x0], $0xffff  }
0x43c: {  	v35 =	vmul.f32 v0, v35;
	v45 =	vadd.f32 v47, v45;
	v47 =	vadd.s32 v15, v49;
	v16 =	vld.idx.msk [tilespmem:v16+s16+$0x0], $0xffff  }
0x43d: {  	v54 =	vmul.f32 v0, v37;
	v2 =	vadd.f32 v2, v18;
	v18 =	vadd.s32 v6, v48;
	v57 =	vld.idx.msk [tilespmem:v42+s16+$0x0], $0xffff  }
0x43e: {  	v32 =	vmul.f32 v45, v32;
	v37 =	vmul.f32 v45, v39;
	v56 =	vadd.s32 v9, v48;
	v63 =	vld.idx.msk [tilespmem:v63+s16+$0x0], $0xffff  }
0x43f: {  	v49 =	vadd.s32 v12, v48;
	v1 =	vld.idx.msk [tilespmem:v1+s16+$0x0], $0xffff;
	v41 =	vmul.f32 v2, v41;
	v50 =	vmul.f32 v2, v43  }
0x440: {  	v40 =	vld.idx.msk [tilespmem:v40+s16+$0x0], $0xffff;
	v43 =	vadd.s32 v10, v48;
	v44 =	vmul.f32 v2, v44;
	v2 =	vmul.f32 v46, v2  }
0x441: {  	v46 =	vadd.s32 v11, v48;
	v22 =	vld.idx.msk [tilespmem:v47+s16+$0x0], $0xffff;
	v41 =	vadd.f32 v41, v17;
	v42 =	vadd.f32 v50, v17  }
0x442: {  	v39 =	vadd.s32 v14, v48;
	v44 =	vadd.f32 v44, v17;
	v2 =	vadd.f32 v2, v17;
	v17 =	vld.idx.msk [tilespmem:v18+s16+$0x0], $0xffff  }
0x443: {  	v47 =	vmul.f32 v45, v51;
	v45 =	vmul.f32 v53, v45;
	v51 =	vadd.s32 v10, v61;
	v53 =	vld.idx.msk [tilespmem:v56+s16+$0x0], $0xffff  }
0x444: {  	v34 =	vmul.f32 v38, v34;
	v18 =	vadd.s32 v13, v48;
	v32 =	vadd.f32 v32, v41;
	v41 =	vld.idx.msk [tilespmem:v49+s16+$0x0], $0xffff  }
0x445: {  	v56 =	vmul.f32 v38, v62;
	v37 =	vadd.f32 v37, v42;
	v42 =	vadd.s32 v6, v61;
	v21 =	vld.idx.msk [tilespmem:v43+s16+$0x0], $0xffff  }
0x446: {  	v19 =	vadd.s32 v6, v36;
	v2 =	vadd.f32 v45, v2;
	v43 =	vadd.s32 v15, v48;
	v20 =	vld.idx.msk [tilespmem:v46+s16+$0x0], $0xffff  }
0x447: {  	v45 =	vmul.f32 v60, v38;
	v48 =	vadd.s32 v9, v61;
	v60 =	vadd.f32 v56, v37;
	v37 =	vld.idx.msk [tilespmem:v39+s16+$0x0], $0xffff  }
0x448: {  	v47 =	vadd.f32 v47, v44;
	v46 =	vmul.f32 v38, v58;
	v58 =	vadd.s32 v13, v61;
	v51 =	vld.idx.msk [tilespmem:v51+s16+$0x0], $0xffff  }
0x449: {  	v62 =	vmul.f32 v0, v59;
	v56 =	vadd.s32 v11, v61;
	v44 =	vld.idx.msk [tilespmem:v18+s16+$0x0], $0xffff;
	v18 =	vadd.f32 v34, v32  }
0x44a: {  	v0 =	vmul.f32 v33, v0;
	v46 =	vadd.f32 v46, v47;
	v47 =	vadd.s32 v12, v61;
	v49 =	vld.idx.msk [tilespmem:v42+s16+$0x0], $0xffff  }
0x44b: {  	v2 =	vadd.f32 v45, v2;
	v38 =	vld.idx.msk [tilespmem:v43+s16+$0x0], $0xffff;
	v35 =	vadd.f32 v35, v18;
	v18 =	vadd.s32 v14, v61  }
0x44c: {  	v45 =	vmul.f32 v16, v31;
	v39 =	vmul.f32 v40, v25;
	v50 =	vld.idx.msk [tilespmem:v48+s16+$0x0], $0xffff;
	v61 =	vadd.s32 v15, v61  }
0x44d: {  	v40 =	vmul.f32 v22, v24;
	v34 =	vadd.f32 v54, v60;
	v32 =	vadd.f32 v0, v2;
	v59 =	vld.idx.msk [tilespmem:v58+s16+$0x0], $0xffff  }
0x44e: {  	v53 =	vmul.f32 v53, v29;
	v33 =	vadd.f32 v62, v46;
	v62 =	vadd.s32 v9, v36;
	v54 =	vld.idx.msk [tilespmem:v56+s16+$0x0], $0xffff  }
0x44f: {  	v2 =	vadd.s32 v10, v36;
	v42 =	vmul.f32 v52, v30;
	v46 =	vmul.f32 v57, v27;
	v56 =	vld.idx.msk [tilespmem:v47+s16+$0x0], $0xffff  }
0x450: {  	v52 =	vmul.f32 v17, v30;
	v47 =	vmul.f32 v63, v28;
	v63 =	vadd.s32 v11, v36;
	v60 =	vld.idx.msk [tilespmem:v18+s16+$0x0], $0xffff  }
0x451: {  	v0 =	vadd.s32 v12, v36;
	v43 =	vmul.f32 v55, v29;
	v48 =	vmul.f32 v1, v26;
	v58 =	vld.idx.msk [tilespmem:v61+s16+$0x0], $0xffff  }
0x452: {  	s13 =	simm.s32 $0x200;
	v1 =	vadd.s32 v13, v36;
	v55 =	vmul.f32 v21, v31;
	v57 =	vmul.f32 v20, v27;
	v61 =	vld.idx.msk [tilespmem:v19+s16+$0x0], $0xffff  }
.LBB2_18:
0x453: {  	p2 =	sne.s32 s13, $0x700;
	v16 =	vld.idx.msk [tilespmem:v62+s16+$0x0], $0xffff;
	v17 =	vadd.s32 v14, v36;
	v18 =	vmul.f32 v41, v28;
	v19 =	vmul.f32 v44, v26  }
0x454: {  	v20 =	vadd.s32 v15, v36;
	v21 =	vmul.f32 v37, v25;
	v22 =	vmul.f32 v38, v24;
	v2 =	vld.idx.msk [tilespmem:v2+s16+$0x0], $0xffff  }
0x455: {  	v37 =	vmul.f32 v49, v30;
	v38 =	vmul.f32 v50, v29;
	v36 =	vld.idx.msk [tilespmem:v63+s16+$0x0], $0xffff  }
0x456: {  	v41 =	vmul.f32 v51, v31;
	v44 =	vmul.f32 v54, v27;
	v0 =	vld.idx.msk [tilespmem:v0+s16+$0x0], $0xffff  }
0x457: {  	v49 =	vmul.f32 v56, v28;
	v50 =	vmul.f32 v59, v26;
	v1 =	vld.idx.msk [tilespmem:v1+s16+$0x0], $0xffff  }
0x458: {  	v51 =	vmul.f32 v60, v25;
	v54 =	vmul.f32 v58, v24;
	v17 =	vld.idx.msk [tilespmem:v17+s16+$0x0], $0xffff  }
0x459: {  	s11 =	sadd.s32 $0x100, s11;
	v56 =	vmul.f32 v61, v30;
	v16 =	vmul.f32 v16, v29;
	v20 =	vld.idx.msk [tilespmem:v20+s16+$0x0], $0xffff  }
0x45a: {  	v42 =	vadd.f32 v43, v42;
	v43 =	vadd.f32 v46, v45;
	v2 =	vmul.f32 v2, v31;
	v45 =	vld [tilespmem:s11+$0x40]  }
0x45b: {  	s4 =	sshra.s32 s13, $0x2;
	v46 =	vadd.f32 v48, v47;
	v39 =	vadd.f32 v40, v39;
	v36 =	vmul.f32 v36, v27;
	v40 =	vld [tilespmem:s11+$0x50]  }
0x45c: {  	v48 =	vadd.f32 v53, v52;
	v52 =	vadd.f32 v57, v55;
	v0 =	vmul.f32 v0, v28;
	v47 =	vld [tilespmem:s4+$0xB030]  }
0x45d: {  	v18 =	vadd.f32 v19, v18;
	v19 =	vadd.f32 v22, v21;
	v1 =	vmul.f32 v1, v26;
	v21 =	vld [tilespmem:s11+$0x60]  }
0x45e: {  	v22 =	vadd.f32 v38, v37;
	v37 =	vadd.f32 v44, v41;
	v17 =	vmul.f32 v17, v25;
	v38 =	vld [tilespmem:s11+$0x0]  }
0x45f: {  	v41 =	vadd.f32 v50, v49;
	v44 =	vadd.f32 v54, v51;
	v20 =	vmul.f32 v20, v24;
	v49 =	vld [tilespmem:s11+$0x10]  }
0x460: {  	v16 =	vadd.f32 v16, v56;
	v2 =	vadd.f32 v36, v2;
	v36 =	vld [tilespmem:s11+$0xFFFFFFC0]  }
0x461: {  	v0 =	vadd.f32 v1, v0;
	v1 =	vadd.f32 v20, v17;
	v50 =	vadd.s32 v6, v47;
	v17 =	vld [tilespmem:s11+$0xFFFFFFD0]  }
0x462: {  	v42 =	vadd.f32 v43, v42;
	v39 =	vadd.f32 v39, v46;
	v20 =	vadd.s32 v9, v47;
	v51 =	vld [tilespmem:s11+$0xFFFFFF80]  }
0x463: {  	v48 =	vadd.f32 v52, v48;
	v18 =	vadd.f32 v19, v18;
	v43 =	vadd.s32 v10, v47;
	v46 =	vld [tilespmem:s11+$0xFFFFFF90]  }
0x464: {  	v22 =	vadd.f32 v37, v22;
	v37 =	vadd.f32 v44, v41;
	v19 =	vadd.s32 v11, v47;
	v52 =	vld [tilespmem:s11+$0xFFFFFFA0]  }
0x465: {  	v39 =	vadd.f32 v39, v42;
	v2 =	vadd.f32 v2, v16;
	v41 =	vadd.s32 v12, v47;
	v16 =	vld [tilespmem:s11+$0xFFFFFFB0]  }
0x466: {  	v44 =	vadd.s32 v13, v47;
	v0 =	vadd.f32 v1, v0;
	v1 =	vadd.f32 v18, v48;
	v42 =	vld [tilespmem:s4+$0xB020]  }
0x467: {  	v40 =	vmul.f32 v39, v40;
	v18 =	vadd.f32 v37, v22;
	v37 =	vmul.f32 v39, v45;
	v22 =	vld [tilespmem:s11+$0xFFFFFFE0]  }
0x468: {  	v0 =	vadd.f32 v0, v2;
	v38 =	vmul.f32 v1, v38;
	v45 =	vmul.f32 v1, v49;
	v2 =	vld [tilespmem:s11+$0xFFFFFFF0]  }
0x469: {  	v48 =	vadd.s32 v14, v47;
	v49 =	vmul.f32 v18, v36;
	v17 =	vmul.f32 v18, v17;
	v53 =	vld [tilespmem:s11+$0x20]  }
0x46a: {  	v47 =	vadd.s32 v15, v47;
	v36 =	vmul.f32 v0, v51;
	v46 =	vmul.f32 v0, v46;
	v51 =	vld [tilespmem:s11+$0x30]  }
0x46b: {  	v52 =	vmul.f32 v0, v52;
	v0 =	vmul.f32 v16, v0;
	v54 =	vadd.s32 v6, v42;
	v16 =	vld [tilespmem:s11+$0x70]  }
0x46c: {  	v35 =	vadd.f32 v36, v35;
	v34 =	vadd.f32 v46, v34;
	v55 =	vld [tilespmem:s4+$0xB010];
	v22 =	vmul.f32 v18, v22  }
0x46d: {  	v33 =	vadd.f32 v52, v33;
	v0 =	vadd.f32 v0, v32;
	v36 =	vld [tilespmem:s4+$0xB000];
	v2 =	vmul.f32 v2, v18  }
0x46e: {  	v32 =	vadd.f32 v49, v35;
	v17 =	vadd.f32 v17, v34;
	v18 =	vld.idx.msk [tilespmem:v50+s16+$0x0], $0xffff;
	v34 =	vmul.f32 v1, v53  }
0x46f: {  	v22 =	vadd.f32 v22, v33;
	v20 =	vld.idx.msk [tilespmem:v20+s16+$0x0], $0xffff;
	v0 =	vadd.f32 v2, v0;
	v1 =	vmul.f32 v51, v1  }
0x470: {  	v21 =	vmul.f32 v39, v21;
	v32 =	vadd.f32 v38, v32;
	v17 =	vadd.f32 v45, v17;
	v2 =	vld.idx.msk [tilespmem:v43+s16+$0x0], $0xffff  }
0x471: {  	v22 =	vadd.f32 v34, v22;
	v19 =	vld.idx.msk [tilespmem:v19+s16+$0x0], $0xffff;
	v0 =	vadd.f32 v1, v0;
	v1 =	vmul.f32 v16, v39  }
0x472: {  	v35 =	vadd.f32 v37, v32;
	v34 =	vadd.f32 v40, v17;
	v16 =	vadd.s32 v9, v42;
	v39 =	vld.idx.msk [tilespmem:v41+s16+$0x0], $0xffff  }
0x473: {  	v17 =	vadd.s32 v10, v42;
	v33 =	vadd.f32 v21, v22;
	v40 =	vld.idx.msk [tilespmem:v44+s16+$0x0], $0xffff;
	v32 =	vadd.f32 v1, v0  }
0x474: {  	v0 =	vadd.s32 v11, v42;
	v1 =	vld.idx.msk [tilespmem:v48+s16+$0x0], $0xffff  }
0x475: {  	v21 =	vadd.s32 v12, v42;
	v22 =	vld.idx.msk [tilespmem:v47+s16+$0x0], $0xffff  }
0x476: {  	v37 =	vadd.s32 v13, v42;
	v52 =	vld.idx.msk [tilespmem:v54+s16+$0x0], $0xffff  }
0x477: {  	v38 =	vadd.s32 v14, v42;
	v16 =	vld.idx.msk [tilespmem:v16+s16+$0x0], $0xffff  }
0x478: {  	v42 =	vadd.s32 v15, v42;
	v17 =	vld.idx.msk [tilespmem:v17+s16+$0x0], $0xffff  }
0x479: {  	v43 =	vadd.s32 v6, v55;
	v57 =	vld.idx.msk [tilespmem:v0+s16+$0x0], $0xffff  }
0x47a: {  	v0 =	vadd.s32 v9, v55;
	v41 =	vld.idx.msk [tilespmem:v21+s16+$0x0], $0xffff  }
0x47b: {  	v21 =	vadd.s32 v10, v55;
	v44 =	vld.idx.msk [tilespmem:v37+s16+$0x0], $0xffff  }
0x47c: {  	v45 =	vadd.s32 v11, v55;
	v37 =	vld.idx.msk [tilespmem:v38+s16+$0x0], $0xffff  }
0x47d: {  	v46 =	vadd.s32 v12, v55;
	v38 =	vld.idx.msk [tilespmem:v42+s16+$0x0], $0xffff  }
0x47e: {  	v47 =	vadd.s32 v13, v55;
	v49 =	vld.idx.msk [tilespmem:v43+s16+$0x0], $0xffff  }
0x47f: {  	v50 =	vld.idx.msk [tilespmem:v0+s16+$0x0], $0xffff;
	v0 =	vadd.s32 v14, v55  }
0x480: {  	v51 =	vld.idx.msk [tilespmem:v21+s16+$0x0], $0xffff;
	v21 =	vadd.s32 v15, v55  }
0x481: {  	v42 =	vmul.f32 v18, v30;
	v43 =	vmul.f32 v20, v29;
	v55 =	vadd.s32 v6, v36;
	v54 =	vld.idx.msk [tilespmem:v45+s16+$0x0], $0xffff  }
.Ltmp11:
0x482: {  	v62 =	vadd.s32 v9, v36;
	v45 =	vmul.f32 v2, v31;
	v56 =	vld.idx.msk [tilespmem:v46+s16+$0x0], $0xffff;
	v46 =	vmul.f32 v19, v27;
	(pc) =	sbr.rel @p2 .LBB2_18-.Ltmp11, $4  }
0x483: {  	v48 =	vmul.f32 v40, v26;
	v2 =	vadd.s32 v10, v36;
	v59 =	vld.idx.msk [tilespmem:v47+s16+$0x0], $0xffff;
	v47 =	vmul.f32 v39, v28  }
0x484: {  	v63 =	vadd.s32 v11, v36;
	v40 =	vmul.f32 v22, v24;
	v39 =	vmul.f32 v1, v25;
	v60 =	vld.idx.msk [tilespmem:v0+s16+$0x0], $0xffff  }
0x485: {  	v52 =	vmul.f32 v52, v30;
	v53 =	vmul.f32 v16, v29;
	v0 =	vadd.s32 v12, v36;
	v58 =	vld.idx.msk [tilespmem:v21+s16+$0x0], $0xffff  }
0x486: {  	s13 =	sadd.s32 $0x100, s13;
	v57 =	vmul.f32 v57, v27;
	v1 =	vadd.s32 v13, v36;
	v61 =	vld.idx.msk [tilespmem:v55+s16+$0x0], $0xffff;
	v55 =	vmul.f32 v17, v31  }
0x487: {  	_ =	sdelay $0x3  }
0x488: {  	v16 =	vld.idx.msk [tilespmem:v62+s16+$0x0], $0xffff;
	v17 =	vadd.s32 v14, v36  }
0x489: {  	v2 =	vld.idx.msk [tilespmem:v2+s16+$0x0], $0xffff;
	v18 =	vadd.s32 v15, v36  }
0x48a: {  	v19 =	vmul.f32 v41, v28;
	v20 =	vmul.f32 v44, v26;
	v21 =	vld.idx.msk [tilespmem:v63+s16+$0x0], $0xffff  }
0x48b: {  	v22 =	vmul.f32 v49, v30;
	v36 =	vmul.f32 v50, v29;
	v0 =	vld.idx.msk [tilespmem:v0+s16+$0x0], $0xffff  }
0x48c: {  	v41 =	vmul.f32 v51, v31;
	v44 =	vmul.f32 v54, v27;
	v1 =	vld.idx.msk [tilespmem:v1+s16+$0x0], $0xffff  }
0x48d: {  	v49 =	vmul.f32 v56, v28;
	v54 =	vadd.f32 v46, v45;
	v56 =	vadd.f32 v48, v47;
	v17 =	vld.idx.msk [tilespmem:v17+s16+$0x0], $0xffff  }
0x48e: {  	v50 =	vmul.f32 v59, v26;
	v59 =	vadd.f32 v53, v52;
	v62 =	vmul.f32 v60, v25;
	v18 =	vld.idx.msk [tilespmem:v18+s16+$0x0], $0xffff  }
0x48f: {  	v60 =	vadd.f32 v57, v55;
	v19 =	vadd.f32 v20, v19;
	v63 =	vmul.f32 v61, v30  }
0x490: {  	v20 =	vadd.f32 v36, v22;
	v61 =	vmul.f32 v58, v24;
	v16 =	vmul.f32 v16, v29  }
0x491: {  	v22 =	vadd.f32 v44, v41;
	v2 =	vmul.f32 v2, v31;
	v21 =	vmul.f32 v21, v27  }
0x492: {  	v29 =	vadd.f32 v43, v42;
	v0 =	vmul.f32 v0, v28;
	v1 =	vmul.f32 v1, v26  }
0x493: {  	v62 =	vadd.f32 v61, v62;
	v17 =	vmul.f32 v17, v25;
	v18 =	vmul.f32 v18, v24  }
0x494: {  	v16 =	vadd.f32 v16, v63;
	v2 =	vadd.f32 v21, v2  }
0x495: {  	s2 =	sadd.s32 $0x100, s11;
	v0 =	vadd.f32 v1, v0;
	v1 =	vadd.f32 v18, v17  }
0x496: {  	v21 =	vmul.f32 v37, v25;
	v63 =	vld [tilespmem:s2+$0xFFFFFF80];
	v2 =	vadd.f32 v2, v16;
	v17 =	vmul.f32 v38, v24  }
0x497: {  	v18 =	vadd.f32 v50, v49;
	v0 =	vadd.f32 v1, v0  }
0x498: {  	v16 =	vld [tilespmem:s2+$0xFFFFFFC0];
	v1 =	vadd.f32 v17, v21;
	v17 =	vadd.f32 v22, v20  }
0x499: {  	v18 =	vadd.f32 v62, v18;
	v0 =	vadd.f32 v0, v2  }
0x49a: {  	v20 =	vld [tilespmem:s2+$0x0];
	v21 =	vadd.f32 v60, v59;
	v2 =	vadd.f32 v40, v39  }
0x49b: {  	v1 =	vadd.f32 v1, v19;
	v17 =	vadd.f32 v18, v17;
	v18 =	vmul.f32 v0, v63  }
0x49c: {  	v22 =	vadd.f32 v54, v29;
	v19 =	vld [tilespmem:s2+$0x40];
	v2 =	vadd.f32 v2, v56  }
0x49d: {  	v1 =	vadd.f32 v1, v21;
	v16 =	vmul.f32 v17, v16;
	v18 =	vadd.f32 v18, v35;
	_ =	sdelay $0x1  }
0x49e: {  	v2 =	vadd.f32 v2, v22;
	v20 =	vmul.f32 v1, v20;
	v16 =	vadd.f32 v16, v18;
	_ =	sdelay $0x1  }
0x49f: {  	v18 =	vmul.f32 v2, v19;
	v16 =	vadd.f32 v20, v16;
	_ =	sdelay $0x1  }
0x4a0: {  	v19 =	vld [tilespmem:s2+$0xFFFFFF90];
	v16 =	vadd.f32 v18, v16;
	_ =	sdelay $0x1  }
0x4a1: {  	v18 =	vld [tilespmem:s2+$0xFFFFFFD0];
	v16 =	vsub.f32 $0.0e+00, v16;
	_ =	sdelay $0x1  }
0x4a2: {  	v20 =	vld [tilespmem:s2+$0x10];
	v16 =	vmul.f32 $1.442695020e+00, v16  }
0x4a3: {  	v19 =	vmul.f32 v0, v19  }
0x4a4: {  	v21 =	vld [tilespmem:s2+$0x50];
	(erf) = vpow2.f32 v16  }
0x4a5: {  	v16 =	vmul.f32 v17, v18;
	v18 =	vadd.f32 v19, v34;
	_ =	sdelay $0x1  }
0x4a6: {  	v19 =	vmul.f32 v1, v20;
	v16 =	vadd.f32 v16, v18;
	_ =	sdelay $0x1  }
0x4a7: {  	v18 =	vmul.f32 v2, v21;
	v16 =	vadd.f32 v19, v16;
	_ =	sdelay $0x1  }
0x4a8: {  	v19 =	vld [tilespmem:s2+$0xFFFFFFA0];
	v16 =	vadd.f32 v18, v16;
	_ =	sdelay $0x1  }
0x4a9: {  	v18 =	vld [tilespmem:s2+$0xFFFFFFE0];
	v16 =	vsub.f32 $0.0e+00, v16;
	v20 =	vpop (erf)  }
0x4aa: {  	v20 =	vadd.f32 $1.000000000e+00, v20  }
0x4ab: {  	v21 =	vld [tilespmem:s2+$0x20];
	v16 =	vmul.f32 $1.442695020e+00, v16  }
0x4ac: {  	v19 =	vmul.f32 v0, v19;
	(erf) = vrcp.f32 v20  }
0x4ad: {  	v20 =	vld [tilespmem:s2+$0x60];
	(erf) = vpow2.f32 v16  }
0x4ae: {  	v16 =	vmul.f32 v17, v18;
	v18 =	vadd.f32 v19, v33;
	_ =	sdelay $0x1  }
0x4af: {  	v19 =	vmul.f32 v1, v21;
	v16 =	vadd.f32 v16, v18  }
0x4b0: {  	v18 =	vld [tilespmem:s2+$0xFFFFFFB0]  }
0x4b1: {  	v20 =	vmul.f32 v2, v20;
	v16 =	vadd.f32 v19, v16  }
0x4b2: {  	v19 =	vld [tilespmem:s2+$0xFFFFFFF0]  }
0x4b3: {  	v16 =	vadd.f32 v20, v16  }
0x4b4: {  	v20 =	vld [tilespmem:s2+$0x30];
	v21 =	vpop (erf)  }
0x4b5: {  	v0 =	vmul.f32 v18, v0;
	v16 =	vsub.f32 $0.0e+00, v16;
	v18 =	vpop (erf)  }
0x4b6: {  	v22 =	vld [tilespmem:s2+$0x70];
	v18 =	vadd.f32 $1.000000000e+00, v18  }
0x4b7: {  	v0 =	vadd.f32 v0, v32;
	v17 =	vmul.f32 v19, v17;
	v16 =	vmul.f32 $1.442695020e+00, v16  }
0x4b8: {  	(erf) = vrcp.f32 v18  }
0x4b9: {  	v0 =	vadd.f32 v17, v0;
	v1 =	vmul.f32 v20, v1;
	(erf) = vpow2.f32 v16;
	_ =	sdelay $0x1  }
0x4ba: {  	v0 =	vadd.f32 v1, v0;
	v1 =	vmul.f32 v22, v2;
	_ =	sdelay $0x1  }
0x4bb: {  	v16 =	vld [tilespmem:$0x1FFF0];
	v0 =	vadd.f32 v1, v0;
	_ =	sdelay $0x1  }
0x4bc: {  	v0 =	vmax.f32 v0, $0.0e+00  }
0x4bd: {  	v0 =	vsub.f32 $0.0e+00, v0  }
0x4be: {  	v1 =	vpop (erf)  }
0x4bf: {  	v0 =	vmul.f32 v0, v16;
	v2 =	vpop (erf)  }
0x4c0: {  	v2 =	vadd.f32 $1.000000000e+00, v2  }
0x4c1: {  	v0 =	vmul.f32 $1.442695020e+00, v0  }
0x4c2: {  	(erf) = vrcp.f32 v2  }
0x4c3: {  	(erf) = vpow2.f32 v0;
	_ =	sdelay $0x7  }
0x4c4: {  	v2 =	vpop (erf)  }
0x4c5: {  	v0 =	vpop (erf)  }
0x4c6: {  	v0 =	vsub.f32 $1.000000000e+00, v0  }
0x4c7: {  	v18 =	vld [tilespmem:$0x1FEF0]  }
0x4c8: {  	v16 =	vmul.f32 v0, v23;
	_ =	sdelay $0x1  }
0x4c9: {  	v17 =	vmul.f32 v16, v21;
	_ =	sdelay $0x1  }
0x4ca: {  	v22 =	vadd.f32 v17, v18;
	v17 =	vld [tilespmem:$0x1FF00];
	_ =	sdelay $0x2  }
0x4cb: {  	v1 =	vmul.f32 v16, v1;
	_ =	sdelay $0x1  }
0x4cc: {  	v18 =	vadd.f32 v1, v17;
	v1 =	vld [tilespmem:$0x1FF10];
	_ =	sdelay $0x2  }
0x4cd: {  	v2 =	vmul.f32 v16, v2;
	_ =	sdelay $0x1  }
0x4ce: {  	v17 =	vadd.f32 v2, v1;
	v1 =	vld [tilespmem:$0x1FF20];
	_ =	sdelay $0x1  }
.Ltmp12:
0x4cf: {  	_ = 	snop;
	(pc) =	sbr.rel @p1 .LBB2_21-.Ltmp12, $2  }
0x4d0: {  	_ =	sdelay $0x1  }
0x4d1: {  	v16 =	vadd.f32 v16, v1;
	_ =	sdelay $0x1  }
0x4d2: {  	v0 =	vsub.f32 $1.000000000e+00, v0;
	_ =	sdelay $0x1  }
.Ltmp13:
0x4d3: {  	[tilespmem:$0x1FFD0] =	vst v18;
	v0 =	vadd.f32 $1.000000010e-10, v0;
	(pc) =	sbr.rel .LBB2_11-.Ltmp13, $4  }
0x4d4: {  	[tilespmem:$0x1FFC0] =	vst v17  }
0x4d5: {  	[tilespmem:$0x1FFE0] =	vst v16;
	s2 =	sadd.s32 $0x380, s9;
	v0 =	vmul.f32 v0, v23  }
0x4d6: {  	[tilespmem:s16], [sflag:$0x4] =	stream.indirect.gather [hbm4b:s6+s7], $0x20, s2, s7, $0xb8;
	[tilespmem:$0xC090] =	vst v63  }
0x4d7: {  	s1 =	sadd.s32 $0x1, s1;
	[tilespmem:$0x1FFA0] =	vst v0  }
.LBB2_23:
0x4d8: {  	_ =	sfence.sel $0x180000  }
0x4d9: {  	[bflag:$0x0] =	sbarrier.arrive $0xFFFF  }
0x4da: {  	_ =	strace $0x90000047  }
0x4db: {  	s0 =	stileid.u32;
	[bflag:$0x2] =	sbarrier.arrive $0xFFFF  }
0x4dc: {  	p0 =	sne.s32 s0, $0x0;
	s0 =	rddreg [dreg:$0x1]  }
0x4dd: {  	s0 =	sadd.s32 @!p0 $0x100000, s0  }
0x4de: {  	[sflag:s0] =	ssyncadd.tile.s32 @!p0 $0x1;
	_ =	shalt  }
.Lfunc_end2:
_tile_overlayer_lowered:
.L_overlay_start_2:
0x4df: {  	(tag) =	ssettag $0x2  }
0x4e0: {  	s0 =	rddreg [dreg:$0x0];
	s2 =	stileid.u32  }
0x4e1: {  	s1 =	rddreg [dreg:$0x1];
	p0 =	sne.s32 s2, $0x0  }
0x4e2: {  	s3 =	rddreg [dreg:$0x2];
	[bflag:$0x3] =	sbarrier.arrive $0xFFFF;
	s2 =	simm.s32 @!p0 $0x1C05  }
0x4e3: {  	[timem:s3], [sflag:s2] =	dma.local @!p0 [hbm:s0], s1  }
0x4e4: {  	s0 =	simm.s32 @!p0 $0x5  }
0x4e5: {  	_ =	swait.ge @!p0 [sflag:s0], s1  }
0x4e6: {  	s1 =	ssub.s32 @!p0 $0x0, s1;
	[sflag:s0] =	ssyncset.done @!p0 $0x0  }
0x4e7: {  	[sflag:s0] =	ssyncadd.s32 @!p0 s1  }
0x4e8: {  	[bflag:$0x3] =	sbarrier.arrive $0xFFFF  }
0x4e9: {  	_ =	shalt  }

</sc_bundles>
